<compile_context>
chip_gen: v7x
topology: tpu7x:2x2x1
jax: 0.10.2.dev20260603
libtpu: 0.0.44.dev20260713+nightly
codegen_flags: <defaults>
</compile_context>

<pallas_src>
import functools

import jax
import jax.numpy as jnp
from jax import lax
from jax.experimental import pallas as pl
from jax.experimental.pallas import tpu as pltpu
from jax.experimental.pallas import tpu_sc as plsc

N = 10000
E = 320000
D_IN = 128
D = 64
NC, NS = 2, 16
CHUNK = 128
EPW = 160
EPAD = NS * EPW * CHUNK
NRP = 10112
NPS = NRP // NS
NPAD = NRP + 16

def _spmm_body(a_hbm, srcg_hbm, dst_hbm, zeros_hbm, out_hbm,
               src_v, dst_v, buf0, buf1, buf2, buf3, s_sh,
               gs0, gs1, gs2, gs3, ss0, ss1, ss2, ss3):
    c = lax.axis_index("c")
    s = lax.axis_index("s")
    r0 = s * NPS
    pltpu.sync_copy(zeros_hbm.at[pl.ds(r0, NPS)], s_sh.at[pl.ds(r0, NPS)])
    pltpu.sync_copy(srcg_hbm.at[c, s], src_v)
    pltpu.sync_copy(dst_hbm.at[c, s], dst_v)
    plsc.subcore_barrier()
    bufs = (buf0, buf1, buf2, buf3)
    gs = (gs0, gs1, gs2, gs3)
    ss = (ss0, ss1, ss2, ss3)

    def gat(j, b):
        pltpu.async_copy(a_hbm.at[src_v.at[j]], bufs[b], gs[b])

    def gat_wait(j, b):
        pltpu.make_async_copy(a_hbm.at[src_v.at[j]], bufs[b], gs[b]).wait()

    def sca(j, b):
        pltpu.async_copy(bufs[b], s_sh.at[dst_v.at[j]], ss[b], add=True)

    def sca_wait(j, b):
        pltpu.make_async_copy(bufs[b], s_sh.at[dst_v.at[j]], ss[b]).wait()

    gat(0, 0)
    gat(1, 1)
    for j in range(2):
        gat_wait(j, j)
        sca(j, j)
        gat(j + 2, j + 2)

    def grp(g, carry):
        for i in range(4):
            k = 4 * g + 2 + i
            b = (2 + i) % 4
            gat_wait(k, b)
            sca(k, b)
            sca_wait(k - 2, i)
            gat(k + 2, i)
        return carry

    lax.fori_loop(0, (EPW - 4) // 4, grp, 0)
    for k in (EPW - 2, EPW - 1):
        b = k % 4
        gat_wait(k, b)
        sca(k, b)
        sca_wait(k - 2, (k - 2) % 4)
    for k in (EPW - 2, EPW - 1):
        sca_wait(k, k % 4)
    plsc.subcore_barrier()
    pltpu.sync_copy(s_sh.at[pl.ds(r0, NPS)], out_hbm.at[c, pl.ds(r0, NPS)])


def _degk_body(dst_hbm, zeros_hbm, out_hbm, dst_v, ones_v, d_sh):
    c = lax.axis_index("c")
    s = lax.axis_index("s")
    r0 = s * NPS
    pltpu.sync_copy(zeros_hbm.at[pl.ds(r0, NPS)], d_sh.at[pl.ds(r0, NPS)])
    pltpu.sync_copy(dst_hbm.at[c, s], dst_v)

    def fill(i, carry):
        for j in range(D // 16):
            ones_v[i, pl.ds(16 * j, 16)] = jnp.ones((16,), jnp.float32)
        return carry

    lax.fori_loop(0, CHUNK, fill, 0)
    plsc.subcore_barrier()

    def body(j, carry):
        pltpu.sync_copy(ones_v, d_sh.at[dst_v.at[j]], add=True)
        return carry

    lax.fori_loop(0, EPW, body, 0)
    plsc.subcore_barrier()
    pltpu.sync_copy(d_sh.at[pl.ds(r0, NPS)], out_hbm.at[c, pl.ds(r0, NPS)])


_SC_KERNELS = None


def _get_sc_kernels():
    global _SC_KERNELS
    if _SC_KERNELS is None:
        mesh = plsc.VectorSubcoreMesh(core_axis_name="c", subcore_axis_name="s",
                                      num_cores=NC, num_subcores=NS)
        spmm = pl.kernel(
            _spmm_body,
            out_type=jax.ShapeDtypeStruct((NC, NRP, D), jnp.float32),
            mesh=mesh,
            compiler_params=pltpu.CompilerParams(use_tc_tiling_on_sc=False),
            scratch_types=(
                [pltpu.VMEM((EPW, CHUNK), jnp.int32),
                 pltpu.VMEM((EPW, CHUNK), jnp.int32)]
                + [pltpu.VMEM((CHUNK, D), jnp.float32)] * 4
                + [pltpu.VMEM_SHARED((NPAD, D), jnp.float32)]
                + [pltpu.SemaphoreType.DMA] * 8),
        )
        degk = pl.kernel(
            _degk_body,
            out_type=jax.ShapeDtypeStruct((NC, NRP, D), jnp.float32),
            mesh=mesh,
            compiler_params=pltpu.CompilerParams(use_tc_tiling_on_sc=False),
            scratch_types=[
                pltpu.VMEM((EPW, CHUNK), jnp.int32),
                pltpu.VMEM((CHUNK, D), jnp.float32),
                pltpu.VMEM_SHARED((NPAD, D), jnp.float32),
            ],
        )
        _SC_KERNELS = (spmm, degk)
    return _SC_KERNELS


def _spmm(a_flat, srcg, dstp, z64):
    return _get_sc_kernels()[0](a_flat, srcg, dstp, z64)


def _degk(dstp, z64):
    return _get_sc_kernels()[1](dstp, z64)


def _dotp(x, w, prec):
    return jnp.dot(x, w, preferred_element_type=jnp.float32, precision=prec)


def _dot3(x, w):
    return jnp.dot(x, w, preferred_element_type=jnp.float32)


def _dot3t(x, w):
    return lax.dot_general(x, w, (((0,), (0,)), ((), ())),
                           preferred_element_type=jnp.float32,
                           precision=lax.Precision.HIGHEST)


def _mats_body_any(prec, x_ref, deg_ref, w1, b1, w2, b2, w3, b3,
                   a_ref, d_ref):
    h = x_ref[0]
    deg = deg_ref[0]
    a_ref[0] = _dotp(h, w1[...], prec) + b1[...]
    d_ref[0] = (_dotp(h, w3[...], prec) + b3[...]
                - deg * (_dotp(h, w2[...], prec) + b2[...]))


def _bn_relu(h2, gam, bet):
    mean = jnp.mean(h2, axis=0, keepdims=True)
    var = jnp.mean((h2 - mean) ** 2, axis=0, keepdims=True)
    return jnp.maximum((h2 - mean) / jnp.sqrt(var + 1e-5) * gam + bet, 0.0)


def _bnk_body(s_ref, dp_ref, gam, bet, h_ref):
    h_ref[0] = _bn_relu(s_ref[0][:N] + dp_ref[0], gam[...], bet[...])


def _pool_body(h_ref, batch_ref, gw1, gb1, gw2, gb2, emb_ref):
    h = h_ref[0]
    g1 = jnp.maximum(
        _dot3(h, gw1[...]) + gb1[...], 0.0)
    gate = jnp.maximum(
        _dot3(g1, gw2[...]) + gb2[...], 0.0)
    b = batch_ref[0, 0]
    gids = lax.broadcasted_iota(jnp.int32, (N, 64), 1)
    m = b[:, None] == gids
    mf = m.astype(jnp.float32)
    scores = jnp.where(m, gate, -jnp.inf)
    gmax = jnp.max(scores, axis=0)
    gmax = jnp.where(jnp.isfinite(gmax), gmax, 0.0)
    gmax_n = jnp.max(jnp.where(m, gmax[None, :], -jnp.inf), axis=1,
                     keepdims=True)
    e = jnp.exp(gate - gmax_n)
    esum = _dot3t(mf, e)
    esum_n = jnp.sum(jnp.where(m, esum[:, 0][None, :], 0.0), axis=1,
                     keepdims=True)
    attn = e / (esum_n + 1e-16)
    emb_ref[0] = _dot3t(mf, attn * h)


def _head_body(emb_ref, ow0, ob0, ow1, ob1, ow2, ob2, ow3, ob3, out_ref):
    h = jnp.abs(emb_ref[0] - emb_ref[1])
    for w, b in ((ow0, ob0), (ow1, ob1), (ow2, ob2)):
        h = jnp.maximum(_dot3(h, w[...]) + b[...], 0.0)
    out_ref[...] = (_dot3(h, ow3[...]) + ob3[...])


def _tower_spec(dim):
    return pl.BlockSpec((1, N, dim), lambda t: (t, 0, 0))


def _ptower_spec(dim):
    return pl.BlockSpec((1, NRP, dim), lambda t: (t, 0, 0))


def _full_spec(shape):
    nd = len(shape)
    return pl.BlockSpec(shape, lambda t: (0,) * nd)


RB = 2000


def _mats_call(x, deg, w1, b1, w2, b2, w3, b3):
    din = x.shape[-1]

    def rspec(dim):
        return pl.BlockSpec((1, RB, dim), lambda t, r: (t, r, 0))

    def wspec(shape):
        nd = len(shape)
        return pl.BlockSpec(shape, lambda t, r: (0,) * nd)

    prec = lax.Precision.DEFAULT
    return pl.pallas_call(
        functools.partial(_mats_body_any, prec),
        grid=(2, N // RB),
        in_specs=[rspec(din), rspec(D),
                  wspec((din, D)), wspec((1, D)),
                  wspec((din, D)), wspec((1, D)),
                  wspec((din, D)), wspec((1, D))],
        out_specs=[rspec(D), rspec(D)],
        out_shape=[jax.ShapeDtypeStruct((2, N, D), jnp.float32),
                   jax.ShapeDtypeStruct((2, N, D), jnp.float32)],
        compiler_params=pltpu.CompilerParams(
            dimension_semantics=("arbitrary", "arbitrary")),
    )(x, deg, w1, b1, w2, b2, w3, b3)


def _bnk_call(s, d, gam, bet):
    return pl.pallas_call(
        _bnk_body,
        grid=(2,),
        in_specs=[_ptower_spec(D), _tower_spec(D),
                  _full_spec((1, D)), _full_spec((1, D))],
        out_specs=_tower_spec(D),
        out_shape=jax.ShapeDtypeStruct((2, N, D), jnp.float32),
        compiler_params=pltpu.CompilerParams(
            dimension_semantics=("arbitrary",)),
    )(s, d, gam, bet)


def _pool_call(h, batch2, gw1, gb1, gw2, gb2):
    return pl.pallas_call(
        _pool_body,
        grid=(2,),
        in_specs=[_tower_spec(D),
                  pl.BlockSpec((1, 1, N), lambda t: (t, 0, 0)),
                  _full_spec((D, 32)), _full_spec((1, 32)),
                  _full_spec((32, 1)), _full_spec((1, 1))],
        out_specs=pl.BlockSpec((1, 64, D), lambda t: (t, 0, 0)),
        out_shape=jax.ShapeDtypeStruct((2, 64, D), jnp.float32),
        compiler_params=pltpu.CompilerParams(
            dimension_semantics=("arbitrary",)),
    )(h, batch2, gw1, gb1, gw2, gb2)


def _head_call(emb, *outp):
    return pl.pallas_call(
        _head_body,
        out_shape=jax.ShapeDtypeStruct((64, 1), jnp.float32),
    )(emb, *outp)


def kernel(x_s, x_t, params, edge_index_s, batch_s, edge_index_t, batch_t):
    i32 = jnp.int32
    f32 = jnp.float32
    srcs, dsts = [], []
    for t, ei in enumerate((edge_index_s, edge_index_t)):
        pad = EPAD - E
        src = jnp.concatenate([ei[0] + t * N, jnp.full((pad,), t * N, i32)])
        dst = jnp.concatenate([ei[1], jnp.full((pad,), NRP, i32)])
        srcs.append(src.reshape(NS, EPW, CHUNK))
        dsts.append(dst.reshape(NS, EPW, CHUNK))
    srcg = jnp.stack(srcs)
    dstp = jnp.stack(dsts)
    z64 = jnp.zeros((NRP, D), f32)
    deg = _degk(dstp, z64)
    x = jnp.stack([x_s, x_t])
    batch2 = jnp.stack([batch_s, batch_t])[:, None, :]

    def wb(l):
        return (params["conv%d_W1" % l], params["conv%d_b1" % l][None, :],
                params["conv%d_W2" % l], params["conv%d_b2" % l][None, :],
                params["conv%d_W3" % l], params["conv%d_b3" % l][None, :])

    a, d = _mats_call(x, deg, *wb(0))
    for l in range(5):
        s = _spmm(a.reshape(NC * N, D), srcg, dstp, z64)
        h = _bnk_call(s, d, params["conv%d_gamma" % l][None, :],
                      params["conv%d_beta" % l][None, :])
        a, d = _mats_call(h, deg, *wb(l + 1))
    s = _spmm(a.reshape(NC * N, D), srcg, dstp, z64)
    h = _bnk_call(s, d, params["conv5_gamma"][None, :],
                  params["conv5_beta"][None, :])
    emb = _pool_call(
        h, batch2,
        params["gate_W1"], params["gate_b1"][None, :],
        params["gate_W2"], params["gate_b2"][None, :])
    return _head_call(
        emb,
        params["out_W0"], params["out_b0"][None, :],
        params["out_W1"], params["out_b1"][None, :],
        params["out_W2"], params["out_b2"][None, :],
        params["out_W3"], params["out_b3"][None, :])

# --- scband reference (transcript-rebuilt; emitter-appended) ---
"""Pipeline reference for scband-siamese-network-8624294331070 (READ-ONLY COPY).

The authoritative reference and input builder live on the scoring server;
editing this copy changes nothing except your own understanding.
"""

import jax, jax.numpy as jnp
import numpy as np

N_NODES = 10000
N_EDGES = 320000
D_FEAT = 128
H_CH = 64
OUT_CH = 64
POOL_ATT_CH = 32
NUM_GRAPHS = 64
N_LAYERS = 6


def _init_params(key):
    params = {}
    dims = [(D_FEAT, H_CH)] + [(H_CH, H_CH)] * (N_LAYERS - 2) + [(H_CH, OUT_CH)]
    k = key
    for l, (din, dout) in enumerate(dims):
        for nm in ("W1", "W2", "W3"):
            k, s = jax.random.split(k)
            params["conv%d_%s" % (l, nm)] = jax.random.normal(s, (din, dout), jnp.float32) * 0.05
        for nm in ("b1", "b2", "b3"):
            params["conv%d_%s" % (l, nm)] = jnp.zeros((dout,), jnp.float32)
        params["conv%d_gamma" % l] = jnp.ones((dout,), jnp.float32)
        params["conv%d_beta" % l] = jnp.zeros((dout,), jnp.float32)
    k, s = jax.random.split(k)
    params["gate_W1"] = jax.random.normal(s, (OUT_CH, POOL_ATT_CH), jnp.float32) * 0.05
    params["gate_b1"] = jnp.zeros((POOL_ATT_CH,), jnp.float32)
    k, s = jax.random.split(k)
    params["gate_W2"] = jax.random.normal(s, (POOL_ATT_CH, 1), jnp.float32) * 0.05
    params["gate_b2"] = jnp.zeros((1,), jnp.float32)
    mlp_dims = [(OUT_CH, 64), (64, 64), (64, 64), (64, 1)]
    for l, (din, dout) in enumerate(mlp_dims):
        k, s = jax.random.split(k)
        params["out_W%d" % l] = jax.random.normal(s, (din, dout), jnp.float32) * 0.05
        params["out_b%d" % l] = jnp.zeros((dout,), jnp.float32)
    return params


def _gb_forward(x, edge_index, batch, params):
    # GBFeatures: 6 x (LEConv -> BatchNorm -> ReLU) then GlobalAttentionSelect pool (pool_ref='last')
    src = edge_index[0]
    dst = edge_index[1]
    n = x.shape[0]
    h = x
    for l in range(N_LAYERS):
        # LEConv: out_i = lin3(x_i) + sum_{j in N(i)} (lin1(x_j) - lin2(x_i)), edge_weight=None
        a = h @ params["conv%d_W1" % l] + params["conv%d_b1" % l]
        b = h @ params["conv%d_W2" % l] + params["conv%d_b2" % l]
        c = h @ params["conv%d_W3" % l] + params["conv%d_b3" % l]
        msg = a[src] - b[dst]
        agg = jax.ops.segment_sum(msg, dst, num_segments=n)
        h2 = agg + c
        # BatchNorm over nodes (training-mode batch statistics)
        mean = jnp.mean(h2, axis=0)
        var = jnp.var(h2, axis=0)
        h2 = (h2 - mean) / jnp.sqrt(var + 1e-5) * params["conv%d_gamma" % l] + params["conv%d_beta" % l]
        h = jax.nn.relu(h2)
    # gate_nn: Linear(64,32)-ReLU-Linear(32,1)-ReLU, softmax per graph, scatter_add
    gate = jax.nn.relu(jax.nn.relu(h @ params["gate_W1"] + params["gate_b1"]) @ params["gate_W2"] + params["gate_b2"])
    gmax = jax.ops.segment_max(gate, batch, num_segments=NUM_GRAPHS)
    gmax = jnp.where(jnp.isfinite(gmax), gmax, 0.0)
    e = jnp.exp(gate - gmax[batch])
    esum = jax.ops.segment_sum(e, batch, num_segments=NUM_GRAPHS)
    attn = e / (esum[batch] + 1e-16)
    return jax.ops.segment_sum(attn * h, batch, num_segments=NUM_GRAPHS)


def _siamese(x_s, x_t, params, edge_index_s, batch_s, edge_index_t, batch_t):
    emb_s = _gb_forward(x_s, edge_index_s, batch_s, params)
    emb_t = _gb_forward(x_t, edge_index_t, batch_t, params)  # shared weights (siamese)
    h = jnp.abs(emb_s - emb_t)  # final_out_join='abs'
    for l in range(3):
        h = jax.nn.relu(h @ params["out_W%d" % l] + params["out_b%d" % l])
    return h @ params["out_W3"] + params["out_b3"]


def setup_inputs(seed: int = 0):
    key = jax.random.key(seed)
    ks = jax.random.split(key, 7)
    x_s = jax.random.normal(ks[0], (N_NODES, D_FEAT), jnp.float32)
    x_t = jax.random.normal(ks[1], (N_NODES, D_FEAT), jnp.float32)
    edge_index_s = jax.random.randint(ks[2], (2, N_EDGES), 0, N_NODES, dtype=jnp.int32)
    edge_index_t = jax.random.randint(ks[3], (2, N_EDGES), 0, N_NODES, dtype=jnp.int32)
    batch_s = jnp.sort(jax.random.randint(ks[4], (N_NODES,), 0, NUM_GRAPHS, dtype=jnp.int32))
    batch_t = jnp.sort(jax.random.randint(ks[5], (N_NODES,), 0, NUM_GRAPHS, dtype=jnp.int32))
    params = _init_params(ks[6])
    return {"x_s": x_s, "x_t": x_t, "params": params, "edge_index_s": edge_index_s, "batch_s": batch_s, "edge_index_t": edge_index_t, "batch_t": batch_t}


def reference(x_s, x_t, params, edge_index_s, batch_s, edge_index_t, batch_t):
    return _siamese(x_s, x_t, params, edge_index_s, batch_s, edge_index_t, batch_t)

if __name__ == "__main__":
    import jax
    _d = setup_inputs()
    print(jax.jit(kernel)(*tuple(_d.values())))

</pallas_src>

<mosaic_0001>
#map = affine_map<(d0, d1) -> (0, 0)>
#map1 = affine_map<(d0, d1) -> (0, 0, 0, 0)>
#map2 = affine_map<(d0, d1) -> (0, 0, 0)>
module attributes {stable_mosaic.version = 14 : i64} {
  func.func @_spmm_body(%arg0: i32, %arg1: i32, %arg2: memref<20000x64xf32, #tpu.memory_space<hbm>>, %arg3: memref<2x16x160x128xi32, #tpu.memory_space<hbm>>, %arg4: memref<2x16x160x128xi32, #tpu.memory_space<hbm>>, %arg5: memref<10112x64xf32, #tpu.memory_space<hbm>>, %arg6: memref<2x10112x64xf32, #tpu.memory_space<hbm>>, %arg7: memref<160x128xi32, #tpu.memory_space<vmem>>, %arg8: memref<160x128xi32, #tpu.memory_space<vmem>>, %arg9: memref<128x64xf32, #tpu.memory_space<vmem>>, %arg10: memref<128x64xf32, #tpu.memory_space<vmem>>, %arg11: memref<128x64xf32, #tpu.memory_space<vmem>>, %arg12: memref<128x64xf32, #tpu.memory_space<vmem>>, %arg13: memref<10128x64xf32, #tpu.memory_space<vmem_shared>>, %arg14: memref<!tpu.dma_semaphore, #tpu.memory_space<semaphore_mem>>, %arg15: memref<!tpu.dma_semaphore, #tpu.memory_space<semaphore_mem>>, %arg16: memref<!tpu.dma_semaphore, #tpu.memory_space<semaphore_mem>>, %arg17: memref<!tpu.dma_semaphore, #tpu.memory_space<semaphore_mem>>, %arg18: memref<!tpu.dma_semaphore, #tpu.memory_space<semaphore_mem>>, %arg19: memref<!tpu.dma_semaphore, #tpu.memory_space<semaphore_mem>>, %arg20: memref<!tpu.dma_semaphore, #tpu.memory_space<semaphore_mem>>, %arg21: memref<!tpu.dma_semaphore, #tpu.memory_space<semaphore_mem>>) attributes {dimension_semantics = [#tpu.dimension_semantics<core_parallel>, #tpu.dimension_semantics<subcore_parallel>], iteration_bounds = array<i64: 2, 16>, scalar_prefetch = 0 : i64, scratch_operands = 15 : i64, tpu.core_type = #tpu.core_type<sc_vector_subcore>, window_params = [{transform_indices = #map}, {transform_indices = #map1}, {transform_indices = #map1}, {transform_indices = #map}, {transform_indices = #map2}]} {
    %mul3A = arith.constant 632 : i32
    %mul3A_0 = arith.muli %arg1, %mul3A : i32
    "tpu.region"() ({
      %run_scoped3A = tpu.sem_alloc : memref<!tpu.dma_semaphore, #tpu.memory_space<semaphore_mem>>
      %dma_start3A_117 = arith.constant 0 : i32
      %dma_start3A_118 = tpu.memref_slice %arg13[%mul3A_0, %dma_start3A_117] : memref<10128x64xf32, #tpu.memory_space<vmem_shared>> -> memref<632x64xf32, #tpu.memory_space<vmem_shared>>
      %dma_start3A_119 = arith.constant 0 : i32
      %dma_start3A_120 = tpu.memref_slice %arg5[%mul3A_0, %dma_start3A_119] : memref<10112x64xf32, #tpu.memory_space<hbm>> -> memref<632x64xf32, #tpu.memory_space<hbm>>
      tpu.enqueue_dma source(%dma_start3A_120 : memref<632x64xf32, #tpu.memory_space<hbm>>) target(%dma_start3A_118 : memref<632x64xf32, #tpu.memory_space<vmem_shared>>) target_semaphore(%run_scoped3A : memref<!tpu.dma_semaphore, #tpu.memory_space<semaphore_mem>>)
      %dma_wait3A_121 = arith.constant 0 : i32
      %dma_wait3A_122 = tpu.memref_slice %arg13[%mul3A_0, %dma_wait3A_121] : memref<10128x64xf32, #tpu.memory_space<vmem_shared>> -> memref<632x64xf32, #tpu.memory_space<vmem_shared>>
      %dma_wait3A_123 = arith.constant 0 : i32
      %dma_wait3A_124 = tpu.memref_slice %arg5[%mul3A_0, %dma_wait3A_123] : memref<10112x64xf32, #tpu.memory_space<hbm>> -> memref<632x64xf32, #tpu.memory_space<hbm>>
      tpu.wait_dma2 semaphore(%run_scoped3A : memref<!tpu.dma_semaphore, #tpu.memory_space<semaphore_mem>>) src(%dma_wait3A_124 : memref<632x64xf32, #tpu.memory_space<hbm>>) dst(%dma_wait3A_122 : memref<632x64xf32, #tpu.memory_space<vmem_shared>>)
      tpu.yield
    }) : () -> ()
    "tpu.region"() ({
      %run_scoped3A = tpu.sem_alloc : memref<!tpu.dma_semaphore, #tpu.memory_space<semaphore_mem>>
      %dma_start3A_117 = arith.constant 0 : i32
      %dma_start3A_118 = arith.constant 0 : i32
      %dma_start3A_119 = tpu.memref_slice %arg3[%arg0, %arg1, %dma_start3A_117, %dma_start3A_118] : memref<2x16x160x128xi32, #tpu.memory_space<hbm>> -> memref<1x1x160x128xi32, #tpu.memory_space<hbm>>
      %dma_start3A_120 = tpu.memref_squeeze %dma_start3A_119 : memref<1x1x160x128xi32, #tpu.memory_space<hbm>> -> memref<160x128xi32, #tpu.memory_space<hbm>>
      %dma_start3A_121 = arith.constant 0 : i32
      %dma_start3A_122 = arith.constant 0 : i32
      %dma_start3A_123 = tpu.memref_slice %arg3[%arg0, %arg1, %dma_start3A_121, %dma_start3A_122] : memref<2x16x160x128xi32, #tpu.memory_space<hbm>> -> memref<1x1x160x128xi32, #tpu.memory_space<hbm>>
      %dma_start3A_124 = tpu.memref_squeeze %dma_start3A_123 : memref<1x1x160x128xi32, #tpu.memory_space<hbm>> -> memref<160x128xi32, #tpu.memory_space<hbm>>
      tpu.enqueue_dma source(%dma_start3A_124 : memref<160x128xi32, #tpu.memory_space<hbm>>) target(%arg7 : memref<160x128xi32, #tpu.memory_space<vmem>>) target_semaphore(%run_scoped3A : memref<!tpu.dma_semaphore, #tpu.memory_space<semaphore_mem>>)
      %dma_wait3A_125 = arith.constant 0 : i32
      %dma_wait3A_126 = arith.constant 0 : i32
      %dma_wait3A_127 = tpu.memref_slice %arg3[%arg0, %arg1, %dma_wait3A_125, %dma_wait3A_126] : memref<2x16x160x128xi32, #tpu.memory_space<hbm>> -> memref<1x1x160x128xi32, #tpu.memory_space<hbm>>
      %dma_wait3A_128 = tpu.memref_squeeze %dma_wait3A_127 : memref<1x1x160x128xi32, #tpu.memory_space<hbm>> -> memref<160x128xi32, #tpu.memory_space<hbm>>
      %dma_wait3A_129 = arith.constant 0 : i32
      %dma_wait3A_130 = arith.constant 0 : i32
      %dma_wait3A_131 = tpu.memref_slice %arg3[%arg0, %arg1, %dma_wait3A_129, %dma_wait3A_130] : memref<2x16x160x128xi32, #tpu.memory_space<hbm>> -> memref<1x1x160x128xi32, #tpu.memory_space<hbm>>
      %dma_wait3A_132 = tpu.memref_squeeze %dma_wait3A_131 : memref<1x1x160x128xi32, #tpu.memory_space<hbm>> -> memref<160x128xi32, #tpu.memory_space<hbm>>
      tpu.wait_dma2 semaphore(%run_scoped3A : memref<!tpu.dma_semaphore, #tpu.memory_space<semaphore_mem>>) src(%dma_wait3A_132 : memref<160x128xi32, #tpu.memory_space<hbm>>) dst(%arg7 : memref<160x128xi32, #tpu.memory_space<vmem>>)
      tpu.yield
    }) : () -> ()
    "tpu.region"() ({
      %run_scoped3A = tpu.sem_alloc : memref<!tpu.dma_semaphore, #tpu.memory_space<semaphore_mem>>
      %dma_start3A_117 = arith.constant 0 : i32
      %dma_start3A_118 = arith.constant 0 : i32
      %dma_start3A_119 = tpu.memref_slice %arg4[%arg0, %arg1, %dma_start3A_117, %dma_start3A_118] : memref<2x16x160x128xi32, #tpu.memory_space<hbm>> -> memref<1x1x160x128xi32, #tpu.memory_space<hbm>>
      %dma_start3A_120 = tpu.memref_squeeze %dma_start3A_119 : memref<1x1x160x128xi32, #tpu.memory_space<hbm>> -> memref<160x128xi32, #tpu.memory_space<hbm>>
      %dma_start3A_121 = arith.constant 0 : i32
      %dma_start3A_122 = arith.constant 0 : i32
      %dma_start3A_123 = tpu.memref_slice %arg4[%arg0, %arg1, %dma_start3A_121, %dma_start3A_122] : memref<2x16x160x128xi32, #tpu.memory_space<hbm>> -> memref<1x1x160x128xi32, #tpu.memory_space<hbm>>
      %dma_start3A_124 = tpu.memref_squeeze %dma_start3A_123 : memref<1x1x160x128xi32, #tpu.memory_space<hbm>> -> memref<160x128xi32, #tpu.memory_space<hbm>>
      tpu.enqueue_dma source(%dma_start3A_124 : memref<160x128xi32, #tpu.memory_space<hbm>>) target(%arg8 : memref<160x128xi32, #tpu.memory_space<vmem>>) target_semaphore(%run_scoped3A : memref<!tpu.dma_semaphore, #tpu.memory_space<semaphore_mem>>)
      %dma_wait3A_125 = arith.constant 0 : i32
      %dma_wait3A_126 = arith.constant 0 : i32
      %dma_wait3A_127 = tpu.memref_slice %arg4[%arg0, %arg1, %dma_wait3A_125, %dma_wait3A_126] : memref<2x16x160x128xi32, #tpu.memory_space<hbm>> -> memref<1x1x160x128xi32, #tpu.memory_space<hbm>>
      %dma_wait3A_128 = tpu.memref_squeeze %dma_wait3A_127 : memref<1x1x160x128xi32, #tpu.memory_space<hbm>> -> memref<160x128xi32, #tpu.memory_space<hbm>>
      %dma_wait3A_129 = arith.constant 0 : i32
      %dma_wait3A_130 = arith.constant 0 : i32
      %dma_wait3A_131 = tpu.memref_slice %arg4[%arg0, %arg1, %dma_wait3A_129, %dma_wait3A_130] : memref<2x16x160x128xi32, #tpu.memory_space<hbm>> -> memref<1x1x160x128xi32, #tpu.memory_space<hbm>>
      %dma_wait3A_132 = tpu.memref_squeeze %dma_wait3A_131 : memref<1x1x160x128xi32, #tpu.memory_space<hbm>> -> memref<160x128xi32, #tpu.memory_space<hbm>>
      tpu.wait_dma2 semaphore(%run_scoped3A : memref<!tpu.dma_semaphore, #tpu.memory_space<semaphore_mem>>) src(%dma_wait3A_132 : memref<160x128xi32, #tpu.memory_space<hbm>>) dst(%arg8 : memref<160x128xi32, #tpu.memory_space<vmem>>)
      tpu.yield
    }) : () -> ()
    %barrier3A = arith.constant 0 : index
    tpu.barrier barrier_id(%barrier3A)
    %dma_start3A = arith.constant 0 : i32
    %dma_start3A_1 = arith.constant 0 : i32
    %dma_start3A_2 = tpu.memref_slice %arg7[%dma_start3A, %dma_start3A_1] : memref<160x128xi32, #tpu.memory_space<vmem>> -> memref<1x128xi32, #tpu.memory_space<vmem>>
    %dma_start3A_3 = tpu.memref_squeeze %dma_start3A_2 : memref<1x128xi32, #tpu.memory_space<vmem>> -> memref<128xi32, #tpu.memory_space<vmem>>
    %dma_start3A_4 = arith.constant 0 : i32
    %dma_start3A_5 = arith.constant 0 : i32
    %dma_start3A_6 = tpu.memref_slice %arg2[%dma_start3A_4, %dma_start3A_5] : memref<20000x64xf32, #tpu.memory_space<hbm>> -> memref<20000x64xf32, #tpu.memory_space<hbm>>
    tpu.enqueue_indirect_dma source(%dma_start3A_6 : memref<20000x64xf32, #tpu.memory_space<hbm>>) target(%arg9 : memref<128x64xf32, #tpu.memory_space<vmem>>) offsets(%dma_start3A_3 : memref<128xi32, #tpu.memory_space<vmem>>) semaphore(%arg14 : memref<!tpu.dma_semaphore, #tpu.memory_space<semaphore_mem>>)
    %dma_start3A_7 = arith.constant 1 : i32
    %dma_start3A_8 = arith.constant 0 : i32
    %dma_start3A_9 = tpu.memref_slice %arg7[%dma_start3A_7, %dma_start3A_8] : memref<160x128xi32, #tpu.memory_space<vmem>> -> memref<1x128xi32, #tpu.memory_space<vmem>>
    %dma_start3A_10 = tpu.memref_squeeze %dma_start3A_9 : memref<1x128xi32, #tpu.memory_space<vmem>> -> memref<128xi32, #tpu.memory_space<vmem>>
    %dma_start3A_11 = arith.constant 0 : i32
    %dma_start3A_12 = arith.constant 0 : i32
    %dma_start3A_13 = tpu.memref_slice %arg2[%dma_start3A_11, %dma_start3A_12] : memref<20000x64xf32, #tpu.memory_space<hbm>> -> memref<20000x64xf32, #tpu.memory_space<hbm>>
    tpu.enqueue_indirect_dma source(%dma_start3A_13 : memref<20000x64xf32, #tpu.memory_space<hbm>>) target(%arg10 : memref<128x64xf32, #tpu.memory_space<vmem>>) offsets(%dma_start3A_10 : memref<128xi32, #tpu.memory_space<vmem>>) semaphore(%arg15 : memref<!tpu.dma_semaphore, #tpu.memory_space<semaphore_mem>>)
    %dma_wait3A = arith.constant 0 : i32
    %dma_wait3A_14 = arith.constant 0 : i32
    %dma_wait3A_15 = tpu.memref_slice %arg7[%dma_wait3A, %dma_wait3A_14] : memref<160x128xi32, #tpu.memory_space<vmem>> -> memref<1x128xi32, #tpu.memory_space<vmem>>
    %dma_wait3A_16 = tpu.memref_squeeze %dma_wait3A_15 : memref<1x128xi32, #tpu.memory_space<vmem>> -> memref<128xi32, #tpu.memory_space<vmem>>
    %dma_wait3A_17 = arith.constant 0 : i32
    %dma_wait3A_18 = arith.constant 0 : i32
    %dma_wait3A_19 = tpu.memref_slice %arg2[%dma_wait3A_17, %dma_wait3A_18] : memref<20000x64xf32, #tpu.memory_space<hbm>> -> memref<20000x64xf32, #tpu.memory_space<hbm>>
    tpu.wait_indirect_dma semaphore(%arg14 : memref<!tpu.dma_semaphore, #tpu.memory_space<semaphore_mem>>) src(%dma_wait3A_19 : memref<20000x64xf32, #tpu.memory_space<hbm>>) dst(%arg9 : memref<128x64xf32, #tpu.memory_space<vmem>>)
    %dma_start3A_20 = arith.constant 0 : i32
    %dma_start3A_21 = arith.constant 0 : i32
    %dma_start3A_22 = tpu.memref_slice %arg8[%dma_start3A_20, %dma_start3A_21] : memref<160x128xi32, #tpu.memory_space<vmem>> -> memref<1x128xi32, #tpu.memory_space<vmem>>
    %dma_start3A_23 = tpu.memref_squeeze %dma_start3A_22 : memref<1x128xi32, #tpu.memory_space<vmem>> -> memref<128xi32, #tpu.memory_space<vmem>>
    %dma_start3A_24 = arith.constant 0 : i32
    %dma_start3A_25 = arith.constant 0 : i32
    %dma_start3A_26 = tpu.memref_slice %arg13[%dma_start3A_24, %dma_start3A_25] : memref<10128x64xf32, #tpu.memory_space<vmem_shared>> -> memref<10128x64xf32, #tpu.memory_space<vmem_shared>>
    tpu.enqueue_indirect_dma source(%arg9 : memref<128x64xf32, #tpu.memory_space<vmem>>) target(%dma_start3A_26 : memref<10128x64xf32, #tpu.memory_space<vmem_shared>>) offsets(%dma_start3A_23 : memref<128xi32, #tpu.memory_space<vmem>>) semaphore(%arg18 : memref<!tpu.dma_semaphore, #tpu.memory_space<semaphore_mem>>) {add = true}
    %dma_start3A_27 = arith.constant 2 : i32
    %dma_start3A_28 = arith.constant 0 : i32
    %dma_start3A_29 = tpu.memref_slice %arg7[%dma_start3A_27, %dma_start3A_28] : memref<160x128xi32, #tpu.memory_space<vmem>> -> memref<1x128xi32, #tpu.memory_space<vmem>>
    %dma_start3A_30 = tpu.memref_squeeze %dma_start3A_29 : memref<1x128xi32, #tpu.memory_space<vmem>> -> memref<128xi32, #tpu.memory_space<vmem>>
    %dma_start3A_31 = arith.constant 0 : i32
    %dma_start3A_32 = arith.constant 0 : i32
    %dma_start3A_33 = tpu.memref_slice %arg2[%dma_start3A_31, %dma_start3A_32] : memref<20000x64xf32, #tpu.memory_space<hbm>> -> memref<20000x64xf32, #tpu.memory_space<hbm>>
    tpu.enqueue_indirect_dma source(%dma_start3A_33 : memref<20000x64xf32, #tpu.memory_space<hbm>>) target(%arg11 : memref<128x64xf32, #tpu.memory_space<vmem>>) offsets(%dma_start3A_30 : memref<128xi32, #tpu.memory_space<vmem>>) semaphore(%arg16 : memref<!tpu.dma_semaphore, #tpu.memory_space<semaphore_mem>>)
    %dma_wait3A_34 = arith.constant 1 : i32
    %dma_wait3A_35 = arith.constant 0 : i32
    %dma_wait3A_36 = tpu.memref_slice %arg7[%dma_wait3A_34, %dma_wait3A_35] : memref<160x128xi32, #tpu.memory_space<vmem>> -> memref<1x128xi32, #tpu.memory_space<vmem>>
    %dma_wait3A_37 = tpu.memref_squeeze %dma_wait3A_36 : memref<1x128xi32, #tpu.memory_space<vmem>> -> memref<128xi32, #tpu.memory_space<vmem>>
    %dma_wait3A_38 = arith.constant 0 : i32
    %dma_wait3A_39 = arith.constant 0 : i32
    %dma_wait3A_40 = tpu.memref_slice %arg2[%dma_wait3A_38, %dma_wait3A_39] : memref<20000x64xf32, #tpu.memory_space<hbm>> -> memref<20000x64xf32, #tpu.memory_space<hbm>>
    tpu.wait_indirect_dma semaphore(%arg15 : memref<!tpu.dma_semaphore, #tpu.memory_space<semaphore_mem>>) src(%dma_wait3A_40 : memref<20000x64xf32, #tpu.memory_space<hbm>>) dst(%arg10 : memref<128x64xf32, #tpu.memory_space<vmem>>)
    %dma_start3A_41 = arith.constant 1 : i32
    %dma_start3A_42 = arith.constant 0 : i32
    %dma_start3A_43 = tpu.memref_slice %arg8[%dma_start3A_41, %dma_start3A_42] : memref<160x128xi32, #tpu.memory_space<vmem>> -> memref<1x128xi32, #tpu.memory_space<vmem>>
    %dma_start3A_44 = tpu.memref_squeeze %dma_start3A_43 : memref<1x128xi32, #tpu.memory_space<vmem>> -> memref<128xi32, #tpu.memory_space<vmem>>
    %dma_start3A_45 = arith.constant 0 : i32
    %dma_start3A_46 = arith.constant 0 : i32
    %dma_start3A_47 = tpu.memref_slice %arg13[%dma_start3A_45, %dma_start3A_46] : memref<10128x64xf32, #tpu.memory_space<vmem_shared>> -> memref<10128x64xf32, #tpu.memory_space<vmem_shared>>
    tpu.enqueue_indirect_dma source(%arg10 : memref<128x64xf32, #tpu.memory_space<vmem>>) target(%dma_start3A_47 : memref<10128x64xf32, #tpu.memory_space<vmem_shared>>) offsets(%dma_start3A_44 : memref<128xi32, #tpu.memory_space<vmem>>) semaphore(%arg19 : memref<!tpu.dma_semaphore, #tpu.memory_space<semaphore_mem>>) {add = true}
    %dma_start3A_48 = arith.constant 3 : i32
    %dma_start3A_49 = arith.constant 0 : i32
    %dma_start3A_50 = tpu.memref_slice %arg7[%dma_start3A_48, %dma_start3A_49] : memref<160x128xi32, #tpu.memory_space<vmem>> -> memref<1x128xi32, #tpu.memory_space<vmem>>
    %dma_start3A_51 = tpu.memref_squeeze %dma_start3A_50 : memref<1x128xi32, #tpu.memory_space<vmem>> -> memref<128xi32, #tpu.memory_space<vmem>>
    %dma_start3A_52 = arith.constant 0 : i32
    %dma_start3A_53 = arith.constant 0 : i32
    %dma_start3A_54 = tpu.memref_slice %arg2[%dma_start3A_52, %dma_start3A_53] : memref<20000x64xf32, #tpu.memory_space<hbm>> -> memref<20000x64xf32, #tpu.memory_space<hbm>>
    tpu.enqueue_indirect_dma source(%dma_start3A_54 : memref<20000x64xf32, #tpu.memory_space<hbm>>) target(%arg12 : memref<128x64xf32, #tpu.memory_space<vmem>>) offsets(%dma_start3A_51 : memref<128xi32, #tpu.memory_space<vmem>>) semaphore(%arg17 : memref<!tpu.dma_semaphore, #tpu.memory_space<semaphore_mem>>)
    %scan3A = arith.constant 0 : i32
    %scan3A_55 = arith.constant 0 : i32
    %scan3A_56 = arith.constant 39 : i32
    %scan3A_57 = arith.addi %scan3A_55, %scan3A_56 : i32
    %scan3A_58 = arith.constant 1 : i32
    scf.for %scan3A_117 = %scan3A_55 to %scan3A_57 step %scan3A_58  : i32 {
      %mul3A_118 = arith.constant 4 : i32
      %mul3A_119 = arith.muli %mul3A_118, %scan3A_117 : i32
      %add3A = arith.constant 2 : i32
      %add3A_120 = arith.addi %mul3A_119, %add3A : i32
      %add3A_121 = arith.constant 0 : i32
      %add3A_122 = arith.addi %add3A_120, %add3A_121 : i32
      %dma_wait3A_123 = arith.constant 0 : i32
      %dma_wait3A_124 = tpu.memref_slice %arg7[%add3A_122, %dma_wait3A_123] : memref<160x128xi32, #tpu.memory_space<vmem>> -> memref<1x128xi32, #tpu.memory_space<vmem>>
      %dma_wait3A_125 = tpu.memref_squeeze %dma_wait3A_124 : memref<1x128xi32, #tpu.memory_space<vmem>> -> memref<128xi32, #tpu.memory_space<vmem>>
      %dma_wait3A_126 = arith.constant 0 : i32
      %dma_wait3A_127 = arith.constant 0 : i32
      %dma_wait3A_128 = tpu.memref_slice %arg2[%dma_wait3A_126, %dma_wait3A_127] : memref<20000x64xf32, #tpu.memory_space<hbm>> -> memref<20000x64xf32, #tpu.memory_space<hbm>>
      tpu.wait_indirect_dma semaphore(%arg16 : memref<!tpu.dma_semaphore, #tpu.memory_space<semaphore_mem>>) src(%dma_wait3A_128 : memref<20000x64xf32, #tpu.memory_space<hbm>>) dst(%arg11 : memref<128x64xf32, #tpu.memory_space<vmem>>)
      %dma_start3A_129 = arith.constant 0 : i32
      %dma_start3A_130 = tpu.memref_slice %arg8[%add3A_122, %dma_start3A_129] : memref<160x128xi32, #tpu.memory_space<vmem>> -> memref<1x128xi32, #tpu.memory_space<vmem>>
      %dma_start3A_131 = tpu.memref_squeeze %dma_start3A_130 : memref<1x128xi32, #tpu.memory_space<vmem>> -> memref<128xi32, #tpu.memory_space<vmem>>
      %dma_start3A_132 = arith.constant 0 : i32
      %dma_start3A_133 = arith.constant 0 : i32
      %dma_start3A_134 = tpu.memref_slice %arg13[%dma_start3A_132, %dma_start3A_133] : memref<10128x64xf32, #tpu.memory_space<vmem_shared>> -> memref<10128x64xf32, #tpu.memory_space<vmem_shared>>
      tpu.enqueue_indirect_dma source(%arg11 : memref<128x64xf32, #tpu.memory_space<vmem>>) target(%dma_start3A_134 : memref<10128x64xf32, #tpu.memory_space<vmem_shared>>) offsets(%dma_start3A_131 : memref<128xi32, #tpu.memory_space<vmem>>) semaphore(%arg20 : memref<!tpu.dma_semaphore, #tpu.memory_space<semaphore_mem>>) {add = true}
      %sub3A = arith.constant 2 : i32
      %sub3A_135 = arith.subi %add3A_122, %sub3A : i32
      %dma_wait3A_136 = arith.constant 0 : i32
      %dma_wait3A_137 = tpu.memref_slice %arg8[%sub3A_135, %dma_wait3A_136] : memref<160x128xi32, #tpu.memory_space<vmem>> -> memref<1x128xi32, #tpu.memory_space<vmem>>
      %dma_wait3A_138 = tpu.memref_squeeze %dma_wait3A_137 : memref<1x128xi32, #tpu.memory_space<vmem>> -> memref<128xi32, #tpu.memory_space<vmem>>
      %dma_wait3A_139 = arith.constant 0 : i32
      %dma_wait3A_140 = arith.constant 0 : i32
      %dma_wait3A_141 = tpu.memref_slice %arg13[%dma_wait3A_139, %dma_wait3A_140] : memref<10128x64xf32, #tpu.memory_space<vmem_shared>> -> memref<10128x64xf32, #tpu.memory_space<vmem_shared>>
      tpu.wait_indirect_dma semaphore(%arg18 : memref<!tpu.dma_semaphore, #tpu.memory_space<semaphore_mem>>) src(%arg9 : memref<128x64xf32, #tpu.memory_space<vmem>>) dst(%dma_wait3A_141 : memref<10128x64xf32, #tpu.memory_space<vmem_shared>>)
      %add3A_142 = arith.constant 2 : i32
      %add3A_143 = arith.addi %add3A_122, %add3A_142 : i32
      %dma_start3A_144 = arith.constant 0 : i32
      %dma_start3A_145 = tpu.memref_slice %arg7[%add3A_143, %dma_start3A_144] : memref<160x128xi32, #tpu.memory_space<vmem>> -> memref<1x128xi32, #tpu.memory_space<vmem>>
      %dma_start3A_146 = tpu.memref_squeeze %dma_start3A_145 : memref<1x128xi32, #tpu.memory_space<vmem>> -> memref<128xi32, #tpu.memory_space<vmem>>
      %dma_start3A_147 = arith.constant 0 : i32
      %dma_start3A_148 = arith.constant 0 : i32
      %dma_start3A_149 = tpu.memref_slice %arg2[%dma_start3A_147, %dma_start3A_148] : memref<20000x64xf32, #tpu.memory_space<hbm>> -> memref<20000x64xf32, #tpu.memory_space<hbm>>
      tpu.enqueue_indirect_dma source(%dma_start3A_149 : memref<20000x64xf32, #tpu.memory_space<hbm>>) target(%arg9 : memref<128x64xf32, #tpu.memory_space<vmem>>) offsets(%dma_start3A_146 : memref<128xi32, #tpu.memory_space<vmem>>) semaphore(%arg14 : memref<!tpu.dma_semaphore, #tpu.memory_space<semaphore_mem>>)
      %mul3A_150 = arith.constant 4 : i32
      %mul3A_151 = arith.muli %mul3A_150, %scan3A_117 : i32
      %add3A_152 = arith.constant 2 : i32
      %add3A_153 = arith.addi %mul3A_151, %add3A_152 : i32
      %add3A_154 = arith.constant 1 : i32
      %add3A_155 = arith.addi %add3A_153, %add3A_154 : i32
      %dma_wait3A_156 = arith.constant 0 : i32
      %dma_wait3A_157 = tpu.memref_slice %arg7[%add3A_155, %dma_wait3A_156] : memref<160x128xi32, #tpu.memory_space<vmem>> -> memref<1x128xi32, #tpu.memory_space<vmem>>
      %dma_wait3A_158 = tpu.memref_squeeze %dma_wait3A_157 : memref<1x128xi32, #tpu.memory_space<vmem>> -> memref<128xi32, #tpu.memory_space<vmem>>
      %dma_wait3A_159 = arith.constant 0 : i32
      %dma_wait3A_160 = arith.constant 0 : i32
      %dma_wait3A_161 = tpu.memref_slice %arg2[%dma_wait3A_159, %dma_wait3A_160] : memref<20000x64xf32, #tpu.memory_space<hbm>> -> memref<20000x64xf32, #tpu.memory_space<hbm>>
      tpu.wait_indirect_dma semaphore(%arg17 : memref<!tpu.dma_semaphore, #tpu.memory_space<semaphore_mem>>) src(%dma_wait3A_161 : memref<20000x64xf32, #tpu.memory_space<hbm>>) dst(%arg12 : memref<128x64xf32, #tpu.memory_space<vmem>>)
      %dma_start3A_162 = arith.constant 0 : i32
      %dma_start3A_163 = tpu.memref_slice %arg8[%add3A_155, %dma_start3A_162] : memref<160x128xi32, #tpu.memory_space<vmem>> -> memref<1x128xi32, #tpu.memory_space<vmem>>
      %dma_start3A_164 = tpu.memref_squeeze %dma_start3A_163 : memref<1x128xi32, #tpu.memory_space<vmem>> -> memref<128xi32, #tpu.memory_space<vmem>>
      %dma_start3A_165 = arith.constant 0 : i32
      %dma_start3A_166 = arith.constant 0 : i32
      %dma_start3A_167 = tpu.memref_slice %arg13[%dma_start3A_165, %dma_start3A_166] : memref<10128x64xf32, #tpu.memory_space<vmem_shared>> -> memref<10128x64xf32, #tpu.memory_space<vmem_shared>>
      tpu.enqueue_indirect_dma source(%arg12 : memref<128x64xf32, #tpu.memory_space<vmem>>) target(%dma_start3A_167 : memref<10128x64xf32, #tpu.memory_space<vmem_shared>>) offsets(%dma_start3A_164 : memref<128xi32, #tpu.memory_space<vmem>>) semaphore(%arg21 : memref<!tpu.dma_semaphore, #tpu.memory_space<semaphore_mem>>) {add = true}
      %sub3A_168 = arith.constant 2 : i32
      %sub3A_169 = arith.subi %add3A_155, %sub3A_168 : i32
      %dma_wait3A_170 = arith.constant 0 : i32
      %dma_wait3A_171 = tpu.memref_slice %arg8[%sub3A_169, %dma_wait3A_170] : memref<160x128xi32, #tpu.memory_space<vmem>> -> memref<1x128xi32, #tpu.memory_space<vmem>>
      %dma_wait3A_172 = tpu.memref_squeeze %dma_wait3A_171 : memref<1x128xi32, #tpu.memory_space<vmem>> -> memref<128xi32, #tpu.memory_space<vmem>>
      %dma_wait3A_173 = arith.constant 0 : i32
      %dma_wait3A_174 = arith.constant 0 : i32
      %dma_wait3A_175 = tpu.memref_slice %arg13[%dma_wait3A_173, %dma_wait3A_174] : memref<10128x64xf32, #tpu.memory_space<vmem_shared>> -> memref<10128x64xf32, #tpu.memory_space<vmem_shared>>
      tpu.wait_indirect_dma semaphore(%arg19 : memref<!tpu.dma_semaphore, #tpu.memory_space<semaphore_mem>>) src(%arg10 : memref<128x64xf32, #tpu.memory_space<vmem>>) dst(%dma_wait3A_175 : memref<10128x64xf32, #tpu.memory_space<vmem_shared>>)
      %add3A_176 = arith.constant 2 : i32
      %add3A_177 = arith.addi %add3A_155, %add3A_176 : i32
      %dma_start3A_178 = arith.constant 0 : i32
      %dma_start3A_179 = tpu.memref_slice %arg7[%add3A_177, %dma_start3A_178] : memref<160x128xi32, #tpu.memory_space<vmem>> -> memref<1x128xi32, #tpu.memory_space<vmem>>
      %dma_start3A_180 = tpu.memref_squeeze %dma_start3A_179 : memref<1x128xi32, #tpu.memory_space<vmem>> -> memref<128xi32, #tpu.memory_space<vmem>>
      %dma_start3A_181 = arith.constant 0 : i32
      %dma_start3A_182 = arith.constant 0 : i32
      %dma_start3A_183 = tpu.memref_slice %arg2[%dma_start3A_181, %dma_start3A_182] : memref<20000x64xf32, #tpu.memory_space<hbm>> -> memref<20000x64xf32, #tpu.memory_space<hbm>>
      tpu.enqueue_indirect_dma source(%dma_start3A_183 : memref<20000x64xf32, #tpu.memory_space<hbm>>) target(%arg10 : memref<128x64xf32, #tpu.memory_space<vmem>>) offsets(%dma_start3A_180 : memref<128xi32, #tpu.memory_space<vmem>>) semaphore(%arg15 : memref<!tpu.dma_semaphore, #tpu.memory_space<semaphore_mem>>)
      %mul3A_184 = arith.constant 4 : i32
      %mul3A_185 = arith.muli %mul3A_184, %scan3A_117 : i32
      %add3A_186 = arith.constant 2 : i32
      %add3A_187 = arith.addi %mul3A_185, %add3A_186 : i32
      %add3A_188 = arith.constant 2 : i32
      %add3A_189 = arith.addi %add3A_187, %add3A_188 : i32
      %dma_wait3A_190 = arith.constant 0 : i32
      %dma_wait3A_191 = tpu.memref_slice %arg7[%add3A_189, %dma_wait3A_190] : memref<160x128xi32, #tpu.memory_space<vmem>> -> memref<1x128xi32, #tpu.memory_space<vmem>>
      %dma_wait3A_192 = tpu.memref_squeeze %dma_wait3A_191 : memref<1x128xi32, #tpu.memory_space<vmem>> -> memref<128xi32, #tpu.memory_space<vmem>>
      %dma_wait3A_193 = arith.constant 0 : i32
      %dma_wait3A_194 = arith.constant 0 : i32
      %dma_wait3A_195 = tpu.memref_slice %arg2[%dma_wait3A_193, %dma_wait3A_194] : memref<20000x64xf32, #tpu.memory_space<hbm>> -> memref<20000x64xf32, #tpu.memory_space<hbm>>
      tpu.wait_indirect_dma semaphore(%arg14 : memref<!tpu.dma_semaphore, #tpu.memory_space<semaphore_mem>>) src(%dma_wait3A_195 : memref<20000x64xf32, #tpu.memory_space<hbm>>) dst(%arg9 : memref<128x64xf32, #tpu.memory_space<vmem>>)
      %dma_start3A_196 = arith.constant 0 : i32
      %dma_start3A_197 = tpu.memref_slice %arg8[%add3A_189, %dma_start3A_196] : memref<160x128xi32, #tpu.memory_space<vmem>> -> memref<1x128xi32, #tpu.memory_space<vmem>>
      %dma_start3A_198 = tpu.memref_squeeze %dma_start3A_197 : memref<1x128xi32, #tpu.memory_space<vmem>> -> memref<128xi32, #tpu.memory_space<vmem>>
      %dma_start3A_199 = arith.constant 0 : i32
      %dma_start3A_200 = arith.constant 0 : i32
      %dma_start3A_201 = tpu.memref_slice %arg13[%dma_start3A_199, %dma_start3A_200] : memref<10128x64xf32, #tpu.memory_space<vmem_shared>> -> memref<10128x64xf32, #tpu.memory_space<vmem_shared>>
      tpu.enqueue_indirect_dma source(%arg9 : memref<128x64xf32, #tpu.memory_space<vmem>>) target(%dma_start3A_201 : memref<10128x64xf32, #tpu.memory_space<vmem_shared>>) offsets(%dma_start3A_198 : memref<128xi32, #tpu.memory_space<vmem>>) semaphore(%arg18 : memref<!tpu.dma_semaphore, #tpu.memory_space<semaphore_mem>>) {add = true}
      %sub3A_202 = arith.constant 2 : i32
      %sub3A_203 = arith.subi %add3A_189, %sub3A_202 : i32
      %dma_wait3A_204 = arith.constant 0 : i32
      %dma_wait3A_205 = tpu.memref_slice %arg8[%sub3A_203, %dma_wait3A_204] : memref<160x128xi32, #tpu.memory_space<vmem>> -> memref<1x128xi32, #tpu.memory_space<vmem>>
      %dma_wait3A_206 = tpu.memref_squeeze %dma_wait3A_205 : memref<1x128xi32, #tpu.memory_space<vmem>> -> memref<128xi32, #tpu.memory_space<vmem>>
      %dma_wait3A_207 = arith.constant 0 : i32
      %dma_wait3A_208 = arith.constant 0 : i32
      %dma_wait3A_209 = tpu.memref_slice %arg13[%dma_wait3A_207, %dma_wait3A_208] : memref<10128x64xf32, #tpu.memory_space<vmem_shared>> -> memref<10128x64xf32, #tpu.memory_space<vmem_shared>>
      tpu.wait_indirect_dma semaphore(%arg20 : memref<!tpu.dma_semaphore, #tpu.memory_space<semaphore_mem>>) src(%arg11 : memref<128x64xf32, #tpu.memory_space<vmem>>) dst(%dma_wait3A_209 : memref<10128x64xf32, #tpu.memory_space<vmem_shared>>)
      %add3A_210 = arith.constant 2 : i32
      %add3A_211 = arith.addi %add3A_189, %add3A_210 : i32
      %dma_start3A_212 = arith.constant 0 : i32
      %dma_start3A_213 = tpu.memref_slice %arg7[%add3A_211, %dma_start3A_212] : memref<160x128xi32, #tpu.memory_space<vmem>> -> memref<1x128xi32, #tpu.memory_space<vmem>>
      %dma_start3A_214 = tpu.memref_squeeze %dma_start3A_213 : memref<1x128xi32, #tpu.memory_space<vmem>> -> memref<128xi32, #tpu.memory_space<vmem>>
      %dma_start3A_215 = arith.constant 0 : i32
      %dma_start3A_216 = arith.constant 0 : i32
      %dma_start3A_217 = tpu.memref_slice %arg2[%dma_start3A_215, %dma_start3A_216] : memref<20000x64xf32, #tpu.memory_space<hbm>> -> memref<20000x64xf32, #tpu.memory_space<hbm>>
      tpu.enqueue_indirect_dma source(%dma_start3A_217 : memref<20000x64xf32, #tpu.memory_space<hbm>>) target(%arg11 : memref<128x64xf32, #tpu.memory_space<vmem>>) offsets(%dma_start3A_214 : memref<128xi32, #tpu.memory_space<vmem>>) semaphore(%arg16 : memref<!tpu.dma_semaphore, #tpu.memory_space<semaphore_mem>>)
      %mul3A_218 = arith.constant 4 : i32
      %mul3A_219 = arith.muli %mul3A_218, %scan3A_117 : i32
      %add3A_220 = arith.constant 2 : i32
      %add3A_221 = arith.addi %mul3A_219, %add3A_220 : i32
      %add3A_222 = arith.constant 3 : i32
      %add3A_223 = arith.addi %add3A_221, %add3A_222 : i32
      %dma_wait3A_224 = arith.constant 0 : i32
      %dma_wait3A_225 = tpu.memref_slice %arg7[%add3A_223, %dma_wait3A_224] : memref<160x128xi32, #tpu.memory_space<vmem>> -> memref<1x128xi32, #tpu.memory_space<vmem>>
      %dma_wait3A_226 = tpu.memref_squeeze %dma_wait3A_225 : memref<1x128xi32, #tpu.memory_space<vmem>> -> memref<128xi32, #tpu.memory_space<vmem>>
      %dma_wait3A_227 = arith.constant 0 : i32
      %dma_wait3A_228 = arith.constant 0 : i32
      %dma_wait3A_229 = tpu.memref_slice %arg2[%dma_wait3A_227, %dma_wait3A_228] : memref<20000x64xf32, #tpu.memory_space<hbm>> -> memref<20000x64xf32, #tpu.memory_space<hbm>>
      tpu.wait_indirect_dma semaphore(%arg15 : memref<!tpu.dma_semaphore, #tpu.memory_space<semaphore_mem>>) src(%dma_wait3A_229 : memref<20000x64xf32, #tpu.memory_space<hbm>>) dst(%arg10 : memref<128x64xf32, #tpu.memory_space<vmem>>)
      %dma_start3A_230 = arith.constant 0 : i32
      %dma_start3A_231 = tpu.memref_slice %arg8[%add3A_223, %dma_start3A_230] : memref<160x128xi32, #tpu.memory_space<vmem>> -> memref<1x128xi32, #tpu.memory_space<vmem>>
      %dma_start3A_232 = tpu.memref_squeeze %dma_start3A_231 : memref<1x128xi32, #tpu.memory_space<vmem>> -> memref<128xi32, #tpu.memory_space<vmem>>
      %dma_start3A_233 = arith.constant 0 : i32
      %dma_start3A_234 = arith.constant 0 : i32
      %dma_start3A_235 = tpu.memref_slice %arg13[%dma_start3A_233, %dma_start3A_234] : memref<10128x64xf32, #tpu.memory_space<vmem_shared>> -> memref<10128x64xf32, #tpu.memory_space<vmem_shared>>
      tpu.enqueue_indirect_dma source(%arg10 : memref<128x64xf32, #tpu.memory_space<vmem>>) target(%dma_start3A_235 : memref<10128x64xf32, #tpu.memory_space<vmem_shared>>) offsets(%dma_start3A_232 : memref<128xi32, #tpu.memory_space<vmem>>) semaphore(%arg19 : memref<!tpu.dma_semaphore, #tpu.memory_space<semaphore_mem>>) {add = true}
      %sub3A_236 = arith.constant 2 : i32
      %sub3A_237 = arith.subi %add3A_223, %sub3A_236 : i32
      %dma_wait3A_238 = arith.constant 0 : i32
      %dma_wait3A_239 = tpu.memref_slice %arg8[%sub3A_237, %dma_wait3A_238] : memref<160x128xi32, #tpu.memory_space<vmem>> -> memref<1x128xi32, #tpu.memory_space<vmem>>
      %dma_wait3A_240 = tpu.memref_squeeze %dma_wait3A_239 : memref<1x128xi32, #tpu.memory_space<vmem>> -> memref<128xi32, #tpu.memory_space<vmem>>
      %dma_wait3A_241 = arith.constant 0 : i32
      %dma_wait3A_242 = arith.constant 0 : i32
      %dma_wait3A_243 = tpu.memref_slice %arg13[%dma_wait3A_241, %dma_wait3A_242] : memref<10128x64xf32, #tpu.memory_space<vmem_shared>> -> memref<10128x64xf32, #tpu.memory_space<vmem_shared>>
      tpu.wait_indirect_dma semaphore(%arg21 : memref<!tpu.dma_semaphore, #tpu.memory_space<semaphore_mem>>) src(%arg12 : memref<128x64xf32, #tpu.memory_space<vmem>>) dst(%dma_wait3A_243 : memref<10128x64xf32, #tpu.memory_space<vmem_shared>>)
      %add3A_244 = arith.constant 2 : i32
      %add3A_245 = arith.addi %add3A_223, %add3A_244 : i32
      %dma_start3A_246 = arith.constant 0 : i32
      %dma_start3A_247 = tpu.memref_slice %arg7[%add3A_245, %dma_start3A_246] : memref<160x128xi32, #tpu.memory_space<vmem>> -> memref<1x128xi32, #tpu.memory_space<vmem>>
      %dma_start3A_248 = tpu.memref_squeeze %dma_start3A_247 : memref<1x128xi32, #tpu.memory_space<vmem>> -> memref<128xi32, #tpu.memory_space<vmem>>
      %dma_start3A_249 = arith.constant 0 : i32
      %dma_start3A_250 = arith.constant 0 : i32
      %dma_start3A_251 = tpu.memref_slice %arg2[%dma_start3A_249, %dma_start3A_250] : memref<20000x64xf32, #tpu.memory_space<hbm>> -> memref<20000x64xf32, #tpu.memory_space<hbm>>
      tpu.enqueue_indirect_dma source(%dma_start3A_251 : memref<20000x64xf32, #tpu.memory_space<hbm>>) target(%arg12 : memref<128x64xf32, #tpu.memory_space<vmem>>) offsets(%dma_start3A_248 : memref<128xi32, #tpu.memory_space<vmem>>) semaphore(%arg17 : memref<!tpu.dma_semaphore, #tpu.memory_space<semaphore_mem>>)
    }
    %scan3A_59 = arith.constant 39 : i32
    %dma_wait3A_60 = arith.constant 158 : i32
    %dma_wait3A_61 = arith.constant 0 : i32
    %dma_wait3A_62 = tpu.memref_slice %arg7[%dma_wait3A_60, %dma_wait3A_61] : memref<160x128xi32, #tpu.memory_space<vmem>> -> memref<1x128xi32, #tpu.memory_space<vmem>>
    %dma_wait3A_63 = tpu.memref_squeeze %dma_wait3A_62 : memref<1x128xi32, #tpu.memory_space<vmem>> -> memref<128xi32, #tpu.memory_space<vmem>>
    %dma_wait3A_64 = arith.constant 0 : i32
    %dma_wait3A_65 = arith.constant 0 : i32
    %dma_wait3A_66 = tpu.memref_slice %arg2[%dma_wait3A_64, %dma_wait3A_65] : memref<20000x64xf32, #tpu.memory_space<hbm>> -> memref<20000x64xf32, #tpu.memory_space<hbm>>
    tpu.wait_indirect_dma semaphore(%arg16 : memref<!tpu.dma_semaphore, #tpu.memory_space<semaphore_mem>>) src(%dma_wait3A_66 : memref<20000x64xf32, #tpu.memory_space<hbm>>) dst(%arg11 : memref<128x64xf32, #tpu.memory_space<vmem>>)
    %dma_start3A_67 = arith.constant 158 : i32
    %dma_start3A_68 = arith.constant 0 : i32
    %dma_start3A_69 = tpu.memref_slice %arg8[%dma_start3A_67, %dma_start3A_68] : memref<160x128xi32, #tpu.memory_space<vmem>> -> memref<1x128xi32, #tpu.memory_space<vmem>>
    %dma_start3A_70 = tpu.memref_squeeze %dma_start3A_69 : memref<1x128xi32, #tpu.memory_space<vmem>> -> memref<128xi32, #tpu.memory_space<vmem>>
    %dma_start3A_71 = arith.constant 0 : i32
    %dma_start3A_72 = arith.constant 0 : i32
    %dma_start3A_73 = tpu.memref_slice %arg13[%dma_start3A_71, %dma_start3A_72] : memref<10128x64xf32, #tpu.memory_space<vmem_shared>> -> memref<10128x64xf32, #tpu.memory_space<vmem_shared>>
    tpu.enqueue_indirect_dma source(%arg11 : memref<128x64xf32, #tpu.memory_space<vmem>>) target(%dma_start3A_73 : memref<10128x64xf32, #tpu.memory_space<vmem_shared>>) offsets(%dma_start3A_70 : memref<128xi32, #tpu.memory_space<vmem>>) semaphore(%arg20 : memref<!tpu.dma_semaphore, #tpu.memory_space<semaphore_mem>>) {add = true}
    %dma_wait3A_74 = arith.constant 156 : i32
    %dma_wait3A_75 = arith.constant 0 : i32
    %dma_wait3A_76 = tpu.memref_slice %arg8[%dma_wait3A_74, %dma_wait3A_75] : memref<160x128xi32, #tpu.memory_space<vmem>> -> memref<1x128xi32, #tpu.memory_space<vmem>>
    %dma_wait3A_77 = tpu.memref_squeeze %dma_wait3A_76 : memref<1x128xi32, #tpu.memory_space<vmem>> -> memref<128xi32, #tpu.memory_space<vmem>>
    %dma_wait3A_78 = arith.constant 0 : i32
    %dma_wait3A_79 = arith.constant 0 : i32
    %dma_wait3A_80 = tpu.memref_slice %arg13[%dma_wait3A_78, %dma_wait3A_79] : memref<10128x64xf32, #tpu.memory_space<vmem_shared>> -> memref<10128x64xf32, #tpu.memory_space<vmem_shared>>
    tpu.wait_indirect_dma semaphore(%arg18 : memref<!tpu.dma_semaphore, #tpu.memory_space<semaphore_mem>>) src(%arg9 : memref<128x64xf32, #tpu.memory_space<vmem>>) dst(%dma_wait3A_80 : memref<10128x64xf32, #tpu.memory_space<vmem_shared>>)
    %dma_wait3A_81 = arith.constant 159 : i32
    %dma_wait3A_82 = arith.constant 0 : i32
    %dma_wait3A_83 = tpu.memref_slice %arg7[%dma_wait3A_81, %dma_wait3A_82] : memref<160x128xi32, #tpu.memory_space<vmem>> -> memref<1x128xi32, #tpu.memory_space<vmem>>
    %dma_wait3A_84 = tpu.memref_squeeze %dma_wait3A_83 : memref<1x128xi32, #tpu.memory_space<vmem>> -> memref<128xi32, #tpu.memory_space<vmem>>
    %dma_wait3A_85 = arith.constant 0 : i32
    %dma_wait3A_86 = arith.constant 0 : i32
    %dma_wait3A_87 = tpu.memref_slice %arg2[%dma_wait3A_85, %dma_wait3A_86] : memref<20000x64xf32, #tpu.memory_space<hbm>> -> memref<20000x64xf32, #tpu.memory_space<hbm>>
    tpu.wait_indirect_dma semaphore(%arg17 : memref<!tpu.dma_semaphore, #tpu.memory_space<semaphore_mem>>) src(%dma_wait3A_87 : memref<20000x64xf32, #tpu.memory_space<hbm>>) dst(%arg12 : memref<128x64xf32, #tpu.memory_space<vmem>>)
    %dma_start3A_88 = arith.constant 159 : i32
    %dma_start3A_89 = arith.constant 0 : i32
    %dma_start3A_90 = tpu.memref_slice %arg8[%dma_start3A_88, %dma_start3A_89] : memref<160x128xi32, #tpu.memory_space<vmem>> -> memref<1x128xi32, #tpu.memory_space<vmem>>
    %dma_start3A_91 = tpu.memref_squeeze %dma_start3A_90 : memref<1x128xi32, #tpu.memory_space<vmem>> -> memref<128xi32, #tpu.memory_space<vmem>>
    %dma_start3A_92 = arith.constant 0 : i32
    %dma_start3A_93 = arith.constant 0 : i32
    %dma_start3A_94 = tpu.memref_slice %arg13[%dma_start3A_92, %dma_start3A_93] : memref<10128x64xf32, #tpu.memory_space<vmem_shared>> -> memref<10128x64xf32, #tpu.memory_space<vmem_shared>>
    tpu.enqueue_indirect_dma source(%arg12 : memref<128x64xf32, #tpu.memory_space<vmem>>) target(%dma_start3A_94 : memref<10128x64xf32, #tpu.memory_space<vmem_shared>>) offsets(%dma_start3A_91 : memref<128xi32, #tpu.memory_space<vmem>>) semaphore(%arg21 : memref<!tpu.dma_semaphore, #tpu.memory_space<semaphore_mem>>) {add = true}
    %dma_wait3A_95 = arith.constant 157 : i32
    %dma_wait3A_96 = arith.constant 0 : i32
    %dma_wait3A_97 = tpu.memref_slice %arg8[%dma_wait3A_95, %dma_wait3A_96] : memref<160x128xi32, #tpu.memory_space<vmem>> -> memref<1x128xi32, #tpu.memory_space<vmem>>
    %dma_wait3A_98 = tpu.memref_squeeze %dma_wait3A_97 : memref<1x128xi32, #tpu.memory_space<vmem>> -> memref<128xi32, #tpu.memory_space<vmem>>
    %dma_wait3A_99 = arith.constant 0 : i32
    %dma_wait3A_100 = arith.constant 0 : i32
    %dma_wait3A_101 = tpu.memref_slice %arg13[%dma_wait3A_99, %dma_wait3A_100] : memref<10128x64xf32, #tpu.memory_space<vmem_shared>> -> memref<10128x64xf32, #tpu.memory_space<vmem_shared>>
    tpu.wait_indirect_dma semaphore(%arg19 : memref<!tpu.dma_semaphore, #tpu.memory_space<semaphore_mem>>) src(%arg10 : memref<128x64xf32, #tpu.memory_space<vmem>>) dst(%dma_wait3A_101 : memref<10128x64xf32, #tpu.memory_space<vmem_shared>>)
    %dma_wait3A_102 = arith.constant 158 : i32
    %dma_wait3A_103 = arith.constant 0 : i32
    %dma_wait3A_104 = tpu.memref_slice %arg8[%dma_wait3A_102, %dma_wait3A_103] : memref<160x128xi32, #tpu.memory_space<vmem>> -> memref<1x128xi32, #tpu.memory_space<vmem>>
    %dma_wait3A_105 = tpu.memref_squeeze %dma_wait3A_104 : memref<1x128xi32, #tpu.memory_space<vmem>> -> memref<128xi32, #tpu.memory_space<vmem>>
    %dma_wait3A_106 = arith.constant 0 : i32
    %dma_wait3A_107 = arith.constant 0 : i32
    %dma_wait3A_108 = tpu.memref_slice %arg13[%dma_wait3A_106, %dma_wait3A_107] : memref<10128x64xf32, #tpu.memory_space<vmem_shared>> -> memref<10128x64xf32, #tpu.memory_space<vmem_shared>>
    tpu.wait_indirect_dma semaphore(%arg20 : memref<!tpu.dma_semaphore, #tpu.memory_space<semaphore_mem>>) src(%arg11 : memref<128x64xf32, #tpu.memory_space<vmem>>) dst(%dma_wait3A_108 : memref<10128x64xf32, #tpu.memory_space<vmem_shared>>)
    %dma_wait3A_109 = arith.constant 159 : i32
    %dma_wait3A_110 = arith.constant 0 : i32
    %dma_wait3A_111 = tpu.memref_slice %arg8[%dma_wait3A_109, %dma_wait3A_110] : memref<160x128xi32, #tpu.memory_space<vmem>> -> memref<1x128xi32, #tpu.memory_space<vmem>>
    %dma_wait3A_112 = tpu.memref_squeeze %dma_wait3A_111 : memref<1x128xi32, #tpu.memory_space<vmem>> -> memref<128xi32, #tpu.memory_space<vmem>>
    %dma_wait3A_113 = arith.constant 0 : i32
    %dma_wait3A_114 = arith.constant 0 : i32
    %dma_wait3A_115 = tpu.memref_slice %arg13[%dma_wait3A_113, %dma_wait3A_114] : memref<10128x64xf32, #tpu.memory_space<vmem_shared>> -> memref<10128x64xf32, #tpu.memory_space<vmem_shared>>
    tpu.wait_indirect_dma semaphore(%arg21 : memref<!tpu.dma_semaphore, #tpu.memory_space<semaphore_mem>>) src(%arg12 : memref<128x64xf32, #tpu.memory_space<vmem>>) dst(%dma_wait3A_115 : memref<10128x64xf32, #tpu.memory_space<vmem_shared>>)
    %barrier3A_116 = arith.constant 0 : index
    tpu.barrier barrier_id(%barrier3A_116)
    "tpu.region"() ({
      %run_scoped3A = tpu.sem_alloc : memref<!tpu.dma_semaphore, #tpu.memory_space<semaphore_mem>>
      %dma_start3A_117 = arith.constant 0 : i32
      %dma_start3A_118 = tpu.memref_slice %arg6[%arg0, %mul3A_0, %dma_start3A_117] : memref<2x10112x64xf32, #tpu.memory_space<hbm>> -> memref<1x632x64xf32, #tpu.memory_space<hbm>>
      %dma_start3A_119 = tpu.memref_squeeze %dma_start3A_118 : memref<1x632x64xf32, #tpu.memory_space<hbm>> -> memref<632x64xf32, #tpu.memory_space<hbm>>
      %dma_start3A_120 = arith.constant 0 : i32
      %dma_start3A_121 = tpu.memref_slice %arg13[%mul3A_0, %dma_start3A_120] : memref<10128x64xf32, #tpu.memory_space<vmem_shared>> -> memref<632x64xf32, #tpu.memory_space<vmem_shared>>
      tpu.enqueue_dma source(%dma_start3A_121 : memref<632x64xf32, #tpu.memory_space<vmem_shared>>) target(%dma_start3A_119 : memref<632x64xf32, #tpu.memory_space<hbm>>) target_semaphore(%run_scoped3A : memref<!tpu.dma_semaphore, #tpu.memory_space<semaphore_mem>>)
      %dma_wait3A_122 = arith.constant 0 : i32
      %dma_wait3A_123 = tpu.memref_slice %arg6[%arg0, %mul3A_0, %dma_wait3A_122] : memref<2x10112x64xf32, #tpu.memory_space<hbm>> -> memref<1x632x64xf32, #tpu.memory_space<hbm>>
      %dma_wait3A_124 = tpu.memref_squeeze %dma_wait3A_123 : memref<1x632x64xf32, #tpu.memory_space<hbm>> -> memref<632x64xf32, #tpu.memory_space<hbm>>
      %dma_wait3A_125 = arith.constant 0 : i32
      %dma_wait3A_126 = tpu.memref_slice %arg13[%mul3A_0, %dma_wait3A_125] : memref<10128x64xf32, #tpu.memory_space<vmem_shared>> -> memref<632x64xf32, #tpu.memory_space<vmem_shared>>
      tpu.wait_dma2 semaphore(%run_scoped3A : memref<!tpu.dma_semaphore, #tpu.memory_space<semaphore_mem>>) src(%dma_wait3A_126 : memref<632x64xf32, #tpu.memory_space<vmem_shared>>) dst(%dma_wait3A_124 : memref<632x64xf32, #tpu.memory_space<hbm>>)
      tpu.yield
    }) : () -> ()
    return
  }
}

#map = affine_map<(d0, d1) -> (0, 0)>
#map1 = affine_map<(d0, d1) -> (0, 0, 0, 0)>
#map2 = affine_map<(d0, d1) -> (0, 0, 0)>
module attributes {stable_mosaic.version = 14 : i64} {
  func.func @_spmm_body(%arg0: i32, %arg1: i32, %arg2: memref<20000x64xf32, #tpu.memory_space<hbm>>, %arg3: memref<2x16x160x128xi32, #tpu.memory_space<hbm>>, %arg4: memref<2x16x160x128xi32, #tpu.memory_space<hbm>>, %arg5: memref<10112x64xf32, #tpu.memory_space<hbm>>, %arg6: memref<2x10112x64xf32, #tpu.memory_space<hbm>>, %arg7: memref<160x128xi32, #tpu.memory_space<vmem>>, %arg8: memref<160x128xi32, #tpu.memory_space<vmem>>, %arg9: memref<128x64xf32, #tpu.memory_space<vmem>>, %arg10: memref<128x64xf32, #tpu.memory_space<vmem>>, %arg11: memref<128x64xf32, #tpu.memory_space<vmem>>, %arg12: memref<128x64xf32, #tpu.memory_space<vmem>>, %arg13: memref<10128x64xf32, #tpu.memory_space<vmem_shared>>, %arg14: memref<!tpu.dma_semaphore, #tpu.memory_space<semaphore_mem>>, %arg15: memref<!tpu.dma_semaphore, #tpu.memory_space<semaphore_mem>>, %arg16: memref<!tpu.dma_semaphore, #tpu.memory_space<semaphore_mem>>, %arg17: memref<!tpu.dma_semaphore, #tpu.memory_space<semaphore_mem>>, %arg18: memref<!tpu.dma_semaphore, #tpu.memory_space<semaphore_mem>>, %arg19: memref<!tpu.dma_semaphore, #tpu.memory_space<semaphore_mem>>, %arg20: memref<!tpu.dma_semaphore, #tpu.memory_space<semaphore_mem>>, %arg21: memref<!tpu.dma_semaphore, #tpu.memory_space<semaphore_mem>>) attributes {dimension_semantics = [#tpu.dimension_semantics<core_parallel>, #tpu.dimension_semantics<subcore_parallel>], iteration_bounds = array<i64: 2, 16>, scalar_prefetch = 0 : i64, scratch_operands = 15 : i64, tpu.core_type = #tpu.core_type<sc_vector_subcore>, window_params = [{transform_indices = #map}, {transform_indices = #map1}, {transform_indices = #map1}, {transform_indices = #map}, {transform_indices = #map2}]} {
    %mul3A = arith.constant 632 : i32
    %mul3A_0 = arith.muli %arg1, %mul3A : i32
    "tpu.region"() ({
      %run_scoped3A = tpu.sem_alloc : memref<!tpu.dma_semaphore, #tpu.memory_space<semaphore_mem>>
      %dma_start3A_117 = arith.constant 0 : i32
      %dma_start3A_118 = tpu.memref_slice %arg13[%mul3A_0, %dma_start3A_117] : memref<10128x64xf32, #tpu.memory_space<vmem_shared>> -> memref<632x64xf32, #tpu.memory_space<vmem_shared>>
      %dma_start3A_119 = arith.constant 0 : i32
      %dma_start3A_120 = tpu.memref_slice %arg5[%mul3A_0, %dma_start3A_119] : memref<10112x64xf32, #tpu.memory_space<hbm>> -> memref<632x64xf32, #tpu.memory_space<hbm>>
      tpu.enqueue_dma source(%dma_start3A_120 : memref<632x64xf32, #tpu.memory_space<hbm>>) target(%dma_start3A_118 : memref<632x64xf32, #tpu.memory_space<vmem_shared>>) target_semaphore(%run_scoped3A : memref<!tpu.dma_semaphore, #tpu.memory_space<semaphore_mem>>)
      %dma_wait3A_121 = arith.constant 0 : i32
      %dma_wait3A_122 = tpu.memref_slice %arg13[%mul3A_0, %dma_wait3A_121] : memref<10128x64xf32, #tpu.memory_space<vmem_shared>> -> memref<632x64xf32, #tpu.memory_space<vmem_shared>>
      %dma_wait3A_123 = arith.constant 0 : i32
      %dma_wait3A_124 = tpu.memref_slice %arg5[%mul3A_0, %dma_wait3A_123] : memref<10112x64xf32, #tpu.memory_space<hbm>> -> memref<632x64xf32, #tpu.memory_space<hbm>>
      tpu.wait_dma2 semaphore(%run_scoped3A : memref<!tpu.dma_semaphore, #tpu.memory_space<semaphore_mem>>) src(%dma_wait3A_124 : memref<632x64xf32, #tpu.memory_space<hbm>>) dst(%dma_wait3A_122 : memref<632x64xf32, #tpu.memory_space<vmem_shared>>)
      tpu.yield
    }) : () -> ()
    "tpu.region"() ({
      %run_scoped3A = tpu.sem_alloc : memref<!tpu.dma_semaphore, #tpu.memory_space<semaphore_mem>>
      %dma_start3A_117 = arith.constant 0 : i32
      %dma_start3A_118 = arith.constant 0 : i32
      %dma_start3A_119 = tpu.memref_slice %arg3[%arg0, %arg1, %dma_start3A_117, %dma_start3A_118] : memref<2x16x160x128xi32, #tpu.memory_space<hbm>> -> memref<1x1x160x128xi32, #tpu.memory_space<hbm>>
      %dma_start3A_120 = tpu.memref_squeeze %dma_start3A_119 : memref<1x1x160x128xi32, #tpu.memory_space<hbm>> -> memref<160x128xi32, #tpu.memory_space<hbm>>
      %dma_start3A_121 = arith.constant 0 : i32
      %dma_start3A_122 = arith.constant 0 : i32
      %dma_start3A_123 = tpu.memref_slice %arg3[%arg0, %arg1, %dma_start3A_121, %dma_start3A_122] : memref<2x16x160x128xi32, #tpu.memory_space<hbm>> -> memref<1x1x160x128xi32, #tpu.memory_space<hbm>>
      %dma_start3A_124 = tpu.memref_squeeze %dma_start3A_123 : memref<1x1x160x128xi32, #tpu.memory_space<hbm>> -> memref<160x128xi32, #tpu.memory_space<hbm>>
      tpu.enqueue_dma source(%dma_start3A_124 : memref<160x128xi32, #tpu.memory_space<hbm>>) target(%arg7 : memref<160x128xi32, #tpu.memory_space<vmem>>) target_semaphore(%run_scoped3A : memref<!tpu.dma_semaphore, #tpu.memory_space<semaphore_mem>>)
      %dma_wait3A_125 = arith.constant 0 : i32
      %dma_wait3A_126 = arith.constant 0 : i32
      %dma_wait3A_127 = tpu.memref_slice %arg3[%arg0, %arg1, %dma_wait3A_125, %dma_wait3A_126] : memref<2x16x160x128xi32, #tpu.memory_space<hbm>> -> memref<1x1x160x128xi32, #tpu.memory_space<hbm>>
      %dma_wait3A_128 = tpu.memref_squeeze %dma_wait3A_127 : memref<1x1x160x128xi32, #tpu.memory_space<hbm>> -> memref<160x128xi32, #tpu.memory_space<hbm>>
      %dma_wait3A_129 = arith.constant 0 : i32
      %dma_wait3A_130 = arith.constant 0 : i32
      %dma_wait3A_131 = tpu.memref_slice %arg3[%arg0, %arg1, %dma_wait3A_129, %dma_wait3A_130] : memref<2x16x160x128xi32, #tpu.memory_space<hbm>> -> memref<1x1x160x128xi32, #tpu.memory_space<hbm>>
      %dma_wait3A_132 = tpu.memref_squeeze %dma_wait3A_131 : memref<1x1x160x128xi32, #tpu.memory_space<hbm>> -> memref<160x128xi32, #tpu.memory_space<hbm>>
      tpu.wait_dma2 semaphore(%run_scoped3A : memref<!tpu.dma_semaphore, #tpu.memory_space<semaphore_mem>>) src(%dma_wait3A_132 : memref<160x128xi32, #tpu.memory_space<hbm>>) dst(%arg7 : memref<160x128xi32, #tpu.memory_space<vmem>>)
      tpu.yield
    }) : () -> ()
    "tpu.region"() ({
      %run_scoped3A = tpu.sem_alloc : memref<!tpu.dma_semaphore, #tpu.memory_space<semaphore_mem>>
      %dma_start3A_117 = arith.constant 0 : i32
      %dma_start3A_118 = arith.constant 0 : i32
      %dma_start3A_119 = tpu.memref_slice %arg4[%arg0, %arg1, %dma_start3A_117, %dma_start3A_118] : memref<2x16x160x128xi32, #tpu.memory_space<hbm>> -> memref<1x1x160x128xi32, #tpu.memory_space<hbm>>
      %dma_start3A_120 = tpu.memref_squeeze %dma_start3A_119 : memref<1x1x160x128xi32, #tpu.memory_space<hbm>> -> memref<160x128xi32, #tpu.memory_space<hbm>>
      %dma_start3A_121 = arith.constant 0 : i32
      %dma_start3A_122 = arith.constant 0 : i32
      %dma_start3A_123 = tpu.memref_slice %arg4[%arg0, %arg1, %dma_start3A_121, %dma_start3A_122] : memref<2x16x160x128xi32, #tpu.memory_space<hbm>> -> memref<1x1x160x128xi32, #tpu.memory_space<hbm>>
      %dma_start3A_124 = tpu.memref_squeeze %dma_start3A_123 : memref<1x1x160x128xi32, #tpu.memory_space<hbm>> -> memref<160x128xi32, #tpu.memory_space<hbm>>
      tpu.enqueue_dma source(%dma_start3A_124 : memref<160x128xi32, #tpu.memory_space<hbm>>) target(%arg8 : memref<160x128xi32, #tpu.memory_space<vmem>>) target_semaphore(%run_scoped3A : memref<!tpu.dma_semaphore, #tpu.memory_space<semaphore_mem>>)
      %dma_wait3A_125 = arith.constant 0 : i32
      %dma_wait3A_126 = arith.constant 0 : i32
      %dma_wait3A_127 = tpu.memref_slice %arg4[%arg0, %arg1, %dma_wait3A_125, %dma_wait3A_126] : memref<2x16x160x128xi32, #tpu.memory_space<hbm>> -> memref<1x1x160x128xi32, #tpu.memory_space<hbm>>
      %dma_wait3A_128 = tpu.memref_squeeze %dma_wait3A_127 : memref<1x1x160x128xi32, #tpu.memory_space<hbm>> -> memref<160x128xi32, #tpu.memory_space<hbm>>
      %dma_wait3A_129 = arith.constant 0 : i32
      %dma_wait3A_130 = arith.constant 0 : i32
      %dma_wait3A_131 = tpu.memref_slice %arg4[%arg0, %arg1, %dma_wait3A_129, %dma_wait3A_130] : memref<2x16x160x128xi32, #tpu.memory_space<hbm>> -> memref<1x1x160x128xi32, #tpu.memory_space<hbm>>
      %dma_wait3A_132 = tpu.memref_squeeze %dma_wait3A_131 : memref<1x1x160x128xi32, #tpu.memory_space<hbm>> -> memref<160x128xi32, #tpu.memory_space<hbm>>
      tpu.wait_dma2 semaphore(%run_scoped3A : memref<!tpu.dma_semaphore, #tpu.memory_space<semaphore_mem>>) src(%dma_wait3A_132 : memref<160x128xi32, #tpu.memory_space<hbm>>) dst(%arg8 : memref<160x128xi32, #tpu.memory_space<vmem>>)
      tpu.yield
    }) : () -> ()
    %barrier3A = arith.constant 0 : index
    tpu.barrier barrier_id(%barrier3A)
    %dma_start3A = arith.constant 0 : i32
    %dma_start3A_1 = arith.constant 0 : i32
    %dma_start3A_2 = tpu.memref_slice %arg7[%dma_start3A, %dma_start3A_1] : memref<160x128xi32, #tpu.memory_space<vmem>> -> memref<1x128xi32, #tpu.memory_space<vmem>>
    %dma_start3A_3 = tpu.memref_squeeze %dma_start3A_2 : memref<1x128xi32, #tpu.memory_space<vmem>> -> memref<128xi32, #tpu.memory_space<vmem>>
    %dma_start3A_4 = arith.constant 0 : i32
    %dma_start3A_5 = arith.constant 0 : i32
    %dma_start3A_6 = tpu.memref_slice %arg2[%dma_start3A_4, %dma_start3A_5] : memref<20000x64xf32, #tpu.memory_space<hbm>> -> memref<20000x64xf32, #tpu.memory_space<hbm>>
    tpu.enqueue_indirect_dma source(%dma_start3A_6 : memref<20000x64xf32, #tpu.memory_space<hbm>>) target(%arg9 : memref<128x64xf32, #tpu.memory_space<vmem>>) offsets(%dma_start3A_3 : memref<128xi32, #tpu.memory_space<vmem>>) semaphore(%arg14 : memref<!tpu.dma_semaphore, #tpu.memory_space<semaphore_mem>>)
    %dma_start3A_7 = arith.constant 1 : i32
    %dma_start3A_8 = arith.constant 0 : i32
    %dma_start3A_9 = tpu.memref_slice %arg7[%dma_start3A_7, %dma_start3A_8] : memref<160x128xi32, #tpu.memory_space<vmem>> -> memref<1x128xi32, #tpu.memory_space<vmem>>
    %dma_start3A_10 = tpu.memref_squeeze %dma_start3A_9 : memref<1x128xi32, #tpu.memory_space<vmem>> -> memref<128xi32, #tpu.memory_space<vmem>>
    %dma_start3A_11 = arith.constant 0 : i32
    %dma_start3A_12 = arith.constant 0 : i32
    %dma_start3A_13 = tpu.memref_slice %arg2[%dma_start3A_11, %dma_start3A_12] : memref<20000x64xf32, #tpu.memory_space<hbm>> -> memref<20000x64xf32, #tpu.memory_space<hbm>>
    tpu.enqueue_indirect_dma source(%dma_start3A_13 : memref<20000x64xf32, #tpu.memory_space<hbm>>) target(%arg10 : memref<128x64xf32, #tpu.memory_space<vmem>>) offsets(%dma_start3A_10 : memref<128xi32, #tpu.memory_space<vmem>>) semaphore(%arg15 : memref<!tpu.dma_semaphore, #tpu.memory_space<semaphore_mem>>)
    %dma_wait3A = arith.constant 0 : i32
    %dma_wait3A_14 = arith.constant 0 : i32
    %dma_wait3A_15 = tpu.memref_slice %arg7[%dma_wait3A, %dma_wait3A_14] : memref<160x128xi32, #tpu.memory_space<vmem>> -> memref<1x128xi32, #tpu.memory_space<vmem>>
    %dma_wait3A_16 = tpu.memref_squeeze %dma_wait3A_15 : memref<1x128xi32, #tpu.memory_space<vmem>> -> memref<128xi32, #tpu.memory_space<vmem>>
    %dma_wait3A_17 = arith.constant 0 : i32
    %dma_wait3A_18 = arith.constant 0 : i32
    %dma_wait3A_19 = tpu.memref_slice %arg2[%dma_wait3A_17, %dma_wait3A_18] : memref<20000x64xf32, #tpu.memory_space<hbm>> -> memref<20000x64xf32, #tpu.memory_space<hbm>>
    tpu.wait_indirect_dma semaphore(%arg14 : memref<!tpu.dma_semaphore, #tpu.memory_space<semaphore_mem>>) src(%dma_wait3A_19 : memref<20000x64xf32, #tpu.memory_space<hbm>>) dst(%arg9 : memref<128x64xf32, #tpu.memory_space<vmem>>)
    %dma_start3A_20 = arith.constant 0 : i32
    %dma_start3A_21 = arith.constant 0 : i32
    %dma_start3A_22 = tpu.memref_slice %arg8[%dma_start3A_20, %dma_start3A_21] : memref<160x128xi32, #tpu.memory_space<vmem>> -> memref<1x128xi32, #tpu.memory_space<vmem>>
    %dma_start3A_23 = tpu.memref_squeeze %dma_start3A_22 : memref<1x128xi32, #tpu.memory_space<vmem>> -> memref<128xi32, #tpu.memory_space<vmem>>
    %dma_start3A_24 = arith.constant 0 : i32
    %dma_start3A_25 = arith.constant 0 : i32
    %dma_start3A_26 = tpu.memref_slice %arg13[%dma_start3A_24, %dma_start3A_25] : memref<10128x64xf32, #tpu.memory_space<vmem_shared>> -> memref<10128x64xf32, #tpu.memory_space<vmem_shared>>
    tpu.enqueue_indirect_dma source(%arg9 : memref<128x64xf32, #tpu.memory_space<vmem>>) target(%dma_start3A_26 : memref<10128x64xf32, #tpu.memory_space<vmem_shared>>) offsets(%dma_start3A_23 : memref<128xi32, #tpu.memory_space<vmem>>) semaphore(%arg18 : memref<!tpu.dma_semaphore, #tpu.memory_space<semaphore_mem>>) {add = true}
    %dma_start3A_27 = arith.constant 2 : i32
    %dma_start3A_28 = arith.constant 0 : i32
    %dma_start3A_29 = tpu.memref_slice %arg7[%dma_start3A_27, %dma_start3A_28] : memref<160x128xi32, #tpu.memory_space<vmem>> -> memref<1x128xi32, #tpu.memory_space<vmem>>
    %dma_start3A_30 = tpu.memref_squeeze %dma_start3A_29 : memref<1x128xi32, #tpu.memory_space<vmem>> -> memref<128xi32, #tpu.memory_space<vmem>>
    %dma_start3A_31 = arith.constant 0 : i32
    %dma_start3A_32 = arith.constant 0 : i32
    %dma_start3A_33 = tpu.memref_slice %arg2[%dma_start3A_31, %dma_start3A_32] : memref<20000x64xf32, #tpu.memory_space<hbm>> -> memref<20000x64xf32, #tpu.memory_space<hbm>>
    tpu.enqueue_indirect_dma source(%dma_start3A_33 : memref<20000x64xf32, #tpu.memory_space<hbm>>) target(%arg11 : memref<128x64xf32, #tpu.memory_space<vmem>>) offsets(%dma_start3A_30 : memref<128xi32, #tpu.memory_space<vmem>>) semaphore(%arg16 : memref<!tpu.dma_semaphore, #tpu.memory_space<semaphore_mem>>)
    %dma_wait3A_34 = arith.constant 1 : i32
    %dma_wait3A_35 = arith.constant 0 : i32
    %dma_wait3A_36 = tpu.memref_slice %arg7[%dma_wait3A_34, %dma_wait3A_35] : memref<160x128xi32, #tpu.memory_space<vmem>> -> memref<1x128xi32, #tpu.memory_space<vmem>>
    %dma_wait3A_37 = tpu.memref_squeeze %dma_wait3A_36 : memref<1x128xi32, #tpu.memory_space<vmem>> -> memref<128xi32, #tpu.memory_space<vmem>>
    %dma_wait3A_38 = arith.constant 0 : i32
    %dma_wait3A_39 = arith.constant 0 : i32
    %dma_wait3A_40 = tpu.memref_slice %arg2[%dma_wait3A_38, %dma_wait3A_39] : memref<20000x64xf32, #tpu.memory_space<hbm>> -> memref<20000x64xf32, #tpu.memory_space<hbm>>
    tpu.wait_indirect_dma semaphore(%arg15 : memref<!tpu.dma_semaphore, #tpu.memory_space<semaphore_mem>>) src(%dma_wait3A_40 : memref<20000x64xf32, #tpu.memory_space<hbm>>) dst(%arg10 : memref<128x64xf32, #tpu.memory_space<vmem>>)
    %dma_start3A_41 = arith.constant 1 : i32
    %dma_start3A_42 = arith.constant 0 : i32
    %dma_start3A_43 = tpu.memref_slice %arg8[%dma_start3A_41, %dma_start3A_42] : memref<160x128xi32, #tpu.memory_space<vmem>> -> memref<1x128xi32, #tpu.memory_space<vmem>>
    %dma_start3A_44 = tpu.memref_squeeze %dma_start3A_43 : memref<1x128xi32, #tpu.memory_space<vmem>> -> memref<128xi32, #tpu.memory_space<vmem>>
    %dma_start3A_45 = arith.constant 0 : i32
    %dma_start3A_46 = arith.constant 0 : i32
    %dma_start3A_47 = tpu.memref_slice %arg13[%dma_start3A_45, %dma_start3A_46] : memref<10128x64xf32, #tpu.memory_space<vmem_shared>> -> memref<10128x64xf32, #tpu.memory_space<vmem_shared>>
    tpu.enqueue_indirect_dma source(%arg10 : memref<128x64xf32, #tpu.memory_space<vmem>>) target(%dma_start3A_47 : memref<10128x64xf32, #tpu.memory_space<vmem_shared>>) offsets(%dma_start3A_44 : memref<128xi32, #tpu.memory_space<vmem>>) semaphore(%arg19 : memref<!tpu.dma_semaphore, #tpu.memory_space<semaphore_mem>>) {add = true}
    %dma_start3A_48 = arith.constant 3 : i32
    %dma_start3A_49 = arith.constant 0 : i32
    %dma_start3A_50 = tpu.memref_slice %arg7[%dma_start3A_48, %dma_start3A_49] : memref<160x128xi32, #tpu.memory_space<vmem>> -> memref<1x128xi32, #tpu.memory_space<vmem>>
    %dma_start3A_51 = tpu.memref_squeeze %dma_start3A_50 : memref<1x128xi32, #tpu.memory_space<vmem>> -> memref<128xi32, #tpu.memory_space<vmem>>
    %dma_start3A_52 = arith.constant 0 : i32
    %dma_start3A_53 = arith.constant 0 : i32
    %dma_start3A_54 = tpu.memref_slice %arg2[%dma_start3A_52, %dma_start3A_53] : memref<20000x64xf32, #tpu.memory_space<hbm>> -> memref<20000x64xf32, #tpu.memory_space<hbm>>
    tpu.enqueue_indirect_dma source(%dma_start3A_54 : memref<20000x64xf32, #tpu.memory_space<hbm>>) target(%arg12 : memref<128x64xf32, #tpu.memory_space<vmem>>) offsets(%dma_start3A_51 : memref<128xi32, #tpu.memory_space<vmem>>) semaphore(%arg17 : memref<!tpu.dma_semaphore, #tpu.memory_space<semaphore_mem>>)
    %scan3A = arith.constant 0 : i32
    %scan3A_55 = arith.constant 0 : i32
    %scan3A_56 = arith.constant 39 : i32
    %scan3A_57 = arith.addi %scan3A_55, %scan3A_56 : i32
    %scan3A_58 = arith.constant 1 : i32
    scf.for %scan3A_117 = %scan3A_55 to %scan3A_57 step %scan3A_58  : i32 {
      %mul3A_118 = arith.constant 4 : i32
      %mul3A_119 = arith.muli %mul3A_118, %scan3A_117 : i32
      %add3A = arith.constant 2 : i32
      %add3A_120 = arith.addi %mul3A_119, %add3A : i32
      %add3A_121 = arith.constant 0 : i32
      %add3A_122 = arith.addi %add3A_120, %add3A_121 : i32
      %dma_wait3A_123 = arith.constant 0 : i32
      %dma_wait3A_124 = tpu.memref_slice %arg7[%add3A_122, %dma_wait3A_123] : memref<160x128xi32, #tpu.memory_space<vmem>> -> memref<1x128xi32, #tpu.memory_space<vmem>>
      %dma_wait3A_125 = tpu.memref_squeeze %dma_wait3A_124 : memref<1x128xi32, #tpu.memory_space<vmem>> -> memref<128xi32, #tpu.memory_space<vmem>>
      %dma_wait3A_126 = arith.constant 0 : i32
      %dma_wait3A_127 = arith.constant 0 : i32
      %dma_wait3A_128 = tpu.memref_slice %arg2[%dma_wait3A_126, %dma_wait3A_127] : memref<20000x64xf32, #tpu.memory_space<hbm>> -> memref<20000x64xf32, #tpu.memory_space<hbm>>
      tpu.wait_indirect_dma semaphore(%arg16 : memref<!tpu.dma_semaphore, #tpu.memory_space<semaphore_mem>>) src(%dma_wait3A_128 : memref<20000x64xf32, #tpu.memory_space<hbm>>) dst(%arg11 : memref<128x64xf32, #tpu.memory_space<vmem>>)
      %dma_start3A_129 = arith.constant 0 : i32
      %dma_start3A_130 = tpu.memref_slice %arg8[%add3A_122, %dma_start3A_129] : memref<160x128xi32, #tpu.memory_space<vmem>> -> memref<1x128xi32, #tpu.memory_space<vmem>>
      %dma_start3A_131 = tpu.memref_squeeze %dma_start3A_130 : memref<1x128xi32, #tpu.memory_space<vmem>> -> memref<128xi32, #tpu.memory_space<vmem>>
      %dma_start3A_132 = arith.constant 0 : i32
      %dma_start3A_133 = arith.constant 0 : i32
      %dma_start3A_134 = tpu.memref_slice %arg13[%dma_start3A_132, %dma_start3A_133] : memref<10128x64xf32, #tpu.memory_space<vmem_shared>> -> memref<10128x64xf32, #tpu.memory_space<vmem_shared>>
      tpu.enqueue_indirect_dma source(%arg11 : memref<128x64xf32, #tpu.memory_space<vmem>>) target(%dma_start3A_134 : memref<10128x64xf32, #tpu.memory_space<vmem_shared>>) offsets(%dma_start3A_131 : memref<128xi32, #tpu.memory_space<vmem>>) semaphore(%arg20 : memref<!tpu.dma_semaphore, #tpu.memory_space<semaphore_mem>>) {add = true}
      %sub3A = arith.constant 2 : i32
      %sub3A_135 = arith.subi %add3A_122, %sub3A : i32
      %dma_wait3A_136 = arith.constant 0 : i32
      %dma_wait3A_137 = tpu.memref_slice %arg8[%sub3A_135, %dma_wait3A_136] : memref<160x128xi32, #tpu.memory_space<vmem>> -> memref<1x128xi32, #tpu.memory_space<vmem>>
      %dma_wait3A_138 = tpu.memref_squeeze %dma_wait3A_137 : memref<1x128xi32, #tpu.memory_space<vmem>> -> memref<128xi32, #tpu.memory_space<vmem>>
      %dma_wait3A_139 = arith.constant 0 : i32
      %dma_wait3A_140 = arith.constant 0 : i32
      %dma_wait3A_141 = tpu.memref_slice %arg13[%dma_wait3A_139, %dma_wait3A_140] : memref<10128x64xf32, #tpu.memory_space<vmem_shared>> -> memref<10128x64xf32, #tpu.memory_space<vmem_shared>>
      tpu.wait_indirect_dma semaphore(%arg18 : memref<!tpu.dma_semaphore, #tpu.memory_space<semaphore_mem>>) src(%arg9 : memref<128x64xf32, #tpu.memory_space<vmem>>) dst(%dma_wait3A_141 : memref<10128x64xf32, #tpu.memory_space<vmem_shared>>)
      %add3A_142 = arith.constant 2 : i32
      %add3A_143 = arith.addi %add3A_122, %add3A_142 : i32
      %dma_start3A_144 = arith.constant 0 : i32
      %dma_start3A_145 = tpu.memref_slice %arg7[%add3A_143, %dma_start3A_144] : memref<160x128xi32, #tpu.memory_space<vmem>> -> memref<1x128xi32, #tpu.memory_space<vmem>>
      %dma_start3A_146 = tpu.memref_squeeze %dma_start3A_145 : memref<1x128xi32, #tpu.memory_space<vmem>> -> memref<128xi32, #tpu.memory_space<vmem>>
      %dma_start3A_147 = arith.constant 0 : i32
      %dma_start3A_148 = arith.constant 0 : i32
      %dma_start3A_149 = tpu.memref_slice %arg2[%dma_start3A_147, %dma_start3A_148] : memref<20000x64xf32, #tpu.memory_space<hbm>> -> memref<20000x64xf32, #tpu.memory_space<hbm>>
      tpu.enqueue_indirect_dma source(%dma_start3A_149 : memref<20000x64xf32, #tpu.memory_space<hbm>>) target(%arg9 : memref<128x64xf32, #tpu.memory_space<vmem>>) offsets(%dma_start3A_146 : memref<128xi32, #tpu.memory_space<vmem>>) semaphore(%arg14 : memref<!tpu.dma_semaphore, #tpu.memory_space<semaphore_mem>>)
      %mul3A_150 = arith.constant 4 : i32
      %mul3A_151 = arith.muli %mul3A_150, %scan3A_117 : i32
      %add3A_152 = arith.constant 2 : i32
      %add3A_153 = arith.addi %mul3A_151, %add3A_152 : i32
      %add3A_154 = arith.constant 1 : i32
      %add3A_155 = arith.addi %add3A_153, %add3A_154 : i32
      %dma_wait3A_156 = arith.constant 0 : i32
      %dma_wait3A_157 = tpu.memref_slice %arg7[%add3A_155, %dma_wait3A_156] : memref<160x128xi32, #tpu.memory_space<vmem>> -> memref<1x128xi32, #tpu.memory_space<vmem>>
      %dma_wait3A_158 = tpu.memref_squeeze %dma_wait3A_157 : memref<1x128xi32, #tpu.memory_space<vmem>> -> memref<128xi32, #tpu.memory_space<vmem>>
      %dma_wait3A_159 = arith.constant 0 : i32
      %dma_wait3A_160 = arith.constant 0 : i32
      %dma_wait3A_161 = tpu.memref_slice %arg2[%dma_wait3A_159, %dma_wait3A_160] : memref<20000x64xf32, #tpu.memory_space<hbm>> -> memref<20000x64xf32, #tpu.memory_space<hbm>>
      tpu.wait_indirect_dma semaphore(%arg17 : memref<!tpu.dma_semaphore, #tpu.memory_space<semaphore_mem>>) src(%dma_wait3A_161 : memref<20000x64xf32, #tpu.memory_space<hbm>>) dst(%arg12 : memref<128x64xf32, #tpu.memory_space<vmem>>)
      %dma_start3A_162 = arith.constant 0 : i32
      %dma_start3A_163 = tpu.memref_slice %arg8[%add3A_155, %dma_start3A_162] : memref<160x128xi32, #tpu.memory_space<vmem>> -> memref<1x128xi32, #tpu.memory_space<vmem>>
      %dma_start3A_164 = tpu.memref_squeeze %dma_start3A_163 : memref<1x128xi32, #tpu.memory_space<vmem>> -> memref<128xi32, #tpu.memory_space<vmem>>
      %dma_start3A_165 = arith.constant 0 : i32
      %dma_start3A_166 = arith.constant 0 : i32
      %dma_start3A_167 = tpu.memref_slice %arg13[%dma_start3A_165, %dma_start3A_166] : memref<10128x64xf32, #tpu.memory_space<vmem_shared>> -> memref<10128x64xf32, #tpu.memory_space<vmem_shared>>
      tpu.enqueue_indirect_dma source(%arg12 : memref<128x64xf32, #tpu.memory_space<vmem>>) target(%dma_start3A_167 : memref<10128x64xf32, #tpu.memory_space<vmem_shared>>) offsets(%dma_start3A_164 : memref<128xi32, #tpu.memory_space<vmem>>) semaphore(%arg21 : memref<!tpu.dma_semaphore, #tpu.memory_space<semaphore_mem>>) {add = true}
      %sub3A_168 = arith.constant 2 : i32
      %sub3A_169 = arith.subi %add3A_155, %sub3A_168 : i32
      %dma_wait3A_170 = arith.constant 0 : i32
      %dma_wait3A_171 = tpu.memref_slice %arg8[%sub3A_169, %dma_wait3A_170] : memref<160x128xi32, #tpu.memory_space<vmem>> -> memref<1x128xi32, #tpu.memory_space<vmem>>
      %dma_wait3A_172 = tpu.memref_squeeze %dma_wait3A_171 : memref<1x128xi32, #tpu.memory_space<vmem>> -> memref<128xi32, #tpu.memory_space<vmem>>
      %dma_wait3A_173 = arith.constant 0 : i32
      %dma_wait3A_174 = arith.constant 0 : i32
      %dma_wait3A_175 = tpu.memref_slice %arg13[%dma_wait3A_173, %dma_wait3A_174] : memref<10128x64xf32, #tpu.memory_space<vmem_shared>> -> memref<10128x64xf32, #tpu.memory_space<vmem_shared>>
      tpu.wait_indirect_dma semaphore(%arg19 : memref<!tpu.dma_semaphore, #tpu.memory_space<semaphore_mem>>) src(%arg10 : memref<128x64xf32, #tpu.memory_space<vmem>>) dst(%dma_wait3A_175 : memref<10128x64xf32, #tpu.memory_space<vmem_shared>>)
      %add3A_176 = arith.constant 2 : i32
      %add3A_177 = arith.addi %add3A_155, %add3A_176 : i32
      %dma_start3A_178 = arith.constant 0 : i32
      %dma_start3A_179 = tpu.memref_slice %arg7[%add3A_177, %dma_start3A_178] : memref<160x128xi32, #tpu.memory_space<vmem>> -> memref<1x128xi32, #tpu.memory_space<vmem>>
      %dma_start3A_180 = tpu.memref_squeeze %dma_start3A_179 : memref<1x128xi32, #tpu.memory_space<vmem>> -> memref<128xi32, #tpu.memory_space<vmem>>
      %dma_start3A_181 = arith.constant 0 : i32
      %dma_start3A_182 = arith.constant 0 : i32
      %dma_start3A_183 = tpu.memref_slice %arg2[%dma_start3A_181, %dma_start3A_182] : memref<20000x64xf32, #tpu.memory_space<hbm>> -> memref<20000x64xf32, #tpu.memory_space<hbm>>
      tpu.enqueue_indirect_dma source(%dma_start3A_183 : memref<20000x64xf32, #tpu.memory_space<hbm>>) target(%arg10 : memref<128x64xf32, #tpu.memory_space<vmem>>) offsets(%dma_start3A_180 : memref<128xi32, #tpu.memory_space<vmem>>) semaphore(%arg15 : memref<!tpu.dma_semaphore, #tpu.memory_space<semaphore_mem>>)
      %mul3A_184 = arith.constant 4 : i32
      %mul3A_185 = arith.muli %mul3A_184, %scan3A_117 : i32
      %add3A_186 = arith.constant 2 : i32
      %add3A_187 = arith.addi %mul3A_185, %add3A_186 : i32
      %add3A_188 = arith.constant 2 : i32
      %add3A_189 = arith.addi %add3A_187, %add3A_188 : i32
      %dma_wait3A_190 = arith.constant 0 : i32
      %dma_wait3A_191 = tpu.memref_slice %arg7[%add3A_189, %dma_wait3A_190] : memref<160x128xi32, #tpu.memory_space<vmem>> -> memref<1x128xi32, #tpu.memory_space<vmem>>
      %dma_wait3A_192 = tpu.memref_squeeze %dma_wait3A_191 : memref<1x128xi32, #tpu.memory_space<vmem>> -> memref<128xi32, #tpu.memory_space<vmem>>
      %dma_wait3A_193 = arith.constant 0 : i32
      %dma_wait3A_194 = arith.constant 0 : i32
      %dma_wait3A_195 = tpu.memref_slice %arg2[%dma_wait3A_193, %dma_wait3A_194] : memref<20000x64xf32, #tpu.memory_space<hbm>> -> memref<20000x64xf32, #tpu.memory_space<hbm>>
      tpu.wait_indirect_dma semaphore(%arg14 : memref<!tpu.dma_semaphore, #tpu.memory_space<semaphore_mem>>) src(%dma_wait3A_195 : memref<20000x64xf32, #tpu.memory_space<hbm>>) dst(%arg9 : memref<128x64xf32, #tpu.memory_space<vmem>>)
      %dma_start3A_196 = arith.constant 0 : i32
      %dma_start3A_197 = tpu.memref_slice %arg8[%add3A_189, %dma_start3A_196] : memref<160x128xi32, #tpu.memory_space<vmem>> -> memref<1x128xi32, #tpu.memory_space<vmem>>
      %dma_start3A_198 = tpu.memref_squeeze %dma_start3A_197 : memref<1x128xi32, #tpu.memory_space<vmem>> -> memref<128xi32, #tpu.memory_space<vmem>>
      %dma_start3A_199 = arith.constant 0 : i32
      %dma_start3A_200 = arith.constant 0 : i32
      %dma_start3A_201 = tpu.memref_slice %arg13[%dma_start3A_199, %dma_start3A_200] : memref<10128x64xf32, #tpu.memory_space<vmem_shared>> -> memref<10128x64xf32, #tpu.memory_space<vmem_shared>>
      tpu.enqueue_indirect_dma source(%arg9 : memref<128x64xf32, #tpu.memory_space<vmem>>) target(%dma_start3A_201 : memref<10128x64xf32, #tpu.memory_space<vmem_shared>>) offsets(%dma_start3A_198 : memref<128xi32, #tpu.memory_space<vmem>>) semaphore(%arg18 : memref<!tpu.dma_semaphore, #tpu.memory_space<semaphore_mem>>) {add = true}
      %sub3A_202 = arith.constant 2 : i32
      %sub3A_203 = arith.subi %add3A_189, %sub3A_202 : i32
      %dma_wait3A_204 = arith.constant 0 : i32
      %dma_wait3A_205 = tpu.memref_slice %arg8[%sub3A_203, %dma_wait3A_204] : memref<160x128xi32, #tpu.memory_space<vmem>> -> memref<1x128xi32, #tpu.memory_space<vmem>>
      %dma_wait3A_206 = tpu.memref_squeeze %dma_wait3A_205 : memref<1x128xi32, #tpu.memory_space<vmem>> -> memref<128xi32, #tpu.memory_space<vmem>>
      %dma_wait3A_207 = arith.constant 0 : i32
      %dma_wait3A_208 = arith.constant 0 : i32
      %dma_wait3A_209 = tpu.memref_slice %arg13[%dma_wait3A_207, %dma_wait3A_208] : memref<10128x64xf32, #tpu.memory_space<vmem_shared>> -> memref<10128x64xf32, #tpu.memory_space<vmem_shared>>
      tpu.wait_indirect_dma semaphore(%arg20 : memref<!tpu.dma_semaphore, #tpu.memory_space<semaphore_mem>>) src(%arg11 : memref<128x64xf32, #tpu.memory_space<vmem>>) dst(%dma_wait3A_209 : memref<10128x64xf32, #tpu.memory_space<vmem_shared>>)
      %add3A_210 = arith.constant 2 : i32
      %add3A_211 = arith.addi %add3A_189, %add3A_210 : i32
      %dma_start3A_212 = arith.constant 0 : i32
      %dma_start3A_213 = tpu.memref_slice %arg7[%add3A_211, %dma_start3A_212] : memref<160x128xi32, #tpu.memory_space<vmem>> -> memref<1x128xi32, #tpu.memory_space<vmem>>
      %dma_start3A_214 = tpu.memref_squeeze %dma_start3A_213 : memref<1x128xi32, #tpu.memory_space<vmem>> -> memref<128xi32, #tpu.memory_space<vmem>>
      %dma_start3A_215 = arith.constant 0 : i32
      %dma_start3A_216 = arith.constant 0 : i32
      %dma_start3A_217 = tpu.memref_slice %arg2[%dma_start3A_215, %dma_start3A_216] : memref<20000x64xf32, #tpu.memory_space<hbm>> -> memref<20000x64xf32, #tpu.memory_space<hbm>>
      tpu.enqueue_indirect_dma source(%dma_start3A_217 : memref<20000x64xf32, #tpu.memory_space<hbm>>) target(%arg11 : memref<128x64xf32, #tpu.memory_space<vmem>>) offsets(%dma_start3A_214 : memref<128xi32, #tpu.memory_space<vmem>>) semaphore(%arg16 : memref<!tpu.dma_semaphore, #tpu.memory_space<semaphore_mem>>)
      %mul3A_218 = arith.constant 4 : i32
      %mul3A_219 = arith.muli %mul3A_218, %scan3A_117 : i32
      %add3A_220 = arith.constant 2 : i32
      %add3A_221 = arith.addi %mul3A_219, %add3A_220 : i32
      %add3A_222 = arith.constant 3 : i32
      %add3A_223 = arith.addi %add3A_221, %add3A_222 : i32
      %dma_wait3A_224 = arith.constant 0 : i32
      %dma_wait3A_225 = tpu.memref_slice %arg7[%add3A_223, %dma_wait3A_224] : memref<160x128xi32, #tpu.memory_space<vmem>> -> memref<1x128xi32, #tpu.memory_space<vmem>>
      %dma_wait3A_226 = tpu.memref_squeeze %dma_wait3A_225 : memref<1x128xi32, #tpu.memory_space<vmem>> -> memref<128xi32, #tpu.memory_space<vmem>>
      %dma_wait3A_227 = arith.constant 0 : i32
      %dma_wait3A_228 = arith.constant 0 : i32
      %dma_wait3A_229 = tpu.memref_slice %arg2[%dma_wait3A_227, %dma_wait3A_228] : memref<20000x64xf32, #tpu.memory_space<hbm>> -> memref<20000x64xf32, #tpu.memory_space<hbm>>
      tpu.wait_indirect_dma semaphore(%arg15 : memref<!tpu.dma_semaphore, #tpu.memory_space<semaphore_mem>>) src(%dma_wait3A_229 : memref<20000x64xf32, #tpu.memory_space<hbm>>) dst(%arg10 : memref<128x64xf32, #tpu.memory_space<vmem>>)
      %dma_start3A_230 = arith.constant 0 : i32
      %dma_start3A_231 = tpu.memref_slice %arg8[%add3A_223, %dma_start3A_230] : memref<160x128xi32, #tpu.memory_space<vmem>> -> memref<1x128xi32, #tpu.memory_space<vmem>>
      %dma_start3A_232 = tpu.memref_squeeze %dma_start3A_231 : memref<1x128xi32, #tpu.memory_space<vmem>> -> memref<128xi32, #tpu.memory_space<vmem>>
      %dma_start3A_233 = arith.constant 0 : i32
      %dma_start3A_234 = arith.constant 0 : i32
      %dma_start3A_235 = tpu.memref_slice %arg13[%dma_start3A_233, %dma_start3A_234] : memref<10128x64xf32, #tpu.memory_space<vmem_shared>> -> memref<10128x64xf32, #tpu.memory_space<vmem_shared>>
      tpu.enqueue_indirect_dma source(%arg10 : memref<128x64xf32, #tpu.memory_space<vmem>>) target(%dma_start3A_235 : memref<10128x64xf32, #tpu.memory_space<vmem_shared>>) offsets(%dma_start3A_232 : memref<128xi32, #tpu.memory_space<vmem>>) semaphore(%arg19 : memref<!tpu.dma_semaphore, #tpu.memory_space<semaphore_mem>>) {add = true}
      %sub3A_236 = arith.constant 2 : i32
      %sub3A_237 = arith.subi %add3A_223, %sub3A_236 : i32
      %dma_wait3A_238 = arith.constant 0 : i32
      %dma_wait3A_239 = tpu.memref_slice %arg8[%sub3A_237, %dma_wait3A_238] : memref<160x128xi32, #tpu.memory_space<vmem>> -> memref<1x128xi32, #tpu.memory_space<vmem>>
      %dma_wait3A_240 = tpu.memref_squeeze %dma_wait3A_239 : memref<1x128xi32, #tpu.memory_space<vmem>> -> memref<128xi32, #tpu.memory_space<vmem>>
      %dma_wait3A_241 = arith.constant 0 : i32
      %dma_wait3A_242 = arith.constant 0 : i32
      %dma_wait3A_243 = tpu.memref_slice %arg13[%dma_wait3A_241, %dma_wait3A_242] : memref<10128x64xf32, #tpu.memory_space<vmem_shared>> -> memref<10128x64xf32, #tpu.memory_space<vmem_shared>>
      tpu.wait_indirect_dma semaphore(%arg21 : memref<!tpu.dma_semaphore, #tpu.memory_space<semaphore_mem>>) src(%arg12 : memref<128x64xf32, #tpu.memory_space<vmem>>) dst(%dma_wait3A_243 : memref<10128x64xf32, #tpu.memory_space<vmem_shared>>)
      %add3A_244 = arith.constant 2 : i32
      %add3A_245 = arith.addi %add3A_223, %add3A_244 : i32
      %dma_start3A_246 = arith.constant 0 : i32
      %dma_start3A_247 = tpu.memref_slice %arg7[%add3A_245, %dma_start3A_246] : memref<160x128xi32, #tpu.memory_space<vmem>> -> memref<1x128xi32, #tpu.memory_space<vmem>>
      %dma_start3A_248 = tpu.memref_squeeze %dma_start3A_247 : memref<1x128xi32, #tpu.memory_space<vmem>> -> memref<128xi32, #tpu.memory_space<vmem>>
      %dma_start3A_249 = arith.constant 0 : i32
      %dma_start3A_250 = arith.constant 0 : i32
      %dma_start3A_251 = tpu.memref_slice %arg2[%dma_start3A_249, %dma_start3A_250] : memref<20000x64xf32, #tpu.memory_space<hbm>> -> memref<20000x64xf32, #tpu.memory_space<hbm>>
      tpu.enqueue_indirect_dma source(%dma_start3A_251 : memref<20000x64xf32, #tpu.memory_space<hbm>>) target(%arg12 : memref<128x64xf32, #tpu.memory_space<vmem>>) offsets(%dma_start3A_248 : memref<128xi32, #tpu.memory_space<vmem>>) semaphore(%arg17 : memref<!tpu.dma_semaphore, #tpu.memory_space<semaphore_mem>>)
    }
    %scan3A_59 = arith.constant 39 : i32
    %dma_wait3A_60 = arith.constant 158 : i32
    %dma_wait3A_61 = arith.constant 0 : i32
    %dma_wait3A_62 = tpu.memref_slice %arg7[%dma_wait3A_60, %dma_wait3A_61] : memref<160x128xi32, #tpu.memory_space<vmem>> -> memref<1x128xi32, #tpu.memory_space<vmem>>
    %dma_wait3A_63 = tpu.memref_squeeze %dma_wait3A_62 : memref<1x128xi32, #tpu.memory_space<vmem>> -> memref<128xi32, #tpu.memory_space<vmem>>
    %dma_wait3A_64 = arith.constant 0 : i32
    %dma_wait3A_65 = arith.constant 0 : i32
    %dma_wait3A_66 = tpu.memref_slice %arg2[%dma_wait3A_64, %dma_wait3A_65] : memref<20000x64xf32, #tpu.memory_space<hbm>> -> memref<20000x64xf32, #tpu.memory_space<hbm>>
    tpu.wait_indirect_dma semaphore(%arg16 : memref<!tpu.dma_semaphore, #tpu.memory_space<semaphore_mem>>) src(%dma_wait3A_66 : memref<20000x64xf32, #tpu.memory_space<hbm>>) dst(%arg11 : memref<128x64xf32, #tpu.memory_space<vmem>>)
    %dma_start3A_67 = arith.constant 158 : i32
    %dma_start3A_68 = arith.constant 0 : i32
    %dma_start3A_69 = tpu.memref_slice %arg8[%dma_start3A_67, %dma_start3A_68] : memref<160x128xi32, #tpu.memory_space<vmem>> -> memref<1x128xi32, #tpu.memory_space<vmem>>
    %dma_start3A_70 = tpu.memref_squeeze %dma_start3A_69 : memref<1x128xi32, #tpu.memory_space<vmem>> -> memref<128xi32, #tpu.memory_space<vmem>>
    %dma_start3A_71 = arith.constant 0 : i32
    %dma_start3A_72 = arith.constant 0 : i32
    %dma_start3A_73 = tpu.memref_slice %arg13[%dma_start3A_71, %dma_start3A_72] : memref<10128x64xf32, #tpu.memory_space<vmem_shared>> -> memref<10128x64xf32, #tpu.memory_space<vmem_shared>>
    tpu.enqueue_indirect_dma source(%arg11 : memref<128x64xf32, #tpu.memory_space<vmem>>) target(%dma_start3A_73 : memref<10128x64xf32, #tpu.memory_space<vmem_shared>>) offsets(%dma_start3A_70 : memref<128xi32, #tpu.memory_space<vmem>>) semaphore(%arg20 : memref<!tpu.dma_semaphore, #tpu.memory_space<semaphore_mem>>) {add = true}
    %dma_wait3A_74 = arith.constant 156 : i32
    %dma_wait3A_75 = arith.constant 0 : i32
    %dma_wait3A_76 = tpu.memref_slice %arg8[%dma_wait3A_74, %dma_wait3A_75] : memref<160x128xi32, #tpu.memory_space<vmem>> -> memref<1x128xi32, #tpu.memory_space<vmem>>
    %dma_wait3A_77 = tpu.memref_squeeze %dma_wait3A_76 : memref<1x128xi32, #tpu.memory_space<vmem>> -> memref<128xi32, #tpu.memory_space<vmem>>
    %dma_wait3A_78 = arith.constant 0 : i32
    %dma_wait3A_79 = arith.constant 0 : i32
    %dma_wait3A_80 = tpu.memref_slice %arg13[%dma_wait3A_78, %dma_wait3A_79] : memref<10128x64xf32, #tpu.memory_space<vmem_shared>> -> memref<10128x64xf32, #tpu.memory_space<vmem_shared>>
    tpu.wait_indirect_dma semaphore(%arg18 : memref<!tpu.dma_semaphore, #tpu.memory_space<semaphore_mem>>) src(%arg9 : memref<128x64xf32, #tpu.memory_space<vmem>>) dst(%dma_wait3A_80 : memref<10128x64xf32, #tpu.memory_space<vmem_shared>>)
    %dma_wait3A_81 = arith.constant 159 : i32
    %dma_wait3A_82 = arith.constant 0 : i32
    %dma_wait3A_83 = tpu.memref_slice %arg7[%dma_wait3A_81, %dma_wait3A_82] : memref<160x128xi32, #tpu.memory_space<vmem>> -> memref<1x128xi32, #tpu.memory_space<vmem>>
    %dma_wait3A_84 = tpu.memref_squeeze %dma_wait3A_83 : memref<1x128xi32, #tpu.memory_space<vmem>> -> memref<128xi32, #tpu.memory_space<vmem>>
    %dma_wait3A_85 = arith.constant 0 : i32
    %dma_wait3A_86 = arith.constant 0 : i32
    %dma_wait3A_87 = tpu.memref_slice %arg2[%dma_wait3A_85, %dma_wait3A_86] : memref<20000x64xf32, #tpu.memory_space<hbm>> -> memref<20000x64xf32, #tpu.memory_space<hbm>>
    tpu.wait_indirect_dma semaphore(%arg17 : memref<!tpu.dma_semaphore, #tpu.memory_space<semaphore_mem>>) src(%dma_wait3A_87 : memref<20000x64xf32, #tpu.memory_space<hbm>>) dst(%arg12 : memref<128x64xf32, #tpu.memory_space<vmem>>)
    %dma_start3A_88 = arith.constant 159 : i32
    %dma_start3A_89 = arith.constant 0 : i32
    %dma_start3A_90 = tpu.memref_slice %arg8[%dma_start3A_88, %dma_start3A_89] : memref<160x128xi32, #tpu.memory_space<vmem>> -> memref<1x128xi32, #tpu.memory_space<vmem>>
    %dma_start3A_91 = tpu.memref_squeeze %dma_start3A_90 : memref<1x128xi32, #tpu.memory_space<vmem>> -> memref<128xi32, #tpu.memory_space<vmem>>
    %dma_start3A_92 = arith.constant 0 : i32
    %dma_start3A_93 = arith.constant 0 : i32
    %dma_start3A_94 = tpu.memref_slice %arg13[%dma_start3A_92, %dma_start3A_93] : memref<10128x64xf32, #tpu.memory_space<vmem_shared>> -> memref<10128x64xf32, #tpu.memory_space<vmem_shared>>
    tpu.enqueue_indirect_dma source(%arg12 : memref<128x64xf32, #tpu.memory_space<vmem>>) target(%dma_start3A_94 : memref<10128x64xf32, #tpu.memory_space<vmem_shared>>) offsets(%dma_start3A_91 : memref<128xi32, #tpu.memory_space<vmem>>) semaphore(%arg21 : memref<!tpu.dma_semaphore, #tpu.memory_space<semaphore_mem>>) {add = true}
    %dma_wait3A_95 = arith.constant 157 : i32
    %dma_wait3A_96 = arith.constant 0 : i32
    %dma_wait3A_97 = tpu.memref_slice %arg8[%dma_wait3A_95, %dma_wait3A_96] : memref<160x128xi32, #tpu.memory_space<vmem>> -> memref<1x128xi32, #tpu.memory_space<vmem>>
    %dma_wait3A_98 = tpu.memref_squeeze %dma_wait3A_97 : memref<1x128xi32, #tpu.memory_space<vmem>> -> memref<128xi32, #tpu.memory_space<vmem>>
    %dma_wait3A_99 = arith.constant 0 : i32
    %dma_wait3A_100 = arith.constant 0 : i32
    %dma_wait3A_101 = tpu.memref_slice %arg13[%dma_wait3A_99, %dma_wait3A_100] : memref<10128x64xf32, #tpu.memory_space<vmem_shared>> -> memref<10128x64xf32, #tpu.memory_space<vmem_shared>>
    tpu.wait_indirect_dma semaphore(%arg19 : memref<!tpu.dma_semaphore, #tpu.memory_space<semaphore_mem>>) src(%arg10 : memref<128x64xf32, #tpu.memory_space<vmem>>) dst(%dma_wait3A_101 : memref<10128x64xf32, #tpu.memory_space<vmem_shared>>)
    %dma_wait3A_102 = arith.constant 158 : i32
    %dma_wait3A_103 = arith.constant 0 : i32
    %dma_wait3A_104 = tpu.memref_slice %arg8[%dma_wait3A_102, %dma_wait3A_103] : memref<160x128xi32, #tpu.memory_space<vmem>> -> memref<1x128xi32, #tpu.memory_space<vmem>>
    %dma_wait3A_105 = tpu.memref_squeeze %dma_wait3A_104 : memref<1x128xi32, #tpu.memory_space<vmem>> -> memref<128xi32, #tpu.memory_space<vmem>>
    %dma_wait3A_106 = arith.constant 0 : i32
    %dma_wait3A_107 = arith.constant 0 : i32
    %dma_wait3A_108 = tpu.memref_slice %arg13[%dma_wait3A_106, %dma_wait3A_107] : memref<10128x64xf32, #tpu.memory_space<vmem_shared>> -> memref<10128x64xf32, #tpu.memory_space<vmem_shared>>
    tpu.wait_indirect_dma semaphore(%arg20 : memref<!tpu.dma_semaphore, #tpu.memory_space<semaphore_mem>>) src(%arg11 : memref<128x64xf32, #tpu.memory_space<vmem>>) dst(%dma_wait3A_108 : memref<10128x64xf32, #tpu.memory_space<vmem_shared>>)
    %dma_wait3A_109 = arith.constant 159 : i32
    %dma_wait3A_110 = arith.constant 0 : i32
    %dma_wait3A_111 = tpu.memref_slice %arg8[%dma_wait3A_109, %dma_wait3A_110] : memref<160x128xi32, #tpu.memory_space<vmem>> -> memref<1x128xi32, #tpu.memory_space<vmem>>
    %dma_wait3A_112 = tpu.memref_squeeze %dma_wait3A_111 : memref<1x128xi32, #tpu.memory_space<vmem>> -> memref<128xi32, #tpu.memory_space<vmem>>
    %dma_wait3A_113 = arith.constant 0 : i32
    %dma_wait3A_114 = arith.constant 0 : i32
    %dma_wait3A_115 = tpu.memref_slice %arg13[%dma_wait3A_113, %dma_wait3A_114] : memref<10128x64xf32, #tpu.memory_space<vmem_shared>> -> memref<10128x64xf32, #tpu.memory_space<vmem_shared>>
    tpu.wait_indirect_dma semaphore(%arg21 : memref<!tpu.dma_semaphore, #tpu.memory_space<semaphore_mem>>) src(%arg12 : memref<128x64xf32, #tpu.memory_space<vmem>>) dst(%dma_wait3A_115 : memref<10128x64xf32, #tpu.memory_space<vmem_shared>>)
    %barrier3A_116 = arith.constant 0 : index
    tpu.barrier barrier_id(%barrier3A_116)
    "tpu.region"() ({
      %run_scoped3A = tpu.sem_alloc : memref<!tpu.dma_semaphore, #tpu.memory_space<semaphore_mem>>
      %dma_start3A_117 = arith.constant 0 : i32
      %dma_start3A_118 = tpu.memref_slice %arg6[%arg0, %mul3A_0, %dma_start3A_117] : memref<2x10112x64xf32, #tpu.memory_space<hbm>> -> memref<1x632x64xf32, #tpu.memory_space<hbm>>
      %dma_start3A_119 = tpu.memref_squeeze %dma_start3A_118 : memref<1x632x64xf32, #tpu.memory_space<hbm>> -> memref<632x64xf32, #tpu.memory_space<hbm>>
      %dma_start3A_120 = arith.constant 0 : i32
      %dma_start3A_121 = tpu.memref_slice %arg13[%mul3A_0, %dma_start3A_120] : memref<10128x64xf32, #tpu.memory_space<vmem_shared>> -> memref<632x64xf32, #tpu.memory_space<vmem_shared>>
      tpu.enqueue_dma source(%dma_start3A_121 : memref<632x64xf32, #tpu.memory_space<vmem_shared>>) target(%dma_start3A_119 : memref<632x64xf32, #tpu.memory_space<hbm>>) target_semaphore(%run_scoped3A : memref<!tpu.dma_semaphore, #tpu.memory_space<semaphore_mem>>)
      %dma_wait3A_122 = arith.constant 0 : i32
      %dma_wait3A_123 = tpu.memref_slice %arg6[%arg0, %mul3A_0, %dma_wait3A_122] : memref<2x10112x64xf32, #tpu.memory_space<hbm>> -> memref<1x632x64xf32, #tpu.memory_space<hbm>>
      %dma_wait3A_124 = tpu.memref_squeeze %dma_wait3A_123 : memref<1x632x64xf32, #tpu.memory_space<hbm>> -> memref<632x64xf32, #tpu.memory_space<hbm>>
      %dma_wait3A_125 = arith.constant 0 : i32
      %dma_wait3A_126 = tpu.memref_slice %arg13[%mul3A_0, %dma_wait3A_125] : memref<10128x64xf32, #tpu.memory_space<vmem_shared>> -> memref<632x64xf32, #tpu.memory_space<vmem_shared>>
      tpu.wait_dma2 semaphore(%run_scoped3A : memref<!tpu.dma_semaphore, #tpu.memory_space<semaphore_mem>>) src(%dma_wait3A_126 : memref<632x64xf32, #tpu.memory_space<vmem_shared>>) dst(%dma_wait3A_124 : memref<632x64xf32, #tpu.memory_space<hbm>>)
      tpu.yield
    }) : () -> ()
    return
  }
}

#map = affine_map<(d0, d1) -> (0, 0, 0, 0)>
#map1 = affine_map<(d0, d1) -> (0, 0)>
#map2 = affine_map<(d0, d1) -> (0, 0, 0)>
module attributes {stable_mosaic.version = 14 : i64} {
  func.func @_degk_body(%arg0: i32, %arg1: i32, %arg2: memref<2x16x160x128xi32, #tpu.memory_space<hbm>>, %arg3: memref<10112x64xf32, #tpu.memory_space<hbm>>, %arg4: memref<2x10112x64xf32, #tpu.memory_space<hbm>>, %arg5: memref<160x128xi32, #tpu.memory_space<vmem>>, %arg6: memref<128x64xf32, #tpu.memory_space<vmem>>, %arg7: memref<10128x64xf32, #tpu.memory_space<vmem_shared>>) attributes {dimension_semantics = [#tpu.dimension_semantics<core_parallel>, #tpu.dimension_semantics<subcore_parallel>], iteration_bounds = array<i64: 2, 16>, scalar_prefetch = 0 : i64, scratch_operands = 3 : i64, tpu.core_type = #tpu.core_type<sc_vector_subcore>, window_params = [{transform_indices = #map}, {transform_indices = #map1}, {transform_indices = #map2}]} {
    %mul3A = arith.constant 632 : i32
    %mul3A_0 = arith.muli %arg1, %mul3A : i32
    "tpu.region"() ({
      %run_scoped3A = tpu.sem_alloc : memref<!tpu.dma_semaphore, #tpu.memory_space<semaphore_mem>>
      %dma_start3A = arith.constant 0 : i32
      %dma_start3A_13 = tpu.memref_slice %arg7[%mul3A_0, %dma_start3A] : memref<10128x64xf32, #tpu.memory_space<vmem_shared>> -> memref<632x64xf32, #tpu.memory_space<vmem_shared>>
      %dma_start3A_14 = arith.constant 0 : i32
      %dma_start3A_15 = tpu.memref_slice %arg3[%mul3A_0, %dma_start3A_14] : memref<10112x64xf32, #tpu.memory_space<hbm>> -> memref<632x64xf32, #tpu.memory_space<hbm>>
      tpu.enqueue_dma source(%dma_start3A_15 : memref<632x64xf32, #tpu.memory_space<hbm>>) target(%dma_start3A_13 : memref<632x64xf32, #tpu.memory_space<vmem_shared>>) target_semaphore(%run_scoped3A : memref<!tpu.dma_semaphore, #tpu.memory_space<semaphore_mem>>)
      %dma_wait3A = arith.constant 0 : i32
      %dma_wait3A_16 = tpu.memref_slice %arg7[%mul3A_0, %dma_wait3A] : memref<10128x64xf32, #tpu.memory_space<vmem_shared>> -> memref<632x64xf32, #tpu.memory_space<vmem_shared>>
      %dma_wait3A_17 = arith.constant 0 : i32
      %dma_wait3A_18 = tpu.memref_slice %arg3[%mul3A_0, %dma_wait3A_17] : memref<10112x64xf32, #tpu.memory_space<hbm>> -> memref<632x64xf32, #tpu.memory_space<hbm>>
      tpu.wait_dma2 semaphore(%run_scoped3A : memref<!tpu.dma_semaphore, #tpu.memory_space<semaphore_mem>>) src(%dma_wait3A_18 : memref<632x64xf32, #tpu.memory_space<hbm>>) dst(%dma_wait3A_16 : memref<632x64xf32, #tpu.memory_space<vmem_shared>>)
      tpu.yield
    }) : () -> ()
    "tpu.region"() ({
      %run_scoped3A = tpu.sem_alloc : memref<!tpu.dma_semaphore, #tpu.memory_space<semaphore_mem>>
      %dma_start3A = arith.constant 0 : i32
      %dma_start3A_13 = arith.constant 0 : i32
      %dma_start3A_14 = tpu.memref_slice %arg2[%arg0, %arg1, %dma_start3A, %dma_start3A_13] : memref<2x16x160x128xi32, #tpu.memory_space<hbm>> -> memref<1x1x160x128xi32, #tpu.memory_space<hbm>>
      %dma_start3A_15 = tpu.memref_squeeze %dma_start3A_14 : memref<1x1x160x128xi32, #tpu.memory_space<hbm>> -> memref<160x128xi32, #tpu.memory_space<hbm>>
      %dma_start3A_16 = arith.constant 0 : i32
      %dma_start3A_17 = arith.constant 0 : i32
      %dma_start3A_18 = tpu.memref_slice %arg2[%arg0, %arg1, %dma_start3A_16, %dma_start3A_17] : memref<2x16x160x128xi32, #tpu.memory_space<hbm>> -> memref<1x1x160x128xi32, #tpu.memory_space<hbm>>
      %dma_start3A_19 = tpu.memref_squeeze %dma_start3A_18 : memref<1x1x160x128xi32, #tpu.memory_space<hbm>> -> memref<160x128xi32, #tpu.memory_space<hbm>>
      tpu.enqueue_dma source(%dma_start3A_19 : memref<160x128xi32, #tpu.memory_space<hbm>>) target(%arg5 : memref<160x128xi32, #tpu.memory_space<vmem>>) target_semaphore(%run_scoped3A : memref<!tpu.dma_semaphore, #tpu.memory_space<semaphore_mem>>)
      %dma_wait3A = arith.constant 0 : i32
      %dma_wait3A_20 = arith.constant 0 : i32
      %dma_wait3A_21 = tpu.memref_slice %arg2[%arg0, %arg1, %dma_wait3A, %dma_wait3A_20] : memref<2x16x160x128xi32, #tpu.memory_space<hbm>> -> memref<1x1x160x128xi32, #tpu.memory_space<hbm>>
      %dma_wait3A_22 = tpu.memref_squeeze %dma_wait3A_21 : memref<1x1x160x128xi32, #tpu.memory_space<hbm>> -> memref<160x128xi32, #tpu.memory_space<hbm>>
      %dma_wait3A_23 = arith.constant 0 : i32
      %dma_wait3A_24 = arith.constant 0 : i32
      %dma_wait3A_25 = tpu.memref_slice %arg2[%arg0, %arg1, %dma_wait3A_23, %dma_wait3A_24] : memref<2x16x160x128xi32, #tpu.memory_space<hbm>> -> memref<1x1x160x128xi32, #tpu.memory_space<hbm>>
      %dma_wait3A_26 = tpu.memref_squeeze %dma_wait3A_25 : memref<1x1x160x128xi32, #tpu.memory_space<hbm>> -> memref<160x128xi32, #tpu.memory_space<hbm>>
      tpu.wait_dma2 semaphore(%run_scoped3A : memref<!tpu.dma_semaphore, #tpu.memory_space<semaphore_mem>>) src(%dma_wait3A_26 : memref<160x128xi32, #tpu.memory_space<hbm>>) dst(%arg5 : memref<160x128xi32, #tpu.memory_space<vmem>>)
      tpu.yield
    }) : () -> ()
    %scan3A = arith.constant 0 : i32
    %scan3A_1 = arith.constant 0 : i32
    %scan3A_2 = arith.constant 128 : i32
    %scan3A_3 = arith.addi %scan3A_1, %scan3A_2 : i32
    %scan3A_4 = arith.constant 1 : i32
    scf.for %scan3A_13 = %scan3A_1 to %scan3A_3 step %scan3A_4  : i32 {
      %broadcast_in_dim3A = arith.constant 1.000000e+00 : f32
      %broadcast_in_dim3A_14 = vector.broadcast %broadcast_in_dim3A : f32 to vector<16xf32>
      %swap3A = arith.index_cast %scan3A_13 : i32 to index
      %swap3A_15 = arith.constant 0 : index
      %swap3A_16 = tpu.vector_load %arg6[%swap3A, %swap3A_15] {strides = array<i32>} : memref<128x64xf32, #tpu.memory_space<vmem>>, vector<1x16xf32>,
      %swap3A_17 = vector.shape_cast %swap3A_16 : vector<1x16xf32> to vector<16xf32>
      %swap3A_18 = vector.shape_cast %broadcast_in_dim3A_14 : vector<16xf32> to vector<1x16xf32>
      tpu.vector_store %arg6[%swap3A, %swap3A_15], %swap3A_18 {strides = array<i32>} : memref<128x64xf32, #tpu.memory_space<vmem>>, vector<1x16xf32>,
      %broadcast_in_dim3A_19 = arith.constant 1.000000e+00 : f32
      %broadcast_in_dim3A_20 = vector.broadcast %broadcast_in_dim3A_19 : f32 to vector<16xf32>
      %swap3A_21 = arith.index_cast %scan3A_13 : i32 to index
      %swap3A_22 = arith.constant 16 : index
      %swap3A_23 = tpu.vector_load %arg6[%swap3A_21, %swap3A_22] {strides = array<i32>} : memref<128x64xf32, #tpu.memory_space<vmem>>, vector<1x16xf32>,
      %swap3A_24 = vector.shape_cast %swap3A_23 : vector<1x16xf32> to vector<16xf32>
      %swap3A_25 = vector.shape_cast %broadcast_in_dim3A_20 : vector<16xf32> to vector<1x16xf32>
      tpu.vector_store %arg6[%swap3A_21, %swap3A_22], %swap3A_25 {strides = array<i32>} : memref<128x64xf32, #tpu.memory_space<vmem>>, vector<1x16xf32>,
      %broadcast_in_dim3A_26 = arith.constant 1.000000e+00 : f32
      %broadcast_in_dim3A_27 = vector.broadcast %broadcast_in_dim3A_26 : f32 to vector<16xf32>
      %swap3A_28 = arith.index_cast %scan3A_13 : i32 to index
      %swap3A_29 = arith.constant 32 : index
      %swap3A_30 = tpu.vector_load %arg6[%swap3A_28, %swap3A_29] {strides = array<i32>} : memref<128x64xf32, #tpu.memory_space<vmem>>, vector<1x16xf32>,
      %swap3A_31 = vector.shape_cast %swap3A_30 : vector<1x16xf32> to vector<16xf32>
      %swap3A_32 = vector.shape_cast %broadcast_in_dim3A_27 : vector<16xf32> to vector<1x16xf32>
      tpu.vector_store %arg6[%swap3A_28, %swap3A_29], %swap3A_32 {strides = array<i32>} : memref<128x64xf32, #tpu.memory_space<vmem>>, vector<1x16xf32>,
      %broadcast_in_dim3A_33 = arith.constant 1.000000e+00 : f32
      %broadcast_in_dim3A_34 = vector.broadcast %broadcast_in_dim3A_33 : f32 to vector<16xf32>
      %swap3A_35 = arith.index_cast %scan3A_13 : i32 to index
      %swap3A_36 = arith.constant 48 : index
      %swap3A_37 = tpu.vector_load %arg6[%swap3A_35, %swap3A_36] {strides = array<i32>} : memref<128x64xf32, #tpu.memory_space<vmem>>, vector<1x16xf32>,
      %swap3A_38 = vector.shape_cast %swap3A_37 : vector<1x16xf32> to vector<16xf32>
      %swap3A_39 = vector.shape_cast %broadcast_in_dim3A_34 : vector<16xf32> to vector<1x16xf32>
      tpu.vector_store %arg6[%swap3A_35, %swap3A_36], %swap3A_39 {strides = array<i32>} : memref<128x64xf32, #tpu.memory_space<vmem>>, vector<1x16xf32>,
    }
    %scan3A_5 = arith.constant 128 : i32
    %barrier3A = arith.constant 0 : index
    tpu.barrier barrier_id(%barrier3A)
    %scan3A_6 = arith.constant 0 : i32
    %scan3A_7 = arith.constant 0 : i32
    %scan3A_8 = arith.constant 160 : i32
    %scan3A_9 = arith.addi %scan3A_7, %scan3A_8 : i32
    %scan3A_10 = arith.constant 1 : i32
    scf.for %scan3A_13 = %scan3A_7 to %scan3A_9 step %scan3A_10  : i32 {
      "tpu.region"() ({
        %run_scoped3A = tpu.sem_alloc : memref<!tpu.dma_semaphore, #tpu.memory_space<semaphore_mem>>
        %dma_start3A = arith.constant 0 : i32
        %dma_start3A_14 = tpu.memref_slice %arg5[%scan3A_13, %dma_start3A] : memref<160x128xi32, #tpu.memory_space<vmem>> -> memref<1x128xi32, #tpu.memory_space<vmem>>
        %dma_start3A_15 = tpu.memref_squeeze %dma_start3A_14 : memref<1x128xi32, #tpu.memory_space<vmem>> -> memref<128xi32, #tpu.memory_space<vmem>>
        %dma_start3A_16 = arith.constant 0 : i32
        %dma_start3A_17 = arith.constant 0 : i32
        %dma_start3A_18 = tpu.memref_slice %arg7[%dma_start3A_16, %dma_start3A_17] : memref<10128x64xf32, #tpu.memory_space<vmem_shared>> -> memref<10128x64xf32, #tpu.memory_space<vmem_shared>>
        tpu.enqueue_indirect_dma source(%arg6 : memref<128x64xf32, #tpu.memory_space<vmem>>) target(%dma_start3A_18 : memref<10128x64xf32, #tpu.memory_space<vmem_shared>>) offsets(%dma_start3A_15 : memref<128xi32, #tpu.memory_space<vmem>>) semaphore(%run_scoped3A : memref<!tpu.dma_semaphore, #tpu.memory_space<semaphore_mem>>) {add = true}
        %dma_wait3A = arith.constant 0 : i32
        %dma_wait3A_19 = tpu.memref_slice %arg5[%scan3A_13, %dma_wait3A] : memref<160x128xi32, #tpu.memory_space<vmem>> -> memref<1x128xi32, #tpu.memory_space<vmem>>
        %dma_wait3A_20 = tpu.memref_squeeze %dma_wait3A_19 : memref<1x128xi32, #tpu.memory_space<vmem>> -> memref<128xi32, #tpu.memory_space<vmem>>
        %dma_wait3A_21 = arith.constant 0 : i32
        %dma_wait3A_22 = arith.constant 0 : i32
        %dma_wait3A_23 = tpu.memref_slice %arg7[%dma_wait3A_21, %dma_wait3A_22] : memref<10128x64xf32, #tpu.memory_space<vmem_shared>> -> memref<10128x64xf32, #tpu.memory_space<vmem_shared>>
        tpu.wait_indirect_dma semaphore(%run_scoped3A : memref<!tpu.dma_semaphore, #tpu.memory_space<semaphore_mem>>) src(%arg6 : memref<128x64xf32, #tpu.memory_space<vmem>>) dst(%dma_wait3A_23 : memref<10128x64xf32, #tpu.memory_space<vmem_shared>>)
        tpu.yield
      }) : () -> ()
    }
    %scan3A_11 = arith.constant 160 : i32
    %barrier3A_12 = arith.constant 0 : index
    tpu.barrier barrier_id(%barrier3A_12)
    "tpu.region"() ({
      %run_scoped3A = tpu.sem_alloc : memref<!tpu.dma_semaphore, #tpu.memory_space<semaphore_mem>>
      %dma_start3A = arith.constant 0 : i32
      %dma_start3A_13 = tpu.memref_slice %arg4[%arg0, %mul3A_0, %dma_start3A] : memref<2x10112x64xf32, #tpu.memory_space<hbm>> -> memref<1x632x64xf32, #tpu.memory_space<hbm>>
      %dma_start3A_14 = tpu.memref_squeeze %dma_start3A_13 : memref<1x632x64xf32, #tpu.memory_space<hbm>> -> memref<632x64xf32, #tpu.memory_space<hbm>>
      %dma_start3A_15 = arith.constant 0 : i32
      %dma_start3A_16 = tpu.memref_slice %arg7[%mul3A_0, %dma_start3A_15] : memref<10128x64xf32, #tpu.memory_space<vmem_shared>> -> memref<632x64xf32, #tpu.memory_space<vmem_shared>>
      tpu.enqueue_dma source(%dma_start3A_16 : memref<632x64xf32, #tpu.memory_space<vmem_shared>>) target(%dma_start3A_14 : memref<632x64xf32, #tpu.memory_space<hbm>>) target_semaphore(%run_scoped3A : memref<!tpu.dma_semaphore, #tpu.memory_space<semaphore_mem>>)
      %dma_wait3A = arith.constant 0 : i32
      %dma_wait3A_17 = tpu.memref_slice %arg4[%arg0, %mul3A_0, %dma_wait3A] : memref<2x10112x64xf32, #tpu.memory_space<hbm>> -> memref<1x632x64xf32, #tpu.memory_space<hbm>>
      %dma_wait3A_18 = tpu.memref_squeeze %dma_wait3A_17 : memref<1x632x64xf32, #tpu.memory_space<hbm>> -> memref<632x64xf32, #tpu.memory_space<hbm>>
      %dma_wait3A_19 = arith.constant 0 : i32
      %dma_wait3A_20 = tpu.memref_slice %arg7[%mul3A_0, %dma_wait3A_19] : memref<10128x64xf32, #tpu.memory_space<vmem_shared>> -> memref<632x64xf32, #tpu.memory_space<vmem_shared>>
      tpu.wait_dma2 semaphore(%run_scoped3A : memref<!tpu.dma_semaphore, #tpu.memory_space<semaphore_mem>>) src(%dma_wait3A_20 : memref<632x64xf32, #tpu.memory_space<vmem_shared>>) dst(%dma_wait3A_18 : memref<632x64xf32, #tpu.memory_space<hbm>>)
      tpu.yield
    }) : () -> ()
    return
  }
}

#map = affine_map<(d0, d1) -> (0, 0)>
#map1 = affine_map<(d0, d1) -> (0, 0, 0, 0)>
#map2 = affine_map<(d0, d1) -> (0, 0, 0)>
module attributes {stable_mosaic.version = 14 : i64} {
  func.func @_spmm_body(%arg0: i32, %arg1: i32, %arg2: memref<20000x64xf32, #tpu.memory_space<hbm>>, %arg3: memref<2x16x160x128xi32, #tpu.memory_space<hbm>>, %arg4: memref<2x16x160x128xi32, #tpu.memory_space<hbm>>, %arg5: memref<10112x64xf32, #tpu.memory_space<hbm>>, %arg6: memref<2x10112x64xf32, #tpu.memory_space<hbm>>, %arg7: memref<160x128xi32, #tpu.memory_space<vmem>>, %arg8: memref<160x128xi32, #tpu.memory_space<vmem>>, %arg9: memref<128x64xf32, #tpu.memory_space<vmem>>, %arg10: memref<128x64xf32, #tpu.memory_space<vmem>>, %arg11: memref<128x64xf32, #tpu.memory_space<vmem>>, %arg12: memref<128x64xf32, #tpu.memory_space<vmem>>, %arg13: memref<10128x64xf32, #tpu.memory_space<vmem_shared>>, %arg14: memref<!tpu.dma_semaphore, #tpu.memory_space<semaphore_mem>>, %arg15: memref<!tpu.dma_semaphore, #tpu.memory_space<semaphore_mem>>, %arg16: memref<!tpu.dma_semaphore, #tpu.memory_space<semaphore_mem>>, %arg17: memref<!tpu.dma_semaphore, #tpu.memory_space<semaphore_mem>>, %arg18: memref<!tpu.dma_semaphore, #tpu.memory_space<semaphore_mem>>, %arg19: memref<!tpu.dma_semaphore, #tpu.memory_space<semaphore_mem>>, %arg20: memref<!tpu.dma_semaphore, #tpu.memory_space<semaphore_mem>>, %arg21: memref<!tpu.dma_semaphore, #tpu.memory_space<semaphore_mem>>) attributes {dimension_semantics = [#tpu.dimension_semantics<core_parallel>, #tpu.dimension_semantics<subcore_parallel>], iteration_bounds = array<i64: 2, 16>, scalar_prefetch = 0 : i64, scratch_operands = 15 : i64, tpu.core_type = #tpu.core_type<sc_vector_subcore>, window_params = [{transform_indices = #map}, {transform_indices = #map1}, {transform_indices = #map1}, {transform_indices = #map}, {transform_indices = #map2}]} {
    %mul3A = arith.constant 632 : i32
    %mul3A_0 = arith.muli %arg1, %mul3A : i32
    "tpu.region"() ({
      %run_scoped3A = tpu.sem_alloc : memref<!tpu.dma_semaphore, #tpu.memory_space<semaphore_mem>>
      %dma_start3A_117 = arith.constant 0 : i32
      %dma_start3A_118 = tpu.memref_slice %arg13[%mul3A_0, %dma_start3A_117] : memref<10128x64xf32, #tpu.memory_space<vmem_shared>> -> memref<632x64xf32, #tpu.memory_space<vmem_shared>>
      %dma_start3A_119 = arith.constant 0 : i32
      %dma_start3A_120 = tpu.memref_slice %arg5[%mul3A_0, %dma_start3A_119] : memref<10112x64xf32, #tpu.memory_space<hbm>> -> memref<632x64xf32, #tpu.memory_space<hbm>>
      tpu.enqueue_dma source(%dma_start3A_120 : memref<632x64xf32, #tpu.memory_space<hbm>>) target(%dma_start3A_118 : memref<632x64xf32, #tpu.memory_space<vmem_shared>>) target_semaphore(%run_scoped3A : memref<!tpu.dma_semaphore, #tpu.memory_space<semaphore_mem>>)
      %dma_wait3A_121 = arith.constant 0 : i32
      %dma_wait3A_122 = tpu.memref_slice %arg13[%mul3A_0, %dma_wait3A_121] : memref<10128x64xf32, #tpu.memory_space<vmem_shared>> -> memref<632x64xf32, #tpu.memory_space<vmem_shared>>
      %dma_wait3A_123 = arith.constant 0 : i32
      %dma_wait3A_124 = tpu.memref_slice %arg5[%mul3A_0, %dma_wait3A_123] : memref<10112x64xf32, #tpu.memory_space<hbm>> -> memref<632x64xf32, #tpu.memory_space<hbm>>
      tpu.wait_dma2 semaphore(%run_scoped3A : memref<!tpu.dma_semaphore, #tpu.memory_space<semaphore_mem>>) src(%dma_wait3A_124 : memref<632x64xf32, #tpu.memory_space<hbm>>) dst(%dma_wait3A_122 : memref<632x64xf32, #tpu.memory_space<vmem_shared>>)
      tpu.yield
    }) : () -> ()
    "tpu.region"() ({
      %run_scoped3A = tpu.sem_alloc : memref<!tpu.dma_semaphore, #tpu.memory_space<semaphore_mem>>
      %dma_start3A_117 = arith.constant 0 : i32
      %dma_start3A_118 = arith.constant 0 : i32
      %dma_start3A_119 = tpu.memref_slice %arg3[%arg0, %arg1, %dma_start3A_117, %dma_start3A_118] : memref<2x16x160x128xi32, #tpu.memory_space<hbm>> -> memref<1x1x160x128xi32, #tpu.memory_space<hbm>>
      %dma_start3A_120 = tpu.memref_squeeze %dma_start3A_119 : memref<1x1x160x128xi32, #tpu.memory_space<hbm>> -> memref<160x128xi32, #tpu.memory_space<hbm>>
      %dma_start3A_121 = arith.constant 0 : i32
      %dma_start3A_122 = arith.constant 0 : i32
      %dma_start3A_123 = tpu.memref_slice %arg3[%arg0, %arg1, %dma_start3A_121, %dma_start3A_122] : memref<2x16x160x128xi32, #tpu.memory_space<hbm>> -> memref<1x1x160x128xi32, #tpu.memory_space<hbm>>
      %dma_start3A_124 = tpu.memref_squeeze %dma_start3A_123 : memref<1x1x160x128xi32, #tpu.memory_space<hbm>> -> memref<160x128xi32, #tpu.memory_space<hbm>>
      tpu.enqueue_dma source(%dma_start3A_124 : memref<160x128xi32, #tpu.memory_space<hbm>>) target(%arg7 : memref<160x128xi32, #tpu.memory_space<vmem>>) target_semaphore(%run_scoped3A : memref<!tpu.dma_semaphore, #tpu.memory_space<semaphore_mem>>)
      %dma_wait3A_125 = arith.constant 0 : i32
      %dma_wait3A_126 = arith.constant 0 : i32
      %dma_wait3A_127 = tpu.memref_slice %arg3[%arg0, %arg1, %dma_wait3A_125, %dma_wait3A_126] : memref<2x16x160x128xi32, #tpu.memory_space<hbm>> -> memref<1x1x160x128xi32, #tpu.memory_space<hbm>>
      %dma_wait3A_128 = tpu.memref_squeeze %dma_wait3A_127 : memref<1x1x160x128xi32, #tpu.memory_space<hbm>> -> memref<160x128xi32, #tpu.memory_space<hbm>>
      %dma_wait3A_129 = arith.constant 0 : i32
      %dma_wait3A_130 = arith.constant 0 : i32
      %dma_wait3A_131 = tpu.memref_slice %arg3[%arg0, %arg1, %dma_wait3A_129, %dma_wait3A_130] : memref<2x16x160x128xi32, #tpu.memory_space<hbm>> -> memref<1x1x160x128xi32, #tpu.memory_space<hbm>>
      %dma_wait3A_132 = tpu.memref_squeeze %dma_wait3A_131 : memref<1x1x160x128xi32, #tpu.memory_space<hbm>> -> memref<160x128xi32, #tpu.memory_space<hbm>>
      tpu.wait_dma2 semaphore(%run_scoped3A : memref<!tpu.dma_semaphore, #tpu.memory_space<semaphore_mem>>) src(%dma_wait3A_132 : memref<160x128xi32, #tpu.memory_space<hbm>>) dst(%arg7 : memref<160x128xi32, #tpu.memory_space<vmem>>)
      tpu.yield
    }) : () -> ()
    "tpu.region"() ({
      %run_scoped3A = tpu.sem_alloc : memref<!tpu.dma_semaphore, #tpu.memory_space<semaphore_mem>>
      %dma_start3A_117 = arith.constant 0 : i32
      %dma_start3A_118 = arith.constant 0 : i32
      %dma_start3A_119 = tpu.memref_slice %arg4[%arg0, %arg1, %dma_start3A_117, %dma_start3A_118] : memref<2x16x160x128xi32, #tpu.memory_space<hbm>> -> memref<1x1x160x128xi32, #tpu.memory_space<hbm>>
      %dma_start3A_120 = tpu.memref_squeeze %dma_start3A_119 : memref<1x1x160x128xi32, #tpu.memory_space<hbm>> -> memref<160x128xi32, #tpu.memory_space<hbm>>
      %dma_start3A_121 = arith.constant 0 : i32
      %dma_start3A_122 = arith.constant 0 : i32
      %dma_start3A_123 = tpu.memref_slice %arg4[%arg0, %arg1, %dma_start3A_121, %dma_start3A_122] : memref<2x16x160x128xi32, #tpu.memory_space<hbm>> -> memref<1x1x160x128xi32, #tpu.memory_space<hbm>>
      %dma_start3A_124 = tpu.memref_squeeze %dma_start3A_123 : memref<1x1x160x128xi32, #tpu.memory_space<hbm>> -> memref<160x128xi32, #tpu.memory_space<hbm>>
      tpu.enqueue_dma source(%dma_start3A_124 : memref<160x128xi32, #tpu.memory_space<hbm>>) target(%arg8 : memref<160x128xi32, #tpu.memory_space<vmem>>) target_semaphore(%run_scoped3A : memref<!tpu.dma_semaphore, #tpu.memory_space<semaphore_mem>>)
      %dma_wait3A_125 = arith.constant 0 : i32
      %dma_wait3A_126 = arith.constant 0 : i32
      %dma_wait3A_127 = tpu.memref_slice %arg4[%arg0, %arg1, %dma_wait3A_125, %dma_wait3A_126] : memref<2x16x160x128xi32, #tpu.memory_space<hbm>> -> memref<1x1x160x128xi32, #tpu.memory_space<hbm>>
      %dma_wait3A_128 = tpu.memref_squeeze %dma_wait3A_127 : memref<1x1x160x128xi32, #tpu.memory_space<hbm>> -> memref<160x128xi32, #tpu.memory_space<hbm>>
      %dma_wait3A_129 = arith.constant 0 : i32
      %dma_wait3A_130 = arith.constant 0 : i32
      %dma_wait3A_131 = tpu.memref_slice %arg4[%arg0, %arg1, %dma_wait3A_129, %dma_wait3A_130] : memref<2x16x160x128xi32, #tpu.memory_space<hbm>> -> memref<1x1x160x128xi32, #tpu.memory_space<hbm>>
      %dma_wait3A_132 = tpu.memref_squeeze %dma_wait3A_131 : memref<1x1x160x128xi32, #tpu.memory_space<hbm>> -> memref<160x128xi32, #tpu.memory_space<hbm>>
      tpu.wait_dma2 semaphore(%run_scoped3A : memref<!tpu.dma_semaphore, #tpu.memory_space<semaphore_mem>>) src(%dma_wait3A_132 : memref<160x128xi32, #tpu.memory_space<hbm>>) dst(%arg8 : memref<160x128xi32, #tpu.memory_space<vmem>>)
      tpu.yield
    }) : () -> ()
    %barrier3A = arith.constant 0 : index
    tpu.barrier barrier_id(%barrier3A)
    %dma_start3A = arith.constant 0 : i32
    %dma_start3A_1 = arith.constant 0 : i32
    %dma_start3A_2 = tpu.memref_slice %arg7[%dma_start3A, %dma_start3A_1] : memref<160x128xi32, #tpu.memory_space<vmem>> -> memref<1x128xi32, #tpu.memory_space<vmem>>
    %dma_start3A_3 = tpu.memref_squeeze %dma_start3A_2 : memref<1x128xi32, #tpu.memory_space<vmem>> -> memref<128xi32, #tpu.memory_space<vmem>>
    %dma_start3A_4 = arith.constant 0 : i32
    %dma_start3A_5 = arith.constant 0 : i32
    %dma_start3A_6 = tpu.memref_slice %arg2[%dma_start3A_4, %dma_start3A_5] : memref<20000x64xf32, #tpu.memory_space<hbm>> -> memref<20000x64xf32, #tpu.memory_space<hbm>>
    tpu.enqueue_indirect_dma source(%dma_start3A_6 : memref<20000x64xf32, #tpu.memory_space<hbm>>) target(%arg9 : memref<128x64xf32, #tpu.memory_space<vmem>>) offsets(%dma_start3A_3 : memref<128xi32, #tpu.memory_space<vmem>>) semaphore(%arg14 : memref<!tpu.dma_semaphore, #tpu.memory_space<semaphore_mem>>)
    %dma_start3A_7 = arith.constant 1 : i32
    %dma_start3A_8 = arith.constant 0 : i32
    %dma_start3A_9 = tpu.memref_slice %arg7[%dma_start3A_7, %dma_start3A_8] : memref<160x128xi32, #tpu.memory_space<vmem>> -> memref<1x128xi32, #tpu.memory_space<vmem>>
    %dma_start3A_10 = tpu.memref_squeeze %dma_start3A_9 : memref<1x128xi32, #tpu.memory_space<vmem>> -> memref<128xi32, #tpu.memory_space<vmem>>
    %dma_start3A_11 = arith.constant 0 : i32
    %dma_start3A_12 = arith.constant 0 : i32
    %dma_start3A_13 = tpu.memref_slice %arg2[%dma_start3A_11, %dma_start3A_12] : memref<20000x64xf32, #tpu.memory_space<hbm>> -> memref<20000x64xf32, #tpu.memory_space<hbm>>
    tpu.enqueue_indirect_dma source(%dma_start3A_13 : memref<20000x64xf32, #tpu.memory_space<hbm>>) target(%arg10 : memref<128x64xf32, #tpu.memory_space<vmem>>) offsets(%dma_start3A_10 : memref<128xi32, #tpu.memory_space<vmem>>) semaphore(%arg15 : memref<!tpu.dma_semaphore, #tpu.memory_space<semaphore_mem>>)
    %dma_wait3A = arith.constant 0 : i32
    %dma_wait3A_14 = arith.constant 0 : i32
    %dma_wait3A_15 = tpu.memref_slice %arg7[%dma_wait3A, %dma_wait3A_14] : memref<160x128xi32, #tpu.memory_space<vmem>> -> memref<1x128xi32, #tpu.memory_space<vmem>>
    %dma_wait3A_16 = tpu.memref_squeeze %dma_wait3A_15 : memref<1x128xi32, #tpu.memory_space<vmem>> -> memref<128xi32, #tpu.memory_space<vmem>>
    %dma_wait3A_17 = arith.constant 0 : i32
    %dma_wait3A_18 = arith.constant 0 : i32
    %dma_wait3A_19 = tpu.memref_slice %arg2[%dma_wait3A_17, %dma_wait3A_18] : memref<20000x64xf32, #tpu.memory_space<hbm>> -> memref<20000x64xf32, #tpu.memory_space<hbm>>
    tpu.wait_indirect_dma semaphore(%arg14 : memref<!tpu.dma_semaphore, #tpu.memory_space<semaphore_mem>>) src(%dma_wait3A_19 : memref<20000x64xf32, #tpu.memory_space<hbm>>) dst(%arg9 : memref<128x64xf32, #tpu.memory_space<vmem>>)
    %dma_start3A_20 = arith.constant 0 : i32
    %dma_start3A_21 = arith.constant 0 : i32
    %dma_start3A_22 = tpu.memref_slice %arg8[%dma_start3A_20, %dma_start3A_21] : memref<160x128xi32, #tpu.memory_space<vmem>> -> memref<1x128xi32, #tpu.memory_space<vmem>>
    %dma_start3A_23 = tpu.memref_squeeze %dma_start3A_22 : memref<1x128xi32, #tpu.memory_space<vmem>> -> memref<128xi32, #tpu.memory_space<vmem>>
    %dma_start3A_24 = arith.constant 0 : i32
    %dma_start3A_25 = arith.constant 0 : i32
    %dma_start3A_26 = tpu.memref_slice %arg13[%dma_start3A_24, %dma_start3A_25] : memref<10128x64xf32, #tpu.memory_space<vmem_shared>> -> memref<10128x64xf32, #tpu.memory_space<vmem_shared>>
    tpu.enqueue_indirect_dma source(%arg9 : memref<128x64xf32, #tpu.memory_space<vmem>>) target(%dma_start3A_26 : memref<10128x64xf32, #tpu.memory_space<vmem_shared>>) offsets(%dma_start3A_23 : memref<128xi32, #tpu.memory_space<vmem>>) semaphore(%arg18 : memref<!tpu.dma_semaphore, #tpu.memory_space<semaphore_mem>>) {add = true}
    %dma_start3A_27 = arith.constant 2 : i32
    %dma_start3A_28 = arith.constant 0 : i32
    %dma_start3A_29 = tpu.memref_slice %arg7[%dma_start3A_27, %dma_start3A_28] : memref<160x128xi32, #tpu.memory_space<vmem>> -> memref<1x128xi32, #tpu.memory_space<vmem>>
    %dma_start3A_30 = tpu.memref_squeeze %dma_start3A_29 : memref<1x128xi32, #tpu.memory_space<vmem>> -> memref<128xi32, #tpu.memory_space<vmem>>
    %dma_start3A_31 = arith.constant 0 : i32
    %dma_start3A_32 = arith.constant 0 : i32
    %dma_start3A_33 = tpu.memref_slice %arg2[%dma_start3A_31, %dma_start3A_32] : memref<20000x64xf32, #tpu.memory_space<hbm>> -> memref<20000x64xf32, #tpu.memory_space<hbm>>
    tpu.enqueue_indirect_dma source(%dma_start3A_33 : memref<20000x64xf32, #tpu.memory_space<hbm>>) target(%arg11 : memref<128x64xf32, #tpu.memory_space<vmem>>) offsets(%dma_start3A_30 : memref<128xi32, #tpu.memory_space<vmem>>) semaphore(%arg16 : memref<!tpu.dma_semaphore, #tpu.memory_space<semaphore_mem>>)
    %dma_wait3A_34 = arith.constant 1 : i32
    %dma_wait3A_35 = arith.constant 0 : i32
    %dma_wait3A_36 = tpu.memref_slice %arg7[%dma_wait3A_34, %dma_wait3A_35] : memref<160x128xi32, #tpu.memory_space<vmem>> -> memref<1x128xi32, #tpu.memory_space<vmem>>
    %dma_wait3A_37 = tpu.memref_squeeze %dma_wait3A_36 : memref<1x128xi32, #tpu.memory_space<vmem>> -> memref<128xi32, #tpu.memory_space<vmem>>
    %dma_wait3A_38 = arith.constant 0 : i32
    %dma_wait3A_39 = arith.constant 0 : i32
    %dma_wait3A_40 = tpu.memref_slice %arg2[%dma_wait3A_38, %dma_wait3A_39] : memref<20000x64xf32, #tpu.memory_space<hbm>> -> memref<20000x64xf32, #tpu.memory_space<hbm>>
    tpu.wait_indirect_dma semaphore(%arg15 : memref<!tpu.dma_semaphore, #tpu.memory_space<semaphore_mem>>) src(%dma_wait3A_40 : memref<20000x64xf32, #tpu.memory_space<hbm>>) dst(%arg10 : memref<128x64xf32, #tpu.memory_space<vmem>>)
    %dma_start3A_41 = arith.constant 1 : i32
    %dma_start3A_42 = arith.constant 0 : i32
    %dma_start3A_43 = tpu.memref_slice %arg8[%dma_start3A_41, %dma_start3A_42] : memref<160x128xi32, #tpu.memory_space<vmem>> -> memref<1x128xi32, #tpu.memory_space<vmem>>
    %dma_start3A_44 = tpu.memref_squeeze %dma_start3A_43 : memref<1x128xi32, #tpu.memory_space<vmem>> -> memref<128xi32, #tpu.memory_space<vmem>>
    %dma_start3A_45 = arith.constant 0 : i32
    %dma_start3A_46 = arith.constant 0 : i32
    %dma_start3A_47 = tpu.memref_slice %arg13[%dma_start3A_45, %dma_start3A_46] : memref<10128x64xf32, #tpu.memory_space<vmem_shared>> -> memref<10128x64xf32, #tpu.memory_space<vmem_shared>>
    tpu.enqueue_indirect_dma source(%arg10 : memref<128x64xf32, #tpu.memory_space<vmem>>) target(%dma_start3A_47 : memref<10128x64xf32, #tpu.memory_space<vmem_shared>>) offsets(%dma_start3A_44 : memref<128xi32, #tpu.memory_space<vmem>>) semaphore(%arg19 : memref<!tpu.dma_semaphore, #tpu.memory_space<semaphore_mem>>) {add = true}
    %dma_start3A_48 = arith.constant 3 : i32
    %dma_start3A_49 = arith.constant 0 : i32
    %dma_start3A_50 = tpu.memref_slice %arg7[%dma_start3A_48, %dma_start3A_49] : memref<160x128xi32, #tpu.memory_space<vmem>> -> memref<1x128xi32, #tpu.memory_space<vmem>>
    %dma_start3A_51 = tpu.memref_squeeze %dma_start3A_50 : memref<1x128xi32, #tpu.memory_space<vmem>> -> memref<128xi32, #tpu.memory_space<vmem>>
    %dma_start3A_52 = arith.constant 0 : i32
    %dma_start3A_53 = arith.constant 0 : i32
    %dma_start3A_54 = tpu.memref_slice %arg2[%dma_start3A_52, %dma_start3A_53] : memref<20000x64xf32, #tpu.memory_space<hbm>> -> memref<20000x64xf32, #tpu.memory_space<hbm>>
    tpu.enqueue_indirect_dma source(%dma_start3A_54 : memref<20000x64xf32, #tpu.memory_space<hbm>>) target(%arg12 : memref<128x64xf32, #tpu.memory_space<vmem>>) offsets(%dma_start3A_51 : memref<128xi32, #tpu.memory_space<vmem>>) semaphore(%arg17 : memref<!tpu.dma_semaphore, #tpu.memory_space<semaphore_mem>>)
    %scan3A = arith.constant 0 : i32
    %scan3A_55 = arith.constant 0 : i32
    %scan3A_56 = arith.constant 39 : i32
    %scan3A_57 = arith.addi %scan3A_55, %scan3A_56 : i32
    %scan3A_58 = arith.constant 1 : i32
    scf.for %scan3A_117 = %scan3A_55 to %scan3A_57 step %scan3A_58  : i32 {
      %mul3A_118 = arith.constant 4 : i32
      %mul3A_119 = arith.muli %mul3A_118, %scan3A_117 : i32
      %add3A = arith.constant 2 : i32
      %add3A_120 = arith.addi %mul3A_119, %add3A : i32
      %add3A_121 = arith.constant 0 : i32
      %add3A_122 = arith.addi %add3A_120, %add3A_121 : i32
      %dma_wait3A_123 = arith.constant 0 : i32
      %dma_wait3A_124 = tpu.memref_slice %arg7[%add3A_122, %dma_wait3A_123] : memref<160x128xi32, #tpu.memory_space<vmem>> -> memref<1x128xi32, #tpu.memory_space<vmem>>
      %dma_wait3A_125 = tpu.memref_squeeze %dma_wait3A_124 : memref<1x128xi32, #tpu.memory_space<vmem>> -> memref<128xi32, #tpu.memory_space<vmem>>
      %dma_wait3A_126 = arith.constant 0 : i32
      %dma_wait3A_127 = arith.constant 0 : i32
      %dma_wait3A_128 = tpu.memref_slice %arg2[%dma_wait3A_126, %dma_wait3A_127] : memref<20000x64xf32, #tpu.memory_space<hbm>> -> memref<20000x64xf32, #tpu.memory_space<hbm>>
      tpu.wait_indirect_dma semaphore(%arg16 : memref<!tpu.dma_semaphore, #tpu.memory_space<semaphore_mem>>) src(%dma_wait3A_128 : memref<20000x64xf32, #tpu.memory_space<hbm>>) dst(%arg11 : memref<128x64xf32, #tpu.memory_space<vmem>>)
      %dma_start3A_129 = arith.constant 0 : i32
      %dma_start3A_130 = tpu.memref_slice %arg8[%add3A_122, %dma_start3A_129] : memref<160x128xi32, #tpu.memory_space<vmem>> -> memref<1x128xi32, #tpu.memory_space<vmem>>
      %dma_start3A_131 = tpu.memref_squeeze %dma_start3A_130 : memref<1x128xi32, #tpu.memory_space<vmem>> -> memref<128xi32, #tpu.memory_space<vmem>>
      %dma_start3A_132 = arith.constant 0 : i32
      %dma_start3A_133 = arith.constant 0 : i32
      %dma_start3A_134 = tpu.memref_slice %arg13[%dma_start3A_132, %dma_start3A_133] : memref<10128x64xf32, #tpu.memory_space<vmem_shared>> -> memref<10128x64xf32, #tpu.memory_space<vmem_shared>>
      tpu.enqueue_indirect_dma source(%arg11 : memref<128x64xf32, #tpu.memory_space<vmem>>) target(%dma_start3A_134 : memref<10128x64xf32, #tpu.memory_space<vmem_shared>>) offsets(%dma_start3A_131 : memref<128xi32, #tpu.memory_space<vmem>>) semaphore(%arg20 : memref<!tpu.dma_semaphore, #tpu.memory_space<semaphore_mem>>) {add = true}
      %sub3A = arith.constant 2 : i32
      %sub3A_135 = arith.subi %add3A_122, %sub3A : i32
      %dma_wait3A_136 = arith.constant 0 : i32
      %dma_wait3A_137 = tpu.memref_slice %arg8[%sub3A_135, %dma_wait3A_136] : memref<160x128xi32, #tpu.memory_space<vmem>> -> memref<1x128xi32, #tpu.memory_space<vmem>>
      %dma_wait3A_138 = tpu.memref_squeeze %dma_wait3A_137 : memref<1x128xi32, #tpu.memory_space<vmem>> -> memref<128xi32, #tpu.memory_space<vmem>>
      %dma_wait3A_139 = arith.constant 0 : i32
      %dma_wait3A_140 = arith.constant 0 : i32
      %dma_wait3A_141 = tpu.memref_slice %arg13[%dma_wait3A_139, %dma_wait3A_140] : memref<10128x64xf32, #tpu.memory_space<vmem_shared>> -> memref<10128x64xf32, #tpu.memory_space<vmem_shared>>
      tpu.wait_indirect_dma semaphore(%arg18 : memref<!tpu.dma_semaphore, #tpu.memory_space<semaphore_mem>>) src(%arg9 : memref<128x64xf32, #tpu.memory_space<vmem>>) dst(%dma_wait3A_141 : memref<10128x64xf32, #tpu.memory_space<vmem_shared>>)
      %add3A_142 = arith.constant 2 : i32
      %add3A_143 = arith.addi %add3A_122, %add3A_142 : i32
      %dma_start3A_144 = arith.constant 0 : i32
      %dma_start3A_145 = tpu.memref_slice %arg7[%add3A_143, %dma_start3A_144] : memref<160x128xi32, #tpu.memory_space<vmem>> -> memref<1x128xi32, #tpu.memory_space<vmem>>
      %dma_start3A_146 = tpu.memref_squeeze %dma_start3A_145 : memref<1x128xi32, #tpu.memory_space<vmem>> -> memref<128xi32, #tpu.memory_space<vmem>>
      %dma_start3A_147 = arith.constant 0 : i32
      %dma_start3A_148 = arith.constant 0 : i32
      %dma_start3A_149 = tpu.memref_slice %arg2[%dma_start3A_147, %dma_start3A_148] : memref<20000x64xf32, #tpu.memory_space<hbm>> -> memref<20000x64xf32, #tpu.memory_space<hbm>>
      tpu.enqueue_indirect_dma source(%dma_start3A_149 : memref<20000x64xf32, #tpu.memory_space<hbm>>) target(%arg9 : memref<128x64xf32, #tpu.memory_space<vmem>>) offsets(%dma_start3A_146 : memref<128xi32, #tpu.memory_space<vmem>>) semaphore(%arg14 : memref<!tpu.dma_semaphore, #tpu.memory_space<semaphore_mem>>)
      %mul3A_150 = arith.constant 4 : i32
      %mul3A_151 = arith.muli %mul3A_150, %scan3A_117 : i32
      %add3A_152 = arith.constant 2 : i32
      %add3A_153 = arith.addi %mul3A_151, %add3A_152 : i32
      %add3A_154 = arith.constant 1 : i32
      %add3A_155 = arith.addi %add3A_153, %add3A_154 : i32
      %dma_wait3A_156 = arith.constant 0 : i32
      %dma_wait3A_157 = tpu.memref_slice %arg7[%add3A_155, %dma_wait3A_156] : memref<160x128xi32, #tpu.memory_space<vmem>> -> memref<1x128xi32, #tpu.memory_space<vmem>>
      %dma_wait3A_158 = tpu.memref_squeeze %dma_wait3A_157 : memref<1x128xi32, #tpu.memory_space<vmem>> -> memref<128xi32, #tpu.memory_space<vmem>>
      %dma_wait3A_159 = arith.constant 0 : i32
      %dma_wait3A_160 = arith.constant 0 : i32
      %dma_wait3A_161 = tpu.memref_slice %arg2[%dma_wait3A_159, %dma_wait3A_160] : memref<20000x64xf32, #tpu.memory_space<hbm>> -> memref<20000x64xf32, #tpu.memory_space<hbm>>
      tpu.wait_indirect_dma semaphore(%arg17 : memref<!tpu.dma_semaphore, #tpu.memory_space<semaphore_mem>>) src(%dma_wait3A_161 : memref<20000x64xf32, #tpu.memory_space<hbm>>) dst(%arg12 : memref<128x64xf32, #tpu.memory_space<vmem>>)
      %dma_start3A_162 = arith.constant 0 : i32
      %dma_start3A_163 = tpu.memref_slice %arg8[%add3A_155, %dma_start3A_162] : memref<160x128xi32, #tpu.memory_space<vmem>> -> memref<1x128xi32, #tpu.memory_space<vmem>>
      %dma_start3A_164 = tpu.memref_squeeze %dma_start3A_163 : memref<1x128xi32, #tpu.memory_space<vmem>> -> memref<128xi32, #tpu.memory_space<vmem>>
      %dma_start3A_165 = arith.constant 0 : i32
      %dma_start3A_166 = arith.constant 0 : i32
      %dma_start3A_167 = tpu.memref_slice %arg13[%dma_start3A_165, %dma_start3A_166] : memref<10128x64xf32, #tpu.memory_space<vmem_shared>> -> memref<10128x64xf32, #tpu.memory_space<vmem_shared>>
      tpu.enqueue_indirect_dma source(%arg12 : memref<128x64xf32, #tpu.memory_space<vmem>>) target(%dma_start3A_167 : memref<10128x64xf32, #tpu.memory_space<vmem_shared>>) offsets(%dma_start3A_164 : memref<128xi32, #tpu.memory_space<vmem>>) semaphore(%arg21 : memref<!tpu.dma_semaphore, #tpu.memory_space<semaphore_mem>>) {add = true}
      %sub3A_168 = arith.constant 2 : i32
      %sub3A_169 = arith.subi %add3A_155, %sub3A_168 : i32
      %dma_wait3A_170 = arith.constant 0 : i32
      %dma_wait3A_171 = tpu.memref_slice %arg8[%sub3A_169, %dma_wait3A_170] : memref<160x128xi32, #tpu.memory_space<vmem>> -> memref<1x128xi32, #tpu.memory_space<vmem>>
      %dma_wait3A_172 = tpu.memref_squeeze %dma_wait3A_171 : memref<1x128xi32, #tpu.memory_space<vmem>> -> memref<128xi32, #tpu.memory_space<vmem>>
      %dma_wait3A_173 = arith.constant 0 : i32
      %dma_wait3A_174 = arith.constant 0 : i32
      %dma_wait3A_175 = tpu.memref_slice %arg13[%dma_wait3A_173, %dma_wait3A_174] : memref<10128x64xf32, #tpu.memory_space<vmem_shared>> -> memref<10128x64xf32, #tpu.memory_space<vmem_shared>>
      tpu.wait_indirect_dma semaphore(%arg19 : memref<!tpu.dma_semaphore, #tpu.memory_space<semaphore_mem>>) src(%arg10 : memref<128x64xf32, #tpu.memory_space<vmem>>) dst(%dma_wait3A_175 : memref<10128x64xf32, #tpu.memory_space<vmem_shared>>)
      %add3A_176 = arith.constant 2 : i32
      %add3A_177 = arith.addi %add3A_155, %add3A_176 : i32
      %dma_start3A_178 = arith.constant 0 : i32
      %dma_start3A_179 = tpu.memref_slice %arg7[%add3A_177, %dma_start3A_178] : memref<160x128xi32, #tpu.memory_space<vmem>> -> memref<1x128xi32, #tpu.memory_space<vmem>>
      %dma_start3A_180 = tpu.memref_squeeze %dma_start3A_179 : memref<1x128xi32, #tpu.memory_space<vmem>> -> memref<128xi32, #tpu.memory_space<vmem>>
      %dma_start3A_181 = arith.constant 0 : i32
      %dma_start3A_182 = arith.constant 0 : i32
      %dma_start3A_183 = tpu.memref_slice %arg2[%dma_start3A_181, %dma_start3A_182] : memref<20000x64xf32, #tpu.memory_space<hbm>> -> memref<20000x64xf32, #tpu.memory_space<hbm>>
      tpu.enqueue_indirect_dma source(%dma_start3A_183 : memref<20000x64xf32, #tpu.memory_space<hbm>>) target(%arg10 : memref<128x64xf32, #tpu.memory_space<vmem>>) offsets(%dma_start3A_180 : memref<128xi32, #tpu.memory_space<vmem>>) semaphore(%arg15 : memref<!tpu.dma_semaphore, #tpu.memory_space<semaphore_mem>>)
      %mul3A_184 = arith.constant 4 : i32
      %mul3A_185 = arith.muli %mul3A_184, %scan3A_117 : i32
      %add3A_186 = arith.constant 2 : i32
      %add3A_187 = arith.addi %mul3A_185, %add3A_186 : i32
      %add3A_188 = arith.constant 2 : i32
      %add3A_189 = arith.addi %add3A_187, %add3A_188 : i32
      %dma_wait3A_190 = arith.constant 0 : i32
      %dma_wait3A_191 = tpu.memref_slice %arg7[%add3A_189, %dma_wait3A_190] : memref<160x128xi32, #tpu.memory_space<vmem>> -> memref<1x128xi32, #tpu.memory_space<vmem>>
      %dma_wait3A_192 = tpu.memref_squeeze %dma_wait3A_191 : memref<1x128xi32, #tpu.memory_space<vmem>> -> memref<128xi32, #tpu.memory_space<vmem>>
      %dma_wait3A_193 = arith.constant 0 : i32
      %dma_wait3A_194 = arith.constant 0 : i32
      %dma_wait3A_195 = tpu.memref_slice %arg2[%dma_wait3A_193, %dma_wait3A_194] : memref<20000x64xf32, #tpu.memory_space<hbm>> -> memref<20000x64xf32, #tpu.memory_space<hbm>>
      tpu.wait_indirect_dma semaphore(%arg14 : memref<!tpu.dma_semaphore, #tpu.memory_space<semaphore_mem>>) src(%dma_wait3A_195 : memref<20000x64xf32, #tpu.memory_space<hbm>>) dst(%arg9 : memref<128x64xf32, #tpu.memory_space<vmem>>)
      %dma_start3A_196 = arith.constant 0 : i32
      %dma_start3A_197 = tpu.memref_slice %arg8[%add3A_189, %dma_start3A_196] : memref<160x128xi32, #tpu.memory_space<vmem>> -> memref<1x128xi32, #tpu.memory_space<vmem>>
      %dma_start3A_198 = tpu.memref_squeeze %dma_start3A_197 : memref<1x128xi32, #tpu.memory_space<vmem>> -> memref<128xi32, #tpu.memory_space<vmem>>
      %dma_start3A_199 = arith.constant 0 : i32
      %dma_start3A_200 = arith.constant 0 : i32
      %dma_start3A_201 = tpu.memref_slice %arg13[%dma_start3A_199, %dma_start3A_200] : memref<10128x64xf32, #tpu.memory_space<vmem_shared>> -> memref<10128x64xf32, #tpu.memory_space<vmem_shared>>
      tpu.enqueue_indirect_dma source(%arg9 : memref<128x64xf32, #tpu.memory_space<vmem>>) target(%dma_start3A_201 : memref<10128x64xf32, #tpu.memory_space<vmem_shared>>) offsets(%dma_start3A_198 : memref<128xi32, #tpu.memory_space<vmem>>) semaphore(%arg18 : memref<!tpu.dma_semaphore, #tpu.memory_space<semaphore_mem>>) {add = true}
      %sub3A_202 = arith.constant 2 : i32
      %sub3A_203 = arith.subi %add3A_189, %sub3A_202 : i32
      %dma_wait3A_204 = arith.constant 0 : i32
      %dma_wait3A_205 = tpu.memref_slice %arg8[%sub3A_203, %dma_wait3A_204] : memref<160x128xi32, #tpu.memory_space<vmem>> -> memref<1x128xi32, #tpu.memory_space<vmem>>
      %dma_wait3A_206 = tpu.memref_squeeze %dma_wait3A_205 : memref<1x128xi32, #tpu.memory_space<vmem>> -> memref<128xi32, #tpu.memory_space<vmem>>
      %dma_wait3A_207 = arith.constant 0 : i32
      %dma_wait3A_208 = arith.constant 0 : i32
      %dma_wait3A_209 = tpu.memref_slice %arg13[%dma_wait3A_207, %dma_wait3A_208] : memref<10128x64xf32, #tpu.memory_space<vmem_shared>> -> memref<10128x64xf32, #tpu.memory_space<vmem_shared>>
      tpu.wait_indirect_dma semaphore(%arg20 : memref<!tpu.dma_semaphore, #tpu.memory_space<semaphore_mem>>) src(%arg11 : memref<128x64xf32, #tpu.memory_space<vmem>>) dst(%dma_wait3A_209 : memref<10128x64xf32, #tpu.memory_space<vmem_shared>>)
      %add3A_210 = arith.constant 2 : i32
      %add3A_211 = arith.addi %add3A_189, %add3A_210 : i32
      %dma_start3A_212 = arith.constant 0 : i32
      %dma_start3A_213 = tpu.memref_slice %arg7[%add3A_211, %dma_start3A_212] : memref<160x128xi32, #tpu.memory_space<vmem>> -> memref<1x128xi32, #tpu.memory_space<vmem>>
      %dma_start3A_214 = tpu.memref_squeeze %dma_start3A_213 : memref<1x128xi32, #tpu.memory_space<vmem>> -> memref<128xi32, #tpu.memory_space<vmem>>
      %dma_start3A_215 = arith.constant 0 : i32
      %dma_start3A_216 = arith.constant 0 : i32
      %dma_start3A_217 = tpu.memref_slice %arg2[%dma_start3A_215, %dma_start3A_216] : memref<20000x64xf32, #tpu.memory_space<hbm>> -> memref<20000x64xf32, #tpu.memory_space<hbm>>
      tpu.enqueue_indirect_dma source(%dma_start3A_217 : memref<20000x64xf32, #tpu.memory_space<hbm>>) target(%arg11 : memref<128x64xf32, #tpu.memory_space<vmem>>) offsets(%dma_start3A_214 : memref<128xi32, #tpu.memory_space<vmem>>) semaphore(%arg16 : memref<!tpu.dma_semaphore, #tpu.memory_space<semaphore_mem>>)
      %mul3A_218 = arith.constant 4 : i32
      %mul3A_219 = arith.muli %mul3A_218, %scan3A_117 : i32
      %add3A_220 = arith.constant 2 : i32
      %add3A_221 = arith.addi %mul3A_219, %add3A_220 : i32
      %add3A_222 = arith.constant 3 : i32
      %add3A_223 = arith.addi %add3A_221, %add3A_222 : i32
      %dma_wait3A_224 = arith.constant 0 : i32
      %dma_wait3A_225 = tpu.memref_slice %arg7[%add3A_223, %dma_wait3A_224] : memref<160x128xi32, #tpu.memory_space<vmem>> -> memref<1x128xi32, #tpu.memory_space<vmem>>
      %dma_wait3A_226 = tpu.memref_squeeze %dma_wait3A_225 : memref<1x128xi32, #tpu.memory_space<vmem>> -> memref<128xi32, #tpu.memory_space<vmem>>
      %dma_wait3A_227 = arith.constant 0 : i32
      %dma_wait3A_228 = arith.constant 0 : i32
      %dma_wait3A_229 = tpu.memref_slice %arg2[%dma_wait3A_227, %dma_wait3A_228] : memref<20000x64xf32, #tpu.memory_space<hbm>> -> memref<20000x64xf32, #tpu.memory_space<hbm>>
      tpu.wait_indirect_dma semaphore(%arg15 : memref<!tpu.dma_semaphore, #tpu.memory_space<semaphore_mem>>) src(%dma_wait3A_229 : memref<20000x64xf32, #tpu.memory_space<hbm>>) dst(%arg10 : memref<128x64xf32, #tpu.memory_space<vmem>>)
      %dma_start3A_230 = arith.constant 0 : i32
      %dma_start3A_231 = tpu.memref_slice %arg8[%add3A_223, %dma_start3A_230] : memref<160x128xi32, #tpu.memory_space<vmem>> -> memref<1x128xi32, #tpu.memory_space<vmem>>
      %dma_start3A_232 = tpu.memref_squeeze %dma_start3A_231 : memref<1x128xi32, #tpu.memory_space<vmem>> -> memref<128xi32, #tpu.memory_space<vmem>>
      %dma_start3A_233 = arith.constant 0 : i32
      %dma_start3A_234 = arith.constant 0 : i32
      %dma_start3A_235 = tpu.memref_slice %arg13[%dma_start3A_233, %dma_start3A_234] : memref<10128x64xf32, #tpu.memory_space<vmem_shared>> -> memref<10128x64xf32, #tpu.memory_space<vmem_shared>>
      tpu.enqueue_indirect_dma source(%arg10 : memref<128x64xf32, #tpu.memory_space<vmem>>) target(%dma_start3A_235 : memref<10128x64xf32, #tpu.memory_space<vmem_shared>>) offsets(%dma_start3A_232 : memref<128xi32, #tpu.memory_space<vmem>>) semaphore(%arg19 : memref<!tpu.dma_semaphore, #tpu.memory_space<semaphore_mem>>) {add = true}
      %sub3A_236 = arith.constant 2 : i32
      %sub3A_237 = arith.subi %add3A_223, %sub3A_236 : i32
      %dma_wait3A_238 = arith.constant 0 : i32
      %dma_wait3A_239 = tpu.memref_slice %arg8[%sub3A_237, %dma_wait3A_238] : memref<160x128xi32, #tpu.memory_space<vmem>> -> memref<1x128xi32, #tpu.memory_space<vmem>>
      %dma_wait3A_240 = tpu.memref_squeeze %dma_wait3A_239 : memref<1x128xi32, #tpu.memory_space<vmem>> -> memref<128xi32, #tpu.memory_space<vmem>>
      %dma_wait3A_241 = arith.constant 0 : i32
      %dma_wait3A_242 = arith.constant 0 : i32
      %dma_wait3A_243 = tpu.memref_slice %arg13[%dma_wait3A_241, %dma_wait3A_242] : memref<10128x64xf32, #tpu.memory_space<vmem_shared>> -> memref<10128x64xf32, #tpu.memory_space<vmem_shared>>
      tpu.wait_indirect_dma semaphore(%arg21 : memref<!tpu.dma_semaphore, #tpu.memory_space<semaphore_mem>>) src(%arg12 : memref<128x64xf32, #tpu.memory_space<vmem>>) dst(%dma_wait3A_243 : memref<10128x64xf32, #tpu.memory_space<vmem_shared>>)
      %add3A_244 = arith.constant 2 : i32
      %add3A_245 = arith.addi %add3A_223, %add3A_244 : i32
      %dma_start3A_246 = arith.constant 0 : i32
      %dma_start3A_247 = tpu.memref_slice %arg7[%add3A_245, %dma_start3A_246] : memref<160x128xi32, #tpu.memory_space<vmem>> -> memref<1x128xi32, #tpu.memory_space<vmem>>
      %dma_start3A_248 = tpu.memref_squeeze %dma_start3A_247 : memref<1x128xi32, #tpu.memory_space<vmem>> -> memref<128xi32, #tpu.memory_space<vmem>>
      %dma_start3A_249 = arith.constant 0 : i32
      %dma_start3A_250 = arith.constant 0 : i32
      %dma_start3A_251 = tpu.memref_slice %arg2[%dma_start3A_249, %dma_start3A_250] : memref<20000x64xf32, #tpu.memory_space<hbm>> -> memref<20000x64xf32, #tpu.memory_space<hbm>>
      tpu.enqueue_indirect_dma source(%dma_start3A_251 : memref<20000x64xf32, #tpu.memory_space<hbm>>) target(%arg12 : memref<128x64xf32, #tpu.memory_space<vmem>>) offsets(%dma_start3A_248 : memref<128xi32, #tpu.memory_space<vmem>>) semaphore(%arg17 : memref<!tpu.dma_semaphore, #tpu.memory_space<semaphore_mem>>)
    }
    %scan3A_59 = arith.constant 39 : i32
    %dma_wait3A_60 = arith.constant 158 : i32
    %dma_wait3A_61 = arith.constant 0 : i32
    %dma_wait3A_62 = tpu.memref_slice %arg7[%dma_wait3A_60, %dma_wait3A_61] : memref<160x128xi32, #tpu.memory_space<vmem>> -> memref<1x128xi32, #tpu.memory_space<vmem>>
    %dma_wait3A_63 = tpu.memref_squeeze %dma_wait3A_62 : memref<1x128xi32, #tpu.memory_space<vmem>> -> memref<128xi32, #tpu.memory_space<vmem>>
    %dma_wait3A_64 = arith.constant 0 : i32
    %dma_wait3A_65 = arith.constant 0 : i32
    %dma_wait3A_66 = tpu.memref_slice %arg2[%dma_wait3A_64, %dma_wait3A_65] : memref<20000x64xf32, #tpu.memory_space<hbm>> -> memref<20000x64xf32, #tpu.memory_space<hbm>>
    tpu.wait_indirect_dma semaphore(%arg16 : memref<!tpu.dma_semaphore, #tpu.memory_space<semaphore_mem>>) src(%dma_wait3A_66 : memref<20000x64xf32, #tpu.memory_space<hbm>>) dst(%arg11 : memref<128x64xf32, #tpu.memory_space<vmem>>)
    %dma_start3A_67 = arith.constant 158 : i32
    %dma_start3A_68 = arith.constant 0 : i32
    %dma_start3A_69 = tpu.memref_slice %arg8[%dma_start3A_67, %dma_start3A_68] : memref<160x128xi32, #tpu.memory_space<vmem>> -> memref<1x128xi32, #tpu.memory_space<vmem>>
    %dma_start3A_70 = tpu.memref_squeeze %dma_start3A_69 : memref<1x128xi32, #tpu.memory_space<vmem>> -> memref<128xi32, #tpu.memory_space<vmem>>
    %dma_start3A_71 = arith.constant 0 : i32
    %dma_start3A_72 = arith.constant 0 : i32
    %dma_start3A_73 = tpu.memref_slice %arg13[%dma_start3A_71, %dma_start3A_72] : memref<10128x64xf32, #tpu.memory_space<vmem_shared>> -> memref<10128x64xf32, #tpu.memory_space<vmem_shared>>
    tpu.enqueue_indirect_dma source(%arg11 : memref<128x64xf32, #tpu.memory_space<vmem>>) target(%dma_start3A_73 : memref<10128x64xf32, #tpu.memory_space<vmem_shared>>) offsets(%dma_start3A_70 : memref<128xi32, #tpu.memory_space<vmem>>) semaphore(%arg20 : memref<!tpu.dma_semaphore, #tpu.memory_space<semaphore_mem>>) {add = true}
    %dma_wait3A_74 = arith.constant 156 : i32
    %dma_wait3A_75 = arith.constant 0 : i32
    %dma_wait3A_76 = tpu.memref_slice %arg8[%dma_wait3A_74, %dma_wait3A_75] : memref<160x128xi32, #tpu.memory_space<vmem>> -> memref<1x128xi32, #tpu.memory_space<vmem>>
    %dma_wait3A_77 = tpu.memref_squeeze %dma_wait3A_76 : memref<1x128xi32, #tpu.memory_space<vmem>> -> memref<128xi32, #tpu.memory_space<vmem>>
    %dma_wait3A_78 = arith.constant 0 : i32
    %dma_wait3A_79 = arith.constant 0 : i32
    %dma_wait3A_80 = tpu.memref_slice %arg13[%dma_wait3A_78, %dma_wait3A_79] : memref<10128x64xf32, #tpu.memory_space<vmem_shared>> -> memref<10128x64xf32, #tpu.memory_space<vmem_shared>>
    tpu.wait_indirect_dma semaphore(%arg18 : memref<!tpu.dma_semaphore, #tpu.memory_space<semaphore_mem>>) src(%arg9 : memref<128x64xf32, #tpu.memory_space<vmem>>) dst(%dma_wait3A_80 : memref<10128x64xf32, #tpu.memory_space<vmem_shared>>)
    %dma_wait3A_81 = arith.constant 159 : i32
    %dma_wait3A_82 = arith.constant 0 : i32
    %dma_wait3A_83 = tpu.memref_slice %arg7[%dma_wait3A_81, %dma_wait3A_82] : memref<160x128xi32, #tpu.memory_space<vmem>> -> memref<1x128xi32, #tpu.memory_space<vmem>>
    %dma_wait3A_84 = tpu.memref_squeeze %dma_wait3A_83 : memref<1x128xi32, #tpu.memory_space<vmem>> -> memref<128xi32, #tpu.memory_space<vmem>>
    %dma_wait3A_85 = arith.constant 0 : i32
    %dma_wait3A_86 = arith.constant 0 : i32
    %dma_wait3A_87 = tpu.memref_slice %arg2[%dma_wait3A_85, %dma_wait3A_86] : memref<20000x64xf32, #tpu.memory_space<hbm>> -> memref<20000x64xf32, #tpu.memory_space<hbm>>
    tpu.wait_indirect_dma semaphore(%arg17 : memref<!tpu.dma_semaphore, #tpu.memory_space<semaphore_mem>>) src(%dma_wait3A_87 : memref<20000x64xf32, #tpu.memory_space<hbm>>) dst(%arg12 : memref<128x64xf32, #tpu.memory_space<vmem>>)
    %dma_start3A_88 = arith.constant 159 : i32
    %dma_start3A_89 = arith.constant 0 : i32
    %dma_start3A_90 = tpu.memref_slice %arg8[%dma_start3A_88, %dma_start3A_89] : memref<160x128xi32, #tpu.memory_space<vmem>> -> memref<1x128xi32, #tpu.memory_space<vmem>>
    %dma_start3A_91 = tpu.memref_squeeze %dma_start3A_90 : memref<1x128xi32, #tpu.memory_space<vmem>> -> memref<128xi32, #tpu.memory_space<vmem>>
    %dma_start3A_92 = arith.constant 0 : i32
    %dma_start3A_93 = arith.constant 0 : i32
    %dma_start3A_94 = tpu.memref_slice %arg13[%dma_start3A_92, %dma_start3A_93] : memref<10128x64xf32, #tpu.memory_space<vmem_shared>> -> memref<10128x64xf32, #tpu.memory_space<vmem_shared>>
    tpu.enqueue_indirect_dma source(%arg12 : memref<128x64xf32, #tpu.memory_space<vmem>>) target(%dma_start3A_94 : memref<10128x64xf32, #tpu.memory_space<vmem_shared>>) offsets(%dma_start3A_91 : memref<128xi32, #tpu.memory_space<vmem>>) semaphore(%arg21 : memref<!tpu.dma_semaphore, #tpu.memory_space<semaphore_mem>>) {add = true}
    %dma_wait3A_95 = arith.constant 157 : i32
    %dma_wait3A_96 = arith.constant 0 : i32
    %dma_wait3A_97 = tpu.memref_slice %arg8[%dma_wait3A_95, %dma_wait3A_96] : memref<160x128xi32, #tpu.memory_space<vmem>> -> memref<1x128xi32, #tpu.memory_space<vmem>>
    %dma_wait3A_98 = tpu.memref_squeeze %dma_wait3A_97 : memref<1x128xi32, #tpu.memory_space<vmem>> -> memref<128xi32, #tpu.memory_space<vmem>>
    %dma_wait3A_99 = arith.constant 0 : i32
    %dma_wait3A_100 = arith.constant 0 : i32
    %dma_wait3A_101 = tpu.memref_slice %arg13[%dma_wait3A_99, %dma_wait3A_100] : memref<10128x64xf32, #tpu.memory_space<vmem_shared>> -> memref<10128x64xf32, #tpu.memory_space<vmem_shared>>
    tpu.wait_indirect_dma semaphore(%arg19 : memref<!tpu.dma_semaphore, #tpu.memory_space<semaphore_mem>>) src(%arg10 : memref<128x64xf32, #tpu.memory_space<vmem>>) dst(%dma_wait3A_101 : memref<10128x64xf32, #tpu.memory_space<vmem_shared>>)
    %dma_wait3A_102 = arith.constant 158 : i32
    %dma_wait3A_103 = arith.constant 0 : i32
    %dma_wait3A_104 = tpu.memref_slice %arg8[%dma_wait3A_102, %dma_wait3A_103] : memref<160x128xi32, #tpu.memory_space<vmem>> -> memref<1x128xi32, #tpu.memory_space<vmem>>
    %dma_wait3A_105 = tpu.memref_squeeze %dma_wait3A_104 : memref<1x128xi32, #tpu.memory_space<vmem>> -> memref<128xi32, #tpu.memory_space<vmem>>
    %dma_wait3A_106 = arith.constant 0 : i32
    %dma_wait3A_107 = arith.constant 0 : i32
    %dma_wait3A_108 = tpu.memref_slice %arg13[%dma_wait3A_106, %dma_wait3A_107] : memref<10128x64xf32, #tpu.memory_space<vmem_shared>> -> memref<10128x64xf32, #tpu.memory_space<vmem_shared>>
    tpu.wait_indirect_dma semaphore(%arg20 : memref<!tpu.dma_semaphore, #tpu.memory_space<semaphore_mem>>) src(%arg11 : memref<128x64xf32, #tpu.memory_space<vmem>>) dst(%dma_wait3A_108 : memref<10128x64xf32, #tpu.memory_space<vmem_shared>>)
    %dma_wait3A_109 = arith.constant 159 : i32
    %dma_wait3A_110 = arith.constant 0 : i32
    %dma_wait3A_111 = tpu.memref_slice %arg8[%dma_wait3A_109, %dma_wait3A_110] : memref<160x128xi32, #tpu.memory_space<vmem>> -> memref<1x128xi32, #tpu.memory_space<vmem>>
    %dma_wait3A_112 = tpu.memref_squeeze %dma_wait3A_111 : memref<1x128xi32, #tpu.memory_space<vmem>> -> memref<128xi32, #tpu.memory_space<vmem>>
    %dma_wait3A_113 = arith.constant 0 : i32
    %dma_wait3A_114 = arith.constant 0 : i32
    %dma_wait3A_115 = tpu.memref_slice %arg13[%dma_wait3A_113, %dma_wait3A_114] : memref<10128x64xf32, #tpu.memory_space<vmem_shared>> -> memref<10128x64xf32, #tpu.memory_space<vmem_shared>>
    tpu.wait_indirect_dma semaphore(%arg21 : memref<!tpu.dma_semaphore, #tpu.memory_space<semaphore_mem>>) src(%arg12 : memref<128x64xf32, #tpu.memory_space<vmem>>) dst(%dma_wait3A_115 : memref<10128x64xf32, #tpu.memory_space<vmem_shared>>)
    %barrier3A_116 = arith.constant 0 : index
    tpu.barrier barrier_id(%barrier3A_116)
    "tpu.region"() ({
      %run_scoped3A = tpu.sem_alloc : memref<!tpu.dma_semaphore, #tpu.memory_space<semaphore_mem>>
      %dma_start3A_117 = arith.constant 0 : i32
      %dma_start3A_118 = tpu.memref_slice %arg6[%arg0, %mul3A_0, %dma_start3A_117] : memref<2x10112x64xf32, #tpu.memory_space<hbm>> -> memref<1x632x64xf32, #tpu.memory_space<hbm>>
      %dma_start3A_119 = tpu.memref_squeeze %dma_start3A_118 : memref<1x632x64xf32, #tpu.memory_space<hbm>> -> memref<632x64xf32, #tpu.memory_space<hbm>>
      %dma_start3A_120 = arith.constant 0 : i32
      %dma_start3A_121 = tpu.memref_slice %arg13[%mul3A_0, %dma_start3A_120] : memref<10128x64xf32, #tpu.memory_space<vmem_shared>> -> memref<632x64xf32, #tpu.memory_space<vmem_shared>>
      tpu.enqueue_dma source(%dma_start3A_121 : memref<632x64xf32, #tpu.memory_space<vmem_shared>>) target(%dma_start3A_119 : memref<632x64xf32, #tpu.memory_space<hbm>>) target_semaphore(%run_scoped3A : memref<!tpu.dma_semaphore, #tpu.memory_space<semaphore_mem>>)
      %dma_wait3A_122 = arith.constant 0 : i32
      %dma_wait3A_123 = tpu.memref_slice %arg6[%arg0, %mul3A_0, %dma_wait3A_122] : memref<2x10112x64xf32, #tpu.memory_space<hbm>> -> memref<1x632x64xf32, #tpu.memory_space<hbm>>
      %dma_wait3A_124 = tpu.memref_squeeze %dma_wait3A_123 : memref<1x632x64xf32, #tpu.memory_space<hbm>> -> memref<632x64xf32, #tpu.memory_space<hbm>>
      %dma_wait3A_125 = arith.constant 0 : i32
      %dma_wait3A_126 = tpu.memref_slice %arg13[%mul3A_0, %dma_wait3A_125] : memref<10128x64xf32, #tpu.memory_space<vmem_shared>> -> memref<632x64xf32, #tpu.memory_space<vmem_shared>>
      tpu.wait_dma2 semaphore(%run_scoped3A : memref<!tpu.dma_semaphore, #tpu.memory_space<semaphore_mem>>) src(%dma_wait3A_126 : memref<632x64xf32, #tpu.memory_space<vmem_shared>>) dst(%dma_wait3A_124 : memref<632x64xf32, #tpu.memory_space<hbm>>)
      tpu.yield
    }) : () -> ()
    return
  }
}

#map = affine_map<(d0, d1) -> (0, 0)>
#map1 = affine_map<(d0, d1) -> (0, 0, 0, 0)>
#map2 = affine_map<(d0, d1) -> (0, 0, 0)>
module attributes {stable_mosaic.version = 14 : i64} {
  func.func @_spmm_body(%arg0: i32, %arg1: i32, %arg2: memref<20000x64xf32, #tpu.memory_space<hbm>>, %arg3: memref<2x16x160x128xi32, #tpu.memory_space<hbm>>, %arg4: memref<2x16x160x128xi32, #tpu.memory_space<hbm>>, %arg5: memref<10112x64xf32, #tpu.memory_space<hbm>>, %arg6: memref<2x10112x64xf32, #tpu.memory_space<hbm>>, %arg7: memref<160x128xi32, #tpu.memory_space<vmem>>, %arg8: memref<160x128xi32, #tpu.memory_space<vmem>>, %arg9: memref<128x64xf32, #tpu.memory_space<vmem>>, %arg10: memref<128x64xf32, #tpu.memory_space<vmem>>, %arg11: memref<128x64xf32, #tpu.memory_space<vmem>>, %arg12: memref<128x64xf32, #tpu.memory_space<vmem>>, %arg13: memref<10128x64xf32, #tpu.memory_space<vmem_shared>>, %arg14: memref<!tpu.dma_semaphore, #tpu.memory_space<semaphore_mem>>, %arg15: memref<!tpu.dma_semaphore, #tpu.memory_space<semaphore_mem>>, %arg16: memref<!tpu.dma_semaphore, #tpu.memory_space<semaphore_mem>>, %arg17: memref<!tpu.dma_semaphore, #tpu.memory_space<semaphore_mem>>, %arg18: memref<!tpu.dma_semaphore, #tpu.memory_space<semaphore_mem>>, %arg19: memref<!tpu.dma_semaphore, #tpu.memory_space<semaphore_mem>>, %arg20: memref<!tpu.dma_semaphore, #tpu.memory_space<semaphore_mem>>, %arg21: memref<!tpu.dma_semaphore, #tpu.memory_space<semaphore_mem>>) attributes {dimension_semantics = [#tpu.dimension_semantics<core_parallel>, #tpu.dimension_semantics<subcore_parallel>], iteration_bounds = array<i64: 2, 16>, scalar_prefetch = 0 : i64, scratch_operands = 15 : i64, tpu.core_type = #tpu.core_type<sc_vector_subcore>, window_params = [{transform_indices = #map}, {transform_indices = #map1}, {transform_indices = #map1}, {transform_indices = #map}, {transform_indices = #map2}]} {
    %mul3A = arith.constant 632 : i32
    %mul3A_0 = arith.muli %arg1, %mul3A : i32
    "tpu.region"() ({
      %run_scoped3A = tpu.sem_alloc : memref<!tpu.dma_semaphore, #tpu.memory_space<semaphore_mem>>
      %dma_start3A_117 = arith.constant 0 : i32
      %dma_start3A_118 = tpu.memref_slice %arg13[%mul3A_0, %dma_start3A_117] : memref<10128x64xf32, #tpu.memory_space<vmem_shared>> -> memref<632x64xf32, #tpu.memory_space<vmem_shared>>
      %dma_start3A_119 = arith.constant 0 : i32
      %dma_start3A_120 = tpu.memref_slice %arg5[%mul3A_0, %dma_start3A_119] : memref<10112x64xf32, #tpu.memory_space<hbm>> -> memref<632x64xf32, #tpu.memory_space<hbm>>
      tpu.enqueue_dma source(%dma_start3A_120 : memref<632x64xf32, #tpu.memory_space<hbm>>) target(%dma_start3A_118 : memref<632x64xf32, #tpu.memory_space<vmem_shared>>) target_semaphore(%run_scoped3A : memref<!tpu.dma_semaphore, #tpu.memory_space<semaphore_mem>>)
      %dma_wait3A_121 = arith.constant 0 : i32
      %dma_wait3A_122 = tpu.memref_slice %arg13[%mul3A_0, %dma_wait3A_121] : memref<10128x64xf32, #tpu.memory_space<vmem_shared>> -> memref<632x64xf32, #tpu.memory_space<vmem_shared>>
      %dma_wait3A_123 = arith.constant 0 : i32
      %dma_wait3A_124 = tpu.memref_slice %arg5[%mul3A_0, %dma_wait3A_123] : memref<10112x64xf32, #tpu.memory_space<hbm>> -> memref<632x64xf32, #tpu.memory_space<hbm>>
      tpu.wait_dma2 semaphore(%run_scoped3A : memref<!tpu.dma_semaphore, #tpu.memory_space<semaphore_mem>>) src(%dma_wait3A_124 : memref<632x64xf32, #tpu.memory_space<hbm>>) dst(%dma_wait3A_122 : memref<632x64xf32, #tpu.memory_space<vmem_shared>>)
      tpu.yield
    }) : () -> ()
    "tpu.region"() ({
      %run_scoped3A = tpu.sem_alloc : memref<!tpu.dma_semaphore, #tpu.memory_space<semaphore_mem>>
      %dma_start3A_117 = arith.constant 0 : i32
      %dma_start3A_118 = arith.constant 0 : i32
      %dma_start3A_119 = tpu.memref_slice %arg3[%arg0, %arg1, %dma_start3A_117, %dma_start3A_118] : memref<2x16x160x128xi32, #tpu.memory_space<hbm>> -> memref<1x1x160x128xi32, #tpu.memory_space<hbm>>
      %dma_start3A_120 = tpu.memref_squeeze %dma_start3A_119 : memref<1x1x160x128xi32, #tpu.memory_space<hbm>> -> memref<160x128xi32, #tpu.memory_space<hbm>>
      %dma_start3A_121 = arith.constant 0 : i32
      %dma_start3A_122 = arith.constant 0 : i32
      %dma_start3A_123 = tpu.memref_slice %arg3[%arg0, %arg1, %dma_start3A_121, %dma_start3A_122] : memref<2x16x160x128xi32, #tpu.memory_space<hbm>> -> memref<1x1x160x128xi32, #tpu.memory_space<hbm>>
      %dma_start3A_124 = tpu.memref_squeeze %dma_start3A_123 : memref<1x1x160x128xi32, #tpu.memory_space<hbm>> -> memref<160x128xi32, #tpu.memory_space<hbm>>
      tpu.enqueue_dma source(%dma_start3A_124 : memref<160x128xi32, #tpu.memory_space<hbm>>) target(%arg7 : memref<160x128xi32, #tpu.memory_space<vmem>>) target_semaphore(%run_scoped3A : memref<!tpu.dma_semaphore, #tpu.memory_space<semaphore_mem>>)
      %dma_wait3A_125 = arith.constant 0 : i32
      %dma_wait3A_126 = arith.constant 0 : i32
      %dma_wait3A_127 = tpu.memref_slice %arg3[%arg0, %arg1, %dma_wait3A_125, %dma_wait3A_126] : memref<2x16x160x128xi32, #tpu.memory_space<hbm>> -> memref<1x1x160x128xi32, #tpu.memory_space<hbm>>
      %dma_wait3A_128 = tpu.memref_squeeze %dma_wait3A_127 : memref<1x1x160x128xi32, #tpu.memory_space<hbm>> -> memref<160x128xi32, #tpu.memory_space<hbm>>
      %dma_wait3A_129 = arith.constant 0 : i32
      %dma_wait3A_130 = arith.constant 0 : i32
      %dma_wait3A_131 = tpu.memref_slice %arg3[%arg0, %arg1, %dma_wait3A_129, %dma_wait3A_130] : memref<2x16x160x128xi32, #tpu.memory_space<hbm>> -> memref<1x1x160x128xi32, #tpu.memory_space<hbm>>
      %dma_wait3A_132 = tpu.memref_squeeze %dma_wait3A_131 : memref<1x1x160x128xi32, #tpu.memory_space<hbm>> -> memref<160x128xi32, #tpu.memory_space<hbm>>
      tpu.wait_dma2 semaphore(%run_scoped3A : memref<!tpu.dma_semaphore, #tpu.memory_space<semaphore_mem>>) src(%dma_wait3A_132 : memref<160x128xi32, #tpu.memory_space<hbm>>) dst(%arg7 : memref<160x128xi32, #tpu.memory_space<vmem>>)
      tpu.yield
    }) : () -> ()
    "tpu.region"() ({
      %run_scoped3A = tpu.sem_alloc : memref<!tpu.dma_semaphore, #tpu.memory_space<semaphore_mem>>
      %dma_start3A_117 = arith.constant 0 : i32
      %dma_start3A_118 = arith.constant 0 : i32
      %dma_start3A_119 = tpu.memref_slice %arg4[%arg0, %arg1, %dma_start3A_117, %dma_start3A_118] : memref<2x16x160x128xi32, #tpu.memory_space<hbm>> -> memref<1x1x160x128xi32, #tpu.memory_space<hbm>>
      %dma_start3A_120 = tpu.memref_squeeze %dma_start3A_119 : memref<1x1x160x128xi32, #tpu.memory_space<hbm>> -> memref<160x128xi32, #tpu.memory_space<hbm>>
      %dma_start3A_121 = arith.constant 0 : i32
      %dma_start3A_122 = arith.constant 0 : i32
      %dma_start3A_123 = tpu.memref_slice %arg4[%arg0, %arg1, %dma_start3A_121, %dma_start3A_122] : memref<2x16x160x128xi32, #tpu.memory_space<hbm>> -> memref<1x1x160x128xi32, #tpu.memory_space<hbm>>
      %dma_start3A_124 = tpu.memref_squeeze %dma_start3A_123 : memref<1x1x160x128xi32, #tpu.memory_space<hbm>> -> memref<160x128xi32, #tpu.memory_space<hbm>>
      tpu.enqueue_dma source(%dma_start3A_124 : memref<160x128xi32, #tpu.memory_space<hbm>>) target(%arg8 : memref<160x128xi32, #tpu.memory_space<vmem>>) target_semaphore(%run_scoped3A : memref<!tpu.dma_semaphore, #tpu.memory_space<semaphore_mem>>)
      %dma_wait3A_125 = arith.constant 0 : i32
      %dma_wait3A_126 = arith.constant 0 : i32
      %dma_wait3A_127 = tpu.memref_slice %arg4[%arg0, %arg1, %dma_wait3A_125, %dma_wait3A_126] : memref<2x16x160x128xi32, #tpu.memory_space<hbm>> -> memref<1x1x160x128xi32, #tpu.memory_space<hbm>>
      %dma_wait3A_128 = tpu.memref_squeeze %dma_wait3A_127 : memref<1x1x160x128xi32, #tpu.memory_space<hbm>> -> memref<160x128xi32, #tpu.memory_space<hbm>>
      %dma_wait3A_129 = arith.constant 0 : i32
      %dma_wait3A_130 = arith.constant 0 : i32
      %dma_wait3A_131 = tpu.memref_slice %arg4[%arg0, %arg1, %dma_wait3A_129, %dma_wait3A_130] : memref<2x16x160x128xi32, #tpu.memory_space<hbm>> -> memref<1x1x160x128xi32, #tpu.memory_space<hbm>>
      %dma_wait3A_132 = tpu.memref_squeeze %dma_wait3A_131 : memref<1x1x160x128xi32, #tpu.memory_space<hbm>> -> memref<160x128xi32, #tpu.memory_space<hbm>>
      tpu.wait_dma2 semaphore(%run_scoped3A : memref<!tpu.dma_semaphore, #tpu.memory_space<semaphore_mem>>) src(%dma_wait3A_132 : memref<160x128xi32, #tpu.memory_space<hbm>>) dst(%arg8 : memref<160x128xi32, #tpu.memory_space<vmem>>)
      tpu.yield
    }) : () -> ()
    %barrier3A = arith.constant 0 : index
    tpu.barrier barrier_id(%barrier3A)
    %dma_start3A = arith.constant 0 : i32
    %dma_start3A_1 = arith.constant 0 : i32
    %dma_start3A_2 = tpu.memref_slice %arg7[%dma_start3A, %dma_start3A_1] : memref<160x128xi32, #tpu.memory_space<vmem>> -> memref<1x128xi32, #tpu.memory_space<vmem>>
    %dma_start3A_3 = tpu.memref_squeeze %dma_start3A_2 : memref<1x128xi32, #tpu.memory_space<vmem>> -> memref<128xi32, #tpu.memory_space<vmem>>
    %dma_start3A_4 = arith.constant 0 : i32
    %dma_start3A_5 = arith.constant 0 : i32
    %dma_start3A_6 = tpu.memref_slice %arg2[%dma_start3A_4, %dma_start3A_5] : memref<20000x64xf32, #tpu.memory_space<hbm>> -> memref<20000x64xf32, #tpu.memory_space<hbm>>
    tpu.enqueue_indirect_dma source(%dma_start3A_6 : memref<20000x64xf32, #tpu.memory_space<hbm>>) target(%arg9 : memref<128x64xf32, #tpu.memory_space<vmem>>) offsets(%dma_start3A_3 : memref<128xi32, #tpu.memory_space<vmem>>) semaphore(%arg14 : memref<!tpu.dma_semaphore, #tpu.memory_space<semaphore_mem>>)
    %dma_start3A_7 = arith.constant 1 : i32
    %dma_start3A_8 = arith.constant 0 : i32
    %dma_start3A_9 = tpu.memref_slice %arg7[%dma_start3A_7, %dma_start3A_8] : memref<160x128xi32, #tpu.memory_space<vmem>> -> memref<1x128xi32, #tpu.memory_space<vmem>>
    %dma_start3A_10 = tpu.memref_squeeze %dma_start3A_9 : memref<1x128xi32, #tpu.memory_space<vmem>> -> memref<128xi32, #tpu.memory_space<vmem>>
    %dma_start3A_11 = arith.constant 0 : i32
    %dma_start3A_12 = arith.constant 0 : i32
    %dma_start3A_13 = tpu.memref_slice %arg2[%dma_start3A_11, %dma_start3A_12] : memref<20000x64xf32, #tpu.memory_space<hbm>> -> memref<20000x64xf32, #tpu.memory_space<hbm>>
    tpu.enqueue_indirect_dma source(%dma_start3A_13 : memref<20000x64xf32, #tpu.memory_space<hbm>>) target(%arg10 : memref<128x64xf32, #tpu.memory_space<vmem>>) offsets(%dma_start3A_10 : memref<128xi32, #tpu.memory_space<vmem>>) semaphore(%arg15 : memref<!tpu.dma_semaphore, #tpu.memory_space<semaphore_mem>>)
    %dma_wait3A = arith.constant 0 : i32
    %dma_wait3A_14 = arith.constant 0 : i32
    %dma_wait3A_15 = tpu.memref_slice %arg7[%dma_wait3A, %dma_wait3A_14] : memref<160x128xi32, #tpu.memory_space<vmem>> -> memref<1x128xi32, #tpu.memory_space<vmem>>
    %dma_wait3A_16 = tpu.memref_squeeze %dma_wait3A_15 : memref<1x128xi32, #tpu.memory_space<vmem>> -> memref<128xi32, #tpu.memory_space<vmem>>
    %dma_wait3A_17 = arith.constant 0 : i32
    %dma_wait3A_18 = arith.constant 0 : i32
    %dma_wait3A_19 = tpu.memref_slice %arg2[%dma_wait3A_17, %dma_wait3A_18] : memref<20000x64xf32, #tpu.memory_space<hbm>> -> memref<20000x64xf32, #tpu.memory_space<hbm>>
    tpu.wait_indirect_dma semaphore(%arg14 : memref<!tpu.dma_semaphore, #tpu.memory_space<semaphore_mem>>) src(%dma_wait3A_19 : memref<20000x64xf32, #tpu.memory_space<hbm>>) dst(%arg9 : memref<128x64xf32, #tpu.memory_space<vmem>>)
    %dma_start3A_20 = arith.constant 0 : i32
    %dma_start3A_21 = arith.constant 0 : i32
    %dma_start3A_22 = tpu.memref_slice %arg8[%dma_start3A_20, %dma_start3A_21] : memref<160x128xi32, #tpu.memory_space<vmem>> -> memref<1x128xi32, #tpu.memory_space<vmem>>
    %dma_start3A_23 = tpu.memref_squeeze %dma_start3A_22 : memref<1x128xi32, #tpu.memory_space<vmem>> -> memref<128xi32, #tpu.memory_space<vmem>>
    %dma_start3A_24 = arith.constant 0 : i32
    %dma_start3A_25 = arith.constant 0 : i32
    %dma_start3A_26 = tpu.memref_slice %arg13[%dma_start3A_24, %dma_start3A_25] : memref<10128x64xf32, #tpu.memory_space<vmem_shared>> -> memref<10128x64xf32, #tpu.memory_space<vmem_shared>>
    tpu.enqueue_indirect_dma source(%arg9 : memref<128x64xf32, #tpu.memory_space<vmem>>) target(%dma_start3A_26 : memref<10128x64xf32, #tpu.memory_space<vmem_shared>>) offsets(%dma_start3A_23 : memref<128xi32, #tpu.memory_space<vmem>>) semaphore(%arg18 : memref<!tpu.dma_semaphore, #tpu.memory_space<semaphore_mem>>) {add = true}
    %dma_start3A_27 = arith.constant 2 : i32
    %dma_start3A_28 = arith.constant 0 : i32
    %dma_start3A_29 = tpu.memref_slice %arg7[%dma_start3A_27, %dma_start3A_28] : memref<160x128xi32, #tpu.memory_space<vmem>> -> memref<1x128xi32, #tpu.memory_space<vmem>>
    %dma_start3A_30 = tpu.memref_squeeze %dma_start3A_29 : memref<1x128xi32, #tpu.memory_space<vmem>> -> memref<128xi32, #tpu.memory_space<vmem>>
    %dma_start3A_31 = arith.constant 0 : i32
    %dma_start3A_32 = arith.constant 0 : i32
    %dma_start3A_33 = tpu.memref_slice %arg2[%dma_start3A_31, %dma_start3A_32] : memref<20000x64xf32, #tpu.memory_space<hbm>> -> memref<20000x64xf32, #tpu.memory_space<hbm>>
    tpu.enqueue_indirect_dma source(%dma_start3A_33 : memref<20000x64xf32, #tpu.memory_space<hbm>>) target(%arg11 : memref<128x64xf32, #tpu.memory_space<vmem>>) offsets(%dma_start3A_30 : memref<128xi32, #tpu.memory_space<vmem>>) semaphore(%arg16 : memref<!tpu.dma_semaphore, #tpu.memory_space<semaphore_mem>>)
    %dma_wait3A_34 = arith.constant 1 : i32
    %dma_wait3A_35 = arith.constant 0 : i32
    %dma_wait3A_36 = tpu.memref_slice %arg7[%dma_wait3A_34, %dma_wait3A_35] : memref<160x128xi32, #tpu.memory_space<vmem>> -> memref<1x128xi32, #tpu.memory_space<vmem>>
    %dma_wait3A_37 = tpu.memref_squeeze %dma_wait3A_36 : memref<1x128xi32, #tpu.memory_space<vmem>> -> memref<128xi32, #tpu.memory_space<vmem>>
    %dma_wait3A_38 = arith.constant 0 : i32
    %dma_wait3A_39 = arith.constant 0 : i32
    %dma_wait3A_40 = tpu.memref_slice %arg2[%dma_wait3A_38, %dma_wait3A_39] : memref<20000x64xf32, #tpu.memory_space<hbm>> -> memref<20000x64xf32, #tpu.memory_space<hbm>>
    tpu.wait_indirect_dma semaphore(%arg15 : memref<!tpu.dma_semaphore, #tpu.memory_space<semaphore_mem>>) src(%dma_wait3A_40 : memref<20000x64xf32, #tpu.memory_space<hbm>>) dst(%arg10 : memref<128x64xf32, #tpu.memory_space<vmem>>)
    %dma_start3A_41 = arith.constant 1 : i32
    %dma_start3A_42 = arith.constant 0 : i32
    %dma_start3A_43 = tpu.memref_slice %arg8[%dma_start3A_41, %dma_start3A_42] : memref<160x128xi32, #tpu.memory_space<vmem>> -> memref<1x128xi32, #tpu.memory_space<vmem>>
    %dma_start3A_44 = tpu.memref_squeeze %dma_start3A_43 : memref<1x128xi32, #tpu.memory_space<vmem>> -> memref<128xi32, #tpu.memory_space<vmem>>
    %dma_start3A_45 = arith.constant 0 : i32
    %dma_start3A_46 = arith.constant 0 : i32
    %dma_start3A_47 = tpu.memref_slice %arg13[%dma_start3A_45, %dma_start3A_46] : memref<10128x64xf32, #tpu.memory_space<vmem_shared>> -> memref<10128x64xf32, #tpu.memory_space<vmem_shared>>
    tpu.enqueue_indirect_dma source(%arg10 : memref<128x64xf32, #tpu.memory_space<vmem>>) target(%dma_start3A_47 : memref<10128x64xf32, #tpu.memory_space<vmem_shared>>) offsets(%dma_start3A_44 : memref<128xi32, #tpu.memory_space<vmem>>) semaphore(%arg19 : memref<!tpu.dma_semaphore, #tpu.memory_space<semaphore_mem>>) {add = true}
    %dma_start3A_48 = arith.constant 3 : i32
    %dma_start3A_49 = arith.constant 0 : i32
    %dma_start3A_50 = tpu.memref_slice %arg7[%dma_start3A_48, %dma_start3A_49] : memref<160x128xi32, #tpu.memory_space<vmem>> -> memref<1x128xi32, #tpu.memory_space<vmem>>
    %dma_start3A_51 = tpu.memref_squeeze %dma_start3A_50 : memref<1x128xi32, #tpu.memory_space<vmem>> -> memref<128xi32, #tpu.memory_space<vmem>>
    %dma_start3A_52 = arith.constant 0 : i32
    %dma_start3A_53 = arith.constant 0 : i32
    %dma_start3A_54 = tpu.memref_slice %arg2[%dma_start3A_52, %dma_start3A_53] : memref<20000x64xf32, #tpu.memory_space<hbm>> -> memref<20000x64xf32, #tpu.memory_space<hbm>>
    tpu.enqueue_indirect_dma source(%dma_start3A_54 : memref<20000x64xf32, #tpu.memory_space<hbm>>) target(%arg12 : memref<128x64xf32, #tpu.memory_space<vmem>>) offsets(%dma_start3A_51 : memref<128xi32, #tpu.memory_space<vmem>>) semaphore(%arg17 : memref<!tpu.dma_semaphore, #tpu.memory_space<semaphore_mem>>)
    %scan3A = arith.constant 0 : i32
    %scan3A_55 = arith.constant 0 : i32
    %scan3A_56 = arith.constant 39 : i32
    %scan3A_57 = arith.addi %scan3A_55, %scan3A_56 : i32
    %scan3A_58 = arith.constant 1 : i32
    scf.for %scan3A_117 = %scan3A_55 to %scan3A_57 step %scan3A_58  : i32 {
      %mul3A_118 = arith.constant 4 : i32
      %mul3A_119 = arith.muli %mul3A_118, %scan3A_117 : i32
      %add3A = arith.constant 2 : i32
      %add3A_120 = arith.addi %mul3A_119, %add3A : i32
      %add3A_121 = arith.constant 0 : i32
      %add3A_122 = arith.addi %add3A_120, %add3A_121 : i32
      %dma_wait3A_123 = arith.constant 0 : i32
      %dma_wait3A_124 = tpu.memref_slice %arg7[%add3A_122, %dma_wait3A_123] : memref<160x128xi32, #tpu.memory_space<vmem>> -> memref<1x128xi32, #tpu.memory_space<vmem>>
      %dma_wait3A_125 = tpu.memref_squeeze %dma_wait3A_124 : memref<1x128xi32, #tpu.memory_space<vmem>> -> memref<128xi32, #tpu.memory_space<vmem>>
      %dma_wait3A_126 = arith.constant 0 : i32
      %dma_wait3A_127 = arith.constant 0 : i32
      %dma_wait3A_128 = tpu.memref_slice %arg2[%dma_wait3A_126, %dma_wait3A_127] : memref<20000x64xf32, #tpu.memory_space<hbm>> -> memref<20000x64xf32, #tpu.memory_space<hbm>>
      tpu.wait_indirect_dma semaphore(%arg16 : memref<!tpu.dma_semaphore, #tpu.memory_space<semaphore_mem>>) src(%dma_wait3A_128 : memref<20000x64xf32, #tpu.memory_space<hbm>>) dst(%arg11 : memref<128x64xf32, #tpu.memory_space<vmem>>)
      %dma_start3A_129 = arith.constant 0 : i32
      %dma_start3A_130 = tpu.memref_slice %arg8[%add3A_122, %dma_start3A_129] : memref<160x128xi32, #tpu.memory_space<vmem>> -> memref<1x128xi32, #tpu.memory_space<vmem>>
      %dma_start3A_131 = tpu.memref_squeeze %dma_start3A_130 : memref<1x128xi32, #tpu.memory_space<vmem>> -> memref<128xi32, #tpu.memory_space<vmem>>
      %dma_start3A_132 = arith.constant 0 : i32
      %dma_start3A_133 = arith.constant 0 : i32
      %dma_start3A_134 = tpu.memref_slice %arg13[%dma_start3A_132, %dma_start3A_133] : memref<10128x64xf32, #tpu.memory_space<vmem_shared>> -> memref<10128x64xf32, #tpu.memory_space<vmem_shared>>
      tpu.enqueue_indirect_dma source(%arg11 : memref<128x64xf32, #tpu.memory_space<vmem>>) target(%dma_start3A_134 : memref<10128x64xf32, #tpu.memory_space<vmem_shared>>) offsets(%dma_start3A_131 : memref<128xi32, #tpu.memory_space<vmem>>) semaphore(%arg20 : memref<!tpu.dma_semaphore, #tpu.memory_space<semaphore_mem>>) {add = true}
      %sub3A = arith.constant 2 : i32
      %sub3A_135 = arith.subi %add3A_122, %sub3A : i32
      %dma_wait3A_136 = arith.constant 0 : i32
      %dma_wait3A_137 = tpu.memref_slice %arg8[%sub3A_135, %dma_wait3A_136] : memref<160x128xi32, #tpu.memory_space<vmem>> -> memref<1x128xi32, #tpu.memory_space<vmem>>
      %dma_wait3A_138 = tpu.memref_squeeze %dma_wait3A_137 : memref<1x128xi32, #tpu.memory_space<vmem>> -> memref<128xi32, #tpu.memory_space<vmem>>
      %dma_wait3A_139 = arith.constant 0 : i32
      %dma_wait3A_140 = arith.constant 0 : i32
      %dma_wait3A_141 = tpu.memref_slice %arg13[%dma_wait3A_139, %dma_wait3A_140] : memref<10128x64xf32, #tpu.memory_space<vmem_shared>> -> memref<10128x64xf32, #tpu.memory_space<vmem_shared>>
      tpu.wait_indirect_dma semaphore(%arg18 : memref<!tpu.dma_semaphore, #tpu.memory_space<semaphore_mem>>) src(%arg9 : memref<128x64xf32, #tpu.memory_space<vmem>>) dst(%dma_wait3A_141 : memref<10128x64xf32, #tpu.memory_space<vmem_shared>>)
      %add3A_142 = arith.constant 2 : i32
      %add3A_143 = arith.addi %add3A_122, %add3A_142 : i32
      %dma_start3A_144 = arith.constant 0 : i32
      %dma_start3A_145 = tpu.memref_slice %arg7[%add3A_143, %dma_start3A_144] : memref<160x128xi32, #tpu.memory_space<vmem>> -> memref<1x128xi32, #tpu.memory_space<vmem>>
      %dma_start3A_146 = tpu.memref_squeeze %dma_start3A_145 : memref<1x128xi32, #tpu.memory_space<vmem>> -> memref<128xi32, #tpu.memory_space<vmem>>
      %dma_start3A_147 = arith.constant 0 : i32
      %dma_start3A_148 = arith.constant 0 : i32
      %dma_start3A_149 = tpu.memref_slice %arg2[%dma_start3A_147, %dma_start3A_148] : memref<20000x64xf32, #tpu.memory_space<hbm>> -> memref<20000x64xf32, #tpu.memory_space<hbm>>
      tpu.enqueue_indirect_dma source(%dma_start3A_149 : memref<20000x64xf32, #tpu.memory_space<hbm>>) target(%arg9 : memref<128x64xf32, #tpu.memory_space<vmem>>) offsets(%dma_start3A_146 : memref<128xi32, #tpu.memory_space<vmem>>) semaphore(%arg14 : memref<!tpu.dma_semaphore, #tpu.memory_space<semaphore_mem>>)
      %mul3A_150 = arith.constant 4 : i32
      %mul3A_151 = arith.muli %mul3A_150, %scan3A_117 : i32
      %add3A_152 = arith.constant 2 : i32
      %add3A_153 = arith.addi %mul3A_151, %add3A_152 : i32
      %add3A_154 = arith.constant 1 : i32
      %add3A_155 = arith.addi %add3A_153, %add3A_154 : i32
      %dma_wait3A_156 = arith.constant 0 : i32
      %dma_wait3A_157 = tpu.memref_slice %arg7[%add3A_155, %dma_wait3A_156] : memref<160x128xi32, #tpu.memory_space<vmem>> -> memref<1x128xi32, #tpu.memory_space<vmem>>
      %dma_wait3A_158 = tpu.memref_squeeze %dma_wait3A_157 : memref<1x128xi32, #tpu.memory_space<vmem>> -> memref<128xi32, #tpu.memory_space<vmem>>
      %dma_wait3A_159 = arith.constant 0 : i32
      %dma_wait3A_160 = arith.constant 0 : i32
      %dma_wait3A_161 = tpu.memref_slice %arg2[%dma_wait3A_159, %dma_wait3A_160] : memref<20000x64xf32, #tpu.memory_space<hbm>> -> memref<20000x64xf32, #tpu.memory_space<hbm>>
      tpu.wait_indirect_dma semaphore(%arg17 : memref<!tpu.dma_semaphore, #tpu.memory_space<semaphore_mem>>) src(%dma_wait3A_161 : memref<20000x64xf32, #tpu.memory_space<hbm>>) dst(%arg12 : memref<128x64xf32, #tpu.memory_space<vmem>>)
      %dma_start3A_162 = arith.constant 0 : i32
      %dma_start3A_163 = tpu.memref_slice %arg8[%add3A_155, %dma_start3A_162] : memref<160x128xi32, #tpu.memory_space<vmem>> -> memref<1x128xi32, #tpu.memory_space<vmem>>
      %dma_start3A_164 = tpu.memref_squeeze %dma_start3A_163 : memref<1x128xi32, #tpu.memory_space<vmem>> -> memref<128xi32, #tpu.memory_space<vmem>>
      %dma_start3A_165 = arith.constant 0 : i32
      %dma_start3A_166 = arith.constant 0 : i32
      %dma_start3A_167 = tpu.memref_slice %arg13[%dma_start3A_165, %dma_start3A_166] : memref<10128x64xf32, #tpu.memory_space<vmem_shared>> -> memref<10128x64xf32, #tpu.memory_space<vmem_shared>>
      tpu.enqueue_indirect_dma source(%arg12 : memref<128x64xf32, #tpu.memory_space<vmem>>) target(%dma_start3A_167 : memref<10128x64xf32, #tpu.memory_space<vmem_shared>>) offsets(%dma_start3A_164 : memref<128xi32, #tpu.memory_space<vmem>>) semaphore(%arg21 : memref<!tpu.dma_semaphore, #tpu.memory_space<semaphore_mem>>) {add = true}
      %sub3A_168 = arith.constant 2 : i32
      %sub3A_169 = arith.subi %add3A_155, %sub3A_168 : i32
      %dma_wait3A_170 = arith.constant 0 : i32
      %dma_wait3A_171 = tpu.memref_slice %arg8[%sub3A_169, %dma_wait3A_170] : memref<160x128xi32, #tpu.memory_space<vmem>> -> memref<1x128xi32, #tpu.memory_space<vmem>>
      %dma_wait3A_172 = tpu.memref_squeeze %dma_wait3A_171 : memref<1x128xi32, #tpu.memory_space<vmem>> -> memref<128xi32, #tpu.memory_space<vmem>>
      %dma_wait3A_173 = arith.constant 0 : i32
      %dma_wait3A_174 = arith.constant 0 : i32
      %dma_wait3A_175 = tpu.memref_slice %arg13[%dma_wait3A_173, %dma_wait3A_174] : memref<10128x64xf32, #tpu.memory_space<vmem_shared>> -> memref<10128x64xf32, #tpu.memory_space<vmem_shared>>
      tpu.wait_indirect_dma semaphore(%arg19 : memref<!tpu.dma_semaphore, #tpu.memory_space<semaphore_mem>>) src(%arg10 : memref<128x64xf32, #tpu.memory_space<vmem>>) dst(%dma_wait3A_175 : memref<10128x64xf32, #tpu.memory_space<vmem_shared>>)
      %add3A_176 = arith.constant 2 : i32
      %add3A_177 = arith.addi %add3A_155, %add3A_176 : i32
      %dma_start3A_178 = arith.constant 0 : i32
      %dma_start3A_179 = tpu.memref_slice %arg7[%add3A_177, %dma_start3A_178] : memref<160x128xi32, #tpu.memory_space<vmem>> -> memref<1x128xi32, #tpu.memory_space<vmem>>
      %dma_start3A_180 = tpu.memref_squeeze %dma_start3A_179 : memref<1x128xi32, #tpu.memory_space<vmem>> -> memref<128xi32, #tpu.memory_space<vmem>>
      %dma_start3A_181 = arith.constant 0 : i32
      %dma_start3A_182 = arith.constant 0 : i32
      %dma_start3A_183 = tpu.memref_slice %arg2[%dma_start3A_181, %dma_start3A_182] : memref<20000x64xf32, #tpu.memory_space<hbm>> -> memref<20000x64xf32, #tpu.memory_space<hbm>>
      tpu.enqueue_indirect_dma source(%dma_start3A_183 : memref<20000x64xf32, #tpu.memory_space<hbm>>) target(%arg10 : memref<128x64xf32, #tpu.memory_space<vmem>>) offsets(%dma_start3A_180 : memref<128xi32, #tpu.memory_space<vmem>>) semaphore(%arg15 : memref<!tpu.dma_semaphore, #tpu.memory_space<semaphore_mem>>)
      %mul3A_184 = arith.constant 4 : i32
      %mul3A_185 = arith.muli %mul3A_184, %scan3A_117 : i32
      %add3A_186 = arith.constant 2 : i32
      %add3A_187 = arith.addi %mul3A_185, %add3A_186 : i32
      %add3A_188 = arith.constant 2 : i32
      %add3A_189 = arith.addi %add3A_187, %add3A_188 : i32
      %dma_wait3A_190 = arith.constant 0 : i32
      %dma_wait3A_191 = tpu.memref_slice %arg7[%add3A_189, %dma_wait3A_190] : memref<160x128xi32, #tpu.memory_space<vmem>> -> memref<1x128xi32, #tpu.memory_space<vmem>>
      %dma_wait3A_192 = tpu.memref_squeeze %dma_wait3A_191 : memref<1x128xi32, #tpu.memory_space<vmem>> -> memref<128xi32, #tpu.memory_space<vmem>>
      %dma_wait3A_193 = arith.constant 0 : i32
      %dma_wait3A_194 = arith.constant 0 : i32
      %dma_wait3A_195 = tpu.memref_slice %arg2[%dma_wait3A_193, %dma_wait3A_194] : memref<20000x64xf32, #tpu.memory_space<hbm>> -> memref<20000x64xf32, #tpu.memory_space<hbm>>
      tpu.wait_indirect_dma semaphore(%arg14 : memref<!tpu.dma_semaphore, #tpu.memory_space<semaphore_mem>>) src(%dma_wait3A_195 : memref<20000x64xf32, #tpu.memory_space<hbm>>) dst(%arg9 : memref<128x64xf32, #tpu.memory_space<vmem>>)
      %dma_start3A_196 = arith.constant 0 : i32
      %dma_start3A_197 = tpu.memref_slice %arg8[%add3A_189, %dma_start3A_196] : memref<160x128xi32, #tpu.memory_space<vmem>> -> memref<1x128xi32, #tpu.memory_space<vmem>>
      %dma_start3A_198 = tpu.memref_squeeze %dma_start3A_197 : memref<1x128xi32, #tpu.memory_space<vmem>> -> memref<128xi32, #tpu.memory_space<vmem>>
      %dma_start3A_199 = arith.constant 0 : i32
      %dma_start3A_200 = arith.constant 0 : i32
      %dma_start3A_201 = tpu.memref_slice %arg13[%dma_start3A_199, %dma_start3A_200] : memref<10128x64xf32, #tpu.memory_space<vmem_shared>> -> memref<10128x64xf32, #tpu.memory_space<vmem_shared>>
      tpu.enqueue_indirect_dma source(%arg9 : memref<128x64xf32, #tpu.memory_space<vmem>>) target(%dma_start3A_201 : memref<10128x64xf32, #tpu.memory_space<vmem_shared>>) offsets(%dma_start3A_198 : memref<128xi32, #tpu.memory_space<vmem>>) semaphore(%arg18 : memref<!tpu.dma_semaphore, #tpu.memory_space<semaphore_mem>>) {add = true}
      %sub3A_202 = arith.constant 2 : i32
      %sub3A_203 = arith.subi %add3A_189, %sub3A_202 : i32
      %dma_wait3A_204 = arith.constant 0 : i32
      %dma_wait3A_205 = tpu.memref_slice %arg8[%sub3A_203, %dma_wait3A_204] : memref<160x128xi32, #tpu.memory_space<vmem>> -> memref<1x128xi32, #tpu.memory_space<vmem>>
      %dma_wait3A_206 = tpu.memref_squeeze %dma_wait3A_205 : memref<1x128xi32, #tpu.memory_space<vmem>> -> memref<128xi32, #tpu.memory_space<vmem>>
      %dma_wait3A_207 = arith.constant 0 : i32
      %dma_wait3A_208 = arith.constant 0 : i32
      %dma_wait3A_209 = tpu.memref_slice %arg13[%dma_wait3A_207, %dma_wait3A_208] : memref<10128x64xf32, #tpu.memory_space<vmem_shared>> -> memref<10128x64xf32, #tpu.memory_space<vmem_shared>>
      tpu.wait_indirect_dma semaphore(%arg20 : memref<!tpu.dma_semaphore, #tpu.memory_space<semaphore_mem>>) src(%arg11 : memref<128x64xf32, #tpu.memory_space<vmem>>) dst(%dma_wait3A_209 : memref<10128x64xf32, #tpu.memory_space<vmem_shared>>)
      %add3A_210 = arith.constant 2 : i32
      %add3A_211 = arith.addi %add3A_189, %add3A_210 : i32
      %dma_start3A_212 = arith.constant 0 : i32
      %dma_start3A_213 = tpu.memref_slice %arg7[%add3A_211, %dma_start3A_212] : memref<160x128xi32, #tpu.memory_space<vmem>> -> memref<1x128xi32, #tpu.memory_space<vmem>>
      %dma_start3A_214 = tpu.memref_squeeze %dma_start3A_213 : memref<1x128xi32, #tpu.memory_space<vmem>> -> memref<128xi32, #tpu.memory_space<vmem>>
      %dma_start3A_215 = arith.constant 0 : i32
      %dma_start3A_216 = arith.constant 0 : i32
      %dma_start3A_217 = tpu.memref_slice %arg2[%dma_start3A_215, %dma_start3A_216] : memref<20000x64xf32, #tpu.memory_space<hbm>> -> memref<20000x64xf32, #tpu.memory_space<hbm>>
      tpu.enqueue_indirect_dma source(%dma_start3A_217 : memref<20000x64xf32, #tpu.memory_space<hbm>>) target(%arg11 : memref<128x64xf32, #tpu.memory_space<vmem>>) offsets(%dma_start3A_214 : memref<128xi32, #tpu.memory_space<vmem>>) semaphore(%arg16 : memref<!tpu.dma_semaphore, #tpu.memory_space<semaphore_mem>>)
      %mul3A_218 = arith.constant 4 : i32
      %mul3A_219 = arith.muli %mul3A_218, %scan3A_117 : i32
      %add3A_220 = arith.constant 2 : i32
      %add3A_221 = arith.addi %mul3A_219, %add3A_220 : i32
      %add3A_222 = arith.constant 3 : i32
      %add3A_223 = arith.addi %add3A_221, %add3A_222 : i32
      %dma_wait3A_224 = arith.constant 0 : i32
      %dma_wait3A_225 = tpu.memref_slice %arg7[%add3A_223, %dma_wait3A_224] : memref<160x128xi32, #tpu.memory_space<vmem>> -> memref<1x128xi32, #tpu.memory_space<vmem>>
      %dma_wait3A_226 = tpu.memref_squeeze %dma_wait3A_225 : memref<1x128xi32, #tpu.memory_space<vmem>> -> memref<128xi32, #tpu.memory_space<vmem>>
      %dma_wait3A_227 = arith.constant 0 : i32
      %dma_wait3A_228 = arith.constant 0 : i32
      %dma_wait3A_229 = tpu.memref_slice %arg2[%dma_wait3A_227, %dma_wait3A_228] : memref<20000x64xf32, #tpu.memory_space<hbm>> -> memref<20000x64xf32, #tpu.memory_space<hbm>>
      tpu.wait_indirect_dma semaphore(%arg15 : memref<!tpu.dma_semaphore, #tpu.memory_space<semaphore_mem>>) src(%dma_wait3A_229 : memref<20000x64xf32, #tpu.memory_space<hbm>>) dst(%arg10 : memref<128x64xf32, #tpu.memory_space<vmem>>)
      %dma_start3A_230 = arith.constant 0 : i32
      %dma_start3A_231 = tpu.memref_slice %arg8[%add3A_223, %dma_start3A_230] : memref<160x128xi32, #tpu.memory_space<vmem>> -> memref<1x128xi32, #tpu.memory_space<vmem>>
      %dma_start3A_232 = tpu.memref_squeeze %dma_start3A_231 : memref<1x128xi32, #tpu.memory_space<vmem>> -> memref<128xi32, #tpu.memory_space<vmem>>
      %dma_start3A_233 = arith.constant 0 : i32
      %dma_start3A_234 = arith.constant 0 : i32
      %dma_start3A_235 = tpu.memref_slice %arg13[%dma_start3A_233, %dma_start3A_234] : memref<10128x64xf32, #tpu.memory_space<vmem_shared>> -> memref<10128x64xf32, #tpu.memory_space<vmem_shared>>
      tpu.enqueue_indirect_dma source(%arg10 : memref<128x64xf32, #tpu.memory_space<vmem>>) target(%dma_start3A_235 : memref<10128x64xf32, #tpu.memory_space<vmem_shared>>) offsets(%dma_start3A_232 : memref<128xi32, #tpu.memory_space<vmem>>) semaphore(%arg19 : memref<!tpu.dma_semaphore, #tpu.memory_space<semaphore_mem>>) {add = true}
      %sub3A_236 = arith.constant 2 : i32
      %sub3A_237 = arith.subi %add3A_223, %sub3A_236 : i32
      %dma_wait3A_238 = arith.constant 0 : i32
      %dma_wait3A_239 = tpu.memref_slice %arg8[%sub3A_237, %dma_wait3A_238] : memref<160x128xi32, #tpu.memory_space<vmem>> -> memref<1x128xi32, #tpu.memory_space<vmem>>
      %dma_wait3A_240 = tpu.memref_squeeze %dma_wait3A_239 : memref<1x128xi32, #tpu.memory_space<vmem>> -> memref<128xi32, #tpu.memory_space<vmem>>
      %dma_wait3A_241 = arith.constant 0 : i32
      %dma_wait3A_242 = arith.constant 0 : i32
      %dma_wait3A_243 = tpu.memref_slice %arg13[%dma_wait3A_241, %dma_wait3A_242] : memref<10128x64xf32, #tpu.memory_space<vmem_shared>> -> memref<10128x64xf32, #tpu.memory_space<vmem_shared>>
      tpu.wait_indirect_dma semaphore(%arg21 : memref<!tpu.dma_semaphore, #tpu.memory_space<semaphore_mem>>) src(%arg12 : memref<128x64xf32, #tpu.memory_space<vmem>>) dst(%dma_wait3A_243 : memref<10128x64xf32, #tpu.memory_space<vmem_shared>>)
      %add3A_244 = arith.constant 2 : i32
      %add3A_245 = arith.addi %add3A_223, %add3A_244 : i32
      %dma_start3A_246 = arith.constant 0 : i32
      %dma_start3A_247 = tpu.memref_slice %arg7[%add3A_245, %dma_start3A_246] : memref<160x128xi32, #tpu.memory_space<vmem>> -> memref<1x128xi32, #tpu.memory_space<vmem>>
      %dma_start3A_248 = tpu.memref_squeeze %dma_start3A_247 : memref<1x128xi32, #tpu.memory_space<vmem>> -> memref<128xi32, #tpu.memory_space<vmem>>
      %dma_start3A_249 = arith.constant 0 : i32
      %dma_start3A_250 = arith.constant 0 : i32
      %dma_start3A_251 = tpu.memref_slice %arg2[%dma_start3A_249, %dma_start3A_250] : memref<20000x64xf32, #tpu.memory_space<hbm>> -> memref<20000x64xf32, #tpu.memory_space<hbm>>
      tpu.enqueue_indirect_dma source(%dma_start3A_251 : memref<20000x64xf32, #tpu.memory_space<hbm>>) target(%arg12 : memref<128x64xf32, #tpu.memory_space<vmem>>) offsets(%dma_start3A_248 : memref<128xi32, #tpu.memory_space<vmem>>) semaphore(%arg17 : memref<!tpu.dma_semaphore, #tpu.memory_space<semaphore_mem>>)
    }
    %scan3A_59 = arith.constant 39 : i32
    %dma_wait3A_60 = arith.constant 158 : i32
    %dma_wait3A_61 = arith.constant 0 : i32
    %dma_wait3A_62 = tpu.memref_slice %arg7[%dma_wait3A_60, %dma_wait3A_61] : memref<160x128xi32, #tpu.memory_space<vmem>> -> memref<1x128xi32, #tpu.memory_space<vmem>>
    %dma_wait3A_63 = tpu.memref_squeeze %dma_wait3A_62 : memref<1x128xi32, #tpu.memory_space<vmem>> -> memref<128xi32, #tpu.memory_space<vmem>>
    %dma_wait3A_64 = arith.constant 0 : i32
    %dma_wait3A_65 = arith.constant 0 : i32
    %dma_wait3A_66 = tpu.memref_slice %arg2[%dma_wait3A_64, %dma_wait3A_65] : memref<20000x64xf32, #tpu.memory_space<hbm>> -> memref<20000x64xf32, #tpu.memory_space<hbm>>
    tpu.wait_indirect_dma semaphore(%arg16 : memref<!tpu.dma_semaphore, #tpu.memory_space<semaphore_mem>>) src(%dma_wait3A_66 : memref<20000x64xf32, #tpu.memory_space<hbm>>) dst(%arg11 : memref<128x64xf32, #tpu.memory_space<vmem>>)
    %dma_start3A_67 = arith.constant 158 : i32
    %dma_start3A_68 = arith.constant 0 : i32
    %dma_start3A_69 = tpu.memref_slice %arg8[%dma_start3A_67, %dma_start3A_68] : memref<160x128xi32, #tpu.memory_space<vmem>> -> memref<1x128xi32, #tpu.memory_space<vmem>>
    %dma_start3A_70 = tpu.memref_squeeze %dma_start3A_69 : memref<1x128xi32, #tpu.memory_space<vmem>> -> memref<128xi32, #tpu.memory_space<vmem>>
    %dma_start3A_71 = arith.constant 0 : i32
    %dma_start3A_72 = arith.constant 0 : i32
    %dma_start3A_73 = tpu.memref_slice %arg13[%dma_start3A_71, %dma_start3A_72] : memref<10128x64xf32, #tpu.memory_space<vmem_shared>> -> memref<10128x64xf32, #tpu.memory_space<vmem_shared>>
    tpu.enqueue_indirect_dma source(%arg11 : memref<128x64xf32, #tpu.memory_space<vmem>>) target(%dma_start3A_73 : memref<10128x64xf32, #tpu.memory_space<vmem_shared>>) offsets(%dma_start3A_70 : memref<128xi32, #tpu.memory_space<vmem>>) semaphore(%arg20 : memref<!tpu.dma_semaphore, #tpu.memory_space<semaphore_mem>>) {add = true}
    %dma_wait3A_74 = arith.constant 156 : i32
    %dma_wait3A_75 = arith.constant 0 : i32
    %dma_wait3A_76 = tpu.memref_slice %arg8[%dma_wait3A_74, %dma_wait3A_75] : memref<160x128xi32, #tpu.memory_space<vmem>> -> memref<1x128xi32, #tpu.memory_space<vmem>>
    %dma_wait3A_77 = tpu.memref_squeeze %dma_wait3A_76 : memref<1x128xi32, #tpu.memory_space<vmem>> -> memref<128xi32, #tpu.memory_space<vmem>>
    %dma_wait3A_78 = arith.constant 0 : i32
    %dma_wait3A_79 = arith.constant 0 : i32
    %dma_wait3A_80 = tpu.memref_slice %arg13[%dma_wait3A_78, %dma_wait3A_79] : memref<10128x64xf32, #tpu.memory_space<vmem_shared>> -> memref<10128x64xf32, #tpu.memory_space<vmem_shared>>
    tpu.wait_indirect_dma semaphore(%arg18 : memref<!tpu.dma_semaphore, #tpu.memory_space<semaphore_mem>>) src(%arg9 : memref<128x64xf32, #tpu.memory_space<vmem>>) dst(%dma_wait3A_80 : memref<10128x64xf32, #tpu.memory_space<vmem_shared>>)
    %dma_wait3A_81 = arith.constant 159 : i32
    %dma_wait3A_82 = arith.constant 0 : i32
    %dma_wait3A_83 = tpu.memref_slice %arg7[%dma_wait3A_81, %dma_wait3A_82] : memref<160x128xi32, #tpu.memory_space<vmem>> -> memref<1x128xi32, #tpu.memory_space<vmem>>
    %dma_wait3A_84 = tpu.memref_squeeze %dma_wait3A_83 : memref<1x128xi32, #tpu.memory_space<vmem>> -> memref<128xi32, #tpu.memory_space<vmem>>
    %dma_wait3A_85 = arith.constant 0 : i32
    %dma_wait3A_86 = arith.constant 0 : i32
    %dma_wait3A_87 = tpu.memref_slice %arg2[%dma_wait3A_85, %dma_wait3A_86] : memref<20000x64xf32, #tpu.memory_space<hbm>> -> memref<20000x64xf32, #tpu.memory_space<hbm>>
    tpu.wait_indirect_dma semaphore(%arg17 : memref<!tpu.dma_semaphore, #tpu.memory_space<semaphore_mem>>) src(%dma_wait3A_87 : memref<20000x64xf32, #tpu.memory_space<hbm>>) dst(%arg12 : memref<128x64xf32, #tpu.memory_space<vmem>>)
    %dma_start3A_88 = arith.constant 159 : i32
    %dma_start3A_89 = arith.constant 0 : i32
    %dma_start3A_90 = tpu.memref_slice %arg8[%dma_start3A_88, %dma_start3A_89] : memref<160x128xi32, #tpu.memory_space<vmem>> -> memref<1x128xi32, #tpu.memory_space<vmem>>
    %dma_start3A_91 = tpu.memref_squeeze %dma_start3A_90 : memref<1x128xi32, #tpu.memory_space<vmem>> -> memref<128xi32, #tpu.memory_space<vmem>>
    %dma_start3A_92 = arith.constant 0 : i32
    %dma_start3A_93 = arith.constant 0 : i32
    %dma_start3A_94 = tpu.memref_slice %arg13[%dma_start3A_92, %dma_start3A_93] : memref<10128x64xf32, #tpu.memory_space<vmem_shared>> -> memref<10128x64xf32, #tpu.memory_space<vmem_shared>>
    tpu.enqueue_indirect_dma source(%arg12 : memref<128x64xf32, #tpu.memory_space<vmem>>) target(%dma_start3A_94 : memref<10128x64xf32, #tpu.memory_space<vmem_shared>>) offsets(%dma_start3A_91 : memref<128xi32, #tpu.memory_space<vmem>>) semaphore(%arg21 : memref<!tpu.dma_semaphore, #tpu.memory_space<semaphore_mem>>) {add = true}
    %dma_wait3A_95 = arith.constant 157 : i32
    %dma_wait3A_96 = arith.constant 0 : i32
    %dma_wait3A_97 = tpu.memref_slice %arg8[%dma_wait3A_95, %dma_wait3A_96] : memref<160x128xi32, #tpu.memory_space<vmem>> -> memref<1x128xi32, #tpu.memory_space<vmem>>
    %dma_wait3A_98 = tpu.memref_squeeze %dma_wait3A_97 : memref<1x128xi32, #tpu.memory_space<vmem>> -> memref<128xi32, #tpu.memory_space<vmem>>
    %dma_wait3A_99 = arith.constant 0 : i32
    %dma_wait3A_100 = arith.constant 0 : i32
    %dma_wait3A_101 = tpu.memref_slice %arg13[%dma_wait3A_99, %dma_wait3A_100] : memref<10128x64xf32, #tpu.memory_space<vmem_shared>> -> memref<10128x64xf32, #tpu.memory_space<vmem_shared>>
    tpu.wait_indirect_dma semaphore(%arg19 : memref<!tpu.dma_semaphore, #tpu.memory_space<semaphore_mem>>) src(%arg10 : memref<128x64xf32, #tpu.memory_space<vmem>>) dst(%dma_wait3A_101 : memref<10128x64xf32, #tpu.memory_space<vmem_shared>>)
    %dma_wait3A_102 = arith.constant 158 : i32
    %dma_wait3A_103 = arith.constant 0 : i32
    %dma_wait3A_104 = tpu.memref_slice %arg8[%dma_wait3A_102, %dma_wait3A_103] : memref<160x128xi32, #tpu.memory_space<vmem>> -> memref<1x128xi32, #tpu.memory_space<vmem>>
    %dma_wait3A_105 = tpu.memref_squeeze %dma_wait3A_104 : memref<1x128xi32, #tpu.memory_space<vmem>> -> memref<128xi32, #tpu.memory_space<vmem>>
    %dma_wait3A_106 = arith.constant 0 : i32
    %dma_wait3A_107 = arith.constant 0 : i32
    %dma_wait3A_108 = tpu.memref_slice %arg13[%dma_wait3A_106, %dma_wait3A_107] : memref<10128x64xf32, #tpu.memory_space<vmem_shared>> -> memref<10128x64xf32, #tpu.memory_space<vmem_shared>>
    tpu.wait_indirect_dma semaphore(%arg20 : memref<!tpu.dma_semaphore, #tpu.memory_space<semaphore_mem>>) src(%arg11 : memref<128x64xf32, #tpu.memory_space<vmem>>) dst(%dma_wait3A_108 : memref<10128x64xf32, #tpu.memory_space<vmem_shared>>)
    %dma_wait3A_109 = arith.constant 159 : i32
    %dma_wait3A_110 = arith.constant 0 : i32
    %dma_wait3A_111 = tpu.memref_slice %arg8[%dma_wait3A_109, %dma_wait3A_110] : memref<160x128xi32, #tpu.memory_space<vmem>> -> memref<1x128xi32, #tpu.memory_space<vmem>>
    %dma_wait3A_112 = tpu.memref_squeeze %dma_wait3A_111 : memref<1x128xi32, #tpu.memory_space<vmem>> -> memref<128xi32, #tpu.memory_space<vmem>>
    %dma_wait3A_113 = arith.constant 0 : i32
    %dma_wait3A_114 = arith.constant 0 : i32
    %dma_wait3A_115 = tpu.memref_slice %arg13[%dma_wait3A_113, %dma_wait3A_114] : memref<10128x64xf32, #tpu.memory_space<vmem_shared>> -> memref<10128x64xf32, #tpu.memory_space<vmem_shared>>
    tpu.wait_indirect_dma semaphore(%arg21 : memref<!tpu.dma_semaphore, #tpu.memory_space<semaphore_mem>>) src(%arg12 : memref<128x64xf32, #tpu.memory_space<vmem>>) dst(%dma_wait3A_115 : memref<10128x64xf32, #tpu.memory_space<vmem_shared>>)
    %barrier3A_116 = arith.constant 0 : index
    tpu.barrier barrier_id(%barrier3A_116)
    "tpu.region"() ({
      %run_scoped3A = tpu.sem_alloc : memref<!tpu.dma_semaphore, #tpu.memory_space<semaphore_mem>>
      %dma_start3A_117 = arith.constant 0 : i32
      %dma_start3A_118 = tpu.memref_slice %arg6[%arg0, %mul3A_0, %dma_start3A_117] : memref<2x10112x64xf32, #tpu.memory_space<hbm>> -> memref<1x632x64xf32, #tpu.memory_space<hbm>>
      %dma_start3A_119 = tpu.memref_squeeze %dma_start3A_118 : memref<1x632x64xf32, #tpu.memory_space<hbm>> -> memref<632x64xf32, #tpu.memory_space<hbm>>
      %dma_start3A_120 = arith.constant 0 : i32
      %dma_start3A_121 = tpu.memref_slice %arg13[%mul3A_0, %dma_start3A_120] : memref<10128x64xf32, #tpu.memory_space<vmem_shared>> -> memref<632x64xf32, #tpu.memory_space<vmem_shared>>
      tpu.enqueue_dma source(%dma_start3A_121 : memref<632x64xf32, #tpu.memory_space<vmem_shared>>) target(%dma_start3A_119 : memref<632x64xf32, #tpu.memory_space<hbm>>) target_semaphore(%run_scoped3A : memref<!tpu.dma_semaphore, #tpu.memory_space<semaphore_mem>>)
      %dma_wait3A_122 = arith.constant 0 : i32
      %dma_wait3A_123 = tpu.memref_slice %arg6[%arg0, %mul3A_0, %dma_wait3A_122] : memref<2x10112x64xf32, #tpu.memory_space<hbm>> -> memref<1x632x64xf32, #tpu.memory_space<hbm>>
      %dma_wait3A_124 = tpu.memref_squeeze %dma_wait3A_123 : memref<1x632x64xf32, #tpu.memory_space<hbm>> -> memref<632x64xf32, #tpu.memory_space<hbm>>
      %dma_wait3A_125 = arith.constant 0 : i32
      %dma_wait3A_126 = tpu.memref_slice %arg13[%mul3A_0, %dma_wait3A_125] : memref<10128x64xf32, #tpu.memory_space<vmem_shared>> -> memref<632x64xf32, #tpu.memory_space<vmem_shared>>
      tpu.wait_dma2 semaphore(%run_scoped3A : memref<!tpu.dma_semaphore, #tpu.memory_space<semaphore_mem>>) src(%dma_wait3A_126 : memref<632x64xf32, #tpu.memory_space<vmem_shared>>) dst(%dma_wait3A_124 : memref<632x64xf32, #tpu.memory_space<hbm>>)
      tpu.yield
    }) : () -> ()
    return
  }
}

#map = affine_map<(d0, d1) -> (0, 0)>
#map1 = affine_map<(d0, d1) -> (0, 0, 0, 0)>
#map2 = affine_map<(d0, d1) -> (0, 0, 0)>
module attributes {stable_mosaic.version = 14 : i64} {
  func.func @_spmm_body(%arg0: i32, %arg1: i32, %arg2: memref<20000x64xf32, #tpu.memory_space<hbm>>, %arg3: memref<2x16x160x128xi32, #tpu.memory_space<hbm>>, %arg4: memref<2x16x160x128xi32, #tpu.memory_space<hbm>>, %arg5: memref<10112x64xf32, #tpu.memory_space<hbm>>, %arg6: memref<2x10112x64xf32, #tpu.memory_space<hbm>>, %arg7: memref<160x128xi32, #tpu.memory_space<vmem>>, %arg8: memref<160x128xi32, #tpu.memory_space<vmem>>, %arg9: memref<128x64xf32, #tpu.memory_space<vmem>>, %arg10: memref<128x64xf32, #tpu.memory_space<vmem>>, %arg11: memref<128x64xf32, #tpu.memory_space<vmem>>, %arg12: memref<128x64xf32, #tpu.memory_space<vmem>>, %arg13: memref<10128x64xf32, #tpu.memory_space<vmem_shared>>, %arg14: memref<!tpu.dma_semaphore, #tpu.memory_space<semaphore_mem>>, %arg15: memref<!tpu.dma_semaphore, #tpu.memory_space<semaphore_mem>>, %arg16: memref<!tpu.dma_semaphore, #tpu.memory_space<semaphore_mem>>, %arg17: memref<!tpu.dma_semaphore, #tpu.memory_space<semaphore_mem>>, %arg18: memref<!tpu.dma_semaphore, #tpu.memory_space<semaphore_mem>>, %arg19: memref<!tpu.dma_semaphore, #tpu.memory_space<semaphore_mem>>, %arg20: memref<!tpu.dma_semaphore, #tpu.memory_space<semaphore_mem>>, %arg21: memref<!tpu.dma_semaphore, #tpu.memory_space<semaphore_mem>>) attributes {dimension_semantics = [#tpu.dimension_semantics<core_parallel>, #tpu.dimension_semantics<subcore_parallel>], iteration_bounds = array<i64: 2, 16>, scalar_prefetch = 0 : i64, scratch_operands = 15 : i64, tpu.core_type = #tpu.core_type<sc_vector_subcore>, window_params = [{transform_indices = #map}, {transform_indices = #map1}, {transform_indices = #map1}, {transform_indices = #map}, {transform_indices = #map2}]} {
    %mul3A = arith.constant 632 : i32
    %mul3A_0 = arith.muli %arg1, %mul3A : i32
    "tpu.region"() ({
      %run_scoped3A = tpu.sem_alloc : memref<!tpu.dma_semaphore, #tpu.memory_space<semaphore_mem>>
      %dma_start3A_117 = arith.constant 0 : i32
      %dma_start3A_118 = tpu.memref_slice %arg13[%mul3A_0, %dma_start3A_117] : memref<10128x64xf32, #tpu.memory_space<vmem_shared>> -> memref<632x64xf32, #tpu.memory_space<vmem_shared>>
      %dma_start3A_119 = arith.constant 0 : i32
      %dma_start3A_120 = tpu.memref_slice %arg5[%mul3A_0, %dma_start3A_119] : memref<10112x64xf32, #tpu.memory_space<hbm>> -> memref<632x64xf32, #tpu.memory_space<hbm>>
      tpu.enqueue_dma source(%dma_start3A_120 : memref<632x64xf32, #tpu.memory_space<hbm>>) target(%dma_start3A_118 : memref<632x64xf32, #tpu.memory_space<vmem_shared>>) target_semaphore(%run_scoped3A : memref<!tpu.dma_semaphore, #tpu.memory_space<semaphore_mem>>)
      %dma_wait3A_121 = arith.constant 0 : i32
      %dma_wait3A_122 = tpu.memref_slice %arg13[%mul3A_0, %dma_wait3A_121] : memref<10128x64xf32, #tpu.memory_space<vmem_shared>> -> memref<632x64xf32, #tpu.memory_space<vmem_shared>>
      %dma_wait3A_123 = arith.constant 0 : i32
      %dma_wait3A_124 = tpu.memref_slice %arg5[%mul3A_0, %dma_wait3A_123] : memref<10112x64xf32, #tpu.memory_space<hbm>> -> memref<632x64xf32, #tpu.memory_space<hbm>>
      tpu.wait_dma2 semaphore(%run_scoped3A : memref<!tpu.dma_semaphore, #tpu.memory_space<semaphore_mem>>) src(%dma_wait3A_124 : memref<632x64xf32, #tpu.memory_space<hbm>>) dst(%dma_wait3A_122 : memref<632x64xf32, #tpu.memory_space<vmem_shared>>)
      tpu.yield
    }) : () -> ()
    "tpu.region"() ({
      %run_scoped3A = tpu.sem_alloc : memref<!tpu.dma_semaphore, #tpu.memory_space<semaphore_mem>>
      %dma_start3A_117 = arith.constant 0 : i32
      %dma_start3A_118 = arith.constant 0 : i32
      %dma_start3A_119 = tpu.memref_slice %arg3[%arg0, %arg1, %dma_start3A_117, %dma_start3A_118] : memref<2x16x160x128xi32, #tpu.memory_space<hbm>> -> memref<1x1x160x128xi32, #tpu.memory_space<hbm>>
      %dma_start3A_120 = tpu.memref_squeeze %dma_start3A_119 : memref<1x1x160x128xi32, #tpu.memory_space<hbm>> -> memref<160x128xi32, #tpu.memory_space<hbm>>
      %dma_start3A_121 = arith.constant 0 : i32
      %dma_start3A_122 = arith.constant 0 : i32
      %dma_start3A_123 = tpu.memref_slice %arg3[%arg0, %arg1, %dma_start3A_121, %dma_start3A_122] : memref<2x16x160x128xi32, #tpu.memory_space<hbm>> -> memref<1x1x160x128xi32, #tpu.memory_space<hbm>>
      %dma_start3A_124 = tpu.memref_squeeze %dma_start3A_123 : memref<1x1x160x128xi32, #tpu.memory_space<hbm>> -> memref<160x128xi32, #tpu.memory_space<hbm>>
      tpu.enqueue_dma source(%dma_start3A_124 : memref<160x128xi32, #tpu.memory_space<hbm>>) target(%arg7 : memref<160x128xi32, #tpu.memory_space<vmem>>) target_semaphore(%run_scoped3A : memref<!tpu.dma_semaphore, #tpu.memory_space<semaphore_mem>>)
      %dma_wait3A_125 = arith.constant 0 : i32
      %dma_wait3A_126 = arith.constant 0 : i32
      %dma_wait3A_127 = tpu.memref_slice %arg3[%arg0, %arg1, %dma_wait3A_125, %dma_wait3A_126] : memref<2x16x160x128xi32, #tpu.memory_space<hbm>> -> memref<1x1x160x128xi32, #tpu.memory_space<hbm>>
      %dma_wait3A_128 = tpu.memref_squeeze %dma_wait3A_127 : memref<1x1x160x128xi32, #tpu.memory_space<hbm>> -> memref<160x128xi32, #tpu.memory_space<hbm>>
      %dma_wait3A_129 = arith.constant 0 : i32
      %dma_wait3A_130 = arith.constant 0 : i32
      %dma_wait3A_131 = tpu.memref_slice %arg3[%arg0, %arg1, %dma_wait3A_129, %dma_wait3A_130] : memref<2x16x160x128xi32, #tpu.memory_space<hbm>> -> memref<1x1x160x128xi32, #tpu.memory_space<hbm>>
      %dma_wait3A_132 = tpu.memref_squeeze %dma_wait3A_131 : memref<1x1x160x128xi32, #tpu.memory_space<hbm>> -> memref<160x128xi32, #tpu.memory_space<hbm>>
      tpu.wait_dma2 semaphore(%run_scoped3A : memref<!tpu.dma_semaphore, #tpu.memory_space<semaphore_mem>>) src(%dma_wait3A_132 : memref<160x128xi32, #tpu.memory_space<hbm>>) dst(%arg7 : memref<160x128xi32, #tpu.memory_space<vmem>>)
      tpu.yield
    }) : () -> ()
    "tpu.region"() ({
      %run_scoped3A = tpu.sem_alloc : memref<!tpu.dma_semaphore, #tpu.memory_space<semaphore_mem>>
      %dma_start3A_117 = arith.constant 0 : i32
      %dma_start3A_118 = arith.constant 0 : i32
      %dma_start3A_119 = tpu.memref_slice %arg4[%arg0, %arg1, %dma_start3A_117, %dma_start3A_118] : memref<2x16x160x128xi32, #tpu.memory_space<hbm>> -> memref<1x1x160x128xi32, #tpu.memory_space<hbm>>
      %dma_start3A_120 = tpu.memref_squeeze %dma_start3A_119 : memref<1x1x160x128xi32, #tpu.memory_space<hbm>> -> memref<160x128xi32, #tpu.memory_space<hbm>>
      %dma_start3A_121 = arith.constant 0 : i32
      %dma_start3A_122 = arith.constant 0 : i32
      %dma_start3A_123 = tpu.memref_slice %arg4[%arg0, %arg1, %dma_start3A_121, %dma_start3A_122] : memref<2x16x160x128xi32, #tpu.memory_space<hbm>> -> memref<1x1x160x128xi32, #tpu.memory_space<hbm>>
      %dma_start3A_124 = tpu.memref_squeeze %dma_start3A_123 : memref<1x1x160x128xi32, #tpu.memory_space<hbm>> -> memref<160x128xi32, #tpu.memory_space<hbm>>
      tpu.enqueue_dma source(%dma_start3A_124 : memref<160x128xi32, #tpu.memory_space<hbm>>) target(%arg8 : memref<160x128xi32, #tpu.memory_space<vmem>>) target_semaphore(%run_scoped3A : memref<!tpu.dma_semaphore, #tpu.memory_space<semaphore_mem>>)
      %dma_wait3A_125 = arith.constant 0 : i32
      %dma_wait3A_126 = arith.constant 0 : i32
      %dma_wait3A_127 = tpu.memref_slice %arg4[%arg0, %arg1, %dma_wait3A_125, %dma_wait3A_126] : memref<2x16x160x128xi32, #tpu.memory_space<hbm>> -> memref<1x1x160x128xi32, #tpu.memory_space<hbm>>
      %dma_wait3A_128 = tpu.memref_squeeze %dma_wait3A_127 : memref<1x1x160x128xi32, #tpu.memory_space<hbm>> -> memref<160x128xi32, #tpu.memory_space<hbm>>
      %dma_wait3A_129 = arith.constant 0 : i32
      %dma_wait3A_130 = arith.constant 0 : i32
      %dma_wait3A_131 = tpu.memref_slice %arg4[%arg0, %arg1, %dma_wait3A_129, %dma_wait3A_130] : memref<2x16x160x128xi32, #tpu.memory_space<hbm>> -> memref<1x1x160x128xi32, #tpu.memory_space<hbm>>
      %dma_wait3A_132 = tpu.memref_squeeze %dma_wait3A_131 : memref<1x1x160x128xi32, #tpu.memory_space<hbm>> -> memref<160x128xi32, #tpu.memory_space<hbm>>
      tpu.wait_dma2 semaphore(%run_scoped3A : memref<!tpu.dma_semaphore, #tpu.memory_space<semaphore_mem>>) src(%dma_wait3A_132 : memref<160x128xi32, #tpu.memory_space<hbm>>) dst(%arg8 : memref<160x128xi32, #tpu.memory_space<vmem>>)
      tpu.yield
    }) : () -> ()
    %barrier3A = arith.constant 0 : index
    tpu.barrier barrier_id(%barrier3A)
    %dma_start3A = arith.constant 0 : i32
    %dma_start3A_1 = arith.constant 0 : i32
    %dma_start3A_2 = tpu.memref_slice %arg7[%dma_start3A, %dma_start3A_1] : memref<160x128xi32, #tpu.memory_space<vmem>> -> memref<1x128xi32, #tpu.memory_space<vmem>>
    %dma_start3A_3 = tpu.memref_squeeze %dma_start3A_2 : memref<1x128xi32, #tpu.memory_space<vmem>> -> memref<128xi32, #tpu.memory_space<vmem>>
    %dma_start3A_4 = arith.constant 0 : i32
    %dma_start3A_5 = arith.constant 0 : i32
    %dma_start3A_6 = tpu.memref_slice %arg2[%dma_start3A_4, %dma_start3A_5] : memref<20000x64xf32, #tpu.memory_space<hbm>> -> memref<20000x64xf32, #tpu.memory_space<hbm>>
    tpu.enqueue_indirect_dma source(%dma_start3A_6 : memref<20000x64xf32, #tpu.memory_space<hbm>>) target(%arg9 : memref<128x64xf32, #tpu.memory_space<vmem>>) offsets(%dma_start3A_3 : memref<128xi32, #tpu.memory_space<vmem>>) semaphore(%arg14 : memref<!tpu.dma_semaphore, #tpu.memory_space<semaphore_mem>>)
    %dma_start3A_7 = arith.constant 1 : i32
    %dma_start3A_8 = arith.constant 0 : i32
    %dma_start3A_9 = tpu.memref_slice %arg7[%dma_start3A_7, %dma_start3A_8] : memref<160x128xi32, #tpu.memory_space<vmem>> -> memref<1x128xi32, #tpu.memory_space<vmem>>
    %dma_start3A_10 = tpu.memref_squeeze %dma_start3A_9 : memref<1x128xi32, #tpu.memory_space<vmem>> -> memref<128xi32, #tpu.memory_space<vmem>>
    %dma_start3A_11 = arith.constant 0 : i32
    %dma_start3A_12 = arith.constant 0 : i32
    %dma_start3A_13 = tpu.memref_slice %arg2[%dma_start3A_11, %dma_start3A_12] : memref<20000x64xf32, #tpu.memory_space<hbm>> -> memref<20000x64xf32, #tpu.memory_space<hbm>>
    tpu.enqueue_indirect_dma source(%dma_start3A_13 : memref<20000x64xf32, #tpu.memory_space<hbm>>) target(%arg10 : memref<128x64xf32, #tpu.memory_space<vmem>>) offsets(%dma_start3A_10 : memref<128xi32, #tpu.memory_space<vmem>>) semaphore(%arg15 : memref<!tpu.dma_semaphore, #tpu.memory_space<semaphore_mem>>)
    %dma_wait3A = arith.constant 0 : i32
    %dma_wait3A_14 = arith.constant 0 : i32
    %dma_wait3A_15 = tpu.memref_slice %arg7[%dma_wait3A, %dma_wait3A_14] : memref<160x128xi32, #tpu.memory_space<vmem>> -> memref<1x128xi32, #tpu.memory_space<vmem>>
    %dma_wait3A_16 = tpu.memref_squeeze %dma_wait3A_15 : memref<1x128xi32, #tpu.memory_space<vmem>> -> memref<128xi32, #tpu.memory_space<vmem>>
    %dma_wait3A_17 = arith.constant 0 : i32
    %dma_wait3A_18 = arith.constant 0 : i32
    %dma_wait3A_19 = tpu.memref_slice %arg2[%dma_wait3A_17, %dma_wait3A_18] : memref<20000x64xf32, #tpu.memory_space<hbm>> -> memref<20000x64xf32, #tpu.memory_space<hbm>>
    tpu.wait_indirect_dma semaphore(%arg14 : memref<!tpu.dma_semaphore, #tpu.memory_space<semaphore_mem>>) src(%dma_wait3A_19 : memref<20000x64xf32, #tpu.memory_space<hbm>>) dst(%arg9 : memref<128x64xf32, #tpu.memory_space<vmem>>)
    %dma_start3A_20 = arith.constant 0 : i32
    %dma_start3A_21 = arith.constant 0 : i32
    %dma_start3A_22 = tpu.memref_slice %arg8[%dma_start3A_20, %dma_start3A_21] : memref<160x128xi32, #tpu.memory_space<vmem>> -> memref<1x128xi32, #tpu.memory_space<vmem>>
    %dma_start3A_23 = tpu.memref_squeeze %dma_start3A_22 : memref<1x128xi32, #tpu.memory_space<vmem>> -> memref<128xi32, #tpu.memory_space<vmem>>
    %dma_start3A_24 = arith.constant 0 : i32
    %dma_start3A_25 = arith.constant 0 : i32
    %dma_start3A_26 = tpu.memref_slice %arg13[%dma_start3A_24, %dma_start3A_25] : memref<10128x64xf32, #tpu.memory_space<vmem_shared>> -> memref<10128x64xf32, #tpu.memory_space<vmem_shared>>
    tpu.enqueue_indirect_dma source(%arg9 : memref<128x64xf32, #tpu.memory_space<vmem>>) target(%dma_start3A_26 : memref<10128x64xf32, #tpu.memory_space<vmem_shared>>) offsets(%dma_start3A_23 : memref<128xi32, #tpu.memory_space<vmem>>) semaphore(%arg18 : memref<!tpu.dma_semaphore, #tpu.memory_space<semaphore_mem>>) {add = true}
    %dma_start3A_27 = arith.constant 2 : i32
    %dma_start3A_28 = arith.constant 0 : i32
    %dma_start3A_29 = tpu.memref_slice %arg7[%dma_start3A_27, %dma_start3A_28] : memref<160x128xi32, #tpu.memory_space<vmem>> -> memref<1x128xi32, #tpu.memory_space<vmem>>
    %dma_start3A_30 = tpu.memref_squeeze %dma_start3A_29 : memref<1x128xi32, #tpu.memory_space<vmem>> -> memref<128xi32, #tpu.memory_space<vmem>>
    %dma_start3A_31 = arith.constant 0 : i32
    %dma_start3A_32 = arith.constant 0 : i32
    %dma_start3A_33 = tpu.memref_slice %arg2[%dma_start3A_31, %dma_start3A_32] : memref<20000x64xf32, #tpu.memory_space<hbm>> -> memref<20000x64xf32, #tpu.memory_space<hbm>>
    tpu.enqueue_indirect_dma source(%dma_start3A_33 : memref<20000x64xf32, #tpu.memory_space<hbm>>) target(%arg11 : memref<128x64xf32, #tpu.memory_space<vmem>>) offsets(%dma_start3A_30 : memref<128xi32, #tpu.memory_space<vmem>>) semaphore(%arg16 : memref<!tpu.dma_semaphore, #tpu.memory_space<semaphore_mem>>)
    %dma_wait3A_34 = arith.constant 1 : i32
    %dma_wait3A_35 = arith.constant 0 : i32
    %dma_wait3A_36 = tpu.memref_slice %arg7[%dma_wait3A_34, %dma_wait3A_35] : memref<160x128xi32, #tpu.memory_space<vmem>> -> memref<1x128xi32, #tpu.memory_space<vmem>>
    %dma_wait3A_37 = tpu.memref_squeeze %dma_wait3A_36 : memref<1x128xi32, #tpu.memory_space<vmem>> -> memref<128xi32, #tpu.memory_space<vmem>>
    %dma_wait3A_38 = arith.constant 0 : i32
    %dma_wait3A_39 = arith.constant 0 : i32
    %dma_wait3A_40 = tpu.memref_slice %arg2[%dma_wait3A_38, %dma_wait3A_39] : memref<20000x64xf32, #tpu.memory_space<hbm>> -> memref<20000x64xf32, #tpu.memory_space<hbm>>
    tpu.wait_indirect_dma semaphore(%arg15 : memref<!tpu.dma_semaphore, #tpu.memory_space<semaphore_mem>>) src(%dma_wait3A_40 : memref<20000x64xf32, #tpu.memory_space<hbm>>) dst(%arg10 : memref<128x64xf32, #tpu.memory_space<vmem>>)
    %dma_start3A_41 = arith.constant 1 : i32
    %dma_start3A_42 = arith.constant 0 : i32
    %dma_start3A_43 = tpu.memref_slice %arg8[%dma_start3A_41, %dma_start3A_42] : memref<160x128xi32, #tpu.memory_space<vmem>> -> memref<1x128xi32, #tpu.memory_space<vmem>>
    %dma_start3A_44 = tpu.memref_squeeze %dma_start3A_43 : memref<1x128xi32, #tpu.memory_space<vmem>> -> memref<128xi32, #tpu.memory_space<vmem>>
    %dma_start3A_45 = arith.constant 0 : i32
    %dma_start3A_46 = arith.constant 0 : i32
    %dma_start3A_47 = tpu.memref_slice %arg13[%dma_start3A_45, %dma_start3A_46] : memref<10128x64xf32, #tpu.memory_space<vmem_shared>> -> memref<10128x64xf32, #tpu.memory_space<vmem_shared>>
    tpu.enqueue_indirect_dma source(%arg10 : memref<128x64xf32, #tpu.memory_space<vmem>>) target(%dma_start3A_47 : memref<10128x64xf32, #tpu.memory_space<vmem_shared>>) offsets(%dma_start3A_44 : memref<128xi32, #tpu.memory_space<vmem>>) semaphore(%arg19 : memref<!tpu.dma_semaphore, #tpu.memory_space<semaphore_mem>>) {add = true}
    %dma_start3A_48 = arith.constant 3 : i32
    %dma_start3A_49 = arith.constant 0 : i32
    %dma_start3A_50 = tpu.memref_slice %arg7[%dma_start3A_48, %dma_start3A_49] : memref<160x128xi32, #tpu.memory_space<vmem>> -> memref<1x128xi32, #tpu.memory_space<vmem>>
    %dma_start3A_51 = tpu.memref_squeeze %dma_start3A_50 : memref<1x128xi32, #tpu.memory_space<vmem>> -> memref<128xi32, #tpu.memory_space<vmem>>
    %dma_start3A_52 = arith.constant 0 : i32
    %dma_start3A_53 = arith.constant 0 : i32
    %dma_start3A_54 = tpu.memref_slice %arg2[%dma_start3A_52, %dma_start3A_53] : memref<20000x64xf32, #tpu.memory_space<hbm>> -> memref<20000x64xf32, #tpu.memory_space<hbm>>
    tpu.enqueue_indirect_dma source(%dma_start3A_54 : memref<20000x64xf32, #tpu.memory_space<hbm>>) target(%arg12 : memref<128x64xf32, #tpu.memory_space<vmem>>) offsets(%dma_start3A_51 : memref<128xi32, #tpu.memory_space<vmem>>) semaphore(%arg17 : memref<!tpu.dma_semaphore, #tpu.memory_space<semaphore_mem>>)
    %scan3A = arith.constant 0 : i32
    %scan3A_55 = arith.constant 0 : i32
    %scan3A_56 = arith.constant 39 : i32
    %scan3A_57 = arith.addi %scan3A_55, %scan3A_56 : i32
    %scan3A_58 = arith.constant 1 : i32
    scf.for %scan3A_117 = %scan3A_55 to %scan3A_57 step %scan3A_58  : i32 {
      %mul3A_118 = arith.constant 4 : i32
      %mul3A_119 = arith.muli %mul3A_118, %scan3A_117 : i32
      %add3A = arith.constant 2 : i32
      %add3A_120 = arith.addi %mul3A_119, %add3A : i32
      %add3A_121 = arith.constant 0 : i32
      %add3A_122 = arith.addi %add3A_120, %add3A_121 : i32
      %dma_wait3A_123 = arith.constant 0 : i32
      %dma_wait3A_124 = tpu.memref_slice %arg7[%add3A_122, %dma_wait3A_123] : memref<160x128xi32, #tpu.memory_space<vmem>> -> memref<1x128xi32, #tpu.memory_space<vmem>>
      %dma_wait3A_125 = tpu.memref_squeeze %dma_wait3A_124 : memref<1x128xi32, #tpu.memory_space<vmem>> -> memref<128xi32, #tpu.memory_space<vmem>>
      %dma_wait3A_126 = arith.constant 0 : i32
      %dma_wait3A_127 = arith.constant 0 : i32
      %dma_wait3A_128 = tpu.memref_slice %arg2[%dma_wait3A_126, %dma_wait3A_127] : memref<20000x64xf32, #tpu.memory_space<hbm>> -> memref<20000x64xf32, #tpu.memory_space<hbm>>
      tpu.wait_indirect_dma semaphore(%arg16 : memref<!tpu.dma_semaphore, #tpu.memory_space<semaphore_mem>>) src(%dma_wait3A_128 : memref<20000x64xf32, #tpu.memory_space<hbm>>) dst(%arg11 : memref<128x64xf32, #tpu.memory_space<vmem>>)
      %dma_start3A_129 = arith.constant 0 : i32
      %dma_start3A_130 = tpu.memref_slice %arg8[%add3A_122, %dma_start3A_129] : memref<160x128xi32, #tpu.memory_space<vmem>> -> memref<1x128xi32, #tpu.memory_space<vmem>>
      %dma_start3A_131 = tpu.memref_squeeze %dma_start3A_130 : memref<1x128xi32, #tpu.memory_space<vmem>> -> memref<128xi32, #tpu.memory_space<vmem>>
      %dma_start3A_132 = arith.constant 0 : i32
      %dma_start3A_133 = arith.constant 0 : i32
      %dma_start3A_134 = tpu.memref_slice %arg13[%dma_start3A_132, %dma_start3A_133] : memref<10128x64xf32, #tpu.memory_space<vmem_shared>> -> memref<10128x64xf32, #tpu.memory_space<vmem_shared>>
      tpu.enqueue_indirect_dma source(%arg11 : memref<128x64xf32, #tpu.memory_space<vmem>>) target(%dma_start3A_134 : memref<10128x64xf32, #tpu.memory_space<vmem_shared>>) offsets(%dma_start3A_131 : memref<128xi32, #tpu.memory_space<vmem>>) semaphore(%arg20 : memref<!tpu.dma_semaphore, #tpu.memory_space<semaphore_mem>>) {add = true}
      %sub3A = arith.constant 2 : i32
      %sub3A_135 = arith.subi %add3A_122, %sub3A : i32
      %dma_wait3A_136 = arith.constant 0 : i32
      %dma_wait3A_137 = tpu.memref_slice %arg8[%sub3A_135, %dma_wait3A_136] : memref<160x128xi32, #tpu.memory_space<vmem>> -> memref<1x128xi32, #tpu.memory_space<vmem>>
      %dma_wait3A_138 = tpu.memref_squeeze %dma_wait3A_137 : memref<1x128xi32, #tpu.memory_space<vmem>> -> memref<128xi32, #tpu.memory_space<vmem>>
      %dma_wait3A_139 = arith.constant 0 : i32
      %dma_wait3A_140 = arith.constant 0 : i32
      %dma_wait3A_141 = tpu.memref_slice %arg13[%dma_wait3A_139, %dma_wait3A_140] : memref<10128x64xf32, #tpu.memory_space<vmem_shared>> -> memref<10128x64xf32, #tpu.memory_space<vmem_shared>>
      tpu.wait_indirect_dma semaphore(%arg18 : memref<!tpu.dma_semaphore, #tpu.memory_space<semaphore_mem>>) src(%arg9 : memref<128x64xf32, #tpu.memory_space<vmem>>) dst(%dma_wait3A_141 : memref<10128x64xf32, #tpu.memory_space<vmem_shared>>)
      %add3A_142 = arith.constant 2 : i32
      %add3A_143 = arith.addi %add3A_122, %add3A_142 : i32
      %dma_start3A_144 = arith.constant 0 : i32
      %dma_start3A_145 = tpu.memref_slice %arg7[%add3A_143, %dma_start3A_144] : memref<160x128xi32, #tpu.memory_space<vmem>> -> memref<1x128xi32, #tpu.memory_space<vmem>>
      %dma_start3A_146 = tpu.memref_squeeze %dma_start3A_145 : memref<1x128xi32, #tpu.memory_space<vmem>> -> memref<128xi32, #tpu.memory_space<vmem>>
      %dma_start3A_147 = arith.constant 0 : i32
      %dma_start3A_148 = arith.constant 0 : i32
      %dma_start3A_149 = tpu.memref_slice %arg2[%dma_start3A_147, %dma_start3A_148] : memref<20000x64xf32, #tpu.memory_space<hbm>> -> memref<20000x64xf32, #tpu.memory_space<hbm>>
      tpu.enqueue_indirect_dma source(%dma_start3A_149 : memref<20000x64xf32, #tpu.memory_space<hbm>>) target(%arg9 : memref<128x64xf32, #tpu.memory_space<vmem>>) offsets(%dma_start3A_146 : memref<128xi32, #tpu.memory_space<vmem>>) semaphore(%arg14 : memref<!tpu.dma_semaphore, #tpu.memory_space<semaphore_mem>>)
      %mul3A_150 = arith.constant 4 : i32
      %mul3A_151 = arith.muli %mul3A_150, %scan3A_117 : i32
      %add3A_152 = arith.constant 2 : i32
      %add3A_153 = arith.addi %mul3A_151, %add3A_152 : i32
      %add3A_154 = arith.constant 1 : i32
      %add3A_155 = arith.addi %add3A_153, %add3A_154 : i32
      %dma_wait3A_156 = arith.constant 0 : i32
      %dma_wait3A_157 = tpu.memref_slice %arg7[%add3A_155, %dma_wait3A_156] : memref<160x128xi32, #tpu.memory_space<vmem>> -> memref<1x128xi32, #tpu.memory_space<vmem>>
      %dma_wait3A_158 = tpu.memref_squeeze %dma_wait3A_157 : memref<1x128xi32, #tpu.memory_space<vmem>> -> memref<128xi32, #tpu.memory_space<vmem>>
      %dma_wait3A_159 = arith.constant 0 : i32
      %dma_wait3A_160 = arith.constant 0 : i32
      %dma_wait3A_161 = tpu.memref_slice %arg2[%dma_wait3A_159, %dma_wait3A_160] : memref<20000x64xf32, #tpu.memory_space<hbm>> -> memref<20000x64xf32, #tpu.memory_space<hbm>>
      tpu.wait_indirect_dma semaphore(%arg17 : memref<!tpu.dma_semaphore, #tpu.memory_space<semaphore_mem>>) src(%dma_wait3A_161 : memref<20000x64xf32, #tpu.memory_space<hbm>>) dst(%arg12 : memref<128x64xf32, #tpu.memory_space<vmem>>)
      %dma_start3A_162 = arith.constant 0 : i32
      %dma_start3A_163 = tpu.memref_slice %arg8[%add3A_155, %dma_start3A_162] : memref<160x128xi32, #tpu.memory_space<vmem>> -> memref<1x128xi32, #tpu.memory_space<vmem>>
      %dma_start3A_164 = tpu.memref_squeeze %dma_start3A_163 : memref<1x128xi32, #tpu.memory_space<vmem>> -> memref<128xi32, #tpu.memory_space<vmem>>
      %dma_start3A_165 = arith.constant 0 : i32
      %dma_start3A_166 = arith.constant 0 : i32
      %dma_start3A_167 = tpu.memref_slice %arg13[%dma_start3A_165, %dma_start3A_166] : memref<10128x64xf32, #tpu.memory_space<vmem_shared>> -> memref<10128x64xf32, #tpu.memory_space<vmem_shared>>
      tpu.enqueue_indirect_dma source(%arg12 : memref<128x64xf32, #tpu.memory_space<vmem>>) target(%dma_start3A_167 : memref<10128x64xf32, #tpu.memory_space<vmem_shared>>) offsets(%dma_start3A_164 : memref<128xi32, #tpu.memory_space<vmem>>) semaphore(%arg21 : memref<!tpu.dma_semaphore, #tpu.memory_space<semaphore_mem>>) {add = true}
      %sub3A_168 = arith.constant 2 : i32
      %sub3A_169 = arith.subi %add3A_155, %sub3A_168 : i32
      %dma_wait3A_170 = arith.constant 0 : i32
      %dma_wait3A_171 = tpu.memref_slice %arg8[%sub3A_169, %dma_wait3A_170] : memref<160x128xi32, #tpu.memory_space<vmem>> -> memref<1x128xi32, #tpu.memory_space<vmem>>
      %dma_wait3A_172 = tpu.memref_squeeze %dma_wait3A_171 : memref<1x128xi32, #tpu.memory_space<vmem>> -> memref<128xi32, #tpu.memory_space<vmem>>
      %dma_wait3A_173 = arith.constant 0 : i32
      %dma_wait3A_174 = arith.constant 0 : i32
      %dma_wait3A_175 = tpu.memref_slice %arg13[%dma_wait3A_173, %dma_wait3A_174] : memref<10128x64xf32, #tpu.memory_space<vmem_shared>> -> memref<10128x64xf32, #tpu.memory_space<vmem_shared>>
      tpu.wait_indirect_dma semaphore(%arg19 : memref<!tpu.dma_semaphore, #tpu.memory_space<semaphore_mem>>) src(%arg10 : memref<128x64xf32, #tpu.memory_space<vmem>>) dst(%dma_wait3A_175 : memref<10128x64xf32, #tpu.memory_space<vmem_shared>>)
      %add3A_176 = arith.constant 2 : i32
      %add3A_177 = arith.addi %add3A_155, %add3A_176 : i32
      %dma_start3A_178 = arith.constant 0 : i32
      %dma_start3A_179 = tpu.memref_slice %arg7[%add3A_177, %dma_start3A_178] : memref<160x128xi32, #tpu.memory_space<vmem>> -> memref<1x128xi32, #tpu.memory_space<vmem>>
      %dma_start3A_180 = tpu.memref_squeeze %dma_start3A_179 : memref<1x128xi32, #tpu.memory_space<vmem>> -> memref<128xi32, #tpu.memory_space<vmem>>
      %dma_start3A_181 = arith.constant 0 : i32
      %dma_start3A_182 = arith.constant 0 : i32
      %dma_start3A_183 = tpu.memref_slice %arg2[%dma_start3A_181, %dma_start3A_182] : memref<20000x64xf32, #tpu.memory_space<hbm>> -> memref<20000x64xf32, #tpu.memory_space<hbm>>
      tpu.enqueue_indirect_dma source(%dma_start3A_183 : memref<20000x64xf32, #tpu.memory_space<hbm>>) target(%arg10 : memref<128x64xf32, #tpu.memory_space<vmem>>) offsets(%dma_start3A_180 : memref<128xi32, #tpu.memory_space<vmem>>) semaphore(%arg15 : memref<!tpu.dma_semaphore, #tpu.memory_space<semaphore_mem>>)
      %mul3A_184 = arith.constant 4 : i32
      %mul3A_185 = arith.muli %mul3A_184, %scan3A_117 : i32
      %add3A_186 = arith.constant 2 : i32
      %add3A_187 = arith.addi %mul3A_185, %add3A_186 : i32
      %add3A_188 = arith.constant 2 : i32
      %add3A_189 = arith.addi %add3A_187, %add3A_188 : i32
      %dma_wait3A_190 = arith.constant 0 : i32
      %dma_wait3A_191 = tpu.memref_slice %arg7[%add3A_189, %dma_wait3A_190] : memref<160x128xi32, #tpu.memory_space<vmem>> -> memref<1x128xi32, #tpu.memory_space<vmem>>
      %dma_wait3A_192 = tpu.memref_squeeze %dma_wait3A_191 : memref<1x128xi32, #tpu.memory_space<vmem>> -> memref<128xi32, #tpu.memory_space<vmem>>
      %dma_wait3A_193 = arith.constant 0 : i32
      %dma_wait3A_194 = arith.constant 0 : i32
      %dma_wait3A_195 = tpu.memref_slice %arg2[%dma_wait3A_193, %dma_wait3A_194] : memref<20000x64xf32, #tpu.memory_space<hbm>> -> memref<20000x64xf32, #tpu.memory_space<hbm>>
      tpu.wait_indirect_dma semaphore(%arg14 : memref<!tpu.dma_semaphore, #tpu.memory_space<semaphore_mem>>) src(%dma_wait3A_195 : memref<20000x64xf32, #tpu.memory_space<hbm>>) dst(%arg9 : memref<128x64xf32, #tpu.memory_space<vmem>>)
      %dma_start3A_196 = arith.constant 0 : i32
      %dma_start3A_197 = tpu.memref_slice %arg8[%add3A_189, %dma_start3A_196] : memref<160x128xi32, #tpu.memory_space<vmem>> -> memref<1x128xi32, #tpu.memory_space<vmem>>
      %dma_start3A_198 = tpu.memref_squeeze %dma_start3A_197 : memref<1x128xi32, #tpu.memory_space<vmem>> -> memref<128xi32, #tpu.memory_space<vmem>>
      %dma_start3A_199 = arith.constant 0 : i32
      %dma_start3A_200 = arith.constant 0 : i32
      %dma_start3A_201 = tpu.memref_slice %arg13[%dma_start3A_199, %dma_start3A_200] : memref<10128x64xf32, #tpu.memory_space<vmem_shared>> -> memref<10128x64xf32, #tpu.memory_space<vmem_shared>>
      tpu.enqueue_indirect_dma source(%arg9 : memref<128x64xf32, #tpu.memory_space<vmem>>) target(%dma_start3A_201 : memref<10128x64xf32, #tpu.memory_space<vmem_shared>>) offsets(%dma_start3A_198 : memref<128xi32, #tpu.memory_space<vmem>>) semaphore(%arg18 : memref<!tpu.dma_semaphore, #tpu.memory_space<semaphore_mem>>) {add = true}
      %sub3A_202 = arith.constant 2 : i32
      %sub3A_203 = arith.subi %add3A_189, %sub3A_202 : i32
      %dma_wait3A_204 = arith.constant 0 : i32
      %dma_wait3A_205 = tpu.memref_slice %arg8[%sub3A_203, %dma_wait3A_204] : memref<160x128xi32, #tpu.memory_space<vmem>> -> memref<1x128xi32, #tpu.memory_space<vmem>>
      %dma_wait3A_206 = tpu.memref_squeeze %dma_wait3A_205 : memref<1x128xi32, #tpu.memory_space<vmem>> -> memref<128xi32, #tpu.memory_space<vmem>>
      %dma_wait3A_207 = arith.constant 0 : i32
      %dma_wait3A_208 = arith.constant 0 : i32
      %dma_wait3A_209 = tpu.memref_slice %arg13[%dma_wait3A_207, %dma_wait3A_208] : memref<10128x64xf32, #tpu.memory_space<vmem_shared>> -> memref<10128x64xf32, #tpu.memory_space<vmem_shared>>
      tpu.wait_indirect_dma semaphore(%arg20 : memref<!tpu.dma_semaphore, #tpu.memory_space<semaphore_mem>>) src(%arg11 : memref<128x64xf32, #tpu.memory_space<vmem>>) dst(%dma_wait3A_209 : memref<10128x64xf32, #tpu.memory_space<vmem_shared>>)
      %add3A_210 = arith.constant 2 : i32
      %add3A_211 = arith.addi %add3A_189, %add3A_210 : i32
      %dma_start3A_212 = arith.constant 0 : i32
      %dma_start3A_213 = tpu.memref_slice %arg7[%add3A_211, %dma_start3A_212] : memref<160x128xi32, #tpu.memory_space<vmem>> -> memref<1x128xi32, #tpu.memory_space<vmem>>
      %dma_start3A_214 = tpu.memref_squeeze %dma_start3A_213 : memref<1x128xi32, #tpu.memory_space<vmem>> -> memref<128xi32, #tpu.memory_space<vmem>>
      %dma_start3A_215 = arith.constant 0 : i32
      %dma_start3A_216 = arith.constant 0 : i32
      %dma_start3A_217 = tpu.memref_slice %arg2[%dma_start3A_215, %dma_start3A_216] : memref<20000x64xf32, #tpu.memory_space<hbm>> -> memref<20000x64xf32, #tpu.memory_space<hbm>>
      tpu.enqueue_indirect_dma source(%dma_start3A_217 : memref<20000x64xf32, #tpu.memory_space<hbm>>) target(%arg11 : memref<128x64xf32, #tpu.memory_space<vmem>>) offsets(%dma_start3A_214 : memref<128xi32, #tpu.memory_space<vmem>>) semaphore(%arg16 : memref<!tpu.dma_semaphore, #tpu.memory_space<semaphore_mem>>)
      %mul3A_218 = arith.constant 4 : i32
      %mul3A_219 = arith.muli %mul3A_218, %scan3A_117 : i32
      %add3A_220 = arith.constant 2 : i32
      %add3A_221 = arith.addi %mul3A_219, %add3A_220 : i32
      %add3A_222 = arith.constant 3 : i32
      %add3A_223 = arith.addi %add3A_221, %add3A_222 : i32
      %dma_wait3A_224 = arith.constant 0 : i32
      %dma_wait3A_225 = tpu.memref_slice %arg7[%add3A_223, %dma_wait3A_224] : memref<160x128xi32, #tpu.memory_space<vmem>> -> memref<1x128xi32, #tpu.memory_space<vmem>>
      %dma_wait3A_226 = tpu.memref_squeeze %dma_wait3A_225 : memref<1x128xi32, #tpu.memory_space<vmem>> -> memref<128xi32, #tpu.memory_space<vmem>>
      %dma_wait3A_227 = arith.constant 0 : i32
      %dma_wait3A_228 = arith.constant 0 : i32
      %dma_wait3A_229 = tpu.memref_slice %arg2[%dma_wait3A_227, %dma_wait3A_228] : memref<20000x64xf32, #tpu.memory_space<hbm>> -> memref<20000x64xf32, #tpu.memory_space<hbm>>
      tpu.wait_indirect_dma semaphore(%arg15 : memref<!tpu.dma_semaphore, #tpu.memory_space<semaphore_mem>>) src(%dma_wait3A_229 : memref<20000x64xf32, #tpu.memory_space<hbm>>) dst(%arg10 : memref<128x64xf32, #tpu.memory_space<vmem>>)
      %dma_start3A_230 = arith.constant 0 : i32
      %dma_start3A_231 = tpu.memref_slice %arg8[%add3A_223, %dma_start3A_230] : memref<160x128xi32, #tpu.memory_space<vmem>> -> memref<1x128xi32, #tpu.memory_space<vmem>>
      %dma_start3A_232 = tpu.memref_squeeze %dma_start3A_231 : memref<1x128xi32, #tpu.memory_space<vmem>> -> memref<128xi32, #tpu.memory_space<vmem>>
      %dma_start3A_233 = arith.constant 0 : i32
      %dma_start3A_234 = arith.constant 0 : i32
      %dma_start3A_235 = tpu.memref_slice %arg13[%dma_start3A_233, %dma_start3A_234] : memref<10128x64xf32, #tpu.memory_space<vmem_shared>> -> memref<10128x64xf32, #tpu.memory_space<vmem_shared>>
      tpu.enqueue_indirect_dma source(%arg10 : memref<128x64xf32, #tpu.memory_space<vmem>>) target(%dma_start3A_235 : memref<10128x64xf32, #tpu.memory_space<vmem_shared>>) offsets(%dma_start3A_232 : memref<128xi32, #tpu.memory_space<vmem>>) semaphore(%arg19 : memref<!tpu.dma_semaphore, #tpu.memory_space<semaphore_mem>>) {add = true}
      %sub3A_236 = arith.constant 2 : i32
      %sub3A_237 = arith.subi %add3A_223, %sub3A_236 : i32
      %dma_wait3A_238 = arith.constant 0 : i32
      %dma_wait3A_239 = tpu.memref_slice %arg8[%sub3A_237, %dma_wait3A_238] : memref<160x128xi32, #tpu.memory_space<vmem>> -> memref<1x128xi32, #tpu.memory_space<vmem>>
      %dma_wait3A_240 = tpu.memref_squeeze %dma_wait3A_239 : memref<1x128xi32, #tpu.memory_space<vmem>> -> memref<128xi32, #tpu.memory_space<vmem>>
      %dma_wait3A_241 = arith.constant 0 : i32
      %dma_wait3A_242 = arith.constant 0 : i32
      %dma_wait3A_243 = tpu.memref_slice %arg13[%dma_wait3A_241, %dma_wait3A_242] : memref<10128x64xf32, #tpu.memory_space<vmem_shared>> -> memref<10128x64xf32, #tpu.memory_space<vmem_shared>>
      tpu.wait_indirect_dma semaphore(%arg21 : memref<!tpu.dma_semaphore, #tpu.memory_space<semaphore_mem>>) src(%arg12 : memref<128x64xf32, #tpu.memory_space<vmem>>) dst(%dma_wait3A_243 : memref<10128x64xf32, #tpu.memory_space<vmem_shared>>)
      %add3A_244 = arith.constant 2 : i32
      %add3A_245 = arith.addi %add3A_223, %add3A_244 : i32
      %dma_start3A_246 = arith.constant 0 : i32
      %dma_start3A_247 = tpu.memref_slice %arg7[%add3A_245, %dma_start3A_246] : memref<160x128xi32, #tpu.memory_space<vmem>> -> memref<1x128xi32, #tpu.memory_space<vmem>>
      %dma_start3A_248 = tpu.memref_squeeze %dma_start3A_247 : memref<1x128xi32, #tpu.memory_space<vmem>> -> memref<128xi32, #tpu.memory_space<vmem>>
      %dma_start3A_249 = arith.constant 0 : i32
      %dma_start3A_250 = arith.constant 0 : i32
      %dma_start3A_251 = tpu.memref_slice %arg2[%dma_start3A_249, %dma_start3A_250] : memref<20000x64xf32, #tpu.memory_space<hbm>> -> memref<20000x64xf32, #tpu.memory_space<hbm>>
      tpu.enqueue_indirect_dma source(%dma_start3A_251 : memref<20000x64xf32, #tpu.memory_space<hbm>>) target(%arg12 : memref<128x64xf32, #tpu.memory_space<vmem>>) offsets(%dma_start3A_248 : memref<128xi32, #tpu.memory_space<vmem>>) semaphore(%arg17 : memref<!tpu.dma_semaphore, #tpu.memory_space<semaphore_mem>>)
    }
    %scan3A_59 = arith.constant 39 : i32
    %dma_wait3A_60 = arith.constant 158 : i32
    %dma_wait3A_61 = arith.constant 0 : i32
    %dma_wait3A_62 = tpu.memref_slice %arg7[%dma_wait3A_60, %dma_wait3A_61] : memref<160x128xi32, #tpu.memory_space<vmem>> -> memref<1x128xi32, #tpu.memory_space<vmem>>
    %dma_wait3A_63 = tpu.memref_squeeze %dma_wait3A_62 : memref<1x128xi32, #tpu.memory_space<vmem>> -> memref<128xi32, #tpu.memory_space<vmem>>
    %dma_wait3A_64 = arith.constant 0 : i32
    %dma_wait3A_65 = arith.constant 0 : i32
    %dma_wait3A_66 = tpu.memref_slice %arg2[%dma_wait3A_64, %dma_wait3A_65] : memref<20000x64xf32, #tpu.memory_space<hbm>> -> memref<20000x64xf32, #tpu.memory_space<hbm>>
    tpu.wait_indirect_dma semaphore(%arg16 : memref<!tpu.dma_semaphore, #tpu.memory_space<semaphore_mem>>) src(%dma_wait3A_66 : memref<20000x64xf32, #tpu.memory_space<hbm>>) dst(%arg11 : memref<128x64xf32, #tpu.memory_space<vmem>>)
    %dma_start3A_67 = arith.constant 158 : i32
    %dma_start3A_68 = arith.constant 0 : i32
    %dma_start3A_69 = tpu.memref_slice %arg8[%dma_start3A_67, %dma_start3A_68] : memref<160x128xi32, #tpu.memory_space<vmem>> -> memref<1x128xi32, #tpu.memory_space<vmem>>
    %dma_start3A_70 = tpu.memref_squeeze %dma_start3A_69 : memref<1x128xi32, #tpu.memory_space<vmem>> -> memref<128xi32, #tpu.memory_space<vmem>>
    %dma_start3A_71 = arith.constant 0 : i32
    %dma_start3A_72 = arith.constant 0 : i32
    %dma_start3A_73 = tpu.memref_slice %arg13[%dma_start3A_71, %dma_start3A_72] : memref<10128x64xf32, #tpu.memory_space<vmem_shared>> -> memref<10128x64xf32, #tpu.memory_space<vmem_shared>>
    tpu.enqueue_indirect_dma source(%arg11 : memref<128x64xf32, #tpu.memory_space<vmem>>) target(%dma_start3A_73 : memref<10128x64xf32, #tpu.memory_space<vmem_shared>>) offsets(%dma_start3A_70 : memref<128xi32, #tpu.memory_space<vmem>>) semaphore(%arg20 : memref<!tpu.dma_semaphore, #tpu.memory_space<semaphore_mem>>) {add = true}
    %dma_wait3A_74 = arith.constant 156 : i32
    %dma_wait3A_75 = arith.constant 0 : i32
    %dma_wait3A_76 = tpu.memref_slice %arg8[%dma_wait3A_74, %dma_wait3A_75] : memref<160x128xi32, #tpu.memory_space<vmem>> -> memref<1x128xi32, #tpu.memory_space<vmem>>
    %dma_wait3A_77 = tpu.memref_squeeze %dma_wait3A_76 : memref<1x128xi32, #tpu.memory_space<vmem>> -> memref<128xi32, #tpu.memory_space<vmem>>
    %dma_wait3A_78 = arith.constant 0 : i32
    %dma_wait3A_79 = arith.constant 0 : i32
    %dma_wait3A_80 = tpu.memref_slice %arg13[%dma_wait3A_78, %dma_wait3A_79] : memref<10128x64xf32, #tpu.memory_space<vmem_shared>> -> memref<10128x64xf32, #tpu.memory_space<vmem_shared>>
    tpu.wait_indirect_dma semaphore(%arg18 : memref<!tpu.dma_semaphore, #tpu.memory_space<semaphore_mem>>) src(%arg9 : memref<128x64xf32, #tpu.memory_space<vmem>>) dst(%dma_wait3A_80 : memref<10128x64xf32, #tpu.memory_space<vmem_shared>>)
    %dma_wait3A_81 = arith.constant 159 : i32
    %dma_wait3A_82 = arith.constant 0 : i32
    %dma_wait3A_83 = tpu.memref_slice %arg7[%dma_wait3A_81, %dma_wait3A_82] : memref<160x128xi32, #tpu.memory_space<vmem>> -> memref<1x128xi32, #tpu.memory_space<vmem>>
    %dma_wait3A_84 = tpu.memref_squeeze %dma_wait3A_83 : memref<1x128xi32, #tpu.memory_space<vmem>> -> memref<128xi32, #tpu.memory_space<vmem>>
    %dma_wait3A_85 = arith.constant 0 : i32
    %dma_wait3A_86 = arith.constant 0 : i32
    %dma_wait3A_87 = tpu.memref_slice %arg2[%dma_wait3A_85, %dma_wait3A_86] : memref<20000x64xf32, #tpu.memory_space<hbm>> -> memref<20000x64xf32, #tpu.memory_space<hbm>>
    tpu.wait_indirect_dma semaphore(%arg17 : memref<!tpu.dma_semaphore, #tpu.memory_space<semaphore_mem>>) src(%dma_wait3A_87 : memref<20000x64xf32, #tpu.memory_space<hbm>>) dst(%arg12 : memref<128x64xf32, #tpu.memory_space<vmem>>)
    %dma_start3A_88 = arith.constant 159 : i32
    %dma_start3A_89 = arith.constant 0 : i32
    %dma_start3A_90 = tpu.memref_slice %arg8[%dma_start3A_88, %dma_start3A_89] : memref<160x128xi32, #tpu.memory_space<vmem>> -> memref<1x128xi32, #tpu.memory_space<vmem>>
    %dma_start3A_91 = tpu.memref_squeeze %dma_start3A_90 : memref<1x128xi32, #tpu.memory_space<vmem>> -> memref<128xi32, #tpu.memory_space<vmem>>
    %dma_start3A_92 = arith.constant 0 : i32
    %dma_start3A_93 = arith.constant 0 : i32
    %dma_start3A_94 = tpu.memref_slice %arg13[%dma_start3A_92, %dma_start3A_93] : memref<10128x64xf32, #tpu.memory_space<vmem_shared>> -> memref<10128x64xf32, #tpu.memory_space<vmem_shared>>
    tpu.enqueue_indirect_dma source(%arg12 : memref<128x64xf32, #tpu.memory_space<vmem>>) target(%dma_start3A_94 : memref<10128x64xf32, #tpu.memory_space<vmem_shared>>) offsets(%dma_start3A_91 : memref<128xi32, #tpu.memory_space<vmem>>) semaphore(%arg21 : memref<!tpu.dma_semaphore, #tpu.memory_space<semaphore_mem>>) {add = true}
    %dma_wait3A_95 = arith.constant 157 : i32
    %dma_wait3A_96 = arith.constant 0 : i32
    %dma_wait3A_97 = tpu.memref_slice %arg8[%dma_wait3A_95, %dma_wait3A_96] : memref<160x128xi32, #tpu.memory_space<vmem>> -> memref<1x128xi32, #tpu.memory_space<vmem>>
    %dma_wait3A_98 = tpu.memref_squeeze %dma_wait3A_97 : memref<1x128xi32, #tpu.memory_space<vmem>> -> memref<128xi32, #tpu.memory_space<vmem>>
    %dma_wait3A_99 = arith.constant 0 : i32
    %dma_wait3A_100 = arith.constant 0 : i32
    %dma_wait3A_101 = tpu.memref_slice %arg13[%dma_wait3A_99, %dma_wait3A_100] : memref<10128x64xf32, #tpu.memory_space<vmem_shared>> -> memref<10128x64xf32, #tpu.memory_space<vmem_shared>>
    tpu.wait_indirect_dma semaphore(%arg19 : memref<!tpu.dma_semaphore, #tpu.memory_space<semaphore_mem>>) src(%arg10 : memref<128x64xf32, #tpu.memory_space<vmem>>) dst(%dma_wait3A_101 : memref<10128x64xf32, #tpu.memory_space<vmem_shared>>)
    %dma_wait3A_102 = arith.constant 158 : i32
    %dma_wait3A_103 = arith.constant 0 : i32
    %dma_wait3A_104 = tpu.memref_slice %arg8[%dma_wait3A_102, %dma_wait3A_103] : memref<160x128xi32, #tpu.memory_space<vmem>> -> memref<1x128xi32, #tpu.memory_space<vmem>>
    %dma_wait3A_105 = tpu.memref_squeeze %dma_wait3A_104 : memref<1x128xi32, #tpu.memory_space<vmem>> -> memref<128xi32, #tpu.memory_space<vmem>>
    %dma_wait3A_106 = arith.constant 0 : i32
    %dma_wait3A_107 = arith.constant 0 : i32
    %dma_wait3A_108 = tpu.memref_slice %arg13[%dma_wait3A_106, %dma_wait3A_107] : memref<10128x64xf32, #tpu.memory_space<vmem_shared>> -> memref<10128x64xf32, #tpu.memory_space<vmem_shared>>
    tpu.wait_indirect_dma semaphore(%arg20 : memref<!tpu.dma_semaphore, #tpu.memory_space<semaphore_mem>>) src(%arg11 : memref<128x64xf32, #tpu.memory_space<vmem>>) dst(%dma_wait3A_108 : memref<10128x64xf32, #tpu.memory_space<vmem_shared>>)
    %dma_wait3A_109 = arith.constant 159 : i32
    %dma_wait3A_110 = arith.constant 0 : i32
    %dma_wait3A_111 = tpu.memref_slice %arg8[%dma_wait3A_109, %dma_wait3A_110] : memref<160x128xi32, #tpu.memory_space<vmem>> -> memref<1x128xi32, #tpu.memory_space<vmem>>
    %dma_wait3A_112 = tpu.memref_squeeze %dma_wait3A_111 : memref<1x128xi32, #tpu.memory_space<vmem>> -> memref<128xi32, #tpu.memory_space<vmem>>
    %dma_wait3A_113 = arith.constant 0 : i32
    %dma_wait3A_114 = arith.constant 0 : i32
    %dma_wait3A_115 = tpu.memref_slice %arg13[%dma_wait3A_113, %dma_wait3A_114] : memref<10128x64xf32, #tpu.memory_space<vmem_shared>> -> memref<10128x64xf32, #tpu.memory_space<vmem_shared>>
    tpu.wait_indirect_dma semaphore(%arg21 : memref<!tpu.dma_semaphore, #tpu.memory_space<semaphore_mem>>) src(%arg12 : memref<128x64xf32, #tpu.memory_space<vmem>>) dst(%dma_wait3A_115 : memref<10128x64xf32, #tpu.memory_space<vmem_shared>>)
    %barrier3A_116 = arith.constant 0 : index
    tpu.barrier barrier_id(%barrier3A_116)
    "tpu.region"() ({
      %run_scoped3A = tpu.sem_alloc : memref<!tpu.dma_semaphore, #tpu.memory_space<semaphore_mem>>
      %dma_start3A_117 = arith.constant 0 : i32
      %dma_start3A_118 = tpu.memref_slice %arg6[%arg0, %mul3A_0, %dma_start3A_117] : memref<2x10112x64xf32, #tpu.memory_space<hbm>> -> memref<1x632x64xf32, #tpu.memory_space<hbm>>
      %dma_start3A_119 = tpu.memref_squeeze %dma_start3A_118 : memref<1x632x64xf32, #tpu.memory_space<hbm>> -> memref<632x64xf32, #tpu.memory_space<hbm>>
      %dma_start3A_120 = arith.constant 0 : i32
      %dma_start3A_121 = tpu.memref_slice %arg13[%mul3A_0, %dma_start3A_120] : memref<10128x64xf32, #tpu.memory_space<vmem_shared>> -> memref<632x64xf32, #tpu.memory_space<vmem_shared>>
      tpu.enqueue_dma source(%dma_start3A_121 : memref<632x64xf32, #tpu.memory_space<vmem_shared>>) target(%dma_start3A_119 : memref<632x64xf32, #tpu.memory_space<hbm>>) target_semaphore(%run_scoped3A : memref<!tpu.dma_semaphore, #tpu.memory_space<semaphore_mem>>)
      %dma_wait3A_122 = arith.constant 0 : i32
      %dma_wait3A_123 = tpu.memref_slice %arg6[%arg0, %mul3A_0, %dma_wait3A_122] : memref<2x10112x64xf32, #tpu.memory_space<hbm>> -> memref<1x632x64xf32, #tpu.memory_space<hbm>>
      %dma_wait3A_124 = tpu.memref_squeeze %dma_wait3A_123 : memref<1x632x64xf32, #tpu.memory_space<hbm>> -> memref<632x64xf32, #tpu.memory_space<hbm>>
      %dma_wait3A_125 = arith.constant 0 : i32
      %dma_wait3A_126 = tpu.memref_slice %arg13[%mul3A_0, %dma_wait3A_125] : memref<10128x64xf32, #tpu.memory_space<vmem_shared>> -> memref<632x64xf32, #tpu.memory_space<vmem_shared>>
      tpu.wait_dma2 semaphore(%run_scoped3A : memref<!tpu.dma_semaphore, #tpu.memory_space<semaphore_mem>>) src(%dma_wait3A_126 : memref<632x64xf32, #tpu.memory_space<vmem_shared>>) dst(%dma_wait3A_124 : memref<632x64xf32, #tpu.memory_space<hbm>>)
      tpu.yield
    }) : () -> ()
    return
  }
}

#map = affine_map<(d0, d1) -> (0, 0)>
#map1 = affine_map<(d0, d1) -> (0, 0, 0, 0)>
#map2 = affine_map<(d0, d1) -> (0, 0, 0)>
module attributes {stable_mosaic.version = 14 : i64} {
  func.func @_spmm_body(%arg0: i32, %arg1: i32, %arg2: memref<20000x64xf32, #tpu.memory_space<hbm>>, %arg3: memref<2x16x160x128xi32, #tpu.memory_space<hbm>>, %arg4: memref<2x16x160x128xi32, #tpu.memory_space<hbm>>, %arg5: memref<10112x64xf32, #tpu.memory_space<hbm>>, %arg6: memref<2x10112x64xf32, #tpu.memory_space<hbm>>, %arg7: memref<160x128xi32, #tpu.memory_space<vmem>>, %arg8: memref<160x128xi32, #tpu.memory_space<vmem>>, %arg9: memref<128x64xf32, #tpu.memory_space<vmem>>, %arg10: memref<128x64xf32, #tpu.memory_space<vmem>>, %arg11: memref<128x64xf32, #tpu.memory_space<vmem>>, %arg12: memref<128x64xf32, #tpu.memory_space<vmem>>, %arg13: memref<10128x64xf32, #tpu.memory_space<vmem_shared>>, %arg14: memref<!tpu.dma_semaphore, #tpu.memory_space<semaphore_mem>>, %arg15: memref<!tpu.dma_semaphore, #tpu.memory_space<semaphore_mem>>, %arg16: memref<!tpu.dma_semaphore, #tpu.memory_space<semaphore_mem>>, %arg17: memref<!tpu.dma_semaphore, #tpu.memory_space<semaphore_mem>>, %arg18: memref<!tpu.dma_semaphore, #tpu.memory_space<semaphore_mem>>, %arg19: memref<!tpu.dma_semaphore, #tpu.memory_space<semaphore_mem>>, %arg20: memref<!tpu.dma_semaphore, #tpu.memory_space<semaphore_mem>>, %arg21: memref<!tpu.dma_semaphore, #tpu.memory_space<semaphore_mem>>) attributes {dimension_semantics = [#tpu.dimension_semantics<core_parallel>, #tpu.dimension_semantics<subcore_parallel>], iteration_bounds = array<i64: 2, 16>, scalar_prefetch = 0 : i64, scratch_operands = 15 : i64, tpu.core_type = #tpu.core_type<sc_vector_subcore>, window_params = [{transform_indices = #map}, {transform_indices = #map1}, {transform_indices = #map1}, {transform_indices = #map}, {transform_indices = #map2}]} {
    %mul3A = arith.constant 632 : i32
    %mul3A_0 = arith.muli %arg1, %mul3A : i32
    "tpu.region"() ({
      %run_scoped3A = tpu.sem_alloc : memref<!tpu.dma_semaphore, #tpu.memory_space<semaphore_mem>>
      %dma_start3A_117 = arith.constant 0 : i32
      %dma_start3A_118 = tpu.memref_slice %arg13[%mul3A_0, %dma_start3A_117] : memref<10128x64xf32, #tpu.memory_space<vmem_shared>> -> memref<632x64xf32, #tpu.memory_space<vmem_shared>>
      %dma_start3A_119 = arith.constant 0 : i32
      %dma_start3A_120 = tpu.memref_slice %arg5[%mul3A_0, %dma_start3A_119] : memref<10112x64xf32, #tpu.memory_space<hbm>> -> memref<632x64xf32, #tpu.memory_space<hbm>>
      tpu.enqueue_dma source(%dma_start3A_120 : memref<632x64xf32, #tpu.memory_space<hbm>>) target(%dma_start3A_118 : memref<632x64xf32, #tpu.memory_space<vmem_shared>>) target_semaphore(%run_scoped3A : memref<!tpu.dma_semaphore, #tpu.memory_space<semaphore_mem>>)
      %dma_wait3A_121 = arith.constant 0 : i32
      %dma_wait3A_122 = tpu.memref_slice %arg13[%mul3A_0, %dma_wait3A_121] : memref<10128x64xf32, #tpu.memory_space<vmem_shared>> -> memref<632x64xf32, #tpu.memory_space<vmem_shared>>
      %dma_wait3A_123 = arith.constant 0 : i32
      %dma_wait3A_124 = tpu.memref_slice %arg5[%mul3A_0, %dma_wait3A_123] : memref<10112x64xf32, #tpu.memory_space<hbm>> -> memref<632x64xf32, #tpu.memory_space<hbm>>
      tpu.wait_dma2 semaphore(%run_scoped3A : memref<!tpu.dma_semaphore, #tpu.memory_space<semaphore_mem>>) src(%dma_wait3A_124 : memref<632x64xf32, #tpu.memory_space<hbm>>) dst(%dma_wait3A_122 : memref<632x64xf32, #tpu.memory_space<vmem_shared>>)
      tpu.yield
    }) : () -> ()
    "tpu.region"() ({
      %run_scoped3A = tpu.sem_alloc : memref<!tpu.dma_semaphore, #tpu.memory_space<semaphore_mem>>
      %dma_start3A_117 = arith.constant 0 : i32
      %dma_start3A_118 = arith.constant 0 : i32
      %dma_start3A_119 = tpu.memref_slice %arg3[%arg0, %arg1, %dma_start3A_117, %dma_start3A_118] : memref<2x16x160x128xi32, #tpu.memory_space<hbm>> -> memref<1x1x160x128xi32, #tpu.memory_space<hbm>>
      %dma_start3A_120 = tpu.memref_squeeze %dma_start3A_119 : memref<1x1x160x128xi32, #tpu.memory_space<hbm>> -> memref<160x128xi32, #tpu.memory_space<hbm>>
      %dma_start3A_121 = arith.constant 0 : i32
      %dma_start3A_122 = arith.constant 0 : i32
      %dma_start3A_123 = tpu.memref_slice %arg3[%arg0, %arg1, %dma_start3A_121, %dma_start3A_122] : memref<2x16x160x128xi32, #tpu.memory_space<hbm>> -> memref<1x1x160x128xi32, #tpu.memory_space<hbm>>
      %dma_start3A_124 = tpu.memref_squeeze %dma_start3A_123 : memref<1x1x160x128xi32, #tpu.memory_space<hbm>> -> memref<160x128xi32, #tpu.memory_space<hbm>>
      tpu.enqueue_dma source(%dma_start3A_124 : memref<160x128xi32, #tpu.memory_space<hbm>>) target(%arg7 : memref<160x128xi32, #tpu.memory_space<vmem>>) target_semaphore(%run_scoped3A : memref<!tpu.dma_semaphore, #tpu.memory_space<semaphore_mem>>)
      %dma_wait3A_125 = arith.constant 0 : i32
      %dma_wait3A_126 = arith.constant 0 : i32
      %dma_wait3A_127 = tpu.memref_slice %arg3[%arg0, %arg1, %dma_wait3A_125, %dma_wait3A_126] : memref<2x16x160x128xi32, #tpu.memory_space<hbm>> -> memref<1x1x160x128xi32, #tpu.memory_space<hbm>>
      %dma_wait3A_128 = tpu.memref_squeeze %dma_wait3A_127 : memref<1x1x160x128xi32, #tpu.memory_space<hbm>> -> memref<160x128xi32, #tpu.memory_space<hbm>>
      %dma_wait3A_129 = arith.constant 0 : i32
      %dma_wait3A_130 = arith.constant 0 : i32
      %dma_wait3A_131 = tpu.memref_slice %arg3[%arg0, %arg1, %dma_wait3A_129, %dma_wait3A_130] : memref<2x16x160x128xi32, #tpu.memory_space<hbm>> -> memref<1x1x160x128xi32, #tpu.memory_space<hbm>>
      %dma_wait3A_132 = tpu.memref_squeeze %dma_wait3A_131 : memref<1x1x160x128xi32, #tpu.memory_space<hbm>> -> memref<160x128xi32, #tpu.memory_space<hbm>>
      tpu.wait_dma2 semaphore(%run_scoped3A : memref<!tpu.dma_semaphore, #tpu.memory_space<semaphore_mem>>) src(%dma_wait3A_132 : memref<160x128xi32, #tpu.memory_space<hbm>>) dst(%arg7 : memref<160x128xi32, #tpu.memory_space<vmem>>)
      tpu.yield
    }) : () -> ()
    "tpu.region"() ({
      %run_scoped3A = tpu.sem_alloc : memref<!tpu.dma_semaphore, #tpu.memory_space<semaphore_mem>>
      %dma_start3A_117 = arith.constant 0 : i32
      %dma_start3A_118 = arith.constant 0 : i32
      %dma_start3A_119 = tpu.memref_slice %arg4[%arg0, %arg1, %dma_start3A_117, %dma_start3A_118] : memref<2x16x160x128xi32, #tpu.memory_space<hbm>> -> memref<1x1x160x128xi32, #tpu.memory_space<hbm>>
      %dma_start3A_120 = tpu.memref_squeeze %dma_start3A_119 : memref<1x1x160x128xi32, #tpu.memory_space<hbm>> -> memref<160x128xi32, #tpu.memory_space<hbm>>
      %dma_start3A_121 = arith.constant 0 : i32
      %dma_start3A_122 = arith.constant 0 : i32
      %dma_start3A_123 = tpu.memref_slice %arg4[%arg0, %arg1, %dma_start3A_121, %dma_start3A_122] : memref<2x16x160x128xi32, #tpu.memory_space<hbm>> -> memref<1x1x160x128xi32, #tpu.memory_space<hbm>>
      %dma_start3A_124 = tpu.memref_squeeze %dma_start3A_123 : memref<1x1x160x128xi32, #tpu.memory_space<hbm>> -> memref<160x128xi32, #tpu.memory_space<hbm>>
      tpu.enqueue_dma source(%dma_start3A_124 : memref<160x128xi32, #tpu.memory_space<hbm>>) target(%arg8 : memref<160x128xi32, #tpu.memory_space<vmem>>) target_semaphore(%run_scoped3A : memref<!tpu.dma_semaphore, #tpu.memory_space<semaphore_mem>>)
      %dma_wait3A_125 = arith.constant 0 : i32
      %dma_wait3A_126 = arith.constant 0 : i32
      %dma_wait3A_127 = tpu.memref_slice %arg4[%arg0, %arg1, %dma_wait3A_125, %dma_wait3A_126] : memref<2x16x160x128xi32, #tpu.memory_space<hbm>> -> memref<1x1x160x128xi32, #tpu.memory_space<hbm>>
      %dma_wait3A_128 = tpu.memref_squeeze %dma_wait3A_127 : memref<1x1x160x128xi32, #tpu.memory_space<hbm>> -> memref<160x128xi32, #tpu.memory_space<hbm>>
      %dma_wait3A_129 = arith.constant 0 : i32
      %dma_wait3A_130 = arith.constant 0 : i32
      %dma_wait3A_131 = tpu.memref_slice %arg4[%arg0, %arg1, %dma_wait3A_129, %dma_wait3A_130] : memref<2x16x160x128xi32, #tpu.memory_space<hbm>> -> memref<1x1x160x128xi32, #tpu.memory_space<hbm>>
      %dma_wait3A_132 = tpu.memref_squeeze %dma_wait3A_131 : memref<1x1x160x128xi32, #tpu.memory_space<hbm>> -> memref<160x128xi32, #tpu.memory_space<hbm>>
      tpu.wait_dma2 semaphore(%run_scoped3A : memref<!tpu.dma_semaphore, #tpu.memory_space<semaphore_mem>>) src(%dma_wait3A_132 : memref<160x128xi32, #tpu.memory_space<hbm>>) dst(%arg8 : memref<160x128xi32, #tpu.memory_space<vmem>>)
      tpu.yield
    }) : () -> ()
    %barrier3A = arith.constant 0 : index
    tpu.barrier barrier_id(%barrier3A)
    %dma_start3A = arith.constant 0 : i32
    %dma_start3A_1 = arith.constant 0 : i32
    %dma_start3A_2 = tpu.memref_slice %arg7[%dma_start3A, %dma_start3A_1] : memref<160x128xi32, #tpu.memory_space<vmem>> -> memref<1x128xi32, #tpu.memory_space<vmem>>
    %dma_start3A_3 = tpu.memref_squeeze %dma_start3A_2 : memref<1x128xi32, #tpu.memory_space<vmem>> -> memref<128xi32, #tpu.memory_space<vmem>>
    %dma_start3A_4 = arith.constant 0 : i32
    %dma_start3A_5 = arith.constant 0 : i32
    %dma_start3A_6 = tpu.memref_slice %arg2[%dma_start3A_4, %dma_start3A_5] : memref<20000x64xf32, #tpu.memory_space<hbm>> -> memref<20000x64xf32, #tpu.memory_space<hbm>>
    tpu.enqueue_indirect_dma source(%dma_start3A_6 : memref<20000x64xf32, #tpu.memory_space<hbm>>) target(%arg9 : memref<128x64xf32, #tpu.memory_space<vmem>>) offsets(%dma_start3A_3 : memref<128xi32, #tpu.memory_space<vmem>>) semaphore(%arg14 : memref<!tpu.dma_semaphore, #tpu.memory_space<semaphore_mem>>)
    %dma_start3A_7 = arith.constant 1 : i32
    %dma_start3A_8 = arith.constant 0 : i32
    %dma_start3A_9 = tpu.memref_slice %arg7[%dma_start3A_7, %dma_start3A_8] : memref<160x128xi32, #tpu.memory_space<vmem>> -> memref<1x128xi32, #tpu.memory_space<vmem>>
    %dma_start3A_10 = tpu.memref_squeeze %dma_start3A_9 : memref<1x128xi32, #tpu.memory_space<vmem>> -> memref<128xi32, #tpu.memory_space<vmem>>
    %dma_start3A_11 = arith.constant 0 : i32
    %dma_start3A_12 = arith.constant 0 : i32
    %dma_start3A_13 = tpu.memref_slice %arg2[%dma_start3A_11, %dma_start3A_12] : memref<20000x64xf32, #tpu.memory_space<hbm>> -> memref<20000x64xf32, #tpu.memory_space<hbm>>
    tpu.enqueue_indirect_dma source(%dma_start3A_13 : memref<20000x64xf32, #tpu.memory_space<hbm>>) target(%arg10 : memref<128x64xf32, #tpu.memory_space<vmem>>) offsets(%dma_start3A_10 : memref<128xi32, #tpu.memory_space<vmem>>) semaphore(%arg15 : memref<!tpu.dma_semaphore, #tpu.memory_space<semaphore_mem>>)
    %dma_wait3A = arith.constant 0 : i32
    %dma_wait3A_14 = arith.constant 0 : i32
    %dma_wait3A_15 = tpu.memref_slice %arg7[%dma_wait3A, %dma_wait3A_14] : memref<160x128xi32, #tpu.memory_space<vmem>> -> memref<1x128xi32, #tpu.memory_space<vmem>>
    %dma_wait3A_16 = tpu.memref_squeeze %dma_wait3A_15 : memref<1x128xi32, #tpu.memory_space<vmem>> -> memref<128xi32, #tpu.memory_space<vmem>>
    %dma_wait3A_17 = arith.constant 0 : i32
    %dma_wait3A_18 = arith.constant 0 : i32
    %dma_wait3A_19 = tpu.memref_slice %arg2[%dma_wait3A_17, %dma_wait3A_18] : memref<20000x64xf32, #tpu.memory_space<hbm>> -> memref<20000x64xf32, #tpu.memory_space<hbm>>
    tpu.wait_indirect_dma semaphore(%arg14 : memref<!tpu.dma_semaphore, #tpu.memory_space<semaphore_mem>>) src(%dma_wait3A_19 : memref<20000x64xf32, #tpu.memory_space<hbm>>) dst(%arg9 : memref<128x64xf32, #tpu.memory_space<vmem>>)
    %dma_start3A_20 = arith.constant 0 : i32
    %dma_start3A_21 = arith.constant 0 : i32
    %dma_start3A_22 = tpu.memref_slice %arg8[%dma_start3A_20, %dma_start3A_21] : memref<160x128xi32, #tpu.memory_space<vmem>> -> memref<1x128xi32, #tpu.memory_space<vmem>>
    %dma_start3A_23 = tpu.memref_squeeze %dma_start3A_22 : memref<1x128xi32, #tpu.memory_space<vmem>> -> memref<128xi32, #tpu.memory_space<vmem>>
    %dma_start3A_24 = arith.constant 0 : i32
    %dma_start3A_25 = arith.constant 0 : i32
    %dma_start3A_26 = tpu.memref_slice %arg13[%dma_start3A_24, %dma_start3A_25] : memref<10128x64xf32, #tpu.memory_space<vmem_shared>> -> memref<10128x64xf32, #tpu.memory_space<vmem_shared>>
    tpu.enqueue_indirect_dma source(%arg9 : memref<128x64xf32, #tpu.memory_space<vmem>>) target(%dma_start3A_26 : memref<10128x64xf32, #tpu.memory_space<vmem_shared>>) offsets(%dma_start3A_23 : memref<128xi32, #tpu.memory_space<vmem>>) semaphore(%arg18 : memref<!tpu.dma_semaphore, #tpu.memory_space<semaphore_mem>>) {add = true}
    %dma_start3A_27 = arith.constant 2 : i32
    %dma_start3A_28 = arith.constant 0 : i32
    %dma_start3A_29 = tpu.memref_slice %arg7[%dma_start3A_27, %dma_start3A_28] : memref<160x128xi32, #tpu.memory_space<vmem>> -> memref<1x128xi32, #tpu.memory_space<vmem>>
    %dma_start3A_30 = tpu.memref_squeeze %dma_start3A_29 : memref<1x128xi32, #tpu.memory_space<vmem>> -> memref<128xi32, #tpu.memory_space<vmem>>
    %dma_start3A_31 = arith.constant 0 : i32
    %dma_start3A_32 = arith.constant 0 : i32
    %dma_start3A_33 = tpu.memref_slice %arg2[%dma_start3A_31, %dma_start3A_32] : memref<20000x64xf32, #tpu.memory_space<hbm>> -> memref<20000x64xf32, #tpu.memory_space<hbm>>
    tpu.enqueue_indirect_dma source(%dma_start3A_33 : memref<20000x64xf32, #tpu.memory_space<hbm>>) target(%arg11 : memref<128x64xf32, #tpu.memory_space<vmem>>) offsets(%dma_start3A_30 : memref<128xi32, #tpu.memory_space<vmem>>) semaphore(%arg16 : memref<!tpu.dma_semaphore, #tpu.memory_space<semaphore_mem>>)
    %dma_wait3A_34 = arith.constant 1 : i32
    %dma_wait3A_35 = arith.constant 0 : i32
    %dma_wait3A_36 = tpu.memref_slice %arg7[%dma_wait3A_34, %dma_wait3A_35] : memref<160x128xi32, #tpu.memory_space<vmem>> -> memref<1x128xi32, #tpu.memory_space<vmem>>
    %dma_wait3A_37 = tpu.memref_squeeze %dma_wait3A_36 : memref<1x128xi32, #tpu.memory_space<vmem>> -> memref<128xi32, #tpu.memory_space<vmem>>
    %dma_wait3A_38 = arith.constant 0 : i32
    %dma_wait3A_39 = arith.constant 0 : i32
    %dma_wait3A_40 = tpu.memref_slice %arg2[%dma_wait3A_38, %dma_wait3A_39] : memref<20000x64xf32, #tpu.memory_space<hbm>> -> memref<20000x64xf32, #tpu.memory_space<hbm>>
    tpu.wait_indirect_dma semaphore(%arg15 : memref<!tpu.dma_semaphore, #tpu.memory_space<semaphore_mem>>) src(%dma_wait3A_40 : memref<20000x64xf32, #tpu.memory_space<hbm>>) dst(%arg10 : memref<128x64xf32, #tpu.memory_space<vmem>>)
    %dma_start3A_41 = arith.constant 1 : i32
    %dma_start3A_42 = arith.constant 0 : i32
    %dma_start3A_43 = tpu.memref_slice %arg8[%dma_start3A_41, %dma_start3A_42] : memref<160x128xi32, #tpu.memory_space<vmem>> -> memref<1x128xi32, #tpu.memory_space<vmem>>
    %dma_start3A_44 = tpu.memref_squeeze %dma_start3A_43 : memref<1x128xi32, #tpu.memory_space<vmem>> -> memref<128xi32, #tpu.memory_space<vmem>>
    %dma_start3A_45 = arith.constant 0 : i32
    %dma_start3A_46 = arith.constant 0 : i32
    %dma_start3A_47 = tpu.memref_slice %arg13[%dma_start3A_45, %dma_start3A_46] : memref<10128x64xf32, #tpu.memory_space<vmem_shared>> -> memref<10128x64xf32, #tpu.memory_space<vmem_shared>>
    tpu.enqueue_indirect_dma source(%arg10 : memref<128x64xf32, #tpu.memory_space<vmem>>) target(%dma_start3A_47 : memref<10128x64xf32, #tpu.memory_space<vmem_shared>>) offsets(%dma_start3A_44 : memref<128xi32, #tpu.memory_space<vmem>>) semaphore(%arg19 : memref<!tpu.dma_semaphore, #tpu.memory_space<semaphore_mem>>) {add = true}
    %dma_start3A_48 = arith.constant 3 : i32
    %dma_start3A_49 = arith.constant 0 : i32
    %dma_start3A_50 = tpu.memref_slice %arg7[%dma_start3A_48, %dma_start3A_49] : memref<160x128xi32, #tpu.memory_space<vmem>> -> memref<1x128xi32, #tpu.memory_space<vmem>>
    %dma_start3A_51 = tpu.memref_squeeze %dma_start3A_50 : memref<1x128xi32, #tpu.memory_space<vmem>> -> memref<128xi32, #tpu.memory_space<vmem>>
    %dma_start3A_52 = arith.constant 0 : i32
    %dma_start3A_53 = arith.constant 0 : i32
    %dma_start3A_54 = tpu.memref_slice %arg2[%dma_start3A_52, %dma_start3A_53] : memref<20000x64xf32, #tpu.memory_space<hbm>> -> memref<20000x64xf32, #tpu.memory_space<hbm>>
    tpu.enqueue_indirect_dma source(%dma_start3A_54 : memref<20000x64xf32, #tpu.memory_space<hbm>>) target(%arg12 : memref<128x64xf32, #tpu.memory_space<vmem>>) offsets(%dma_start3A_51 : memref<128xi32, #tpu.memory_space<vmem>>) semaphore(%arg17 : memref<!tpu.dma_semaphore, #tpu.memory_space<semaphore_mem>>)
    %scan3A = arith.constant 0 : i32
    %scan3A_55 = arith.constant 0 : i32
    %scan3A_56 = arith.constant 39 : i32
    %scan3A_57 = arith.addi %scan3A_55, %scan3A_56 : i32
    %scan3A_58 = arith.constant 1 : i32
    scf.for %scan3A_117 = %scan3A_55 to %scan3A_57 step %scan3A_58  : i32 {
      %mul3A_118 = arith.constant 4 : i32
      %mul3A_119 = arith.muli %mul3A_118, %scan3A_117 : i32
      %add3A = arith.constant 2 : i32
      %add3A_120 = arith.addi %mul3A_119, %add3A : i32
      %add3A_121 = arith.constant 0 : i32
      %add3A_122 = arith.addi %add3A_120, %add3A_121 : i32
      %dma_wait3A_123 = arith.constant 0 : i32
      %dma_wait3A_124 = tpu.memref_slice %arg7[%add3A_122, %dma_wait3A_123] : memref<160x128xi32, #tpu.memory_space<vmem>> -> memref<1x128xi32, #tpu.memory_space<vmem>>
      %dma_wait3A_125 = tpu.memref_squeeze %dma_wait3A_124 : memref<1x128xi32, #tpu.memory_space<vmem>> -> memref<128xi32, #tpu.memory_space<vmem>>
      %dma_wait3A_126 = arith.constant 0 : i32
      %dma_wait3A_127 = arith.constant 0 : i32
      %dma_wait3A_128 = tpu.memref_slice %arg2[%dma_wait3A_126, %dma_wait3A_127] : memref<20000x64xf32, #tpu.memory_space<hbm>> -> memref<20000x64xf32, #tpu.memory_space<hbm>>
      tpu.wait_indirect_dma semaphore(%arg16 : memref<!tpu.dma_semaphore, #tpu.memory_space<semaphore_mem>>) src(%dma_wait3A_128 : memref<20000x64xf32, #tpu.memory_space<hbm>>) dst(%arg11 : memref<128x64xf32, #tpu.memory_space<vmem>>)
      %dma_start3A_129 = arith.constant 0 : i32
      %dma_start3A_130 = tpu.memref_slice %arg8[%add3A_122, %dma_start3A_129] : memref<160x128xi32, #tpu.memory_space<vmem>> -> memref<1x128xi32, #tpu.memory_space<vmem>>
      %dma_start3A_131 = tpu.memref_squeeze %dma_start3A_130 : memref<1x128xi32, #tpu.memory_space<vmem>> -> memref<128xi32, #tpu.memory_space<vmem>>
      %dma_start3A_132 = arith.constant 0 : i32
      %dma_start3A_133 = arith.constant 0 : i32
      %dma_start3A_134 = tpu.memref_slice %arg13[%dma_start3A_132, %dma_start3A_133] : memref<10128x64xf32, #tpu.memory_space<vmem_shared>> -> memref<10128x64xf32, #tpu.memory_space<vmem_shared>>
      tpu.enqueue_indirect_dma source(%arg11 : memref<128x64xf32, #tpu.memory_space<vmem>>) target(%dma_start3A_134 : memref<10128x64xf32, #tpu.memory_space<vmem_shared>>) offsets(%dma_start3A_131 : memref<128xi32, #tpu.memory_space<vmem>>) semaphore(%arg20 : memref<!tpu.dma_semaphore, #tpu.memory_space<semaphore_mem>>) {add = true}
      %sub3A = arith.constant 2 : i32
      %sub3A_135 = arith.subi %add3A_122, %sub3A : i32
      %dma_wait3A_136 = arith.constant 0 : i32
      %dma_wait3A_137 = tpu.memref_slice %arg8[%sub3A_135, %dma_wait3A_136] : memref<160x128xi32, #tpu.memory_space<vmem>> -> memref<1x128xi32, #tpu.memory_space<vmem>>
      %dma_wait3A_138 = tpu.memref_squeeze %dma_wait3A_137 : memref<1x128xi32, #tpu.memory_space<vmem>> -> memref<128xi32, #tpu.memory_space<vmem>>
      %dma_wait3A_139 = arith.constant 0 : i32
      %dma_wait3A_140 = arith.constant 0 : i32
      %dma_wait3A_141 = tpu.memref_slice %arg13[%dma_wait3A_139, %dma_wait3A_140] : memref<10128x64xf32, #tpu.memory_space<vmem_shared>> -> memref<10128x64xf32, #tpu.memory_space<vmem_shared>>
      tpu.wait_indirect_dma semaphore(%arg18 : memref<!tpu.dma_semaphore, #tpu.memory_space<semaphore_mem>>) src(%arg9 : memref<128x64xf32, #tpu.memory_space<vmem>>) dst(%dma_wait3A_141 : memref<10128x64xf32, #tpu.memory_space<vmem_shared>>)
      %add3A_142 = arith.constant 2 : i32
      %add3A_143 = arith.addi %add3A_122, %add3A_142 : i32
      %dma_start3A_144 = arith.constant 0 : i32
      %dma_start3A_145 = tpu.memref_slice %arg7[%add3A_143, %dma_start3A_144] : memref<160x128xi32, #tpu.memory_space<vmem>> -> memref<1x128xi32, #tpu.memory_space<vmem>>
      %dma_start3A_146 = tpu.memref_squeeze %dma_start3A_145 : memref<1x128xi32, #tpu.memory_space<vmem>> -> memref<128xi32, #tpu.memory_space<vmem>>
      %dma_start3A_147 = arith.constant 0 : i32
      %dma_start3A_148 = arith.constant 0 : i32
      %dma_start3A_149 = tpu.memref_slice %arg2[%dma_start3A_147, %dma_start3A_148] : memref<20000x64xf32, #tpu.memory_space<hbm>> -> memref<20000x64xf32, #tpu.memory_space<hbm>>
      tpu.enqueue_indirect_dma source(%dma_start3A_149 : memref<20000x64xf32, #tpu.memory_space<hbm>>) target(%arg9 : memref<128x64xf32, #tpu.memory_space<vmem>>) offsets(%dma_start3A_146 : memref<128xi32, #tpu.memory_space<vmem>>) semaphore(%arg14 : memref<!tpu.dma_semaphore, #tpu.memory_space<semaphore_mem>>)
      %mul3A_150 = arith.constant 4 : i32
      %mul3A_151 = arith.muli %mul3A_150, %scan3A_117 : i32
      %add3A_152 = arith.constant 2 : i32
      %add3A_153 = arith.addi %mul3A_151, %add3A_152 : i32
      %add3A_154 = arith.constant 1 : i32
      %add3A_155 = arith.addi %add3A_153, %add3A_154 : i32
      %dma_wait3A_156 = arith.constant 0 : i32
      %dma_wait3A_157 = tpu.memref_slice %arg7[%add3A_155, %dma_wait3A_156] : memref<160x128xi32, #tpu.memory_space<vmem>> -> memref<1x128xi32, #tpu.memory_space<vmem>>
      %dma_wait3A_158 = tpu.memref_squeeze %dma_wait3A_157 : memref<1x128xi32, #tpu.memory_space<vmem>> -> memref<128xi32, #tpu.memory_space<vmem>>
      %dma_wait3A_159 = arith.constant 0 : i32
      %dma_wait3A_160 = arith.constant 0 : i32
      %dma_wait3A_161 = tpu.memref_slice %arg2[%dma_wait3A_159, %dma_wait3A_160] : memref<20000x64xf32, #tpu.memory_space<hbm>> -> memref<20000x64xf32, #tpu.memory_space<hbm>>
      tpu.wait_indirect_dma semaphore(%arg17 : memref<!tpu.dma_semaphore, #tpu.memory_space<semaphore_mem>>) src(%dma_wait3A_161 : memref<20000x64xf32, #tpu.memory_space<hbm>>) dst(%arg12 : memref<128x64xf32, #tpu.memory_space<vmem>>)
      %dma_start3A_162 = arith.constant 0 : i32
      %dma_start3A_163 = tpu.memref_slice %arg8[%add3A_155, %dma_start3A_162] : memref<160x128xi32, #tpu.memory_space<vmem>> -> memref<1x128xi32, #tpu.memory_space<vmem>>
      %dma_start3A_164 = tpu.memref_squeeze %dma_start3A_163 : memref<1x128xi32, #tpu.memory_space<vmem>> -> memref<128xi32, #tpu.memory_space<vmem>>
      %dma_start3A_165 = arith.constant 0 : i32
      %dma_start3A_166 = arith.constant 0 : i32
      %dma_start3A_167 = tpu.memref_slice %arg13[%dma_start3A_165, %dma_start3A_166] : memref<10128x64xf32, #tpu.memory_space<vmem_shared>> -> memref<10128x64xf32, #tpu.memory_space<vmem_shared>>
      tpu.enqueue_indirect_dma source(%arg12 : memref<128x64xf32, #tpu.memory_space<vmem>>) target(%dma_start3A_167 : memref<10128x64xf32, #tpu.memory_space<vmem_shared>>) offsets(%dma_start3A_164 : memref<128xi32, #tpu.memory_space<vmem>>) semaphore(%arg21 : memref<!tpu.dma_semaphore, #tpu.memory_space<semaphore_mem>>) {add = true}
      %sub3A_168 = arith.constant 2 : i32
      %sub3A_169 = arith.subi %add3A_155, %sub3A_168 : i32
      %dma_wait3A_170 = arith.constant 0 : i32
      %dma_wait3A_171 = tpu.memref_slice %arg8[%sub3A_169, %dma_wait3A_170] : memref<160x128xi32, #tpu.memory_space<vmem>> -> memref<1x128xi32, #tpu.memory_space<vmem>>
      %dma_wait3A_172 = tpu.memref_squeeze %dma_wait3A_171 : memref<1x128xi32, #tpu.memory_space<vmem>> -> memref<128xi32, #tpu.memory_space<vmem>>
      %dma_wait3A_173 = arith.constant 0 : i32
      %dma_wait3A_174 = arith.constant 0 : i32
      %dma_wait3A_175 = tpu.memref_slice %arg13[%dma_wait3A_173, %dma_wait3A_174] : memref<10128x64xf32, #tpu.memory_space<vmem_shared>> -> memref<10128x64xf32, #tpu.memory_space<vmem_shared>>
      tpu.wait_indirect_dma semaphore(%arg19 : memref<!tpu.dma_semaphore, #tpu.memory_space<semaphore_mem>>) src(%arg10 : memref<128x64xf32, #tpu.memory_space<vmem>>) dst(%dma_wait3A_175 : memref<10128x64xf32, #tpu.memory_space<vmem_shared>>)
      %add3A_176 = arith.constant 2 : i32
      %add3A_177 = arith.addi %add3A_155, %add3A_176 : i32
      %dma_start3A_178 = arith.constant 0 : i32
      %dma_start3A_179 = tpu.memref_slice %arg7[%add3A_177, %dma_start3A_178] : memref<160x128xi32, #tpu.memory_space<vmem>> -> memref<1x128xi32, #tpu.memory_space<vmem>>
      %dma_start3A_180 = tpu.memref_squeeze %dma_start3A_179 : memref<1x128xi32, #tpu.memory_space<vmem>> -> memref<128xi32, #tpu.memory_space<vmem>>
      %dma_start3A_181 = arith.constant 0 : i32
      %dma_start3A_182 = arith.constant 0 : i32
      %dma_start3A_183 = tpu.memref_slice %arg2[%dma_start3A_181, %dma_start3A_182] : memref<20000x64xf32, #tpu.memory_space<hbm>> -> memref<20000x64xf32, #tpu.memory_space<hbm>>
      tpu.enqueue_indirect_dma source(%dma_start3A_183 : memref<20000x64xf32, #tpu.memory_space<hbm>>) target(%arg10 : memref<128x64xf32, #tpu.memory_space<vmem>>) offsets(%dma_start3A_180 : memref<128xi32, #tpu.memory_space<vmem>>) semaphore(%arg15 : memref<!tpu.dma_semaphore, #tpu.memory_space<semaphore_mem>>)
      %mul3A_184 = arith.constant 4 : i32
      %mul3A_185 = arith.muli %mul3A_184, %scan3A_117 : i32
      %add3A_186 = arith.constant 2 : i32
      %add3A_187 = arith.addi %mul3A_185, %add3A_186 : i32
      %add3A_188 = arith.constant 2 : i32
      %add3A_189 = arith.addi %add3A_187, %add3A_188 : i32
      %dma_wait3A_190 = arith.constant 0 : i32
      %dma_wait3A_191 = tpu.memref_slice %arg7[%add3A_189, %dma_wait3A_190] : memref<160x128xi32, #tpu.memory_space<vmem>> -> memref<1x128xi32, #tpu.memory_space<vmem>>
      %dma_wait3A_192 = tpu.memref_squeeze %dma_wait3A_191 : memref<1x128xi32, #tpu.memory_space<vmem>> -> memref<128xi32, #tpu.memory_space<vmem>>
      %dma_wait3A_193 = arith.constant 0 : i32
      %dma_wait3A_194 = arith.constant 0 : i32
      %dma_wait3A_195 = tpu.memref_slice %arg2[%dma_wait3A_193, %dma_wait3A_194] : memref<20000x64xf32, #tpu.memory_space<hbm>> -> memref<20000x64xf32, #tpu.memory_space<hbm>>
      tpu.wait_indirect_dma semaphore(%arg14 : memref<!tpu.dma_semaphore, #tpu.memory_space<semaphore_mem>>) src(%dma_wait3A_195 : memref<20000x64xf32, #tpu.memory_space<hbm>>) dst(%arg9 : memref<128x64xf32, #tpu.memory_space<vmem>>)
      %dma_start3A_196 = arith.constant 0 : i32
      %dma_start3A_197 = tpu.memref_slice %arg8[%add3A_189, %dma_start3A_196] : memref<160x128xi32, #tpu.memory_space<vmem>> -> memref<1x128xi32, #tpu.memory_space<vmem>>
      %dma_start3A_198 = tpu.memref_squeeze %dma_start3A_197 : memref<1x128xi32, #tpu.memory_space<vmem>> -> memref<128xi32, #tpu.memory_space<vmem>>
      %dma_start3A_199 = arith.constant 0 : i32
      %dma_start3A_200 = arith.constant 0 : i32
      %dma_start3A_201 = tpu.memref_slice %arg13[%dma_start3A_199, %dma_start3A_200] : memref<10128x64xf32, #tpu.memory_space<vmem_shared>> -> memref<10128x64xf32, #tpu.memory_space<vmem_shared>>
      tpu.enqueue_indirect_dma source(%arg9 : memref<128x64xf32, #tpu.memory_space<vmem>>) target(%dma_start3A_201 : memref<10128x64xf32, #tpu.memory_space<vmem_shared>>) offsets(%dma_start3A_198 : memref<128xi32, #tpu.memory_space<vmem>>) semaphore(%arg18 : memref<!tpu.dma_semaphore, #tpu.memory_space<semaphore_mem>>) {add = true}
      %sub3A_202 = arith.constant 2 : i32
      %sub3A_203 = arith.subi %add3A_189, %sub3A_202 : i32
      %dma_wait3A_204 = arith.constant 0 : i32
      %dma_wait3A_205 = tpu.memref_slice %arg8[%sub3A_203, %dma_wait3A_204] : memref<160x128xi32, #tpu.memory_space<vmem>> -> memref<1x128xi32, #tpu.memory_space<vmem>>
      %dma_wait3A_206 = tpu.memref_squeeze %dma_wait3A_205 : memref<1x128xi32, #tpu.memory_space<vmem>> -> memref<128xi32, #tpu.memory_space<vmem>>
      %dma_wait3A_207 = arith.constant 0 : i32
      %dma_wait3A_208 = arith.constant 0 : i32
      %dma_wait3A_209 = tpu.memref_slice %arg13[%dma_wait3A_207, %dma_wait3A_208] : memref<10128x64xf32, #tpu.memory_space<vmem_shared>> -> memref<10128x64xf32, #tpu.memory_space<vmem_shared>>
      tpu.wait_indirect_dma semaphore(%arg20 : memref<!tpu.dma_semaphore, #tpu.memory_space<semaphore_mem>>) src(%arg11 : memref<128x64xf32, #tpu.memory_space<vmem>>) dst(%dma_wait3A_209 : memref<10128x64xf32, #tpu.memory_space<vmem_shared>>)
      %add3A_210 = arith.constant 2 : i32
      %add3A_211 = arith.addi %add3A_189, %add3A_210 : i32
      %dma_start3A_212 = arith.constant 0 : i32
      %dma_start3A_213 = tpu.memref_slice %arg7[%add3A_211, %dma_start3A_212] : memref<160x128xi32, #tpu.memory_space<vmem>> -> memref<1x128xi32, #tpu.memory_space<vmem>>
      %dma_start3A_214 = tpu.memref_squeeze %dma_start3A_213 : memref<1x128xi32, #tpu.memory_space<vmem>> -> memref<128xi32, #tpu.memory_space<vmem>>
      %dma_start3A_215 = arith.constant 0 : i32
      %dma_start3A_216 = arith.constant 0 : i32
      %dma_start3A_217 = tpu.memref_slice %arg2[%dma_start3A_215, %dma_start3A_216] : memref<20000x64xf32, #tpu.memory_space<hbm>> -> memref<20000x64xf32, #tpu.memory_space<hbm>>
      tpu.enqueue_indirect_dma source(%dma_start3A_217 : memref<20000x64xf32, #tpu.memory_space<hbm>>) target(%arg11 : memref<128x64xf32, #tpu.memory_space<vmem>>) offsets(%dma_start3A_214 : memref<128xi32, #tpu.memory_space<vmem>>) semaphore(%arg16 : memref<!tpu.dma_semaphore, #tpu.memory_space<semaphore_mem>>)
      %mul3A_218 = arith.constant 4 : i32
      %mul3A_219 = arith.muli %mul3A_218, %scan3A_117 : i32
      %add3A_220 = arith.constant 2 : i32
      %add3A_221 = arith.addi %mul3A_219, %add3A_220 : i32
      %add3A_222 = arith.constant 3 : i32
      %add3A_223 = arith.addi %add3A_221, %add3A_222 : i32
      %dma_wait3A_224 = arith.constant 0 : i32
      %dma_wait3A_225 = tpu.memref_slice %arg7[%add3A_223, %dma_wait3A_224] : memref<160x128xi32, #tpu.memory_space<vmem>> -> memref<1x128xi32, #tpu.memory_space<vmem>>
      %dma_wait3A_226 = tpu.memref_squeeze %dma_wait3A_225 : memref<1x128xi32, #tpu.memory_space<vmem>> -> memref<128xi32, #tpu.memory_space<vmem>>
      %dma_wait3A_227 = arith.constant 0 : i32
      %dma_wait3A_228 = arith.constant 0 : i32
      %dma_wait3A_229 = tpu.memref_slice %arg2[%dma_wait3A_227, %dma_wait3A_228] : memref<20000x64xf32, #tpu.memory_space<hbm>> -> memref<20000x64xf32, #tpu.memory_space<hbm>>
      tpu.wait_indirect_dma semaphore(%arg15 : memref<!tpu.dma_semaphore, #tpu.memory_space<semaphore_mem>>) src(%dma_wait3A_229 : memref<20000x64xf32, #tpu.memory_space<hbm>>) dst(%arg10 : memref<128x64xf32, #tpu.memory_space<vmem>>)
      %dma_start3A_230 = arith.constant 0 : i32
      %dma_start3A_231 = tpu.memref_slice %arg8[%add3A_223, %dma_start3A_230] : memref<160x128xi32, #tpu.memory_space<vmem>> -> memref<1x128xi32, #tpu.memory_space<vmem>>
      %dma_start3A_232 = tpu.memref_squeeze %dma_start3A_231 : memref<1x128xi32, #tpu.memory_space<vmem>> -> memref<128xi32, #tpu.memory_space<vmem>>
      %dma_start3A_233 = arith.constant 0 : i32
      %dma_start3A_234 = arith.constant 0 : i32
      %dma_start3A_235 = tpu.memref_slice %arg13[%dma_start3A_233, %dma_start3A_234] : memref<10128x64xf32, #tpu.memory_space<vmem_shared>> -> memref<10128x64xf32, #tpu.memory_space<vmem_shared>>
      tpu.enqueue_indirect_dma source(%arg10 : memref<128x64xf32, #tpu.memory_space<vmem>>) target(%dma_start3A_235 : memref<10128x64xf32, #tpu.memory_space<vmem_shared>>) offsets(%dma_start3A_232 : memref<128xi32, #tpu.memory_space<vmem>>) semaphore(%arg19 : memref<!tpu.dma_semaphore, #tpu.memory_space<semaphore_mem>>) {add = true}
      %sub3A_236 = arith.constant 2 : i32
      %sub3A_237 = arith.subi %add3A_223, %sub3A_236 : i32
      %dma_wait3A_238 = arith.constant 0 : i32
      %dma_wait3A_239 = tpu.memref_slice %arg8[%sub3A_237, %dma_wait3A_238] : memref<160x128xi32, #tpu.memory_space<vmem>> -> memref<1x128xi32, #tpu.memory_space<vmem>>
      %dma_wait3A_240 = tpu.memref_squeeze %dma_wait3A_239 : memref<1x128xi32, #tpu.memory_space<vmem>> -> memref<128xi32, #tpu.memory_space<vmem>>
      %dma_wait3A_241 = arith.constant 0 : i32
      %dma_wait3A_242 = arith.constant 0 : i32
      %dma_wait3A_243 = tpu.memref_slice %arg13[%dma_wait3A_241, %dma_wait3A_242] : memref<10128x64xf32, #tpu.memory_space<vmem_shared>> -> memref<10128x64xf32, #tpu.memory_space<vmem_shared>>
      tpu.wait_indirect_dma semaphore(%arg21 : memref<!tpu.dma_semaphore, #tpu.memory_space<semaphore_mem>>) src(%arg12 : memref<128x64xf32, #tpu.memory_space<vmem>>) dst(%dma_wait3A_243 : memref<10128x64xf32, #tpu.memory_space<vmem_shared>>)
      %add3A_244 = arith.constant 2 : i32
      %add3A_245 = arith.addi %add3A_223, %add3A_244 : i32
      %dma_start3A_246 = arith.constant 0 : i32
      %dma_start3A_247 = tpu.memref_slice %arg7[%add3A_245, %dma_start3A_246] : memref<160x128xi32, #tpu.memory_space<vmem>> -> memref<1x128xi32, #tpu.memory_space<vmem>>
      %dma_start3A_248 = tpu.memref_squeeze %dma_start3A_247 : memref<1x128xi32, #tpu.memory_space<vmem>> -> memref<128xi32, #tpu.memory_space<vmem>>
      %dma_start3A_249 = arith.constant 0 : i32
      %dma_start3A_250 = arith.constant 0 : i32
      %dma_start3A_251 = tpu.memref_slice %arg2[%dma_start3A_249, %dma_start3A_250] : memref<20000x64xf32, #tpu.memory_space<hbm>> -> memref<20000x64xf32, #tpu.memory_space<hbm>>
      tpu.enqueue_indirect_dma source(%dma_start3A_251 : memref<20000x64xf32, #tpu.memory_space<hbm>>) target(%arg12 : memref<128x64xf32, #tpu.memory_space<vmem>>) offsets(%dma_start3A_248 : memref<128xi32, #tpu.memory_space<vmem>>) semaphore(%arg17 : memref<!tpu.dma_semaphore, #tpu.memory_space<semaphore_mem>>)
    }
    %scan3A_59 = arith.constant 39 : i32
    %dma_wait3A_60 = arith.constant 158 : i32
    %dma_wait3A_61 = arith.constant 0 : i32
    %dma_wait3A_62 = tpu.memref_slice %arg7[%dma_wait3A_60, %dma_wait3A_61] : memref<160x128xi32, #tpu.memory_space<vmem>> -> memref<1x128xi32, #tpu.memory_space<vmem>>
    %dma_wait3A_63 = tpu.memref_squeeze %dma_wait3A_62 : memref<1x128xi32, #tpu.memory_space<vmem>> -> memref<128xi32, #tpu.memory_space<vmem>>
    %dma_wait3A_64 = arith.constant 0 : i32
    %dma_wait3A_65 = arith.constant 0 : i32
    %dma_wait3A_66 = tpu.memref_slice %arg2[%dma_wait3A_64, %dma_wait3A_65] : memref<20000x64xf32, #tpu.memory_space<hbm>> -> memref<20000x64xf32, #tpu.memory_space<hbm>>
    tpu.wait_indirect_dma semaphore(%arg16 : memref<!tpu.dma_semaphore, #tpu.memory_space<semaphore_mem>>) src(%dma_wait3A_66 : memref<20000x64xf32, #tpu.memory_space<hbm>>) dst(%arg11 : memref<128x64xf32, #tpu.memory_space<vmem>>)
    %dma_start3A_67 = arith.constant 158 : i32
    %dma_start3A_68 = arith.constant 0 : i32
    %dma_start3A_69 = tpu.memref_slice %arg8[%dma_start3A_67, %dma_start3A_68] : memref<160x128xi32, #tpu.memory_space<vmem>> -> memref<1x128xi32, #tpu.memory_space<vmem>>
    %dma_start3A_70 = tpu.memref_squeeze %dma_start3A_69 : memref<1x128xi32, #tpu.memory_space<vmem>> -> memref<128xi32, #tpu.memory_space<vmem>>
    %dma_start3A_71 = arith.constant 0 : i32
    %dma_start3A_72 = arith.constant 0 : i32
    %dma_start3A_73 = tpu.memref_slice %arg13[%dma_start3A_71, %dma_start3A_72] : memref<10128x64xf32, #tpu.memory_space<vmem_shared>> -> memref<10128x64xf32, #tpu.memory_space<vmem_shared>>
    tpu.enqueue_indirect_dma source(%arg11 : memref<128x64xf32, #tpu.memory_space<vmem>>) target(%dma_start3A_73 : memref<10128x64xf32, #tpu.memory_space<vmem_shared>>) offsets(%dma_start3A_70 : memref<128xi32, #tpu.memory_space<vmem>>) semaphore(%arg20 : memref<!tpu.dma_semaphore, #tpu.memory_space<semaphore_mem>>) {add = true}
    %dma_wait3A_74 = arith.constant 156 : i32
    %dma_wait3A_75 = arith.constant 0 : i32
    %dma_wait3A_76 = tpu.memref_slice %arg8[%dma_wait3A_74, %dma_wait3A_75] : memref<160x128xi32, #tpu.memory_space<vmem>> -> memref<1x128xi32, #tpu.memory_space<vmem>>
    %dma_wait3A_77 = tpu.memref_squeeze %dma_wait3A_76 : memref<1x128xi32, #tpu.memory_space<vmem>> -> memref<128xi32, #tpu.memory_space<vmem>>
    %dma_wait3A_78 = arith.constant 0 : i32
    %dma_wait3A_79 = arith.constant 0 : i32
    %dma_wait3A_80 = tpu.memref_slice %arg13[%dma_wait3A_78, %dma_wait3A_79] : memref<10128x64xf32, #tpu.memory_space<vmem_shared>> -> memref<10128x64xf32, #tpu.memory_space<vmem_shared>>
    tpu.wait_indirect_dma semaphore(%arg18 : memref<!tpu.dma_semaphore, #tpu.memory_space<semaphore_mem>>) src(%arg9 : memref<128x64xf32, #tpu.memory_space<vmem>>) dst(%dma_wait3A_80 : memref<10128x64xf32, #tpu.memory_space<vmem_shared>>)
    %dma_wait3A_81 = arith.constant 159 : i32
    %dma_wait3A_82 = arith.constant 0 : i32
    %dma_wait3A_83 = tpu.memref_slice %arg7[%dma_wait3A_81, %dma_wait3A_82] : memref<160x128xi32, #tpu.memory_space<vmem>> -> memref<1x128xi32, #tpu.memory_space<vmem>>
    %dma_wait3A_84 = tpu.memref_squeeze %dma_wait3A_83 : memref<1x128xi32, #tpu.memory_space<vmem>> -> memref<128xi32, #tpu.memory_space<vmem>>
    %dma_wait3A_85 = arith.constant 0 : i32
    %dma_wait3A_86 = arith.constant 0 : i32
    %dma_wait3A_87 = tpu.memref_slice %arg2[%dma_wait3A_85, %dma_wait3A_86] : memref<20000x64xf32, #tpu.memory_space<hbm>> -> memref<20000x64xf32, #tpu.memory_space<hbm>>
    tpu.wait_indirect_dma semaphore(%arg17 : memref<!tpu.dma_semaphore, #tpu.memory_space<semaphore_mem>>) src(%dma_wait3A_87 : memref<20000x64xf32, #tpu.memory_space<hbm>>) dst(%arg12 : memref<128x64xf32, #tpu.memory_space<vmem>>)
    %dma_start3A_88 = arith.constant 159 : i32
    %dma_start3A_89 = arith.constant 0 : i32
    %dma_start3A_90 = tpu.memref_slice %arg8[%dma_start3A_88, %dma_start3A_89] : memref<160x128xi32, #tpu.memory_space<vmem>> -> memref<1x128xi32, #tpu.memory_space<vmem>>
    %dma_start3A_91 = tpu.memref_squeeze %dma_start3A_90 : memref<1x128xi32, #tpu.memory_space<vmem>> -> memref<128xi32, #tpu.memory_space<vmem>>
    %dma_start3A_92 = arith.constant 0 : i32
    %dma_start3A_93 = arith.constant 0 : i32
    %dma_start3A_94 = tpu.memref_slice %arg13[%dma_start3A_92, %dma_start3A_93] : memref<10128x64xf32, #tpu.memory_space<vmem_shared>> -> memref<10128x64xf32, #tpu.memory_space<vmem_shared>>
    tpu.enqueue_indirect_dma source(%arg12 : memref<128x64xf32, #tpu.memory_space<vmem>>) target(%dma_start3A_94 : memref<10128x64xf32, #tpu.memory_space<vmem_shared>>) offsets(%dma_start3A_91 : memref<128xi32, #tpu.memory_space<vmem>>) semaphore(%arg21 : memref<!tpu.dma_semaphore, #tpu.memory_space<semaphore_mem>>) {add = true}
    %dma_wait3A_95 = arith.constant 157 : i32
    %dma_wait3A_96 = arith.constant 0 : i32
    %dma_wait3A_97 = tpu.memref_slice %arg8[%dma_wait3A_95, %dma_wait3A_96] : memref<160x128xi32, #tpu.memory_space<vmem>> -> memref<1x128xi32, #tpu.memory_space<vmem>>
    %dma_wait3A_98 = tpu.memref_squeeze %dma_wait3A_97 : memref<1x128xi32, #tpu.memory_space<vmem>> -> memref<128xi32, #tpu.memory_space<vmem>>
    %dma_wait3A_99 = arith.constant 0 : i32
    %dma_wait3A_100 = arith.constant 0 : i32
    %dma_wait3A_101 = tpu.memref_slice %arg13[%dma_wait3A_99, %dma_wait3A_100] : memref<10128x64xf32, #tpu.memory_space<vmem_shared>> -> memref<10128x64xf32, #tpu.memory_space<vmem_shared>>
    tpu.wait_indirect_dma semaphore(%arg19 : memref<!tpu.dma_semaphore, #tpu.memory_space<semaphore_mem>>) src(%arg10 : memref<128x64xf32, #tpu.memory_space<vmem>>) dst(%dma_wait3A_101 : memref<10128x64xf32, #tpu.memory_space<vmem_shared>>)
    %dma_wait3A_102 = arith.constant 158 : i32
    %dma_wait3A_103 = arith.constant 0 : i32
    %dma_wait3A_104 = tpu.memref_slice %arg8[%dma_wait3A_102, %dma_wait3A_103] : memref<160x128xi32, #tpu.memory_space<vmem>> -> memref<1x128xi32, #tpu.memory_space<vmem>>
    %dma_wait3A_105 = tpu.memref_squeeze %dma_wait3A_104 : memref<1x128xi32, #tpu.memory_space<vmem>> -> memref<128xi32, #tpu.memory_space<vmem>>
    %dma_wait3A_106 = arith.constant 0 : i32
    %dma_wait3A_107 = arith.constant 0 : i32
    %dma_wait3A_108 = tpu.memref_slice %arg13[%dma_wait3A_106, %dma_wait3A_107] : memref<10128x64xf32, #tpu.memory_space<vmem_shared>> -> memref<10128x64xf32, #tpu.memory_space<vmem_shared>>
    tpu.wait_indirect_dma semaphore(%arg20 : memref<!tpu.dma_semaphore, #tpu.memory_space<semaphore_mem>>) src(%arg11 : memref<128x64xf32, #tpu.memory_space<vmem>>) dst(%dma_wait3A_108 : memref<10128x64xf32, #tpu.memory_space<vmem_shared>>)
    %dma_wait3A_109 = arith.constant 159 : i32
    %dma_wait3A_110 = arith.constant 0 : i32
    %dma_wait3A_111 = tpu.memref_slice %arg8[%dma_wait3A_109, %dma_wait3A_110] : memref<160x128xi32, #tpu.memory_space<vmem>> -> memref<1x128xi32, #tpu.memory_space<vmem>>
    %dma_wait3A_112 = tpu.memref_squeeze %dma_wait3A_111 : memref<1x128xi32, #tpu.memory_space<vmem>> -> memref<128xi32, #tpu.memory_space<vmem>>
    %dma_wait3A_113 = arith.constant 0 : i32
    %dma_wait3A_114 = arith.constant 0 : i32
    %dma_wait3A_115 = tpu.memref_slice %arg13[%dma_wait3A_113, %dma_wait3A_114] : memref<10128x64xf32, #tpu.memory_space<vmem_shared>> -> memref<10128x64xf32, #tpu.memory_space<vmem_shared>>
    tpu.wait_indirect_dma semaphore(%arg21 : memref<!tpu.dma_semaphore, #tpu.memory_space<semaphore_mem>>) src(%arg12 : memref<128x64xf32, #tpu.memory_space<vmem>>) dst(%dma_wait3A_115 : memref<10128x64xf32, #tpu.memory_space<vmem_shared>>)
    %barrier3A_116 = arith.constant 0 : index
    tpu.barrier barrier_id(%barrier3A_116)
    "tpu.region"() ({
      %run_scoped3A = tpu.sem_alloc : memref<!tpu.dma_semaphore, #tpu.memory_space<semaphore_mem>>
      %dma_start3A_117 = arith.constant 0 : i32
      %dma_start3A_118 = tpu.memref_slice %arg6[%arg0, %mul3A_0, %dma_start3A_117] : memref<2x10112x64xf32, #tpu.memory_space<hbm>> -> memref<1x632x64xf32, #tpu.memory_space<hbm>>
      %dma_start3A_119 = tpu.memref_squeeze %dma_start3A_118 : memref<1x632x64xf32, #tpu.memory_space<hbm>> -> memref<632x64xf32, #tpu.memory_space<hbm>>
      %dma_start3A_120 = arith.constant 0 : i32
      %dma_start3A_121 = tpu.memref_slice %arg13[%mul3A_0, %dma_start3A_120] : memref<10128x64xf32, #tpu.memory_space<vmem_shared>> -> memref<632x64xf32, #tpu.memory_space<vmem_shared>>
      tpu.enqueue_dma source(%dma_start3A_121 : memref<632x64xf32, #tpu.memory_space<vmem_shared>>) target(%dma_start3A_119 : memref<632x64xf32, #tpu.memory_space<hbm>>) target_semaphore(%run_scoped3A : memref<!tpu.dma_semaphore, #tpu.memory_space<semaphore_mem>>)
      %dma_wait3A_122 = arith.constant 0 : i32
      %dma_wait3A_123 = tpu.memref_slice %arg6[%arg0, %mul3A_0, %dma_wait3A_122] : memref<2x10112x64xf32, #tpu.memory_space<hbm>> -> memref<1x632x64xf32, #tpu.memory_space<hbm>>
      %dma_wait3A_124 = tpu.memref_squeeze %dma_wait3A_123 : memref<1x632x64xf32, #tpu.memory_space<hbm>> -> memref<632x64xf32, #tpu.memory_space<hbm>>
      %dma_wait3A_125 = arith.constant 0 : i32
      %dma_wait3A_126 = tpu.memref_slice %arg13[%mul3A_0, %dma_wait3A_125] : memref<10128x64xf32, #tpu.memory_space<vmem_shared>> -> memref<632x64xf32, #tpu.memory_space<vmem_shared>>
      tpu.wait_dma2 semaphore(%run_scoped3A : memref<!tpu.dma_semaphore, #tpu.memory_space<semaphore_mem>>) src(%dma_wait3A_126 : memref<632x64xf32, #tpu.memory_space<vmem_shared>>) dst(%dma_wait3A_124 : memref<632x64xf32, #tpu.memory_space<hbm>>)
      tpu.yield
    }) : () -> ()
    return
  }
}

module attributes {stable_mosaic.version = 14 : i64} {
  func.func @_mats_body_any(%arg0: i32, %arg1: i32, %arg2: memref<1x2000x128xf32, #tpu.memory_space<vmem>>, %arg3: memref<1x2000x64xf32, #tpu.memory_space<vmem>>, %arg4: memref<128x64xf32, #tpu.memory_space<vmem>>, %arg5: memref<1x64xf32, #tpu.memory_space<vmem>>, %arg6: memref<128x64xf32, #tpu.memory_space<vmem>>, %arg7: memref<1x64xf32, #tpu.memory_space<vmem>>, %arg8: memref<128x64xf32, #tpu.memory_space<vmem>>, %arg9: memref<1x64xf32, #tpu.memory_space<vmem>>, %arg10: memref<1x2000x64xf32, #tpu.memory_space<vmem>>, %arg11: memref<1x2000x64xf32, #tpu.memory_space<vmem>>) attributes {dimension_semantics = [#tpu.dimension_semantics<arbitrary>, #tpu.dimension_semantics<arbitrary>], iteration_bounds = array<i64: 2, 5>, scalar_prefetch = 0 : i64, scratch_operands = 0 : i64, tpu.core_type = #tpu.core_type<tc>, window_params = [{transform_indices = @transform_0, window_bounds = array<i64: 1, 2000, 128>}, {transform_indices = @transform_1, window_bounds = array<i64: 1, 2000, 64>}, {pipeline_mode = #tpu.pipeline_mode<synchronous>, transform_indices = @transform_2, window_bounds = array<i64: 128, 64>}, {pipeline_mode = #tpu.pipeline_mode<synchronous>, transform_indices = @transform_3, window_bounds = array<i64: 1, 64>}, {pipeline_mode = #tpu.pipeline_mode<synchronous>, transform_indices = @transform_4, window_bounds = array<i64: 128, 64>}, {pipeline_mode = #tpu.pipeline_mode<synchronous>, transform_indices = @transform_5, window_bounds = array<i64: 1, 64>}, {pipeline_mode = #tpu.pipeline_mode<synchronous>, transform_indices = @transform_6, window_bounds = array<i64: 128, 64>}, {pipeline_mode = #tpu.pipeline_mode<synchronous>, transform_indices = @transform_7, window_bounds = array<i64: 1, 64>}, {transform_indices = @transform_8, window_bounds = array<i64: 1, 2000, 64>}, {transform_indices = @transform_9, window_bounds = array<i64: 1, 2000, 64>}]} {
    %get3A = arith.constant 0 : index
    %get3A_0 = arith.constant 0 : index
    %get3A_1 = arith.constant 0 : index
    %get3A_2 = vector.load %arg2[%get3A, %get3A_0, %get3A_1] : memref<1x2000x128xf32, #tpu.memory_space<vmem>>, vector<1x2000x128xf32>
    %get3A_3 = vector.shape_cast %get3A_2 : vector<1x2000x128xf32> to vector<2000x128xf32>
    %get3A_4 = arith.constant 0 : index
    %get3A_5 = arith.constant 0 : index
    %get3A_6 = arith.constant 0 : index
    %get3A_7 = vector.load %arg3[%get3A_4, %get3A_5, %get3A_6] : memref<1x2000x64xf32, #tpu.memory_space<vmem>>, vector<1x2000x64xf32>
    %get3A_8 = vector.shape_cast %get3A_7 : vector<1x2000x64xf32> to vector<2000x64xf32>
    %get3A_9 = arith.constant 0 : index
    %get3A_10 = arith.constant 0 : index
    %get3A_11 = vector.load %arg4[%get3A_9, %get3A_10] : memref<128x64xf32, #tpu.memory_space<vmem>>, vector<128x64xf32>
    %dot_general3A = arith.constant dense<0.000000e+00> : vector<2000x64xf32>
    %dot_general3A_12 = tpu.matmul %get3A_3, %get3A_11, %dot_general3A {dimension_numbers = #tpu.dot_dimension_numbers<[1], [0], [0], [1], [0, 0, 1, 1], [], []>, transpose_lhs_hint = false} : vector<2000x128xf32>, vector<128x64xf32>, vector<2000x64xf32> -> vector<2000x64xf32>
    %get3A_13 = arith.constant 0 : index
    %get3A_14 = arith.constant 0 : index
    %get3A_15 = vector.load %arg5[%get3A_13, %get3A_14] : memref<1x64xf32, #tpu.memory_space<vmem>>, vector<1x64xf32>
    %add3A = vector.broadcast %get3A_15 : vector<1x64xf32> to vector<2000x64xf32>
    %add3A_16 = arith.addf %dot_general3A_12, %add3A : vector<2000x64xf32>
    %swap3A = arith.constant 0 : index
    %swap3A_17 = arith.constant 0 : index
    %swap3A_18 = arith.constant 0 : index
    %swap3A_19 = vector.load %arg10[%swap3A, %swap3A_17, %swap3A_18] : memref<1x2000x64xf32, #tpu.memory_space<vmem>>, vector<1x2000x64xf32>
    %swap3A_20 = vector.shape_cast %swap3A_19 : vector<1x2000x64xf32> to vector<2000x64xf32>
    %swap3A_21 = vector.shape_cast %add3A_16 : vector<2000x64xf32> to vector<1x2000x64xf32>
    tpu.vector_store %arg10[%swap3A, %swap3A_17, %swap3A_18], %swap3A_21 {strides = array<i32>} : memref<1x2000x64xf32, #tpu.memory_space<vmem>>, vector<1x2000x64xf32>,
    %get3A_22 = arith.constant 0 : index
    %get3A_23 = arith.constant 0 : index
    %get3A_24 = vector.load %arg8[%get3A_22, %get3A_23] : memref<128x64xf32, #tpu.memory_space<vmem>>, vector<128x64xf32>
    %dot_general3A_25 = arith.constant dense<0.000000e+00> : vector<2000x64xf32>
    %dot_general3A_26 = tpu.matmul %get3A_3, %get3A_24, %dot_general3A_25 {dimension_numbers = #tpu.dot_dimension_numbers<[1], [0], [0], [1], [0, 0, 1, 1], [], []>, transpose_lhs_hint = false} : vector<2000x128xf32>, vector<128x64xf32>, vector<2000x64xf32> -> vector<2000x64xf32>
    %get3A_27 = arith.constant 0 : index
    %get3A_28 = arith.constant 0 : index
    %get3A_29 = vector.load %arg9[%get3A_27, %get3A_28] : memref<1x64xf32, #tpu.memory_space<vmem>>, vector<1x64xf32>
    %add3A_30 = vector.broadcast %get3A_29 : vector<1x64xf32> to vector<2000x64xf32>
    %add3A_31 = arith.addf %dot_general3A_26, %add3A_30 : vector<2000x64xf32>
    %get3A_32 = arith.constant 0 : index
    %get3A_33 = arith.constant 0 : index
    %get3A_34 = vector.load %arg6[%get3A_32, %get3A_33] : memref<128x64xf32, #tpu.memory_space<vmem>>, vector<128x64xf32>
    %dot_general3A_35 = arith.constant dense<0.000000e+00> : vector<2000x64xf32>
    %dot_general3A_36 = tpu.matmul %get3A_3, %get3A_34, %dot_general3A_35 {dimension_numbers = #tpu.dot_dimension_numbers<[1], [0], [0], [1], [0, 0, 1, 1], [], []>, transpose_lhs_hint = false} : vector<2000x128xf32>, vector<128x64xf32>, vector<2000x64xf32> -> vector<2000x64xf32>
    %get3A_37 = arith.constant 0 : index
    %get3A_38 = arith.constant 0 : index
    %get3A_39 = vector.load %arg7[%get3A_37, %get3A_38] : memref<1x64xf32, #tpu.memory_space<vmem>>, vector<1x64xf32>
    %add3A_40 = vector.broadcast %get3A_39 : vector<1x64xf32> to vector<2000x64xf32>
    %add3A_41 = arith.addf %dot_general3A_36, %add3A_40 : vector<2000x64xf32>
    %mul3A = arith.mulf %get3A_8, %add3A_41 : vector<2000x64xf32>
    %sub3A = arith.subf %add3A_31, %mul3A : vector<2000x64xf32>
    %swap3A_42 = arith.constant 0 : index
    %swap3A_43 = arith.constant 0 : index
    %swap3A_44 = arith.constant 0 : index
    %swap3A_45 = vector.load %arg11[%swap3A_42, %swap3A_43, %swap3A_44] : memref<1x2000x64xf32, #tpu.memory_space<vmem>>, vector<1x2000x64xf32>
    %swap3A_46 = vector.shape_cast %swap3A_45 : vector<1x2000x64xf32> to vector<2000x64xf32>
    %swap3A_47 = vector.shape_cast %sub3A : vector<2000x64xf32> to vector<1x2000x64xf32>
    tpu.vector_store %arg11[%swap3A_42, %swap3A_43, %swap3A_44], %swap3A_47 {strides = array<i32>} : memref<1x2000x64xf32, #tpu.memory_space<vmem>>, vector<1x2000x64xf32>,
    return
  }
  func.func @transform_0(%arg0: i32, %arg1: i32) -> (i32, i32, i32) {
    %c0_i32 = arith.constant 0 : i32
    %c0_i32_0 = arith.constant 0 : i32
    return %arg0, %arg1, %c0_i32 : i32, i32, i32
  }
  func.func @transform_1(%arg0: i32, %arg1: i32) -> (i32, i32, i32) {
    %c0_i32 = arith.constant 0 : i32
    %c0_i32_0 = arith.constant 0 : i32
    return %arg0, %arg1, %c0_i32 : i32, i32, i32
  }
  func.func @transform_2(%arg0: i32, %arg1: i32) -> (i32, i32) {
    %c0_i32 = arith.constant 0 : i32
    %c0_i32_0 = arith.constant 0 : i32
    %c0_i32_1 = arith.constant 0 : i32
    return %c0_i32, %c0_i32_0 : i32, i32
  }
  func.func @transform_3(%arg0: i32, %arg1: i32) -> (i32, i32) {
    %c0_i32 = arith.constant 0 : i32
    %c0_i32_0 = arith.constant 0 : i32
    %c0_i32_1 = arith.constant 0 : i32
    return %c0_i32, %c0_i32_0 : i32, i32
  }
  func.func @transform_4(%arg0: i32, %arg1: i32) -> (i32, i32) {
    %c0_i32 = arith.constant 0 : i32
    %c0_i32_0 = arith.constant 0 : i32
    %c0_i32_1 = arith.constant 0 : i32
    return %c0_i32, %c0_i32_0 : i32, i32
  }
  func.func @transform_5(%arg0: i32, %arg1: i32) -> (i32, i32) {
    %c0_i32 = arith.constant 0 : i32
    %c0_i32_0 = arith.constant 0 : i32
    %c0_i32_1 = arith.constant 0 : i32
    return %c0_i32, %c0_i32_0 : i32, i32
  }
  func.func @transform_6(%arg0: i32, %arg1: i32) -> (i32, i32) {
    %c0_i32 = arith.constant 0 : i32
    %c0_i32_0 = arith.constant 0 : i32
    %c0_i32_1 = arith.constant 0 : i32
    return %c0_i32, %c0_i32_0 : i32, i32
  }
  func.func @transform_7(%arg0: i32, %arg1: i32) -> (i32, i32) {
    %c0_i32 = arith.constant 0 : i32
    %c0_i32_0 = arith.constant 0 : i32
    %c0_i32_1 = arith.constant 0 : i32
    return %c0_i32, %c0_i32_0 : i32, i32
  }
  func.func @transform_8(%arg0: i32, %arg1: i32) -> (i32, i32, i32) {
    %c0_i32 = arith.constant 0 : i32
    %c0_i32_0 = arith.constant 0 : i32
    return %arg0, %arg1, %c0_i32 : i32, i32, i32
  }
  func.func @transform_9(%arg0: i32, %arg1: i32) -> (i32, i32, i32) {
    %c0_i32 = arith.constant 0 : i32
    %c0_i32_0 = arith.constant 0 : i32
    return %arg0, %arg1, %c0_i32 : i32, i32, i32
  }
}

module attributes {stable_mosaic.version = 14 : i64} {
  func.func @_bnk_body(%arg0: i32, %arg1: memref<1x10112x64xf32, #tpu.memory_space<vmem>>, %arg2: memref<1x10000x64xf32, #tpu.memory_space<vmem>>, %arg3: memref<1x64xf32, #tpu.memory_space<vmem>>, %arg4: memref<1x64xf32, #tpu.memory_space<vmem>>, %arg5: memref<1x10000x64xf32, #tpu.memory_space<vmem>>) attributes {dimension_semantics = [#tpu.dimension_semantics<arbitrary>], iteration_bounds = array<i64: 2>, scalar_prefetch = 0 : i64, scratch_operands = 0 : i64, tpu.core_type = #tpu.core_type<tc>, window_params = [{transform_indices = @transform_0, window_bounds = array<i64: 1, 10112, 64>}, {transform_indices = @transform_1, window_bounds = array<i64: 1, 10000, 64>}, {pipeline_mode = #tpu.pipeline_mode<synchronous>, transform_indices = @transform_2, window_bounds = array<i64: 1, 64>}, {pipeline_mode = #tpu.pipeline_mode<synchronous>, transform_indices = @transform_3, window_bounds = array<i64: 1, 64>}, {transform_indices = @transform_4, window_bounds = array<i64: 1, 10000, 64>}]} {
    %get3A = arith.constant 0 : index
    %get3A_0 = arith.constant 0 : index
    %get3A_1 = arith.constant 0 : index
    %get3A_2 = vector.load %arg1[%get3A, %get3A_0, %get3A_1] : memref<1x10112x64xf32, #tpu.memory_space<vmem>>, vector<1x10112x64xf32>
    %get3A_3 = vector.shape_cast %get3A_2 : vector<1x10112x64xf32> to vector<10112x64xf32>
    %slice3A = vector.extract_strided_slice %get3A_3 {offsets = [0, 0], sizes = [10000, 64], strides = [1, 1]} : vector<10112x64xf32> to vector<10000x64xf32>
    %get3A_4 = arith.constant 0 : index
    %get3A_5 = arith.constant 0 : index
    %get3A_6 = arith.constant 0 : index
    %get3A_7 = vector.load %arg2[%get3A_4, %get3A_5, %get3A_6] : memref<1x10000x64xf32, #tpu.memory_space<vmem>>, vector<1x10000x64xf32>
    %get3A_8 = vector.shape_cast %get3A_7 : vector<1x10000x64xf32> to vector<10000x64xf32>
    %add3A = arith.addf %slice3A, %get3A_8 : vector<10000x64xf32>
    %get3A_9 = arith.constant 0 : index
    %get3A_10 = arith.constant 0 : index
    %get3A_11 = vector.load %arg3[%get3A_9, %get3A_10] : memref<1x64xf32, #tpu.memory_space<vmem>>, vector<1x64xf32>
    %get3A_12 = arith.constant 0 : index
    %get3A_13 = arith.constant 0 : index
    %get3A_14 = vector.load %arg4[%get3A_12, %get3A_13] : memref<1x64xf32, #tpu.memory_space<vmem>>, vector<1x64xf32>
    %reduce_sum3A = arith.constant dense<0.000000e+00> : vector<64xf32>
    %reduce_sum3A_15 = vector.multi_reduction <add>, %add3A, %reduce_sum3A [0] : vector<10000x64xf32> to vector<64xf32>
    %broadcast_in_dim3A = vector.shape_cast %reduce_sum3A_15 : vector<64xf32> to vector<1x64xf32>
    %div3A = arith.constant 1.000000e+04 : f32
    %div3A_16 = vector.broadcast %div3A : f32 to vector<1x64xf32>
    %div3A_17 = arith.divf %broadcast_in_dim3A, %div3A_16 : vector<1x64xf32>
    %sub3A = vector.broadcast %div3A_17 : vector<1x64xf32> to vector<10000x64xf32>
    %sub3A_18 = arith.subf %add3A, %sub3A : vector<10000x64xf32>
    %integer_pow3A = arith.mulf %sub3A_18, %sub3A_18 : vector<10000x64xf32>
    %reduce_sum3A_19 = arith.constant dense<0.000000e+00> : vector<64xf32>
    %reduce_sum3A_20 = vector.multi_reduction <add>, %integer_pow3A, %reduce_sum3A_19 [0] : vector<10000x64xf32> to vector<64xf32>
    %broadcast_in_dim3A_21 = vector.shape_cast %reduce_sum3A_20 : vector<64xf32> to vector<1x64xf32>
    %div3A_22 = arith.constant 1.000000e+04 : f32
    %div3A_23 = vector.broadcast %div3A_22 : f32 to vector<1x64xf32>
    %div3A_24 = arith.divf %broadcast_in_dim3A_21, %div3A_23 : vector<1x64xf32>
    %sub3A_25 = vector.broadcast %div3A_17 : vector<1x64xf32> to vector<10000x64xf32>
    %sub3A_26 = arith.subf %add3A, %sub3A_25 : vector<10000x64xf32>
    %add3A_27 = arith.constant 9.99999974E-6 : f32
    %add3A_28 = vector.broadcast %add3A_27 : f32 to vector<1x64xf32>
    %add3A_29 = arith.addf %div3A_24, %add3A_28 : vector<1x64xf32>
    %sqrt3A = math.sqrt %add3A_29 : vector<1x64xf32>
    %div3A_30 = vector.broadcast %sqrt3A : vector<1x64xf32> to vector<10000x64xf32>
    %div3A_31 = arith.divf %sub3A_26, %div3A_30 : vector<10000x64xf32>
    %mul3A = vector.broadcast %get3A_11 : vector<1x64xf32> to vector<10000x64xf32>
    %mul3A_32 = arith.mulf %div3A_31, %mul3A : vector<10000x64xf32>
    %add3A_33 = vector.broadcast %get3A_14 : vector<1x64xf32> to vector<10000x64xf32>
    %add3A_34 = arith.addf %mul3A_32, %add3A_33 : vector<10000x64xf32>
    %max3A = arith.constant 0.000000e+00 : f32
    %max3A_35 = vector.broadcast %max3A : f32 to vector<10000x64xf32>
    %max3A_36 = arith.maximumf %add3A_34, %max3A_35 : vector<10000x64xf32>
    %swap3A = arith.constant 0 : index
    %swap3A_37 = arith.constant 0 : index
    %swap3A_38 = arith.constant 0 : index
    %swap3A_39 = vector.load %arg5[%swap3A, %swap3A_37, %swap3A_38] : memref<1x10000x64xf32, #tpu.memory_space<vmem>>, vector<1x10000x64xf32>
    %swap3A_40 = vector.shape_cast %swap3A_39 : vector<1x10000x64xf32> to vector<10000x64xf32>
    %swap3A_41 = vector.shape_cast %max3A_36 : vector<10000x64xf32> to vector<1x10000x64xf32>
    tpu.vector_store %arg5[%swap3A, %swap3A_37, %swap3A_38], %swap3A_41 {strides = array<i32>} : memref<1x10000x64xf32, #tpu.memory_space<vmem>>, vector<1x10000x64xf32>,
    return
  }
  func.func @transform_0(%arg0: i32) -> (i32, i32, i32) {
    %c0_i32 = arith.constant 0 : i32
    %c0_i32_0 = arith.constant 0 : i32
    %c0_i32_1 = arith.constant 0 : i32
    return %arg0, %c0_i32, %c0_i32_0 : i32, i32, i32
  }
  func.func @transform_1(%arg0: i32) -> (i32, i32, i32) {
    %c0_i32 = arith.constant 0 : i32
    %c0_i32_0 = arith.constant 0 : i32
    %c0_i32_1 = arith.constant 0 : i32
    return %arg0, %c0_i32, %c0_i32_0 : i32, i32, i32
  }
  func.func @transform_2(%arg0: i32) -> (i32, i32) {
    %c0_i32 = arith.constant 0 : i32
    %c0_i32_0 = arith.constant 0 : i32
    %c0_i32_1 = arith.constant 0 : i32
    return %c0_i32, %c0_i32_0 : i32, i32
  }
  func.func @transform_3(%arg0: i32) -> (i32, i32) {
    %c0_i32 = arith.constant 0 : i32
    %c0_i32_0 = arith.constant 0 : i32
    %c0_i32_1 = arith.constant 0 : i32
    return %c0_i32, %c0_i32_0 : i32, i32
  }
  func.func @transform_4(%arg0: i32) -> (i32, i32, i32) {
    %c0_i32 = arith.constant 0 : i32
    %c0_i32_0 = arith.constant 0 : i32
    %c0_i32_1 = arith.constant 0 : i32
    return %arg0, %c0_i32, %c0_i32_0 : i32, i32, i32
  }
}

module attributes {stable_mosaic.version = 14 : i64} {
  func.func @_mats_body_any(%arg0: i32, %arg1: i32, %arg2: memref<1x2000x64xf32, #tpu.memory_space<vmem>>, %arg3: memref<1x2000x64xf32, #tpu.memory_space<vmem>>, %arg4: memref<64x64xf32, #tpu.memory_space<vmem>>, %arg5: memref<1x64xf32, #tpu.memory_space<vmem>>, %arg6: memref<64x64xf32, #tpu.memory_space<vmem>>, %arg7: memref<1x64xf32, #tpu.memory_space<vmem>>, %arg8: memref<64x64xf32, #tpu.memory_space<vmem>>, %arg9: memref<1x64xf32, #tpu.memory_space<vmem>>, %arg10: memref<1x2000x64xf32, #tpu.memory_space<vmem>>, %arg11: memref<1x2000x64xf32, #tpu.memory_space<vmem>>) attributes {dimension_semantics = [#tpu.dimension_semantics<arbitrary>, #tpu.dimension_semantics<arbitrary>], iteration_bounds = array<i64: 2, 5>, scalar_prefetch = 0 : i64, scratch_operands = 0 : i64, tpu.core_type = #tpu.core_type<tc>, window_params = [{transform_indices = @transform_0, window_bounds = array<i64: 1, 2000, 64>}, {transform_indices = @transform_1, window_bounds = array<i64: 1, 2000, 64>}, {pipeline_mode = #tpu.pipeline_mode<synchronous>, transform_indices = @transform_2, window_bounds = array<i64: 64, 64>}, {pipeline_mode = #tpu.pipeline_mode<synchronous>, transform_indices = @transform_3, window_bounds = array<i64: 1, 64>}, {pipeline_mode = #tpu.pipeline_mode<synchronous>, transform_indices = @transform_4, window_bounds = array<i64: 64, 64>}, {pipeline_mode = #tpu.pipeline_mode<synchronous>, transform_indices = @transform_5, window_bounds = array<i64: 1, 64>}, {pipeline_mode = #tpu.pipeline_mode<synchronous>, transform_indices = @transform_6, window_bounds = array<i64: 64, 64>}, {pipeline_mode = #tpu.pipeline_mode<synchronous>, transform_indices = @transform_7, window_bounds = array<i64: 1, 64>}, {transform_indices = @transform_8, window_bounds = array<i64: 1, 2000, 64>}, {transform_indices = @transform_9, window_bounds = array<i64: 1, 2000, 64>}]} {
    %get3A = arith.constant 0 : index
    %get3A_0 = arith.constant 0 : index
    %get3A_1 = arith.constant 0 : index
    %get3A_2 = vector.load %arg2[%get3A, %get3A_0, %get3A_1] : memref<1x2000x64xf32, #tpu.memory_space<vmem>>, vector<1x2000x64xf32>
    %get3A_3 = vector.shape_cast %get3A_2 : vector<1x2000x64xf32> to vector<2000x64xf32>
    %get3A_4 = arith.constant 0 : index
    %get3A_5 = arith.constant 0 : index
    %get3A_6 = arith.constant 0 : index
    %get3A_7 = vector.load %arg3[%get3A_4, %get3A_5, %get3A_6] : memref<1x2000x64xf32, #tpu.memory_space<vmem>>, vector<1x2000x64xf32>
    %get3A_8 = vector.shape_cast %get3A_7 : vector<1x2000x64xf32> to vector<2000x64xf32>
    %get3A_9 = arith.constant 0 : index
    %get3A_10 = arith.constant 0 : index
    %get3A_11 = vector.load %arg4[%get3A_9, %get3A_10] : memref<64x64xf32, #tpu.memory_space<vmem>>, vector<64x64xf32>
    %dot_general3A = arith.constant dense<0.000000e+00> : vector<2000x64xf32>
    %dot_general3A_12 = tpu.matmul %get3A_3, %get3A_11, %dot_general3A {dimension_numbers = #tpu.dot_dimension_numbers<[1], [0], [0], [1], [0, 0, 1, 1], [], []>, transpose_lhs_hint = false} : vector<2000x64xf32>, vector<64x64xf32>, vector<2000x64xf32> -> vector<2000x64xf32>
    %get3A_13 = arith.constant 0 : index
    %get3A_14 = arith.constant 0 : index
    %get3A_15 = vector.load %arg5[%get3A_13, %get3A_14] : memref<1x64xf32, #tpu.memory_space<vmem>>, vector<1x64xf32>
    %add3A = vector.broadcast %get3A_15 : vector<1x64xf32> to vector<2000x64xf32>
    %add3A_16 = arith.addf %dot_general3A_12, %add3A : vector<2000x64xf32>
    %swap3A = arith.constant 0 : index
    %swap3A_17 = arith.constant 0 : index
    %swap3A_18 = arith.constant 0 : index
    %swap3A_19 = vector.load %arg10[%swap3A, %swap3A_17, %swap3A_18] : memref<1x2000x64xf32, #tpu.memory_space<vmem>>, vector<1x2000x64xf32>
    %swap3A_20 = vector.shape_cast %swap3A_19 : vector<1x2000x64xf32> to vector<2000x64xf32>
    %swap3A_21 = vector.shape_cast %add3A_16 : vector<2000x64xf32> to vector<1x2000x64xf32>
    tpu.vector_store %arg10[%swap3A, %swap3A_17, %swap3A_18], %swap3A_21 {strides = array<i32>} : memref<1x2000x64xf32, #tpu.memory_space<vmem>>, vector<1x2000x64xf32>,
    %get3A_22 = arith.constant 0 : index
    %get3A_23 = arith.constant 0 : index
    %get3A_24 = vector.load %arg8[%get3A_22, %get3A_23] : memref<64x64xf32, #tpu.memory_space<vmem>>, vector<64x64xf32>
    %dot_general3A_25 = arith.constant dense<0.000000e+00> : vector<2000x64xf32>
    %dot_general3A_26 = tpu.matmul %get3A_3, %get3A_24, %dot_general3A_25 {dimension_numbers = #tpu.dot_dimension_numbers<[1], [0], [0], [1], [0, 0, 1, 1], [], []>, transpose_lhs_hint = false} : vector<2000x64xf32>, vector<64x64xf32>, vector<2000x64xf32> -> vector<2000x64xf32>
    %get3A_27 = arith.constant 0 : index
    %get3A_28 = arith.constant 0 : index
    %get3A_29 = vector.load %arg9[%get3A_27, %get3A_28] : memref<1x64xf32, #tpu.memory_space<vmem>>, vector<1x64xf32>
    %add3A_30 = vector.broadcast %get3A_29 : vector<1x64xf32> to vector<2000x64xf32>
    %add3A_31 = arith.addf %dot_general3A_26, %add3A_30 : vector<2000x64xf32>
    %get3A_32 = arith.constant 0 : index
    %get3A_33 = arith.constant 0 : index
    %get3A_34 = vector.load %arg6[%get3A_32, %get3A_33] : memref<64x64xf32, #tpu.memory_space<vmem>>, vector<64x64xf32>
    %dot_general3A_35 = arith.constant dense<0.000000e+00> : vector<2000x64xf32>
    %dot_general3A_36 = tpu.matmul %get3A_3, %get3A_34, %dot_general3A_35 {dimension_numbers = #tpu.dot_dimension_numbers<[1], [0], [0], [1], [0, 0, 1, 1], [], []>, transpose_lhs_hint = false} : vector<2000x64xf32>, vector<64x64xf32>, vector<2000x64xf32> -> vector<2000x64xf32>
    %get3A_37 = arith.constant 0 : index
    %get3A_38 = arith.constant 0 : index
    %get3A_39 = vector.load %arg7[%get3A_37, %get3A_38] : memref<1x64xf32, #tpu.memory_space<vmem>>, vector<1x64xf32>
    %add3A_40 = vector.broadcast %get3A_39 : vector<1x64xf32> to vector<2000x64xf32>
    %add3A_41 = arith.addf %dot_general3A_36, %add3A_40 : vector<2000x64xf32>
    %mul3A = arith.mulf %get3A_8, %add3A_41 : vector<2000x64xf32>
    %sub3A = arith.subf %add3A_31, %mul3A : vector<2000x64xf32>
    %swap3A_42 = arith.constant 0 : index
    %swap3A_43 = arith.constant 0 : index
    %swap3A_44 = arith.constant 0 : index
    %swap3A_45 = vector.load %arg11[%swap3A_42, %swap3A_43, %swap3A_44] : memref<1x2000x64xf32, #tpu.memory_space<vmem>>, vector<1x2000x64xf32>
    %swap3A_46 = vector.shape_cast %swap3A_45 : vector<1x2000x64xf32> to vector<2000x64xf32>
    %swap3A_47 = vector.shape_cast %sub3A : vector<2000x64xf32> to vector<1x2000x64xf32>
    tpu.vector_store %arg11[%swap3A_42, %swap3A_43, %swap3A_44], %swap3A_47 {strides = array<i32>} : memref<1x2000x64xf32, #tpu.memory_space<vmem>>, vector<1x2000x64xf32>,
    return
  }
  func.func @transform_0(%arg0: i32, %arg1: i32) -> (i32, i32, i32) {
    %c0_i32 = arith.constant 0 : i32
    %c0_i32_0 = arith.constant 0 : i32
    return %arg0, %arg1, %c0_i32 : i32, i32, i32
  }
  func.func @transform_1(%arg0: i32, %arg1: i32) -> (i32, i32, i32) {
    %c0_i32 = arith.constant 0 : i32
    %c0_i32_0 = arith.constant 0 : i32
    return %arg0, %arg1, %c0_i32 : i32, i32, i32
  }
  func.func @transform_2(%arg0: i32, %arg1: i32) -> (i32, i32) {
    %c0_i32 = arith.constant 0 : i32
    %c0_i32_0 = arith.constant 0 : i32
    %c0_i32_1 = arith.constant 0 : i32
    return %c0_i32, %c0_i32_0 : i32, i32
  }
  func.func @transform_3(%arg0: i32, %arg1: i32) -> (i32, i32) {
    %c0_i32 = arith.constant 0 : i32
    %c0_i32_0 = arith.constant 0 : i32
    %c0_i32_1 = arith.constant 0 : i32
    return %c0_i32, %c0_i32_0 : i32, i32
  }
  func.func @transform_4(%arg0: i32, %arg1: i32) -> (i32, i32) {
    %c0_i32 = arith.constant 0 : i32
    %c0_i32_0 = arith.constant 0 : i32
    %c0_i32_1 = arith.constant 0 : i32
    return %c0_i32, %c0_i32_0 : i32, i32
  }
  func.func @transform_5(%arg0: i32, %arg1: i32) -> (i32, i32) {
    %c0_i32 = arith.constant 0 : i32
    %c0_i32_0 = arith.constant 0 : i32
    %c0_i32_1 = arith.constant 0 : i32
    return %c0_i32, %c0_i32_0 : i32, i32
  }
  func.func @transform_6(%arg0: i32, %arg1: i32) -> (i32, i32) {
    %c0_i32 = arith.constant 0 : i32
    %c0_i32_0 = arith.constant 0 : i32
    %c0_i32_1 = arith.constant 0 : i32
    return %c0_i32, %c0_i32_0 : i32, i32
  }
  func.func @transform_7(%arg0: i32, %arg1: i32) -> (i32, i32) {
    %c0_i32 = arith.constant 0 : i32
    %c0_i32_0 = arith.constant 0 : i32
    %c0_i32_1 = arith.constant 0 : i32
    return %c0_i32, %c0_i32_0 : i32, i32
  }
  func.func @transform_8(%arg0: i32, %arg1: i32) -> (i32, i32, i32) {
    %c0_i32 = arith.constant 0 : i32
    %c0_i32_0 = arith.constant 0 : i32
    return %arg0, %arg1, %c0_i32 : i32, i32, i32
  }
  func.func @transform_9(%arg0: i32, %arg1: i32) -> (i32, i32, i32) {
    %c0_i32 = arith.constant 0 : i32
    %c0_i32_0 = arith.constant 0 : i32
    return %arg0, %arg1, %c0_i32 : i32, i32, i32
  }
}

module attributes {stable_mosaic.version = 14 : i64} {
  func.func @_pool_body(%arg0: i32, %arg1: memref<1x10000x64xf32, #tpu.memory_space<vmem>>, %arg2: memref<1x1x10000xi32, #tpu.memory_space<vmem>>, %arg3: memref<64x32xf32, #tpu.memory_space<vmem>>, %arg4: memref<1x32xf32, #tpu.memory_space<vmem>>, %arg5: memref<32x1xf32, #tpu.memory_space<vmem>>, %arg6: memref<1x1xf32, #tpu.memory_space<vmem>>, %arg7: memref<1x64x64xf32, #tpu.memory_space<vmem>>) attributes {dimension_semantics = [#tpu.dimension_semantics<arbitrary>], iteration_bounds = array<i64: 2>, scalar_prefetch = 0 : i64, scratch_operands = 0 : i64, tpu.core_type = #tpu.core_type<tc>, window_params = [{transform_indices = @transform_0, window_bounds = array<i64: 1, 10000, 64>}, {transform_indices = @transform_1, window_bounds = array<i64: 1, 1, 10000>}, {pipeline_mode = #tpu.pipeline_mode<synchronous>, transform_indices = @transform_2, window_bounds = array<i64: 64, 32>}, {pipeline_mode = #tpu.pipeline_mode<synchronous>, transform_indices = @transform_3, window_bounds = array<i64: 1, 32>}, {pipeline_mode = #tpu.pipeline_mode<synchronous>, transform_indices = @transform_4, window_bounds = array<i64: 32, 1>}, {pipeline_mode = #tpu.pipeline_mode<synchronous>, transform_indices = @transform_5, window_bounds = array<i64: 1, 1>}, {transform_indices = @transform_6, window_bounds = array<i64: 1, 64, 64>}]} {
    %get3A = arith.constant 0 : index
    %get3A_0 = arith.constant 0 : index
    %get3A_1 = arith.constant 0 : index
    %get3A_2 = vector.load %arg1[%get3A, %get3A_0, %get3A_1] : memref<1x10000x64xf32, #tpu.memory_space<vmem>>, vector<1x10000x64xf32>
    %get3A_3 = vector.shape_cast %get3A_2 : vector<1x10000x64xf32> to vector<10000x64xf32>
    %get3A_4 = arith.constant 0 : index
    %get3A_5 = arith.constant 0 : index
    %get3A_6 = vector.load %arg3[%get3A_4, %get3A_5] : memref<64x32xf32, #tpu.memory_space<vmem>>, vector<64x32xf32>
    %dot_general3A = arith.constant dense<0.000000e+00> : vector<10000x32xf32>
    %dot_general3A_7 = tpu.matmul %get3A_3, %get3A_6, %dot_general3A {dimension_numbers = #tpu.dot_dimension_numbers<[1], [0], [0], [1], [0, 0, 1, 1], [], []>, transpose_lhs_hint = false} : vector<10000x64xf32>, vector<64x32xf32>, vector<10000x32xf32> -> vector<10000x32xf32>
    %get3A_8 = arith.constant 0 : index
    %get3A_9 = arith.constant 0 : index
    %get3A_10 = vector.load %arg4[%get3A_8, %get3A_9] : memref<1x32xf32, #tpu.memory_space<vmem>>, vector<1x32xf32>
    %add3A = vector.broadcast %get3A_10 : vector<1x32xf32> to vector<10000x32xf32>
    %add3A_11 = arith.addf %dot_general3A_7, %add3A : vector<10000x32xf32>
    %max3A = arith.constant 0.000000e+00 : f32
    %max3A_12 = vector.broadcast %max3A : f32 to vector<10000x32xf32>
    %max3A_13 = arith.maximumf %add3A_11, %max3A_12 : vector<10000x32xf32>
    %get3A_14 = arith.constant 0 : index
    %get3A_15 = arith.constant 0 : index
    %get3A_16 = vector.load %arg5[%get3A_14, %get3A_15] : memref<32x1xf32, #tpu.memory_space<vmem>>, vector<32x1xf32>
    %dot_general3A_17 = arith.constant dense<0.000000e+00> : vector<10000x1xf32>
    %dot_general3A_18 = tpu.matmul %max3A_13, %get3A_16, %dot_general3A_17 {dimension_numbers = #tpu.dot_dimension_numbers<[1], [0], [0], [1], [0, 0, 1, 1], [], []>, transpose_lhs_hint = false} : vector<10000x32xf32>, vector<32x1xf32>, vector<10000x1xf32> -> vector<10000x1xf32>
    %get3A_19 = arith.constant 0 : index
    %get3A_20 = arith.constant 0 : index
    %get3A_21 = vector.load %arg6[%get3A_19, %get3A_20] : memref<1x1xf32, #tpu.memory_space<vmem>>, vector<1x1xf32>
    %add3A_22 = vector.broadcast %get3A_21 : vector<1x1xf32> to vector<10000x1xf32>
    %add3A_23 = arith.addf %dot_general3A_18, %add3A_22 : vector<10000x1xf32>
    %max3A_24 = arith.constant 0.000000e+00 : f32
    %max3A_25 = vector.broadcast %max3A_24 : f32 to vector<10000x1xf32>
    %max3A_26 = arith.maximumf %add3A_23, %max3A_25 : vector<10000x1xf32>
    %get3A_27 = arith.constant 0 : index
    %get3A_28 = arith.constant 0 : index
    %get3A_29 = arith.constant 0 : index
    %get3A_30 = vector.load %arg2[%get3A_27, %get3A_28, %get3A_29] : memref<1x1x10000xi32, #tpu.memory_space<vmem>>, vector<1x1x10000xi32>
    %get3A_31 = vector.shape_cast %get3A_30 : vector<1x1x10000xi32> to vector<10000xi32>
    %iota3A = tpu.iota {dimensions = array<i32: 1>} : vector<10000x64xi32>
    %broadcast_in_dim3A = vector.shape_cast %get3A_31 : vector<10000xi32> to vector<10000x1xi32>
    %eq3A = vector.broadcast %broadcast_in_dim3A : vector<10000x1xi32> to vector<10000x64xi32>
    %eq3A_32 = arith.cmpi eq, %eq3A, %iota3A : vector<10000x64xi32>
    %convert_element_type3A = arith.extui %eq3A_32 : vector<10000x64xi1> to vector<10000x64xi32>
    %convert_element_type3A_33 = arith.sitofp %convert_element_type3A : vector<10000x64xi32> to vector<10000x64xf32>
    %jit3A = arith.constant 0xFF800000 : f32
    %broadcast_in_dim3A_34 = vector.shape_cast %max3A_26 : vector<10000x1xf32> to vector<10000x1xf32>
    %broadcast_in_dim3A_35 = vector.broadcast %broadcast_in_dim3A_34 : vector<10000x1xf32> to vector<10000x64xf32>
    %broadcast_in_dim3A_36 = vector.broadcast %jit3A : f32 to vector<10000x64xf32>
    %select_n3A = arith.select %eq3A_32, %broadcast_in_dim3A_35, %broadcast_in_dim3A_36 : vector<10000x64xi1>, vector<10000x64xf32>
    %reduce_max3A = arith.constant dense<0xFF800000> : vector<64xf32>
    %reduce_max3A_37 = vector.multi_reduction <maximumf>, %select_n3A, %reduce_max3A [0] : vector<10000x64xf32> to vector<64xf32>
    %is_finite3A = tpu.weird %reduce_max3A_37 : vector<64xf32> -> vector<64xi1>
    %is_finite3A_38 = arith.constant dense<true> : vector<64xi1>
    %is_finite3A_39 = arith.xori %is_finite3A, %is_finite3A_38 : vector<64xi1>
    %jit3A_40 = arith.constant 0.000000e+00 : f32
    %broadcast_in_dim3A_41 = vector.broadcast %jit3A_40 : f32 to vector<64xf32>
    %select_n3A_42 = arith.select %is_finite3A_39, %reduce_max3A_37, %broadcast_in_dim3A_41 : vector<64xi1>, vector<64xf32>
    %broadcast_in_dim3A_43 = vector.shape_cast %select_n3A_42 : vector<64xf32> to vector<1x64xf32>
    %jit3A_44 = arith.constant 0xFF800000 : f32
    %broadcast_in_dim3A_45 = vector.shape_cast %broadcast_in_dim3A_43 : vector<1x64xf32> to vector<1x64xf32>
    %broadcast_in_dim3A_46 = vector.broadcast %broadcast_in_dim3A_45 : vector<1x64xf32> to vector<10000x64xf32>
    %broadcast_in_dim3A_47 = vector.broadcast %jit3A_44 : f32 to vector<10000x64xf32>
    %select_n3A_48 = arith.select %eq3A_32, %broadcast_in_dim3A_46, %broadcast_in_dim3A_47 : vector<10000x64xi1>, vector<10000x64xf32>
    %reduce_max3A_49 = arith.constant dense<0xFF800000> : vector<10000xf32>
    %reduce_max3A_50 = vector.multi_reduction <maximumf>, %select_n3A_48, %reduce_max3A_49 [1] : vector<10000x64xf32> to vector<10000xf32>
    %broadcast_in_dim3A_51 = vector.shape_cast %reduce_max3A_50 : vector<10000xf32> to vector<10000x1xf32>
    %sub3A = arith.subf %max3A_26, %broadcast_in_dim3A_51 : vector<10000x1xf32>
    %exp3A = math.exp %sub3A : vector<10000x1xf32>
    %dot_general3A_52 = arith.constant dense<0.000000e+00> : vector<64x1xf32>
    %dot_general3A_53 = tpu.matmul %convert_element_type3A_33, %exp3A, %dot_general3A_52 {dimension_numbers = #tpu.dot_dimension_numbers<[0], [0], [1], [1], [0, 1, 1, 1], [], []>, precision = #tpu.contract_precision<fp32>, transpose_lhs_hint = false} : vector<10000x64xf32>, vector<10000x1xf32>, vector<64x1xf32> -> vector<64x1xf32>
    %squeeze3A = vector.shape_cast %dot_general3A_53 : vector<64x1xf32> to vector<64xf32>
    %broadcast_in_dim3A_54 = vector.shape_cast %squeeze3A : vector<64xf32> to vector<1x64xf32>
    %jit3A_55 = arith.constant 0.000000e+00 : f32
    %broadcast_in_dim3A_56 = vector.shape_cast %broadcast_in_dim3A_54 : vector<1x64xf32> to vector<1x64xf32>
    %broadcast_in_dim3A_57 = vector.broadcast %broadcast_in_dim3A_56 : vector<1x64xf32> to vector<10000x64xf32>
    %broadcast_in_dim3A_58 = vector.broadcast %jit3A_55 : f32 to vector<10000x64xf32>
    %select_n3A_59 = arith.select %eq3A_32, %broadcast_in_dim3A_57, %broadcast_in_dim3A_58 : vector<10000x64xi1>, vector<10000x64xf32>
    %reduce_sum3A = arith.constant dense<0.000000e+00> : vector<10000xf32>
    %reduce_sum3A_60 = vector.multi_reduction <add>, %select_n3A_59, %reduce_sum3A [1] : vector<10000x64xf32> to vector<10000xf32>
    %broadcast_in_dim3A_61 = vector.shape_cast %reduce_sum3A_60 : vector<10000xf32> to vector<10000x1xf32>
    %add3A_62 = arith.constant 1.000000e-16 : f32
    %add3A_63 = vector.broadcast %add3A_62 : f32 to vector<10000x1xf32>
    %add3A_64 = arith.addf %broadcast_in_dim3A_61, %add3A_63 : vector<10000x1xf32>
    %div3A = arith.divf %exp3A, %add3A_64 : vector<10000x1xf32>
    %mul3A = vector.broadcast %div3A : vector<10000x1xf32> to vector<10000x64xf32>
    %mul3A_65 = arith.mulf %mul3A, %get3A_3 : vector<10000x64xf32>
    %dot_general3A_66 = arith.constant dense<0.000000e+00> : vector<64x64xf32>
    %dot_general3A_67 = tpu.matmul %convert_element_type3A_33, %mul3A_65, %dot_general3A_66 {dimension_numbers = #tpu.dot_dimension_numbers<[0], [0], [1], [1], [0, 1, 1, 1], [], []>, precision = #tpu.contract_precision<fp32>, transpose_lhs_hint = false} : vector<10000x64xf32>, vector<10000x64xf32>, vector<64x64xf32> -> vector<64x64xf32>
    %swap3A = arith.constant 0 : index
    %swap3A_68 = arith.constant 0 : index
    %swap3A_69 = arith.constant 0 : index
    %swap3A_70 = vector.load %arg7[%swap3A, %swap3A_68, %swap3A_69] : memref<1x64x64xf32, #tpu.memory_space<vmem>>, vector<1x64x64xf32>
    %swap3A_71 = vector.shape_cast %swap3A_70 : vector<1x64x64xf32> to vector<64x64xf32>
    %swap3A_72 = vector.shape_cast %dot_general3A_67 : vector<64x64xf32> to vector<1x64x64xf32>
    tpu.vector_store %arg7[%swap3A, %swap3A_68, %swap3A_69], %swap3A_72 {strides = array<i32>} : memref<1x64x64xf32, #tpu.memory_space<vmem>>, vector<1x64x64xf32>,
    return
  }
  func.func @transform_0(%arg0: i32) -> (i32, i32, i32) {
    %c0_i32 = arith.constant 0 : i32
    %c0_i32_0 = arith.constant 0 : i32
    %c0_i32_1 = arith.constant 0 : i32
    return %arg0, %c0_i32, %c0_i32_0 : i32, i32, i32
  }
  func.func @transform_1(%arg0: i32) -> (i32, i32, i32) {
    %c0_i32 = arith.constant 0 : i32
    %c0_i32_0 = arith.constant 0 : i32
    %c0_i32_1 = arith.constant 0 : i32
    return %arg0, %c0_i32, %c0_i32_0 : i32, i32, i32
  }
  func.func @transform_2(%arg0: i32) -> (i32, i32) {
    %c0_i32 = arith.constant 0 : i32
    %c0_i32_0 = arith.constant 0 : i32
    %c0_i32_1 = arith.constant 0 : i32
    return %c0_i32, %c0_i32_0 : i32, i32
  }
  func.func @transform_3(%arg0: i32) -> (i32, i32) {
    %c0_i32 = arith.constant 0 : i32
    %c0_i32_0 = arith.constant 0 : i32
    %c0_i32_1 = arith.constant 0 : i32
    return %c0_i32, %c0_i32_0 : i32, i32
  }
  func.func @transform_4(%arg0: i32) -> (i32, i32) {
    %c0_i32 = arith.constant 0 : i32
    %c0_i32_0 = arith.constant 0 : i32
    %c0_i32_1 = arith.constant 0 : i32
    return %c0_i32, %c0_i32_0 : i32, i32
  }
  func.func @transform_5(%arg0: i32) -> (i32, i32) {
    %c0_i32 = arith.constant 0 : i32
    %c0_i32_0 = arith.constant 0 : i32
    %c0_i32_1 = arith.constant 0 : i32
    return %c0_i32, %c0_i32_0 : i32, i32
  }
  func.func @transform_6(%arg0: i32) -> (i32, i32, i32) {
    %c0_i32 = arith.constant 0 : i32
    %c0_i32_0 = arith.constant 0 : i32
    %c0_i32_1 = arith.constant 0 : i32
    return %arg0, %c0_i32, %c0_i32_0 : i32, i32, i32
  }
}

module attributes {stable_mosaic.version = 14 : i64} {
  func.func @_head_body(%arg0: memref<2x64x64xf32, #tpu.memory_space<vmem>>, %arg1: memref<64x64xf32, #tpu.memory_space<vmem>>, %arg2: memref<1x64xf32, #tpu.memory_space<vmem>>, %arg3: memref<64x64xf32, #tpu.memory_space<vmem>>, %arg4: memref<1x64xf32, #tpu.memory_space<vmem>>, %arg5: memref<64x64xf32, #tpu.memory_space<vmem>>, %arg6: memref<1x64xf32, #tpu.memory_space<vmem>>, %arg7: memref<64x1xf32, #tpu.memory_space<vmem>>, %arg8: memref<1x1xf32, #tpu.memory_space<vmem>>, %arg9: memref<64x1xf32, #tpu.memory_space<vmem>>) attributes {dimension_semantics = [], scalar_prefetch = 0 : i64, scratch_operands = 0 : i64, tpu.core_type = #tpu.core_type<tc>} {
    %get3A = arith.constant 0 : index
    %get3A_0 = arith.constant 0 : index
    %get3A_1 = arith.constant 0 : index
    %get3A_2 = vector.load %arg0[%get3A, %get3A_0, %get3A_1] : memref<2x64x64xf32, #tpu.memory_space<vmem>>, vector<1x64x64xf32>
    %get3A_3 = vector.shape_cast %get3A_2 : vector<1x64x64xf32> to vector<64x64xf32>
    %get3A_4 = arith.constant 1 : index
    %get3A_5 = arith.constant 0 : index
    %get3A_6 = arith.constant 0 : index
    %get3A_7 = vector.load %arg0[%get3A_4, %get3A_5, %get3A_6] : memref<2x64x64xf32, #tpu.memory_space<vmem>>, vector<1x64x64xf32>
    %get3A_8 = vector.shape_cast %get3A_7 : vector<1x64x64xf32> to vector<64x64xf32>
    %sub3A = arith.subf %get3A_3, %get3A_8 : vector<64x64xf32>
    %abs3A = math.absf %sub3A : vector<64x64xf32>
    %get3A_9 = arith.constant 0 : index
    %get3A_10 = arith.constant 0 : index
    %get3A_11 = vector.load %arg1[%get3A_9, %get3A_10] : memref<64x64xf32, #tpu.memory_space<vmem>>, vector<64x64xf32>
    %dot_general3A = arith.constant dense<0.000000e+00> : vector<64x64xf32>
    %dot_general3A_12 = tpu.matmul %abs3A, %get3A_11, %dot_general3A {dimension_numbers = #tpu.dot_dimension_numbers<[1], [0], [0], [1], [0, 0, 1, 1], [], []>, transpose_lhs_hint = false} : vector<64x64xf32>, vector<64x64xf32>, vector<64x64xf32> -> vector<64x64xf32>
    %get3A_13 = arith.constant 0 : index
    %get3A_14 = arith.constant 0 : index
    %get3A_15 = vector.load %arg2[%get3A_13, %get3A_14] : memref<1x64xf32, #tpu.memory_space<vmem>>, vector<1x64xf32>
    %add3A = vector.broadcast %get3A_15 : vector<1x64xf32> to vector<64x64xf32>
    %add3A_16 = arith.addf %dot_general3A_12, %add3A : vector<64x64xf32>
    %max3A = arith.constant 0.000000e+00 : f32
    %max3A_17 = vector.broadcast %max3A : f32 to vector<64x64xf32>
    %max3A_18 = arith.maximumf %add3A_16, %max3A_17 : vector<64x64xf32>
    %get3A_19 = arith.constant 0 : index
    %get3A_20 = arith.constant 0 : index
    %get3A_21 = vector.load %arg3[%get3A_19, %get3A_20] : memref<64x64xf32, #tpu.memory_space<vmem>>, vector<64x64xf32>
    %dot_general3A_22 = arith.constant dense<0.000000e+00> : vector<64x64xf32>
    %dot_general3A_23 = tpu.matmul %max3A_18, %get3A_21, %dot_general3A_22 {dimension_numbers = #tpu.dot_dimension_numbers<[1], [0], [0], [1], [0, 0, 1, 1], [], []>, transpose_lhs_hint = false} : vector<64x64xf32>, vector<64x64xf32>, vector<64x64xf32> -> vector<64x64xf32>
    %get3A_24 = arith.constant 0 : index
    %get3A_25 = arith.constant 0 : index
    %get3A_26 = vector.load %arg4[%get3A_24, %get3A_25] : memref<1x64xf32, #tpu.memory_space<vmem>>, vector<1x64xf32>
    %add3A_27 = vector.broadcast %get3A_26 : vector<1x64xf32> to vector<64x64xf32>
    %add3A_28 = arith.addf %dot_general3A_23, %add3A_27 : vector<64x64xf32>
    %max3A_29 = arith.constant 0.000000e+00 : f32
    %max3A_30 = vector.broadcast %max3A_29 : f32 to vector<64x64xf32>
    %max3A_31 = arith.maximumf %add3A_28, %max3A_30 : vector<64x64xf32>
    %get3A_32 = arith.constant 0 : index
    %get3A_33 = arith.constant 0 : index
    %get3A_34 = vector.load %arg5[%get3A_32, %get3A_33] : memref<64x64xf32, #tpu.memory_space<vmem>>, vector<64x64xf32>
    %dot_general3A_35 = arith.constant dense<0.000000e+00> : vector<64x64xf32>
    %dot_general3A_36 = tpu.matmul %max3A_31, %get3A_34, %dot_general3A_35 {dimension_numbers = #tpu.dot_dimension_numbers<[1], [0], [0], [1], [0, 0, 1, 1], [], []>, transpose_lhs_hint = false} : vector<64x64xf32>, vector<64x64xf32>, vector<64x64xf32> -> vector<64x64xf32>
    %get3A_37 = arith.constant 0 : index
    %get3A_38 = arith.constant 0 : index
    %get3A_39 = vector.load %arg6[%get3A_37, %get3A_38] : memref<1x64xf32, #tpu.memory_space<vmem>>, vector<1x64xf32>
    %add3A_40 = vector.broadcast %get3A_39 : vector<1x64xf32> to vector<64x64xf32>
    %add3A_41 = arith.addf %dot_general3A_36, %add3A_40 : vector<64x64xf32>
    %max3A_42 = arith.constant 0.000000e+00 : f32
    %max3A_43 = vector.broadcast %max3A_42 : f32 to vector<64x64xf32>
    %max3A_44 = arith.maximumf %add3A_41, %max3A_43 : vector<64x64xf32>
    %get3A_45 = arith.constant 0 : index
    %get3A_46 = arith.constant 0 : index
    %get3A_47 = vector.load %arg7[%get3A_45, %get3A_46] : memref<64x1xf32, #tpu.memory_space<vmem>>, vector<64x1xf32>
    %dot_general3A_48 = arith.constant dense<0.000000e+00> : vector<64x1xf32>
    %dot_general3A_49 = tpu.matmul %max3A_44, %get3A_47, %dot_general3A_48 {dimension_numbers = #tpu.dot_dimension_numbers<[1], [0], [0], [1], [0, 0, 1, 1], [], []>, transpose_lhs_hint = false} : vector<64x64xf32>, vector<64x1xf32>, vector<64x1xf32> -> vector<64x1xf32>
    %get3A_50 = arith.constant 0 : index
    %get3A_51 = arith.constant 0 : index
    %get3A_52 = vector.load %arg8[%get3A_50, %get3A_51] : memref<1x1xf32, #tpu.memory_space<vmem>>, vector<1x1xf32>
    %add3A_53 = vector.broadcast %get3A_52 : vector<1x1xf32> to vector<64x1xf32>
    %add3A_54 = arith.addf %dot_general3A_49, %add3A_53 : vector<64x1xf32>
    %swap3A = arith.constant 0 : index
    %swap3A_55 = arith.constant 0 : index
    %swap3A_56 = vector.load %arg9[%swap3A, %swap3A_55] : memref<64x1xf32, #tpu.memory_space<vmem>>, vector<64x1xf32>
    tpu.vector_store %arg9[%swap3A, %swap3A_55], %add3A_54 {strides = array<i32>} : memref<64x1xf32, #tpu.memory_space<vmem>>, vector<64x1xf32>,
    return
  }
}

</mosaic_0001>

<sc_bundles>
// kernel: kernel.23.cloned.1.call-start
scs
__scs_entry_jumppad:
0x0: {  	(pc) =	sbr.rel $0x88, $3  }
0x1: {  	(tag) =	ssettag $0x0;
	lr =	simm.s32 $0x1  }
0x2: {  	[smem:$0x3F5F] =	sst lr;
	_ =	strace $0xD0000000  }
0x3: {  	_ = 	snop  }
0x4: {  	_ = 	snop  }
0x5: {  	_ = 	snop  }
0x6: {  	_ = 	snop  }
0x7: {  	_ = 	snop  }
__scs_overlays_trampoline_lowered:
0x8: {  	[smem:$0x3F6E] =	sst s0  }
0x9: {  	[smem:$0x3F6F] =	sst s1  }
0xa: {  	[smem:$0x3F70] =	sst s2  }
0xb: {  	[smem:$0x3F71] =	sst s3  }
0xc: {  	[smem:$0x3F72] =	sst s4  }
0xd: {  	[smem:$0x3F73] =	sst s5  }
0xe: {  	[smem:$0x3F74] =	sst s6  }
0xf: {  	[smem:$0x3F75] =	sst s7  }
0x10: {  	[smem:$0x3F76] =	sst s8  }
0x11: {  	[smem:$0x3F77] =	sst s9;
	s0 =	simm.s32 @!p0 $0x0  }
0x12: {  	s1 =	sld [smem:$0x3F5D];
	s0 =	simm.s32 @p0 $0x1  }
0x13: {  	[smem:$0x3F78] =	sst s0;
	s0 =	simm.s32 @!p1 $0x0  }
0x14: {  	s2 =	sld [smem:$0x3F5C];
	s0 =	simm.s32 @p1 $0x1  }
0x15: {  	[smem:$0x3F79] =	sst s0;
	s0 =	simm.s32 @!p2 $0x0  }
0x16: {  	s3 =	sld [smem:$0x3FDB];
	s0 =	simm.s32 @p2 $0x1  }
0x17: {  	s4 =	simm.s32 $0x1BF5;
	[smem:$0x3F7B] =	sst s0  }
0x18: {  	s0 =	sld [smem:$0x3F5E];
	_ =	swait.ge [sflag:s4], $0x0  }
0x19: {  	s7 =	sld [smem:$0x3F5F]  }
0x1a: {  	s8 =	sadd.s32 $0xFFFFE003, lr  }
0x1b: {  	s9 =	sadd.s32 $0xFFFFFEF7, lr;
	s5 =	simm.s32 $0xFFFFFFFF;
	p2 =	slt.u32 s8, $0xFFFFF086  }
0x1c: {  	p1 =	slt.u32 s9, $0xF7A;
	s5 =	simm.s32 @!p2 $0x0  }
0x1d: {  	s5 =	simm.s32 @p1 $0x1;
	p0 =	seq.s32 s7, s2  }
0x1e: {  	s7 =	smul.u32 @!p0 $0xF7A, s2;
	p2 =	seq.s32 @!p0 s5, $0x0  }
0x1f: {  	s9 =	smul.u32 $0xF7A, s1;
	s8 =	simm.s32 @!p0 $0x1BF5;
	p2 =	por !p2, p0  }
0x20: {  	[sflag:s8] =	ssyncset.s32 @!p0 $0xFFFFF086;
	s6 =	sadd.s32 @!p0 s3, s7;
	s7 =	simm.s32 @!p0 $0x108  }
0x21: {  	s3 =	sadd.s32 s3, s9;
	s6 =	sadd.s32 @!p0 $0x88, s6;
	s7 =	simm.s32 @p2 $0x1082  }
0x22: {  	[simem:s7], [sflag:s8] =	dma.local @!p0 [hbm:s6], $0xF7A  }
0x23: {  	s9 =	sor.u32 $0xD0000000, s2;
	s6 =	simm.s32 $0x108;
	_ =	swait.ge @!p0 [sflag:s8], $0x0  }
0x24: {  	s3 =	sadd.s32 $0x88, s3;
	s6 =	simm.s32 @!p1 $0x1082;
	[sflag:s4] =	ssyncset.s32 $0xFFFFF086  }
0x25: {  	[simem:s6], [sflag:s4] =	dma.local [hbm:s3], $0xF7A  }
0x26: {  	[smem:$0x3F5F] =	sst s1;
	(tag) =	ssettag s2;
	_ =	strace s9  }
0x27: {  	s1 =	sld [smem:$0x3F6F]  }
0x28: {  	s2 =	sld [smem:$0x3F70]  }
0x29: {  	s4 =	sld [smem:$0x3F72]  }
0x2a: {  	p0 =	seq.s32 s5, $0x0;
	s5 =	sld [smem:$0x3F73]  }
0x2b: {  	s6 =	sld [smem:$0x3F74]  }
0x2c: {  	s7 =	sld [smem:$0x3F75]  }
0x2d: {  	s3 =	simm.s32 $0x108;
	s8 =	sld [smem:$0x3F76]  }
0x2e: {  	s3 =	simm.s32 @!p0 $0x1082;
	s9 =	sld [smem:$0x3F77]  }
0x2f: {  	lr =	sadd.s32 s0, s3;
	s0 =	sld [smem:$0x3F6E]  }
0x30: {  	s3 =	sld [smem:$0x3F71]  }
0x31: {  	[smem:$0x3F7A] =	sst s10  }
0x32: {  	s10 =	sld [smem:$0x3F78];
	_ =	sdelay $0x3  }
0x33: {  	p0 =	seq.s32 s10, $0x1;
	s10 =	sld [smem:$0x3F7A];
	_ =	sdelay $0x3  }
0x34: {  	[smem:$0x3F7A] =	sst s10  }
0x35: {  	s10 =	sld [smem:$0x3F79];
	_ =	sdelay $0x3  }
0x36: {  	p1 =	seq.s32 s10, $0x1;
	s10 =	sld [smem:$0x3F7A];
	_ =	sdelay $0x3  }
0x37: {  	[smem:$0x3F7A] =	sst s10  }
0x38: {  	s10 =	sld [smem:$0x3F7B]  }
0x39: {  	_ = 	snop;
	(pc) =	sbr.ind lr, $3  }
0x3a: {  	_ = 	snop  }
0x3b: {  	_ = 	snop  }
0x3c: {  	p2 =	seq.s32 s10, $0x1;
	s10 =	sld [smem:$0x3F7A]  }
0x3d: {  	_ =	shalt  }
0x3e: {  	_ =	shalt  }
0x3f: {  	_ =	shalt  }
0x40: {  	_ =	shalt  }
0x41: {  	_ =	shalt  }
0x42: {  	_ =	shalt  }
0x43: {  	_ =	shalt  }
0x44: {  	_ =	shalt  }
0x45: {  	_ =	shalt  }
0x46: {  	_ =	shalt  }
0x47: {  	_ =	shalt  }
0x48: {  	_ =	shalt  }
0x49: {  	_ =	shalt  }
0x4a: {  	_ =	shalt  }
0x4b: {  	_ =	shalt  }
0x4c: {  	_ =	shalt  }
0x4d: {  	_ =	shalt  }
0x4e: {  	_ =	shalt  }
0x4f: {  	_ =	shalt  }
0x50: {  	_ =	shalt  }
0x51: {  	_ =	shalt  }
0x52: {  	_ =	shalt  }
0x53: {  	_ =	shalt  }
0x54: {  	_ =	shalt  }
0x55: {  	_ =	shalt  }
0x56: {  	_ =	shalt  }
0x57: {  	_ =	shalt  }
0x58: {  	_ =	shalt  }
0x59: {  	_ =	shalt  }
0x5a: {  	_ =	shalt  }
0x5b: {  	_ =	shalt  }
0x5c: {  	_ =	shalt  }
0x5d: {  	_ =	shalt  }
0x5e: {  	_ =	shalt  }
0x5f: {  	_ =	shalt  }
0x60: {  	_ =	shalt  }
0x61: {  	_ =	shalt  }
0x62: {  	_ =	shalt  }
0x63: {  	_ =	shalt  }
0x64: {  	_ =	shalt  }
0x65: {  	_ =	shalt  }
0x66: {  	_ =	shalt  }
0x67: {  	_ =	shalt  }
0x68: {  	_ =	shalt  }
0x69: {  	_ =	shalt  }
0x6a: {  	_ =	shalt  }
0x6b: {  	_ =	shalt  }
0x6c: {  	_ =	shalt  }
0x6d: {  	_ =	shalt  }
0x6e: {  	_ =	shalt  }
0x6f: {  	_ =	shalt  }
0x70: {  	_ =	shalt  }
0x71: {  	_ =	shalt  }
0x72: {  	_ =	shalt  }
0x73: {  	_ =	shalt  }
0x74: {  	_ =	shalt  }
0x75: {  	_ =	shalt  }
0x76: {  	_ =	shalt  }
0x77: {  	_ =	shalt  }
0x78: {  	_ =	shalt  }
0x79: {  	_ =	shalt  }
0x7a: {  	_ =	shalt  }
0x7b: {  	_ =	shalt  }
0x7c: {  	_ =	shalt  }
0x7d: {  	_ =	shalt  }
0x7e: {  	_ =	shalt  }
0x7f: {  	_ =	shalt  }
0x80: {  	_ =	shalt  }
0x81: {  	_ =	shalt  }
0x82: {  	_ =	shalt  }
0x83: {  	_ =	shalt  }
0x84: {  	_ =	shalt  }
0x85: {  	_ =	shalt  }
0x86: {  	_ =	shalt  }
0x87: {  	_ =	shalt  }
.Lfunc_end0:
.L_simem_size_0:
called_computation_lowered:
.L_overlay_start_0:
0x88: {  	s2 =	sld [smem:$0x3FD9]  }
0x89: {  	s3 =	sld [smem:$0x3FFE];
	_ =	sdelay $0x1  }
0x8a: {  	s1 =	srdreg.scid  }
0x8b: {  	s0 =	sand.u32 $0x1, s1  }
0x8c: {  	s16 =	sshll.u32 s0, $0xA;
	s2 =	sadd.s32 s3, s2  }
0x8d: {  	s2 =	sadd.s32 s2, s16  }
0x8e: {  	[smem:$0x3F86] =	sst s2  }
0x8f: {  	_ = 	snop  }
0x90: {  	(tm) =	ssettm $0x1  }
0x91: {  	s17 =	sld [smem:$0x3FFB];
	_ =	sdelay $0x3  }
0x92: {  	_ =	strace s17  }
0x93: {  	s2 =	sld [smem:$0x3FFC];
	_ =	sdelay $0x3  }
0x94: {  	_ =	strace s2  }
0x95: {  	s2 =	sld [smem:$0x3FFD];
	_ =	sdelay $0x3  }
0x96: {  	_ =	strace s2  }
0x97: {  	_ =	strace $0x8FFFFFFF  }
0x98: {  	s18 =	sld [smem:$0x3FDB];
	_ =	sdelay $0x1  }
0x99: {  	s19 =	simm.s32 $_scs_section_size  }
0x9a: {  	s4 =	simm.s32 $_size__tile_overlayer_lowered;
	s5 =	simm.s32 $_tile_overlayer_lowered  }
0x9b: {  	s22 =	simm.s32 $0x1BFF;
	s21 =	sshll.u32 s5, $0x1;
	s2 =	sadd.s32 s19, s18  }
0x9c: {  	s6 =	simm.s32 $0x0;
	s20 =	sshll.u32 s4, $0x1;
	s4 =	sadd.s32 s21, s2  }
0x9d: {  	[timem:s6], [sflag:s22] =	dma.local [hbm:s4], s20  }
0x9e: {  	_ =	swait.ge [sflag:s22], s20  }
0x9f: {  	s3 =	ssub.s32 $0x0, s20;
	[sflag:s22] =	ssyncset.done $0x0  }
0xa0: {  	[sflag:s22] =	ssyncadd.s32 s3;
	_ =	sdelay $0x1  }
0xa1: {  	s23 =	simm.s32 $0x1B8B  }
0xa2: {  	_ =	swait.ge [sflag:s23], $0x1  }
0xa3: {  	[sflag:s23] =	ssyncset.done $0x0  }
0xa4: {  	s25 =	simm.s32 $0x1B8E;
	s24 =	sld [smem:$0x3FFE];
	[sflag:s23] =	ssyncadd.s32 $0xFFFFFFFF  }
0xa5: {  	s26 =	simm.s32 $execute0_lowered;
	[smem:$0x3FD2] =	sst s25  }
0xa6: {  	s4 =	sshll.u32 s26, $0x1;
	_ =	strace $0x80000046;
	[dreg:$0x1] =	wrdreg $0xFFFFFFFF  }
0xa7: {  	s28 =	simm.s32 $_size_execute0_lowered;
	s2 =	sadd.s32 s2, s4;
	[dreg:$0x0] =	wrdreg $0x0  }
0xa8: {  	s4 =	sshll.u32 s28, $0x1;
	[dreg:$0x2] =	wrdreg s2  }
0xa9: {  	[dreg:$0x3] =	wrdreg s4  }
0xaa: {  	[dreg:$0x4] =	wrdreg $0xC0  }
0xab: {  	_ =	task [dreg:s6], $0x5FFFF  }
0xac: {  	[dreg:$0x1] =	wrdreg $0xFFFFFFFF  }
0xad: {  	[dreg:$0x0] =	wrdreg $0x60  }
0xae: {  	[dreg:$0x2] =	wrdreg s24  }
0xaf: {  	[dreg:$0x3] =	wrdreg $0x70000  }
0xb0: {  	[dreg:$0x4] =	wrdreg $0x9  }
0xb1: {  	_ =	task.clear_ibuf [dreg:s6], $0x5FFFF;
	_ =	strace $0x90000046  }
0xb2: {  	s29 =	simm.s32 $0x9;
	_ =	strace $0x80000048  }
0xb3: {  	_ =	swait.ge [sflag:s29], $0x1  }
0xb4: {  	[sflag:s29] =	ssyncadd.s32 $0xFFFFFFFF  }
0xb5: {  	_ =	strace $0x90000048  }
0xb6: {  	_ =	sfence  }
0xb7: {  	s30 =	sld [smem:$0x0];
	_ =	sdelay $0x2  }
0xb8: {  	s31 =	sshll.u32 s1, $0xD;
	s1 =	sshrl.u32 s1, $0x2  }
0xb9: {  	s3 =	sand.u32 $0x4000, s31;
	s1 =	sadd.s32 s1, s30  }
0xba: {  	s0 =	sor.u32 s3, s0;
	s1 =	sshll.u32 s1, $0x11  }
0xbb: {  	s0 =	sor.u32 s1, s0  }
0xbc: {  	s0 =	sadd.s32 $0x8F2B, s0  }
0xbd: {  	[sflag:s0] =	ssyncadd.remote.s32 $0x1  }
0xbe: {  	_ =	sfence.sel $0xFFFF  }
0xbf: {  	[dreg:$0x0] =	wrdreg $0xFFFFFFFF;
	(pc) =	sbr.abs _section_cstart, $3  }
0xc0: {  	[dreg:$0x1] =	wrdreg $0xFFFFFFFF  }
0xc1: {  	_ =	task.clear_ibuf [dreg:s6], $0x2FFFF;
	_ =	strace $0x9FFFFFFF  }
0xc2: {  	(tm) =	ssettm $0x7FFFFFFF  }
0xc3: {  	_ =	shalt  }
tec
execute0_lowered:
.L_overlay_start_1:
0x0: {  	(tag) =	ssettag $0x1  }
0x1: {  	s0 =	srdreg.scid;
	s4 =	rddreg [dreg:$0x0]  }
0x2: {  	s2 =	rddreg [dreg:$0x1];
	s5 =	sand.u32 $0x1, s0  }
0x3: {  	s0 =	stileid.u32;
	s6 =	smul.u32 $0x50000, s5  }
0x4: {  	s1 =	rddreg [dreg:$0x2];
	s3 =	simm.s32 $0x0;
	s7 =	smul.u32 $0x5000, s0  }
0x5: {  	s12 =	simm.s32 $0x5000;
	s13 =	simm.s32 $0x0;
	s8 =	smul.u32 $0x9E00, s0  }
0x6: {  	[smem:$0x7FF] =	sst s3;
	s30 =	smul.u32 $0x9E000, s5;
	s5 =	ssub.s32 $0x2, s5  }
0x7: {  	_ =	strace $0x80000047;
	s31 =	sshll.u32 s0, $0x6;
	s10 =	sshrl.u32 s5, $0x1  }
0x8: {  	s6 =	sadd.s32 s7, s6;
	s7 =	sadd.s32 s8, s30;
	s9 =	sshrl.u32 s8, $0x3  }
0x9: {  	s10 =	ssub.s32 s5, s10;
	s11 =	sadd.s32 s8, s2;
	s5 =	sor.u32 $0x1C01, s31  }
0xa: {  	s6 =	sshrl.u32 s6, $0x3;
	s7 =	sshrl.u32 s7, $0x3;
	s9 =	sadd.s32 s9, s4  }
0xb: {  	s8 =	smax.u32 s10, $0x1;
	s10 =	simm.s32 $0x1;
	s6 =	sadd.s32 s6, s4  }
0xc: {  	s7 =	sadd.s32 s7, s4;
	s4 =	sadd.s32 $0x1EA00, s9;
	s9 =	sshrl.u32 s11, $0x3  }
0xd: {  	v0 =	vimm.f32 $1.000000000e+00;
	s11 =	simm.s32 $0x80;
	s6 =	sadd.s32 $0xAA00, s6;
	s7 =	sadd.s32 $0x32600, s7  }
.LBB2_1:
0xe: {  	[spmem:s9], [sflag:s5] =	dma.local [hbm:s4], $0x13C0  }
0xf: {  	_ =	swait.ge [sflag:s10], $0x13C0  }
0x10: {  	[sflag:s10] =	ssyncset.done $0x0  }
0x11: {  	[sflag:s10] =	ssyncadd.s32 $0xFFFFEC40  }
0x12: {  	[tilespmem:s3], [sflag:$0x1] =	stream.linear.gather [hbm4b:s6+s3], $0x5000, $0x38;
	[tilespmem:$0x10E40] =	vst v63  }
0x13: {  	_ =	swait.ge [sflag:s10], $0x5000  }
0x14: {  	[sflag:s10] =	ssyncset.done $0x0  }
0x15: {  	s15 =	simm.s32 $0x100;
	s14 =	simm.s32 $0x0;
	[sflag:s10] =	ssyncadd.s32 $0xFFFFB000  }
.LBB2_2:
0x16: {  	p0 =	sne.s32 s15, $0x7F00;
	[tilespmem:s14+$0x5030] =	vst v0;
	s16 =	smov.u32 s15;
	s15 =	sadd.s32 $0x100, s15  }
.Ltmp0:
0x17: {  	[tilespmem:s14+$0x5020] =	vst v0;
	(pc) =	sbr.rel @p0 .LBB2_2-.Ltmp0, $3  }
0x18: {  	[tilespmem:s14+$0x5000] =	vst v0  }
0x19: {  	[tilespmem:s14+$0x5010] =	vst v0;
	_ =	sdelay $0x1  }
0x1a: {  	s14 =	sshra.s32 s16, $0x2  }
0x1b: {  	[tilespmem:s14+$0x5030] =	vst v0  }
0x1c: {  	[tilespmem:s14+$0x5020] =	vst v0  }
0x1d: {  	[tilespmem:s14+$0x5000] =	vst v0  }
0x1e: {  	[tilespmem:s14+$0x5010] =	vst v0  }
0x1f: {  	s31 =	simm.s32 $0x0;
	[bflag:$0x0] =	sbarrier.arrive $0xFFFF  }
0x20: {  	[spmem:s2] =	stream.indirect.scatter.add.f32 [tilespmem:s12], [sflag:$0x1], $0x40, s31, s11, $0xb8;
	[tilespmem:$0x10E40] =	vst v63  }
0x21: {  	_ =	swait.ge [sflag:s10], $0x2000  }
0x22: {  	s14 =	simm.s32 $0x200;
	[sflag:s10] =	ssyncset.done $0x0  }
.LBB2_4:
0x23: {  	s15 =	sshra.s32 s14, $0x2;
	[sflag:s10] =	ssyncadd.s32 $0xFFFFE000;
	p0 =	sne.s32 s14, $0x13E00  }
0x24: {  	[spmem:s2] =	stream.indirect.scatter.add.f32 [tilespmem:s12], [sflag:$0x1], $0x40, s15, s11, $0xb8;
	[tilespmem:$0x10E40] =	vst v63  }
.Ltmp1:
0x25: {  	_ = 	snop;
	(pc) =	sbr.rel @p0 .LBB2_4-.Ltmp1, $4  }
0x26: {  	_ = 	snop  }
0x27: {  	s14 =	sadd.s32 $0x200, s14  }
0x28: {  	_ =	swait.ge [sflag:s10], $0x2000  }
0x29: {  	[sflag:s10] =	ssyncset.done $0x0  }
0x2a: {  	s13 =	sadd.s32 $0x1, s13  }
0x2b: {  	[sflag:s10] =	ssyncadd.s32 $0xFFFFE000;
	p0 =	sne.s32 s13, s8  }
.Ltmp2:
0x2c: {  	[bflag:$0x0] =	sbarrier.arrive $0xFFFF;
	(pc) =	sbr.rel @p0 .LBB2_1-.Ltmp2, $4  }
0x2d: {  	[hbm:s7], [sflag:s5] =	dma.local [spmem:s9], $0x13C0  }
0x2e: {  	_ =	swait.ge [sflag:s10], $0x13C0  }
0x2f: {  	[sflag:s10] =	ssyncset.done $0x0  }
0x30: {  	[sflag:s10] =	ssyncadd.s32 $0xFFFFEC40  }
0x31: {  	_ =	sfence.sel $0x180000  }
0x32: {  	[bflag:$0x0] =	sbarrier.arrive $0xFFFF  }
0x33: {  	p0 =	sne.s32 s0, $0x0;
	_ =	strace $0x90000047  }
0x34: {  	s0 =	sadd.s32 @!p0 $0x100000, s1;
	[bflag:$0x2] =	sbarrier.arrive $0xFFFF  }
0x35: {  	[sflag:s0] =	ssyncadd.tile.s32 @!p0 $0x1;
	_ =	shalt  }
.Lfunc_end2:
_tile_overlayer_lowered:
.L_overlay_start_2:
0x36: {  	(tag) =	ssettag $0x2  }
0x37: {  	s0 =	rddreg [dreg:$0x0];
	s2 =	stileid.u32  }
0x38: {  	s1 =	rddreg [dreg:$0x1];
	p0 =	sne.s32 s2, $0x0  }
0x39: {  	s3 =	rddreg [dreg:$0x2];
	[bflag:$0x3] =	sbarrier.arrive $0xFFFF;
	s2 =	simm.s32 @!p0 $0x1C01  }
0x3a: {  	[timem:s3], [sflag:s2] =	dma.local @!p0 [hbm:s0], s1  }
0x3b: {  	s0 =	simm.s32 @!p0 $0x1  }
0x3c: {  	_ =	swait.ge @!p0 [sflag:s0], s1  }
0x3d: {  	s1 =	ssub.s32 @!p0 $0x0, s1;
	[sflag:s0] =	ssyncset.done @!p0 $0x0  }
0x3e: {  	[sflag:s0] =	ssyncadd.s32 @!p0 s1  }
0x3f: {  	[bflag:$0x3] =	sbarrier.arrive $0xFFFF  }
0x40: {  	_ =	shalt  }

// kernel: kernel.26.cloned.1.call-start
scs
__scs_entry_jumppad:
0x0: {  	(pc) =	sbr.rel $0x88, $3  }
0x1: {  	(tag) =	ssettag $0x0;
	lr =	simm.s32 $0x1  }
0x2: {  	[smem:$0x3F5F] =	sst lr;
	_ =	strace $0xD0000000  }
0x3: {  	_ = 	snop  }
0x4: {  	_ = 	snop  }
0x5: {  	_ = 	snop  }
0x6: {  	_ = 	snop  }
0x7: {  	_ = 	snop  }
__scs_overlays_trampoline_lowered:
0x8: {  	[smem:$0x3F6E] =	sst s0  }
0x9: {  	[smem:$0x3F6F] =	sst s1  }
0xa: {  	[smem:$0x3F70] =	sst s2  }
0xb: {  	[smem:$0x3F71] =	sst s3  }
0xc: {  	[smem:$0x3F72] =	sst s4  }
0xd: {  	[smem:$0x3F73] =	sst s5  }
0xe: {  	[smem:$0x3F74] =	sst s6  }
0xf: {  	[smem:$0x3F75] =	sst s7  }
0x10: {  	[smem:$0x3F76] =	sst s8  }
0x11: {  	[smem:$0x3F77] =	sst s9;
	s0 =	simm.s32 @!p0 $0x0  }
0x12: {  	s1 =	sld [smem:$0x3F5D];
	s0 =	simm.s32 @p0 $0x1  }
0x13: {  	[smem:$0x3F78] =	sst s0;
	s0 =	simm.s32 @!p1 $0x0  }
0x14: {  	s2 =	sld [smem:$0x3F5C];
	s0 =	simm.s32 @p1 $0x1  }
0x15: {  	[smem:$0x3F79] =	sst s0;
	s0 =	simm.s32 @!p2 $0x0  }
0x16: {  	s3 =	sld [smem:$0x3FDB];
	s0 =	simm.s32 @p2 $0x1  }
0x17: {  	s4 =	simm.s32 $0x1BF5;
	[smem:$0x3F7B] =	sst s0  }
0x18: {  	s0 =	sld [smem:$0x3F5E];
	_ =	swait.ge [sflag:s4], $0x0  }
0x19: {  	s7 =	sld [smem:$0x3F5F]  }
0x1a: {  	s8 =	sadd.s32 $0xFFFFE003, lr  }
0x1b: {  	s9 =	sadd.s32 $0xFFFFFEF7, lr;
	s5 =	simm.s32 $0xFFFFFFFF;
	p2 =	slt.u32 s8, $0xFFFFF086  }
0x1c: {  	p1 =	slt.u32 s9, $0xF7A;
	s5 =	simm.s32 @!p2 $0x0  }
0x1d: {  	s5 =	simm.s32 @p1 $0x1;
	p0 =	seq.s32 s7, s2  }
0x1e: {  	s7 =	smul.u32 @!p0 $0xF7A, s2;
	p2 =	seq.s32 @!p0 s5, $0x0  }
0x1f: {  	s9 =	smul.u32 $0xF7A, s1;
	s8 =	simm.s32 @!p0 $0x1BF5;
	p2 =	por !p2, p0  }
0x20: {  	[sflag:s8] =	ssyncset.s32 @!p0 $0xFFFFF086;
	s6 =	sadd.s32 @!p0 s3, s7;
	s7 =	simm.s32 @!p0 $0x108  }
0x21: {  	s3 =	sadd.s32 s3, s9;
	s6 =	sadd.s32 @!p0 $0x88, s6;
	s7 =	simm.s32 @p2 $0x1082  }
0x22: {  	[simem:s7], [sflag:s8] =	dma.local @!p0 [hbm:s6], $0xF7A  }
0x23: {  	s9 =	sor.u32 $0xD0000000, s2;
	s6 =	simm.s32 $0x108;
	_ =	swait.ge @!p0 [sflag:s8], $0x0  }
0x24: {  	s3 =	sadd.s32 $0x88, s3;
	s6 =	simm.s32 @!p1 $0x1082;
	[sflag:s4] =	ssyncset.s32 $0xFFFFF086  }
0x25: {  	[simem:s6], [sflag:s4] =	dma.local [hbm:s3], $0xF7A  }
0x26: {  	[smem:$0x3F5F] =	sst s1;
	(tag) =	ssettag s2;
	_ =	strace s9  }
0x27: {  	s1 =	sld [smem:$0x3F6F]  }
0x28: {  	s2 =	sld [smem:$0x3F70]  }
0x29: {  	s4 =	sld [smem:$0x3F72]  }
0x2a: {  	p0 =	seq.s32 s5, $0x0;
	s5 =	sld [smem:$0x3F73]  }
0x2b: {  	s6 =	sld [smem:$0x3F74]  }
0x2c: {  	s7 =	sld [smem:$0x3F75]  }
0x2d: {  	s3 =	simm.s32 $0x108;
	s8 =	sld [smem:$0x3F76]  }
0x2e: {  	s3 =	simm.s32 @!p0 $0x1082;
	s9 =	sld [smem:$0x3F77]  }
0x2f: {  	lr =	sadd.s32 s0, s3;
	s0 =	sld [smem:$0x3F6E]  }
0x30: {  	s3 =	sld [smem:$0x3F71]  }
0x31: {  	[smem:$0x3F7A] =	sst s10  }
0x32: {  	s10 =	sld [smem:$0x3F78];
	_ =	sdelay $0x3  }
0x33: {  	p0 =	seq.s32 s10, $0x1;
	s10 =	sld [smem:$0x3F7A];
	_ =	sdelay $0x3  }
0x34: {  	[smem:$0x3F7A] =	sst s10  }
0x35: {  	s10 =	sld [smem:$0x3F79];
	_ =	sdelay $0x3  }
0x36: {  	p1 =	seq.s32 s10, $0x1;
	s10 =	sld [smem:$0x3F7A];
	_ =	sdelay $0x3  }
0x37: {  	[smem:$0x3F7A] =	sst s10  }
0x38: {  	s10 =	sld [smem:$0x3F7B]  }
0x39: {  	_ = 	snop;
	(pc) =	sbr.ind lr, $3  }
0x3a: {  	_ = 	snop  }
0x3b: {  	_ = 	snop  }
0x3c: {  	p2 =	seq.s32 s10, $0x1;
	s10 =	sld [smem:$0x3F7A]  }
0x3d: {  	_ =	shalt  }
0x3e: {  	_ =	shalt  }
0x3f: {  	_ =	shalt  }
0x40: {  	_ =	shalt  }
0x41: {  	_ =	shalt  }
0x42: {  	_ =	shalt  }
0x43: {  	_ =	shalt  }
0x44: {  	_ =	shalt  }
0x45: {  	_ =	shalt  }
0x46: {  	_ =	shalt  }
0x47: {  	_ =	shalt  }
0x48: {  	_ =	shalt  }
0x49: {  	_ =	shalt  }
0x4a: {  	_ =	shalt  }
0x4b: {  	_ =	shalt  }
0x4c: {  	_ =	shalt  }
0x4d: {  	_ =	shalt  }
0x4e: {  	_ =	shalt  }
0x4f: {  	_ =	shalt  }
0x50: {  	_ =	shalt  }
0x51: {  	_ =	shalt  }
0x52: {  	_ =	shalt  }
0x53: {  	_ =	shalt  }
0x54: {  	_ =	shalt  }
0x55: {  	_ =	shalt  }
0x56: {  	_ =	shalt  }
0x57: {  	_ =	shalt  }
0x58: {  	_ =	shalt  }
0x59: {  	_ =	shalt  }
0x5a: {  	_ =	shalt  }
0x5b: {  	_ =	shalt  }
0x5c: {  	_ =	shalt  }
0x5d: {  	_ =	shalt  }
0x5e: {  	_ =	shalt  }
0x5f: {  	_ =	shalt  }
0x60: {  	_ =	shalt  }
0x61: {  	_ =	shalt  }
0x62: {  	_ =	shalt  }
0x63: {  	_ =	shalt  }
0x64: {  	_ =	shalt  }
0x65: {  	_ =	shalt  }
0x66: {  	_ =	shalt  }
0x67: {  	_ =	shalt  }
0x68: {  	_ =	shalt  }
0x69: {  	_ =	shalt  }
0x6a: {  	_ =	shalt  }
0x6b: {  	_ =	shalt  }
0x6c: {  	_ =	shalt  }
0x6d: {  	_ =	shalt  }
0x6e: {  	_ =	shalt  }
0x6f: {  	_ =	shalt  }
0x70: {  	_ =	shalt  }
0x71: {  	_ =	shalt  }
0x72: {  	_ =	shalt  }
0x73: {  	_ =	shalt  }
0x74: {  	_ =	shalt  }
0x75: {  	_ =	shalt  }
0x76: {  	_ =	shalt  }
0x77: {  	_ =	shalt  }
0x78: {  	_ =	shalt  }
0x79: {  	_ =	shalt  }
0x7a: {  	_ =	shalt  }
0x7b: {  	_ =	shalt  }
0x7c: {  	_ =	shalt  }
0x7d: {  	_ =	shalt  }
0x7e: {  	_ =	shalt  }
0x7f: {  	_ =	shalt  }
0x80: {  	_ =	shalt  }
0x81: {  	_ =	shalt  }
0x82: {  	_ =	shalt  }
0x83: {  	_ =	shalt  }
0x84: {  	_ =	shalt  }
0x85: {  	_ =	shalt  }
0x86: {  	_ =	shalt  }
0x87: {  	_ =	shalt  }
.Lfunc_end0:
.L_simem_size_0:
called_computation.1_lowered:
.L_overlay_start_0:
0x88: {  	s2 =	sld [smem:$0x3FD9]  }
0x89: {  	s3 =	sld [smem:$0x3FFE];
	_ =	sdelay $0x1  }
0x8a: {  	s1 =	srdreg.scid  }
0x8b: {  	s0 =	sand.u32 $0x1, s1  }
0x8c: {  	s16 =	sshll.u32 s0, $0xA;
	s2 =	sadd.s32 s3, s2  }
0x8d: {  	s2 =	sadd.s32 s2, s16  }
0x8e: {  	[smem:$0x3F86] =	sst s2  }
0x8f: {  	_ = 	snop  }
0x90: {  	(tm) =	ssettm $0x1  }
0x91: {  	s17 =	sld [smem:$0x3FFB];
	_ =	sdelay $0x3  }
0x92: {  	_ =	strace s17  }
0x93: {  	s2 =	sld [smem:$0x3FFC];
	_ =	sdelay $0x3  }
0x94: {  	_ =	strace s2  }
0x95: {  	s2 =	sld [smem:$0x3FFD];
	_ =	sdelay $0x3  }
0x96: {  	_ =	strace s2  }
0x97: {  	_ =	strace $0x8FFFFFFF  }
0x98: {  	s18 =	sld [smem:$0x3FDB];
	_ =	sdelay $0x1  }
0x99: {  	s19 =	simm.s32 $_scs_section_size  }
0x9a: {  	s4 =	simm.s32 $_size__tile_overlayer_lowered;
	s5 =	simm.s32 $_tile_overlayer_lowered  }
0x9b: {  	s22 =	simm.s32 $0x1BFF;
	s21 =	sshll.u32 s5, $0x1;
	s2 =	sadd.s32 s19, s18  }
0x9c: {  	s6 =	simm.s32 $0x0;
	s20 =	sshll.u32 s4, $0x1;
	s4 =	sadd.s32 s21, s2  }
0x9d: {  	[timem:s6], [sflag:s22] =	dma.local [hbm:s4], s20  }
0x9e: {  	_ =	swait.ge [sflag:s22], s20  }
0x9f: {  	s3 =	ssub.s32 $0x0, s20;
	[sflag:s22] =	ssyncset.done $0x0  }
0xa0: {  	[sflag:s22] =	ssyncadd.s32 s3;
	_ =	sdelay $0x1  }
0xa1: {  	s23 =	simm.s32 $0x1B8B  }
0xa2: {  	_ =	swait.ge [sflag:s23], $0x1  }
0xa3: {  	[sflag:s23] =	ssyncset.done $0x0  }
0xa4: {  	s25 =	simm.s32 $0x1B8E;
	s24 =	sld [smem:$0x3FFE];
	[sflag:s23] =	ssyncadd.s32 $0xFFFFFFFF  }
0xa5: {  	s26 =	simm.s32 $execute0_lowered;
	[smem:$0x3FD2] =	sst s25  }
0xa6: {  	s4 =	sshll.u32 s26, $0x1;
	_ =	strace $0x80000049;
	[dreg:$0x1] =	wrdreg $0xFFFFFFFF  }
0xa7: {  	s28 =	simm.s32 $_size_execute0_lowered;
	s2 =	sadd.s32 s2, s4;
	[dreg:$0x0] =	wrdreg $0x0  }
0xa8: {  	s4 =	sshll.u32 s28, $0x1;
	[dreg:$0x2] =	wrdreg s2  }
0xa9: {  	[dreg:$0x3] =	wrdreg s4  }
0xaa: {  	[dreg:$0x4] =	wrdreg $0xC0  }
0xab: {  	_ =	task [dreg:s6], $0x5FFFF  }
0xac: {  	[dreg:$0x1] =	wrdreg $0xFFFFFFFF  }
0xad: {  	[dreg:$0x0] =	wrdreg $0x60  }
0xae: {  	[dreg:$0x2] =	wrdreg s24  }
0xaf: {  	[dreg:$0x3] =	wrdreg $0x120000  }
0xb0: {  	[dreg:$0x4] =	wrdreg $0x9  }
0xb1: {  	_ =	task.clear_ibuf [dreg:s6], $0x5FFFF;
	_ =	strace $0x90000049  }
0xb2: {  	s29 =	simm.s32 $0x9;
	_ =	strace $0x8000004B  }
0xb3: {  	_ =	swait.ge [sflag:s29], $0x1  }
0xb4: {  	[sflag:s29] =	ssyncadd.s32 $0xFFFFFFFF  }
0xb5: {  	_ =	strace $0x9000004B  }
0xb6: {  	_ =	sfence  }
0xb7: {  	s30 =	sld [smem:$0x0];
	_ =	sdelay $0x2  }
0xb8: {  	s31 =	sshll.u32 s1, $0xD;
	s1 =	sshrl.u32 s1, $0x2  }
0xb9: {  	s3 =	sand.u32 $0x4000, s31;
	s1 =	sadd.s32 s1, s30  }
0xba: {  	s0 =	sor.u32 s3, s0;
	s1 =	sshll.u32 s1, $0x11  }
0xbb: {  	s0 =	sor.u32 s1, s0  }
0xbc: {  	s0 =	sadd.s32 $0x8F2B, s0  }
0xbd: {  	[sflag:s0] =	ssyncadd.remote.s32 $0x1  }
0xbe: {  	_ =	sfence.sel $0xFFFF  }
0xbf: {  	[dreg:$0x0] =	wrdreg $0xFFFFFFFF;
	(pc) =	sbr.abs _section_cstart, $3  }
0xc0: {  	[dreg:$0x1] =	wrdreg $0xFFFFFFFF  }
0xc1: {  	_ =	task.clear_ibuf [dreg:s6], $0x2FFFF;
	_ =	strace $0x9FFFFFFF  }
0xc2: {  	(tm) =	ssettm $0x7FFFFFFF  }
0xc3: {  	_ =	shalt  }
tec
execute0_lowered:
.L_overlay_start_1:
0x0: {  	(tag) =	ssettag $0x1  }
0x1: {  	s0 =	srdreg.scid  }
0x2: {  	s1 =	rddreg [dreg:$0x0];
	s10 =	stileid.u32  }
0x3: {  	s2 =	rddreg [dreg:$0x1];
	s3 =	simm.s32 $0x0;
	s12 =	simm.s32 $0x9  }
0x4: {  	s13 =	simm.s32 $0x5000;
	s14 =	simm.s32 $0x80;
	s15 =	simm.s32 $0xA000  }
0x5: {  	s16 =	simm.s32 $0xC000;
	s17 =	simm.s32 $0x1;
	s19 =	simm.s32 $0xE000  }
0x6: {  	s20 =	simm.s32 $0x2;
	s23 =	simm.s32 $0x10000;
	s28 =	simm.s32 $0x6  }
0x7: {  	s29 =	simm.s32 $0x7;
	s30 =	simm.s32 $0x8;
	s5 =	smul.u32 $0x5000, s10  }
0x8: {  	s31 =	simm.s32 $0x9F00;
	s0 =	sand.u32 $0x1, s0;
	s6 =	smul.u32 $0x9E00, s10  }
0x9: {  	[smem:$0x7FF] =	sst s3;
	s26 =	sshll.u32 s10, $0x6;
	s4 =	smul.u32 $0x50000, s0  }
0xa: {  	s7 =	smul.u32 $0x9E000, s0;
	_ =	strace $0x8000004A;
	s0 =	ssub.s32 $0x2, s0  }
0xb: {  	s25 =	sshrl.u32 s6, $0x3;
	s9 =	sshrl.u32 s0, $0x1;
	s11 =	sadd.s32 s6, s2  }
0xc: {  	s5 =	sadd.s32 s5, s4;
	s4 =	sadd.s32 $0x32600, s1;
	s24 =	sadd.s32 s6, s7  }
0xd: {  	s7 =	sadd.s32 s25, s1;
	s0 =	ssub.s32 s0, s9;
	s6 =	sor.u32 $0x1C09, s26  }
0xe: {  	s11 =	sshrl.u32 s11, $0x3;
	s25 =	simm.s32 $0x5;
	s26 =	simm.s32 $0x4  }
0xf: {  	s5 =	sshrl.u32 s5, $0x3;
	s10 =	smax.u32 s0, $0x1;
	s0 =	simm.s32 $0x0  }
0x10: {  	s8 =	sadd.s32 s5, s1;
	s5 =	sshrl.u32 s24, $0x3;
	s24 =	simm.s32 $0x3  }
0x11: {  	s1 =	sadd.s32 s5, s1;
	s5 =	sadd.s32 $0x1EA00, s7;
	s7 =	sadd.s32 $0x59E00, s8  }
0x12: {  	s8 =	sadd.s32 $0xAA00, s8;
	s9 =	sadd.s32 $0x6DE00, s1;
	s1 =	simm.s32 $0x9F80  }
.LBB2_1:
0x13: {  	[spmem:s11], [sflag:s6] =	dma.local [hbm:s5], $0x13C0  }
0x14: {  	_ =	swait.ge [sflag:s12], $0x13C0  }
0x15: {  	[sflag:s12] =	ssyncset.done $0x0  }
0x16: {  	[sflag:s12] =	ssyncadd.s32 $0xFFFFEC40  }
0x17: {  	[tilespmem:s3], [sflag:$0x9] =	stream.linear.gather [hbm4b:s7+s3], $0x5000, $0x38;
	[tilespmem:$0x1BE40] =	vst v63  }
0x18: {  	_ =	swait.ge [sflag:s12], $0x5000  }
0x19: {  	[sflag:s12] =	ssyncset.done $0x0  }
0x1a: {  	[sflag:s12] =	ssyncadd.s32 $0xFFFFB000  }
0x1b: {  	[tilespmem:s13], [sflag:$0x9] =	stream.linear.gather [hbm4b:s8+s3], $0x5000, $0x38;
	[tilespmem:$0x1BE40] =	vst v63  }
0x1c: {  	_ =	swait.ge [sflag:s12], $0x5000  }
0x1d: {  	[sflag:s12] =	ssyncset.done $0x0  }
0x1e: {  	[sflag:s12] =	ssyncadd.s32 $0xFFFFB000  }
0x1f: {  	[bflag:$0x0] =	sbarrier.arrive $0xFFFF  }
0x20: {  	[tilespmem:s15], [sflag:$0x1] =	stream.indirect.gather [hbm4b:s4+s14], $0x40, s3, s14, $0xb8;
	[tilespmem:$0x1BE40] =	vst v63  }
0x21: {  	_ = 	snop  }
0x22: {  	[tilespmem:s16], [sflag:$0x2] =	stream.indirect.gather [hbm4b:s4+s14], $0x40, s14, s14, $0xb8;
	[tilespmem:$0x1BE40] =	vst v63  }
0x23: {  	_ =	swait.ge [sflag:s17], $0x2000  }
0x24: {  	[sflag:s17] =	ssyncset.done $0x0  }
0x25: {  	[sflag:s17] =	ssyncadd.s32 $0xFFFFE000  }
0x26: {  	[spmem:s2] =	stream.indirect.scatter.add.f32 [tilespmem:s15], [sflag:$0x5], $0x40, s13, s14, $0xb8;
	[tilespmem:$0x1BE40] =	vst v63  }
0x27: {  	s18 =	simm.s32 $0x100  }
0x28: {  	[tilespmem:s19], [sflag:$0x3] =	stream.indirect.gather [hbm4b:s4+s14], $0x40, s18, s14, $0xb8;
	[tilespmem:$0x1BE40] =	vst v63  }
0x29: {  	_ =	swait.ge [sflag:s20], $0x2000  }
0x2a: {  	[sflag:s20] =	ssyncset.done $0x0  }
0x2b: {  	s22 =	simm.s32 $0x5080;
	[sflag:s20] =	ssyncadd.s32 $0xFFFFE000  }
0x2c: {  	[spmem:s2] =	stream.indirect.scatter.add.f32 [tilespmem:s16], [sflag:$0x6], $0x40, s22, s14, $0xb8;
	[tilespmem:$0x1BE40] =	vst v63  }
0x2d: {  	s21 =	simm.s32 $0x180  }
0x2e: {  	[tilespmem:s23], [sflag:$0x4] =	stream.indirect.gather [hbm4b:s4+s14], $0x40, s21, s14, $0xb8;
	[tilespmem:$0x1BE40] =	vst v63  }
0x2f: {  	_ =	swait.ge [sflag:s24], $0x2000  }
0x30: {  	[sflag:s24] =	ssyncset.done $0x0  }
0x31: {  	s22 =	simm.s32 $0x5100;
	[sflag:s24] =	ssyncadd.s32 $0xFFFFE000  }
0x32: {  	[spmem:s2] =	stream.indirect.scatter.add.f32 [tilespmem:s19], [sflag:$0x7], $0x40, s22, s14, $0xb8;
	[tilespmem:$0x1BE40] =	vst v63  }
0x33: {  	_ =	swait.ge [sflag:s25], $0x2000  }
0x34: {  	[sflag:s25] =	ssyncset.done $0x0  }
0x35: {  	s21 =	simm.s32 $0x200;
	[sflag:s25] =	ssyncadd.s32 $0xFFFFE000  }
0x36: {  	[tilespmem:s15], [sflag:$0x1] =	stream.indirect.gather [hbm4b:s4+s14], $0x40, s21, s14, $0xb8;
	[tilespmem:$0x1BE40] =	vst v63  }
0x37: {  	_ =	swait.ge [sflag:s26], $0x2000  }
0x38: {  	[sflag:s26] =	ssyncset.done $0x0  }
0x39: {  	s22 =	simm.s32 $0x5180;
	[sflag:s26] =	ssyncadd.s32 $0xFFFFE000  }
0x3a: {  	[spmem:s2] =	stream.indirect.scatter.add.f32 [tilespmem:s23], [sflag:$0x8], $0x40, s22, s14, $0xb8;
	[tilespmem:$0x1BE40] =	vst v63  }
0x3b: {  	_ =	swait.ge [sflag:s28], $0x2000  }
0x3c: {  	[sflag:s28] =	ssyncset.done $0x0  }
0x3d: {  	s21 =	simm.s32 $0x280;
	[sflag:s28] =	ssyncadd.s32 $0xFFFFE000  }
0x3e: {  	[tilespmem:s16], [sflag:$0x2] =	stream.indirect.gather [hbm4b:s4+s14], $0x40, s21, s14, $0xb8;
	[tilespmem:$0x1BE40] =	vst v63  }
0x3f: {  	_ =	swait.ge [sflag:s17], $0x2000  }
0x40: {  	[sflag:s17] =	ssyncset.done $0x0  }
0x41: {  	s22 =	simm.s32 $0x5200;
	[sflag:s17] =	ssyncadd.s32 $0xFFFFE000  }
0x42: {  	[spmem:s2] =	stream.indirect.scatter.add.f32 [tilespmem:s15], [sflag:$0x5], $0x40, s22, s14, $0xb8;
	[tilespmem:$0x1BE40] =	vst v63  }
0x43: {  	_ =	swait.ge [sflag:s29], $0x2000  }
0x44: {  	[sflag:s29] =	ssyncset.done $0x0  }
0x45: {  	s21 =	simm.s32 $0x300;
	[sflag:s29] =	ssyncadd.s32 $0xFFFFE000  }
0x46: {  	[tilespmem:s19], [sflag:$0x3] =	stream.indirect.gather [hbm4b:s4+s14], $0x40, s21, s14, $0xb8;
	[tilespmem:$0x1BE40] =	vst v63  }
0x47: {  	_ =	swait.ge [sflag:s20], $0x2000  }
0x48: {  	[sflag:s20] =	ssyncset.done $0x0  }
0x49: {  	s22 =	simm.s32 $0x5280;
	[sflag:s20] =	ssyncadd.s32 $0xFFFFE000  }
0x4a: {  	[spmem:s2] =	stream.indirect.scatter.add.f32 [tilespmem:s16], [sflag:$0x6], $0x40, s22, s14, $0xb8;
	[tilespmem:$0x1BE40] =	vst v63  }
0x4b: {  	_ =	swait.ge [sflag:s30], $0x2000  }
0x4c: {  	[sflag:s30] =	ssyncset.done $0x0  }
0x4d: {  	s18 =	simm.s32 $0x800;
	s21 =	simm.s32 $0x380;
	[sflag:s30] =	ssyncadd.s32 $0xFFFFE000  }
.LBB2_2:
0x4e: {  	[tilespmem:s23], [sflag:$0x4] =	stream.indirect.gather [hbm4b:s4+s14], $0x40, s21, s14, $0xb8;
	[tilespmem:$0x1BE40] =	vst v63  }
0x4f: {  	s21 =	smov.u32 s18  }
0x50: {  	p0 =	sne.s32 s18, $0x13000;
	s18 =	sadd.s32 $0x800, s18;
	_ =	swait.ge [sflag:s24], $0x2000  }
0x51: {  	s21 =	sshra.s32 s21, $0x2;
	[sflag:s24] =	ssyncset.done $0x0  }
0x52: {  	s22 =	sadd.s32 $0x5100, s21;
	[sflag:s24] =	ssyncadd.s32 $0xFFFFE000  }
0x53: {  	[spmem:s2] =	stream.indirect.scatter.add.f32 [tilespmem:s19], [sflag:$0x7], $0x40, s22, s14, $0xb8;
	[tilespmem:$0x1BE40] =	vst v63  }
0x54: {  	_ =	swait.ge [sflag:s25], $0x2000  }
0x55: {  	[sflag:s25] =	ssyncset.done $0x0  }
0x56: {  	s22 =	sadd.s32 $0x200, s21;
	[sflag:s25] =	ssyncadd.s32 $0xFFFFE000  }
0x57: {  	[tilespmem:s15], [sflag:$0x1] =	stream.indirect.gather [hbm4b:s4+s14], $0x40, s22, s14, $0xb8;
	[tilespmem:$0x1BE40] =	vst v63  }
0x58: {  	_ =	swait.ge [sflag:s26], $0x2000  }
0x59: {  	[sflag:s26] =	ssyncset.done $0x0  }
0x5a: {  	s22 =	sadd.s32 $0x5180, s21;
	[sflag:s26] =	ssyncadd.s32 $0xFFFFE000  }
0x5b: {  	[spmem:s2] =	stream.indirect.scatter.add.f32 [tilespmem:s23], [sflag:$0x8], $0x40, s22, s14, $0xb8;
	[tilespmem:$0x1BE40] =	vst v63  }
0x5c: {  	_ =	swait.ge [sflag:s28], $0x2000  }
0x5d: {  	[sflag:s28] =	ssyncset.done $0x0  }
0x5e: {  	s22 =	sadd.s32 $0x280, s21;
	[sflag:s28] =	ssyncadd.s32 $0xFFFFE000  }
0x5f: {  	[tilespmem:s16], [sflag:$0x2] =	stream.indirect.gather [hbm4b:s4+s14], $0x40, s22, s14, $0xb8;
	[tilespmem:$0x1BE40] =	vst v63  }
0x60: {  	_ =	swait.ge [sflag:s17], $0x2000  }
0x61: {  	[sflag:s17] =	ssyncset.done $0x0  }
0x62: {  	s22 =	sadd.s32 $0x5200, s21;
	[sflag:s17] =	ssyncadd.s32 $0xFFFFE000  }
0x63: {  	[spmem:s2] =	stream.indirect.scatter.add.f32 [tilespmem:s15], [sflag:$0x5], $0x40, s22, s14, $0xb8;
	[tilespmem:$0x1BE40] =	vst v63  }
0x64: {  	_ =	swait.ge [sflag:s29], $0x2000  }
0x65: {  	[sflag:s29] =	ssyncset.done $0x0  }
0x66: {  	s22 =	sadd.s32 $0x300, s21;
	[sflag:s29] =	ssyncadd.s32 $0xFFFFE000  }
0x67: {  	[tilespmem:s19], [sflag:$0x3] =	stream.indirect.gather [hbm4b:s4+s14], $0x40, s22, s14, $0xb8;
	[tilespmem:$0x1BE40] =	vst v63  }
0x68: {  	_ =	swait.ge [sflag:s20], $0x2000  }
0x69: {  	[sflag:s20] =	ssyncset.done $0x0  }
.Ltmp0:
0x6a: {  	s22 =	sadd.s32 $0x5280, s21;
	[sflag:s20] =	ssyncadd.s32 $0xFFFFE000;
	(pc) =	sbr.rel @p0 .LBB2_2-.Ltmp0, $4  }
0x6b: {  	[spmem:s2] =	stream.indirect.scatter.add.f32 [tilespmem:s16], [sflag:$0x6], $0x40, s22, s14, $0xb8;
	[tilespmem:$0x1BE40] =	vst v63  }
0x6c: {  	_ =	swait.ge [sflag:s30], $0x2000  }
0x6d: {  	[sflag:s30] =	ssyncset.done $0x0  }
0x6e: {  	s21 =	sadd.s32 $0x380, s21;
	[sflag:s30] =	ssyncadd.s32 $0xFFFFE000  }
0x6f: {  	[tilespmem:s23], [sflag:$0x4] =	stream.indirect.gather [hbm4b:s4+s14], $0x40, s21, s14, $0xb8;
	[tilespmem:$0x1BE40] =	vst v63  }
0x70: {  	_ =	swait.ge [sflag:s24], $0x2000  }
0x71: {  	[sflag:s24] =	ssyncset.done $0x0  }
0x72: {  	[sflag:s24] =	ssyncadd.s32 $0xFFFFE000  }
0x73: {  	[spmem:s2] =	stream.indirect.scatter.add.f32 [tilespmem:s19], [sflag:$0x7], $0x40, s31, s14, $0xb8;
	[tilespmem:$0x1BE40] =	vst v63  }
0x74: {  	_ =	swait.ge [sflag:s25], $0x2000  }
0x75: {  	[sflag:s25] =	ssyncset.done $0x0  }
0x76: {  	[sflag:s25] =	ssyncadd.s32 $0xFFFFE000  }
0x77: {  	_ =	swait.ge [sflag:s26], $0x2000  }
0x78: {  	[sflag:s26] =	ssyncset.done $0x0  }
0x79: {  	[sflag:s26] =	ssyncadd.s32 $0xFFFFE000  }
0x7a: {  	[spmem:s2] =	stream.indirect.scatter.add.f32 [tilespmem:s23], [sflag:$0x8], $0x40, s1, s14, $0xb8;
	[tilespmem:$0x1BE40] =	vst v63  }
0x7b: {  	_ =	swait.ge [sflag:s28], $0x2000  }
0x7c: {  	[sflag:s28] =	ssyncset.done $0x0  }
0x7d: {  	[sflag:s28] =	ssyncadd.s32 $0xFFFFE000  }
0x7e: {  	_ =	swait.ge [sflag:s29], $0x2000  }
0x7f: {  	[sflag:s29] =	ssyncset.done $0x0  }
0x80: {  	[sflag:s29] =	ssyncadd.s32 $0xFFFFE000  }
0x81: {  	_ =	swait.ge [sflag:s30], $0x2000  }
0x82: {  	s0 =	sadd.s32 $0x1, s0;
	[sflag:s30] =	ssyncset.done $0x0  }
0x83: {  	p0 =	sne.s32 s0, s10;
	[sflag:s30] =	ssyncadd.s32 $0xFFFFE000  }
.Ltmp1:
0x84: {  	[bflag:$0x0] =	sbarrier.arrive $0xFFFF;
	(pc) =	sbr.rel @p0 .LBB2_1-.Ltmp1, $4  }
0x85: {  	[hbm:s9], [sflag:s6] =	dma.local [spmem:s11], $0x13C0  }
0x86: {  	_ =	swait.ge [sflag:s12], $0x13C0  }
0x87: {  	[sflag:s12] =	ssyncset.done $0x0  }
0x88: {  	[sflag:s12] =	ssyncadd.s32 $0xFFFFEC40  }
0x89: {  	_ =	sfence.sel $0x180000  }
0x8a: {  	[bflag:$0x0] =	sbarrier.arrive $0xFFFF  }
0x8b: {  	_ =	strace $0x9000004A  }
0x8c: {  	s0 =	stileid.u32;
	[bflag:$0x2] =	sbarrier.arrive $0xFFFF  }
0x8d: {  	p0 =	sne.s32 s0, $0x0;
	s0 =	rddreg [dreg:$0x2]  }
0x8e: {  	s0 =	sadd.s32 @!p0 $0x100000, s0  }
0x8f: {  	[sflag:s0] =	ssyncadd.tile.s32 @!p0 $0x1;
	_ =	shalt  }
.Lfunc_end2:
_tile_overlayer_lowered:
.L_overlay_start_2:
0x90: {  	(tag) =	ssettag $0x2  }
0x91: {  	s0 =	rddreg [dreg:$0x0];
	s2 =	stileid.u32  }
0x92: {  	s1 =	rddreg [dreg:$0x1];
	p0 =	sne.s32 s2, $0x0  }
0x93: {  	s3 =	rddreg [dreg:$0x2];
	[bflag:$0x3] =	sbarrier.arrive $0xFFFF;
	s2 =	simm.s32 @!p0 $0x1C09  }
0x94: {  	[timem:s3], [sflag:s2] =	dma.local @!p0 [hbm:s0], s1  }
0x95: {  	s0 =	simm.s32 @!p0 $0x9  }
0x96: {  	_ =	swait.ge @!p0 [sflag:s0], s1  }
0x97: {  	s1 =	ssub.s32 @!p0 $0x0, s1;
	[sflag:s0] =	ssyncset.done @!p0 $0x0  }
0x98: {  	[sflag:s0] =	ssyncadd.s32 @!p0 s1  }
0x99: {  	[bflag:$0x3] =	sbarrier.arrive $0xFFFF  }
0x9a: {  	_ =	shalt  }

// kernel: kernel.29.cloned.1.call-start
scs
__scs_entry_jumppad:
0x0: {  	(pc) =	sbr.rel $0x88, $3  }
0x1: {  	(tag) =	ssettag $0x0;
	lr =	simm.s32 $0x1  }
0x2: {  	[smem:$0x3F5F] =	sst lr;
	_ =	strace $0xD0000000  }
0x3: {  	_ = 	snop  }
0x4: {  	_ = 	snop  }
0x5: {  	_ = 	snop  }
0x6: {  	_ = 	snop  }
0x7: {  	_ = 	snop  }
__scs_overlays_trampoline_lowered:
0x8: {  	[smem:$0x3F6E] =	sst s0  }
0x9: {  	[smem:$0x3F6F] =	sst s1  }
0xa: {  	[smem:$0x3F70] =	sst s2  }
0xb: {  	[smem:$0x3F71] =	sst s3  }
0xc: {  	[smem:$0x3F72] =	sst s4  }
0xd: {  	[smem:$0x3F73] =	sst s5  }
0xe: {  	[smem:$0x3F74] =	sst s6  }
0xf: {  	[smem:$0x3F75] =	sst s7  }
0x10: {  	[smem:$0x3F76] =	sst s8  }
0x11: {  	[smem:$0x3F77] =	sst s9;
	s0 =	simm.s32 @!p0 $0x0  }
0x12: {  	s1 =	sld [smem:$0x3F5D];
	s0 =	simm.s32 @p0 $0x1  }
0x13: {  	[smem:$0x3F78] =	sst s0;
	s0 =	simm.s32 @!p1 $0x0  }
0x14: {  	s2 =	sld [smem:$0x3F5C];
	s0 =	simm.s32 @p1 $0x1  }
0x15: {  	[smem:$0x3F79] =	sst s0;
	s0 =	simm.s32 @!p2 $0x0  }
0x16: {  	s3 =	sld [smem:$0x3FDB];
	s0 =	simm.s32 @p2 $0x1  }
0x17: {  	s4 =	simm.s32 $0x1BF5;
	[smem:$0x3F7B] =	sst s0  }
0x18: {  	s0 =	sld [smem:$0x3F5E];
	_ =	swait.ge [sflag:s4], $0x0  }
0x19: {  	s7 =	sld [smem:$0x3F5F]  }
0x1a: {  	s8 =	sadd.s32 $0xFFFFE003, lr  }
0x1b: {  	s9 =	sadd.s32 $0xFFFFFEF7, lr;
	s5 =	simm.s32 $0xFFFFFFFF;
	p2 =	slt.u32 s8, $0xFFFFF086  }
0x1c: {  	p1 =	slt.u32 s9, $0xF7A;
	s5 =	simm.s32 @!p2 $0x0  }
0x1d: {  	s5 =	simm.s32 @p1 $0x1;
	p0 =	seq.s32 s7, s2  }
0x1e: {  	s7 =	smul.u32 @!p0 $0xF7A, s2;
	p2 =	seq.s32 @!p0 s5, $0x0  }
0x1f: {  	s9 =	smul.u32 $0xF7A, s1;
	s8 =	simm.s32 @!p0 $0x1BF5;
	p2 =	por !p2, p0  }
0x20: {  	[sflag:s8] =	ssyncset.s32 @!p0 $0xFFFFF086;
	s6 =	sadd.s32 @!p0 s3, s7;
	s7 =	simm.s32 @!p0 $0x108  }
0x21: {  	s3 =	sadd.s32 s3, s9;
	s6 =	sadd.s32 @!p0 $0x88, s6;
	s7 =	simm.s32 @p2 $0x1082  }
0x22: {  	[simem:s7], [sflag:s8] =	dma.local @!p0 [hbm:s6], $0xF7A  }
0x23: {  	s9 =	sor.u32 $0xD0000000, s2;
	s6 =	simm.s32 $0x108;
	_ =	swait.ge @!p0 [sflag:s8], $0x0  }
0x24: {  	s3 =	sadd.s32 $0x88, s3;
	s6 =	simm.s32 @!p1 $0x1082;
	[sflag:s4] =	ssyncset.s32 $0xFFFFF086  }
0x25: {  	[simem:s6], [sflag:s4] =	dma.local [hbm:s3], $0xF7A  }
0x26: {  	[smem:$0x3F5F] =	sst s1;
	(tag) =	ssettag s2;
	_ =	strace s9  }
0x27: {  	s1 =	sld [smem:$0x3F6F]  }
0x28: {  	s2 =	sld [smem:$0x3F70]  }
0x29: {  	s4 =	sld [smem:$0x3F72]  }
0x2a: {  	p0 =	seq.s32 s5, $0x0;
	s5 =	sld [smem:$0x3F73]  }
0x2b: {  	s6 =	sld [smem:$0x3F74]  }
0x2c: {  	s7 =	sld [smem:$0x3F75]  }
0x2d: {  	s3 =	simm.s32 $0x108;
	s8 =	sld [smem:$0x3F76]  }
0x2e: {  	s3 =	simm.s32 @!p0 $0x1082;
	s9 =	sld [smem:$0x3F77]  }
0x2f: {  	lr =	sadd.s32 s0, s3;
	s0 =	sld [smem:$0x3F6E]  }
0x30: {  	s3 =	sld [smem:$0x3F71]  }
0x31: {  	[smem:$0x3F7A] =	sst s10  }
0x32: {  	s10 =	sld [smem:$0x3F78];
	_ =	sdelay $0x3  }
0x33: {  	p0 =	seq.s32 s10, $0x1;
	s10 =	sld [smem:$0x3F7A];
	_ =	sdelay $0x3  }
0x34: {  	[smem:$0x3F7A] =	sst s10  }
0x35: {  	s10 =	sld [smem:$0x3F79];
	_ =	sdelay $0x3  }
0x36: {  	p1 =	seq.s32 s10, $0x1;
	s10 =	sld [smem:$0x3F7A];
	_ =	sdelay $0x3  }
0x37: {  	[smem:$0x3F7A] =	sst s10  }
0x38: {  	s10 =	sld [smem:$0x3F7B]  }
0x39: {  	_ = 	snop;
	(pc) =	sbr.ind lr, $3  }
0x3a: {  	_ = 	snop  }
0x3b: {  	_ = 	snop  }
0x3c: {  	p2 =	seq.s32 s10, $0x1;
	s10 =	sld [smem:$0x3F7A]  }
0x3d: {  	_ =	shalt  }
0x3e: {  	_ =	shalt  }
0x3f: {  	_ =	shalt  }
0x40: {  	_ =	shalt  }
0x41: {  	_ =	shalt  }
0x42: {  	_ =	shalt  }
0x43: {  	_ =	shalt  }
0x44: {  	_ =	shalt  }
0x45: {  	_ =	shalt  }
0x46: {  	_ =	shalt  }
0x47: {  	_ =	shalt  }
0x48: {  	_ =	shalt  }
0x49: {  	_ =	shalt  }
0x4a: {  	_ =	shalt  }
0x4b: {  	_ =	shalt  }
0x4c: {  	_ =	shalt  }
0x4d: {  	_ =	shalt  }
0x4e: {  	_ =	shalt  }
0x4f: {  	_ =	shalt  }
0x50: {  	_ =	shalt  }
0x51: {  	_ =	shalt  }
0x52: {  	_ =	shalt  }
0x53: {  	_ =	shalt  }
0x54: {  	_ =	shalt  }
0x55: {  	_ =	shalt  }
0x56: {  	_ =	shalt  }
0x57: {  	_ =	shalt  }
0x58: {  	_ =	shalt  }
0x59: {  	_ =	shalt  }
0x5a: {  	_ =	shalt  }
0x5b: {  	_ =	shalt  }
0x5c: {  	_ =	shalt  }
0x5d: {  	_ =	shalt  }
0x5e: {  	_ =	shalt  }
0x5f: {  	_ =	shalt  }
0x60: {  	_ =	shalt  }
0x61: {  	_ =	shalt  }
0x62: {  	_ =	shalt  }
0x63: {  	_ =	shalt  }
0x64: {  	_ =	shalt  }
0x65: {  	_ =	shalt  }
0x66: {  	_ =	shalt  }
0x67: {  	_ =	shalt  }
0x68: {  	_ =	shalt  }
0x69: {  	_ =	shalt  }
0x6a: {  	_ =	shalt  }
0x6b: {  	_ =	shalt  }
0x6c: {  	_ =	shalt  }
0x6d: {  	_ =	shalt  }
0x6e: {  	_ =	shalt  }
0x6f: {  	_ =	shalt  }
0x70: {  	_ =	shalt  }
0x71: {  	_ =	shalt  }
0x72: {  	_ =	shalt  }
0x73: {  	_ =	shalt  }
0x74: {  	_ =	shalt  }
0x75: {  	_ =	shalt  }
0x76: {  	_ =	shalt  }
0x77: {  	_ =	shalt  }
0x78: {  	_ =	shalt  }
0x79: {  	_ =	shalt  }
0x7a: {  	_ =	shalt  }
0x7b: {  	_ =	shalt  }
0x7c: {  	_ =	shalt  }
0x7d: {  	_ =	shalt  }
0x7e: {  	_ =	shalt  }
0x7f: {  	_ =	shalt  }
0x80: {  	_ =	shalt  }
0x81: {  	_ =	shalt  }
0x82: {  	_ =	shalt  }
0x83: {  	_ =	shalt  }
0x84: {  	_ =	shalt  }
0x85: {  	_ =	shalt  }
0x86: {  	_ =	shalt  }
0x87: {  	_ =	shalt  }
.Lfunc_end0:
.L_simem_size_0:
called_computation.2_lowered:
.L_overlay_start_0:
0x88: {  	s2 =	sld [smem:$0x3FD9]  }
0x89: {  	s3 =	sld [smem:$0x3FFE];
	_ =	sdelay $0x1  }
0x8a: {  	s1 =	srdreg.scid  }
0x8b: {  	s0 =	sand.u32 $0x1, s1  }
0x8c: {  	s16 =	sshll.u32 s0, $0xA;
	s2 =	sadd.s32 s3, s2  }
0x8d: {  	s2 =	sadd.s32 s2, s16  }
0x8e: {  	[smem:$0x3F86] =	sst s2  }
0x8f: {  	_ = 	snop  }
0x90: {  	(tm) =	ssettm $0x1  }
0x91: {  	s17 =	sld [smem:$0x3FFB];
	_ =	sdelay $0x3  }
0x92: {  	_ =	strace s17  }
0x93: {  	s2 =	sld [smem:$0x3FFC];
	_ =	sdelay $0x3  }
0x94: {  	_ =	strace s2  }
0x95: {  	s2 =	sld [smem:$0x3FFD];
	_ =	sdelay $0x3  }
0x96: {  	_ =	strace s2  }
0x97: {  	_ =	strace $0x8FFFFFFF  }
0x98: {  	s18 =	sld [smem:$0x3FDB];
	_ =	sdelay $0x1  }
0x99: {  	s19 =	simm.s32 $_scs_section_size  }
0x9a: {  	s4 =	simm.s32 $_size__tile_overlayer_lowered;
	s5 =	simm.s32 $_tile_overlayer_lowered  }
0x9b: {  	s22 =	simm.s32 $0x1BFF;
	s21 =	sshll.u32 s5, $0x1;
	s2 =	sadd.s32 s19, s18  }
0x9c: {  	s6 =	simm.s32 $0x0;
	s20 =	sshll.u32 s4, $0x1;
	s4 =	sadd.s32 s21, s2  }
0x9d: {  	[timem:s6], [sflag:s22] =	dma.local [hbm:s4], s20  }
0x9e: {  	_ =	swait.ge [sflag:s22], s20  }
0x9f: {  	s3 =	ssub.s32 $0x0, s20;
	[sflag:s22] =	ssyncset.done $0x0  }
0xa0: {  	[sflag:s22] =	ssyncadd.s32 s3;
	_ =	sdelay $0x1  }
0xa1: {  	s23 =	simm.s32 $0x1B8B  }
0xa2: {  	_ =	swait.ge [sflag:s23], $0x1  }
0xa3: {  	[sflag:s23] =	ssyncset.done $0x0  }
0xa4: {  	s25 =	simm.s32 $0x1B8E;
	s24 =	sld [smem:$0x3FFE];
	[sflag:s23] =	ssyncadd.s32 $0xFFFFFFFF  }
0xa5: {  	s26 =	simm.s32 $execute0_lowered;
	[smem:$0x3FD2] =	sst s25  }
0xa6: {  	s4 =	sshll.u32 s26, $0x1;
	_ =	strace $0x8000004C;
	[dreg:$0x1] =	wrdreg $0xFFFFFFFF  }
0xa7: {  	s28 =	simm.s32 $_size_execute0_lowered;
	s2 =	sadd.s32 s2, s4;
	[dreg:$0x0] =	wrdreg $0x0  }
0xa8: {  	s4 =	sshll.u32 s28, $0x1;
	[dreg:$0x2] =	wrdreg s2  }
0xa9: {  	[dreg:$0x3] =	wrdreg s4  }
0xaa: {  	[dreg:$0x4] =	wrdreg $0xC0  }
0xab: {  	_ =	task [dreg:s6], $0x5FFFF  }
0xac: {  	[dreg:$0x1] =	wrdreg $0xFFFFFFFF  }
0xad: {  	[dreg:$0x0] =	wrdreg $0x60  }
0xae: {  	[dreg:$0x2] =	wrdreg s24  }
0xaf: {  	[dreg:$0x3] =	wrdreg $0x120000  }
0xb0: {  	[dreg:$0x4] =	wrdreg $0x9  }
0xb1: {  	_ =	task.clear_ibuf [dreg:s6], $0x5FFFF;
	_ =	strace $0x9000004C  }
0xb2: {  	s29 =	simm.s32 $0x9;
	_ =	strace $0x8000004E  }
0xb3: {  	_ =	swait.ge [sflag:s29], $0x1  }
0xb4: {  	[sflag:s29] =	ssyncadd.s32 $0xFFFFFFFF  }
0xb5: {  	_ =	strace $0x9000004E  }
0xb6: {  	_ =	sfence  }
0xb7: {  	s30 =	sld [smem:$0x0];
	_ =	sdelay $0x2  }
0xb8: {  	s31 =	sshll.u32 s1, $0xD;
	s1 =	sshrl.u32 s1, $0x2  }
0xb9: {  	s3 =	sand.u32 $0x4000, s31;
	s1 =	sadd.s32 s1, s30  }
0xba: {  	s0 =	sor.u32 s3, s0;
	s1 =	sshll.u32 s1, $0x11  }
0xbb: {  	s0 =	sor.u32 s1, s0  }
0xbc: {  	s0 =	sadd.s32 $0x8F2B, s0  }
0xbd: {  	[sflag:s0] =	ssyncadd.remote.s32 $0x1  }
0xbe: {  	_ =	sfence.sel $0xFFFF  }
0xbf: {  	[dreg:$0x0] =	wrdreg $0xFFFFFFFF;
	(pc) =	sbr.abs _section_cstart, $3  }
0xc0: {  	[dreg:$0x1] =	wrdreg $0xFFFFFFFF  }
0xc1: {  	_ =	task.clear_ibuf [dreg:s6], $0x2FFFF;
	_ =	strace $0x9FFFFFFF  }
0xc2: {  	(tm) =	ssettm $0x7FFFFFFF  }
0xc3: {  	_ =	shalt  }
tec
execute0_lowered:
.L_overlay_start_1:
0x0: {  	(tag) =	ssettag $0x1  }
0x1: {  	s0 =	srdreg.scid  }
0x2: {  	s1 =	rddreg [dreg:$0x0];
	s10 =	stileid.u32  }
0x3: {  	s2 =	rddreg [dreg:$0x1];
	s3 =	simm.s32 $0x0;
	s12 =	simm.s32 $0x9  }
0x4: {  	s13 =	simm.s32 $0x5000;
	s14 =	simm.s32 $0x80;
	s15 =	simm.s32 $0xA000  }
0x5: {  	s16 =	simm.s32 $0xC000;
	s17 =	simm.s32 $0x1;
	s19 =	simm.s32 $0xE000  }
0x6: {  	s20 =	simm.s32 $0x2;
	s23 =	simm.s32 $0x10000;
	s28 =	simm.s32 $0x6  }
0x7: {  	s29 =	simm.s32 $0x7;
	s30 =	simm.s32 $0x8;
	s5 =	smul.u32 $0x5000, s10  }
0x8: {  	s31 =	simm.s32 $0x9F00;
	s0 =	sand.u32 $0x1, s0;
	s6 =	smul.u32 $0x9E00, s10  }
0x9: {  	[smem:$0x7FF] =	sst s3;
	s26 =	sshll.u32 s10, $0x6;
	s4 =	smul.u32 $0x50000, s0  }
0xa: {  	s7 =	smul.u32 $0x9E000, s0;
	_ =	strace $0x8000004D;
	s0 =	ssub.s32 $0x2, s0  }
0xb: {  	s25 =	sshrl.u32 s6, $0x3;
	s9 =	sshrl.u32 s0, $0x1;
	s11 =	sadd.s32 s6, s2  }
0xc: {  	s5 =	sadd.s32 s5, s4;
	s4 =	sadd.s32 $0x32600, s1;
	s24 =	sadd.s32 s6, s7  }
0xd: {  	s7 =	sadd.s32 s25, s1;
	s0 =	ssub.s32 s0, s9;
	s6 =	sor.u32 $0x1C09, s26  }
0xe: {  	s11 =	sshrl.u32 s11, $0x3;
	s25 =	simm.s32 $0x5;
	s26 =	simm.s32 $0x4  }
0xf: {  	s5 =	sshrl.u32 s5, $0x3;
	s10 =	smax.u32 s0, $0x1;
	s0 =	simm.s32 $0x0  }
0x10: {  	s8 =	sadd.s32 s5, s1;
	s5 =	sshrl.u32 s24, $0x3;
	s24 =	simm.s32 $0x3  }
0x11: {  	s1 =	sadd.s32 s5, s1;
	s5 =	sadd.s32 $0x1EA00, s7;
	s7 =	sadd.s32 $0x59E00, s8  }
0x12: {  	s8 =	sadd.s32 $0xAA00, s8;
	s9 =	sadd.s32 $0x6DE00, s1;
	s1 =	simm.s32 $0x9F80  }
.LBB2_1:
0x13: {  	[spmem:s11], [sflag:s6] =	dma.local [hbm:s5], $0x13C0  }
0x14: {  	_ =	swait.ge [sflag:s12], $0x13C0  }
0x15: {  	[sflag:s12] =	ssyncset.done $0x0  }
0x16: {  	[sflag:s12] =	ssyncadd.s32 $0xFFFFEC40  }
0x17: {  	[tilespmem:s3], [sflag:$0x9] =	stream.linear.gather [hbm4b:s7+s3], $0x5000, $0x38;
	[tilespmem:$0x1BE40] =	vst v63  }
0x18: {  	_ =	swait.ge [sflag:s12], $0x5000  }
0x19: {  	[sflag:s12] =	ssyncset.done $0x0  }
0x1a: {  	[sflag:s12] =	ssyncadd.s32 $0xFFFFB000  }
0x1b: {  	[tilespmem:s13], [sflag:$0x9] =	stream.linear.gather [hbm4b:s8+s3], $0x5000, $0x38;
	[tilespmem:$0x1BE40] =	vst v63  }
0x1c: {  	_ =	swait.ge [sflag:s12], $0x5000  }
0x1d: {  	[sflag:s12] =	ssyncset.done $0x0  }
0x1e: {  	[sflag:s12] =	ssyncadd.s32 $0xFFFFB000  }
0x1f: {  	[bflag:$0x0] =	sbarrier.arrive $0xFFFF  }
0x20: {  	[tilespmem:s15], [sflag:$0x1] =	stream.indirect.gather [hbm4b:s4+s14], $0x40, s3, s14, $0xb8;
	[tilespmem:$0x1BE40] =	vst v63  }
0x21: {  	_ = 	snop  }
0x22: {  	[tilespmem:s16], [sflag:$0x2] =	stream.indirect.gather [hbm4b:s4+s14], $0x40, s14, s14, $0xb8;
	[tilespmem:$0x1BE40] =	vst v63  }
0x23: {  	_ =	swait.ge [sflag:s17], $0x2000  }
0x24: {  	[sflag:s17] =	ssyncset.done $0x0  }
0x25: {  	[sflag:s17] =	ssyncadd.s32 $0xFFFFE000  }
0x26: {  	[spmem:s2] =	stream.indirect.scatter.add.f32 [tilespmem:s15], [sflag:$0x5], $0x40, s13, s14, $0xb8;
	[tilespmem:$0x1BE40] =	vst v63  }
0x27: {  	s18 =	simm.s32 $0x100  }
0x28: {  	[tilespmem:s19], [sflag:$0x3] =	stream.indirect.gather [hbm4b:s4+s14], $0x40, s18, s14, $0xb8;
	[tilespmem:$0x1BE40] =	vst v63  }
0x29: {  	_ =	swait.ge [sflag:s20], $0x2000  }
0x2a: {  	[sflag:s20] =	ssyncset.done $0x0  }
0x2b: {  	s22 =	simm.s32 $0x5080;
	[sflag:s20] =	ssyncadd.s32 $0xFFFFE000  }
0x2c: {  	[spmem:s2] =	stream.indirect.scatter.add.f32 [tilespmem:s16], [sflag:$0x6], $0x40, s22, s14, $0xb8;
	[tilespmem:$0x1BE40] =	vst v63  }
0x2d: {  	s21 =	simm.s32 $0x180  }
0x2e: {  	[tilespmem:s23], [sflag:$0x4] =	stream.indirect.gather [hbm4b:s4+s14], $0x40, s21, s14, $0xb8;
	[tilespmem:$0x1BE40] =	vst v63  }
0x2f: {  	_ =	swait.ge [sflag:s24], $0x2000  }
0x30: {  	[sflag:s24] =	ssyncset.done $0x0  }
0x31: {  	s22 =	simm.s32 $0x5100;
	[sflag:s24] =	ssyncadd.s32 $0xFFFFE000  }
0x32: {  	[spmem:s2] =	stream.indirect.scatter.add.f32 [tilespmem:s19], [sflag:$0x7], $0x40, s22, s14, $0xb8;
	[tilespmem:$0x1BE40] =	vst v63  }
0x33: {  	_ =	swait.ge [sflag:s25], $0x2000  }
0x34: {  	[sflag:s25] =	ssyncset.done $0x0  }
0x35: {  	s21 =	simm.s32 $0x200;
	[sflag:s25] =	ssyncadd.s32 $0xFFFFE000  }
0x36: {  	[tilespmem:s15], [sflag:$0x1] =	stream.indirect.gather [hbm4b:s4+s14], $0x40, s21, s14, $0xb8;
	[tilespmem:$0x1BE40] =	vst v63  }
0x37: {  	_ =	swait.ge [sflag:s26], $0x2000  }
0x38: {  	[sflag:s26] =	ssyncset.done $0x0  }
0x39: {  	s22 =	simm.s32 $0x5180;
	[sflag:s26] =	ssyncadd.s32 $0xFFFFE000  }
0x3a: {  	[spmem:s2] =	stream.indirect.scatter.add.f32 [tilespmem:s23], [sflag:$0x8], $0x40, s22, s14, $0xb8;
	[tilespmem:$0x1BE40] =	vst v63  }
0x3b: {  	_ =	swait.ge [sflag:s28], $0x2000  }
0x3c: {  	[sflag:s28] =	ssyncset.done $0x0  }
0x3d: {  	s21 =	simm.s32 $0x280;
	[sflag:s28] =	ssyncadd.s32 $0xFFFFE000  }
0x3e: {  	[tilespmem:s16], [sflag:$0x2] =	stream.indirect.gather [hbm4b:s4+s14], $0x40, s21, s14, $0xb8;
	[tilespmem:$0x1BE40] =	vst v63  }
0x3f: {  	_ =	swait.ge [sflag:s17], $0x2000  }
0x40: {  	[sflag:s17] =	ssyncset.done $0x0  }
0x41: {  	s22 =	simm.s32 $0x5200;
	[sflag:s17] =	ssyncadd.s32 $0xFFFFE000  }
0x42: {  	[spmem:s2] =	stream.indirect.scatter.add.f32 [tilespmem:s15], [sflag:$0x5], $0x40, s22, s14, $0xb8;
	[tilespmem:$0x1BE40] =	vst v63  }
0x43: {  	_ =	swait.ge [sflag:s29], $0x2000  }
0x44: {  	[sflag:s29] =	ssyncset.done $0x0  }
0x45: {  	s21 =	simm.s32 $0x300;
	[sflag:s29] =	ssyncadd.s32 $0xFFFFE000  }
0x46: {  	[tilespmem:s19], [sflag:$0x3] =	stream.indirect.gather [hbm4b:s4+s14], $0x40, s21, s14, $0xb8;
	[tilespmem:$0x1BE40] =	vst v63  }
0x47: {  	_ =	swait.ge [sflag:s20], $0x2000  }
0x48: {  	[sflag:s20] =	ssyncset.done $0x0  }
0x49: {  	s22 =	simm.s32 $0x5280;
	[sflag:s20] =	ssyncadd.s32 $0xFFFFE000  }
0x4a: {  	[spmem:s2] =	stream.indirect.scatter.add.f32 [tilespmem:s16], [sflag:$0x6], $0x40, s22, s14, $0xb8;
	[tilespmem:$0x1BE40] =	vst v63  }
0x4b: {  	_ =	swait.ge [sflag:s30], $0x2000  }
0x4c: {  	[sflag:s30] =	ssyncset.done $0x0  }
0x4d: {  	s18 =	simm.s32 $0x800;
	s21 =	simm.s32 $0x380;
	[sflag:s30] =	ssyncadd.s32 $0xFFFFE000  }
.LBB2_2:
0x4e: {  	[tilespmem:s23], [sflag:$0x4] =	stream.indirect.gather [hbm4b:s4+s14], $0x40, s21, s14, $0xb8;
	[tilespmem:$0x1BE40] =	vst v63  }
0x4f: {  	s21 =	smov.u32 s18  }
0x50: {  	p0 =	sne.s32 s18, $0x13000;
	s18 =	sadd.s32 $0x800, s18;
	_ =	swait.ge [sflag:s24], $0x2000  }
0x51: {  	s21 =	sshra.s32 s21, $0x2;
	[sflag:s24] =	ssyncset.done $0x0  }
0x52: {  	s22 =	sadd.s32 $0x5100, s21;
	[sflag:s24] =	ssyncadd.s32 $0xFFFFE000  }
0x53: {  	[spmem:s2] =	stream.indirect.scatter.add.f32 [tilespmem:s19], [sflag:$0x7], $0x40, s22, s14, $0xb8;
	[tilespmem:$0x1BE40] =	vst v63  }
0x54: {  	_ =	swait.ge [sflag:s25], $0x2000  }
0x55: {  	[sflag:s25] =	ssyncset.done $0x0  }
0x56: {  	s22 =	sadd.s32 $0x200, s21;
	[sflag:s25] =	ssyncadd.s32 $0xFFFFE000  }
0x57: {  	[tilespmem:s15], [sflag:$0x1] =	stream.indirect.gather [hbm4b:s4+s14], $0x40, s22, s14, $0xb8;
	[tilespmem:$0x1BE40] =	vst v63  }
0x58: {  	_ =	swait.ge [sflag:s26], $0x2000  }
0x59: {  	[sflag:s26] =	ssyncset.done $0x0  }
0x5a: {  	s22 =	sadd.s32 $0x5180, s21;
	[sflag:s26] =	ssyncadd.s32 $0xFFFFE000  }
0x5b: {  	[spmem:s2] =	stream.indirect.scatter.add.f32 [tilespmem:s23], [sflag:$0x8], $0x40, s22, s14, $0xb8;
	[tilespmem:$0x1BE40] =	vst v63  }
0x5c: {  	_ =	swait.ge [sflag:s28], $0x2000  }
0x5d: {  	[sflag:s28] =	ssyncset.done $0x0  }
0x5e: {  	s22 =	sadd.s32 $0x280, s21;
	[sflag:s28] =	ssyncadd.s32 $0xFFFFE000  }
0x5f: {  	[tilespmem:s16], [sflag:$0x2] =	stream.indirect.gather [hbm4b:s4+s14], $0x40, s22, s14, $0xb8;
	[tilespmem:$0x1BE40] =	vst v63  }
0x60: {  	_ =	swait.ge [sflag:s17], $0x2000  }
0x61: {  	[sflag:s17] =	ssyncset.done $0x0  }
0x62: {  	s22 =	sadd.s32 $0x5200, s21;
	[sflag:s17] =	ssyncadd.s32 $0xFFFFE000  }
0x63: {  	[spmem:s2] =	stream.indirect.scatter.add.f32 [tilespmem:s15], [sflag:$0x5], $0x40, s22, s14, $0xb8;
	[tilespmem:$0x1BE40] =	vst v63  }
0x64: {  	_ =	swait.ge [sflag:s29], $0x2000  }
0x65: {  	[sflag:s29] =	ssyncset.done $0x0  }
0x66: {  	s22 =	sadd.s32 $0x300, s21;
	[sflag:s29] =	ssyncadd.s32 $0xFFFFE000  }
0x67: {  	[tilespmem:s19], [sflag:$0x3] =	stream.indirect.gather [hbm4b:s4+s14], $0x40, s22, s14, $0xb8;
	[tilespmem:$0x1BE40] =	vst v63  }
0x68: {  	_ =	swait.ge [sflag:s20], $0x2000  }
0x69: {  	[sflag:s20] =	ssyncset.done $0x0  }
.Ltmp0:
0x6a: {  	s22 =	sadd.s32 $0x5280, s21;
	[sflag:s20] =	ssyncadd.s32 $0xFFFFE000;
	(pc) =	sbr.rel @p0 .LBB2_2-.Ltmp0, $4  }
0x6b: {  	[spmem:s2] =	stream.indirect.scatter.add.f32 [tilespmem:s16], [sflag:$0x6], $0x40, s22, s14, $0xb8;
	[tilespmem:$0x1BE40] =	vst v63  }
0x6c: {  	_ =	swait.ge [sflag:s30], $0x2000  }
0x6d: {  	[sflag:s30] =	ssyncset.done $0x0  }
0x6e: {  	s21 =	sadd.s32 $0x380, s21;
	[sflag:s30] =	ssyncadd.s32 $0xFFFFE000  }
0x6f: {  	[tilespmem:s23], [sflag:$0x4] =	stream.indirect.gather [hbm4b:s4+s14], $0x40, s21, s14, $0xb8;
	[tilespmem:$0x1BE40] =	vst v63  }
0x70: {  	_ =	swait.ge [sflag:s24], $0x2000  }
0x71: {  	[sflag:s24] =	ssyncset.done $0x0  }
0x72: {  	[sflag:s24] =	ssyncadd.s32 $0xFFFFE000  }
0x73: {  	[spmem:s2] =	stream.indirect.scatter.add.f32 [tilespmem:s19], [sflag:$0x7], $0x40, s31, s14, $0xb8;
	[tilespmem:$0x1BE40] =	vst v63  }
0x74: {  	_ =	swait.ge [sflag:s25], $0x2000  }
0x75: {  	[sflag:s25] =	ssyncset.done $0x0  }
0x76: {  	[sflag:s25] =	ssyncadd.s32 $0xFFFFE000  }
0x77: {  	_ =	swait.ge [sflag:s26], $0x2000  }
0x78: {  	[sflag:s26] =	ssyncset.done $0x0  }
0x79: {  	[sflag:s26] =	ssyncadd.s32 $0xFFFFE000  }
0x7a: {  	[spmem:s2] =	stream.indirect.scatter.add.f32 [tilespmem:s23], [sflag:$0x8], $0x40, s1, s14, $0xb8;
	[tilespmem:$0x1BE40] =	vst v63  }
0x7b: {  	_ =	swait.ge [sflag:s28], $0x2000  }
0x7c: {  	[sflag:s28] =	ssyncset.done $0x0  }
0x7d: {  	[sflag:s28] =	ssyncadd.s32 $0xFFFFE000  }
0x7e: {  	_ =	swait.ge [sflag:s29], $0x2000  }
0x7f: {  	[sflag:s29] =	ssyncset.done $0x0  }
0x80: {  	[sflag:s29] =	ssyncadd.s32 $0xFFFFE000  }
0x81: {  	_ =	swait.ge [sflag:s30], $0x2000  }
0x82: {  	s0 =	sadd.s32 $0x1, s0;
	[sflag:s30] =	ssyncset.done $0x0  }
0x83: {  	p0 =	sne.s32 s0, s10;
	[sflag:s30] =	ssyncadd.s32 $0xFFFFE000  }
.Ltmp1:
0x84: {  	[bflag:$0x0] =	sbarrier.arrive $0xFFFF;
	(pc) =	sbr.rel @p0 .LBB2_1-.Ltmp1, $4  }
0x85: {  	[hbm:s9], [sflag:s6] =	dma.local [spmem:s11], $0x13C0  }
0x86: {  	_ =	swait.ge [sflag:s12], $0x13C0  }
0x87: {  	[sflag:s12] =	ssyncset.done $0x0  }
0x88: {  	[sflag:s12] =	ssyncadd.s32 $0xFFFFEC40  }
0x89: {  	_ =	sfence.sel $0x180000  }
0x8a: {  	[bflag:$0x0] =	sbarrier.arrive $0xFFFF  }
0x8b: {  	_ =	strace $0x9000004D  }
0x8c: {  	s0 =	stileid.u32;
	[bflag:$0x2] =	sbarrier.arrive $0xFFFF  }
0x8d: {  	p0 =	sne.s32 s0, $0x0;
	s0 =	rddreg [dreg:$0x2]  }
0x8e: {  	s0 =	sadd.s32 @!p0 $0x100000, s0  }
0x8f: {  	[sflag:s0] =	ssyncadd.tile.s32 @!p0 $0x1;
	_ =	shalt  }
.Lfunc_end2:
_tile_overlayer_lowered:
.L_overlay_start_2:
0x90: {  	(tag) =	ssettag $0x2  }
0x91: {  	s0 =	rddreg [dreg:$0x0];
	s2 =	stileid.u32  }
0x92: {  	s1 =	rddreg [dreg:$0x1];
	p0 =	sne.s32 s2, $0x0  }
0x93: {  	s3 =	rddreg [dreg:$0x2];
	[bflag:$0x3] =	sbarrier.arrive $0xFFFF;
	s2 =	simm.s32 @!p0 $0x1C09  }
0x94: {  	[timem:s3], [sflag:s2] =	dma.local @!p0 [hbm:s0], s1  }
0x95: {  	s0 =	simm.s32 @!p0 $0x9  }
0x96: {  	_ =	swait.ge @!p0 [sflag:s0], s1  }
0x97: {  	s1 =	ssub.s32 @!p0 $0x0, s1;
	[sflag:s0] =	ssyncset.done @!p0 $0x0  }
0x98: {  	[sflag:s0] =	ssyncadd.s32 @!p0 s1  }
0x99: {  	[bflag:$0x3] =	sbarrier.arrive $0xFFFF  }
0x9a: {  	_ =	shalt  }

// kernel: kernel.32.cloned.1.call-start
scs
__scs_entry_jumppad:
0x0: {  	(pc) =	sbr.rel $0x88, $3  }
0x1: {  	(tag) =	ssettag $0x0;
	lr =	simm.s32 $0x1  }
0x2: {  	[smem:$0x3F5F] =	sst lr;
	_ =	strace $0xD0000000  }
0x3: {  	_ = 	snop  }
0x4: {  	_ = 	snop  }
0x5: {  	_ = 	snop  }
0x6: {  	_ = 	snop  }
0x7: {  	_ = 	snop  }
__scs_overlays_trampoline_lowered:
0x8: {  	[smem:$0x3F6E] =	sst s0  }
0x9: {  	[smem:$0x3F6F] =	sst s1  }
0xa: {  	[smem:$0x3F70] =	sst s2  }
0xb: {  	[smem:$0x3F71] =	sst s3  }
0xc: {  	[smem:$0x3F72] =	sst s4  }
0xd: {  	[smem:$0x3F73] =	sst s5  }
0xe: {  	[smem:$0x3F74] =	sst s6  }
0xf: {  	[smem:$0x3F75] =	sst s7  }
0x10: {  	[smem:$0x3F76] =	sst s8  }
0x11: {  	[smem:$0x3F77] =	sst s9;
	s0 =	simm.s32 @!p0 $0x0  }
0x12: {  	s1 =	sld [smem:$0x3F5D];
	s0 =	simm.s32 @p0 $0x1  }
0x13: {  	[smem:$0x3F78] =	sst s0;
	s0 =	simm.s32 @!p1 $0x0  }
0x14: {  	s2 =	sld [smem:$0x3F5C];
	s0 =	simm.s32 @p1 $0x1  }
0x15: {  	[smem:$0x3F79] =	sst s0;
	s0 =	simm.s32 @!p2 $0x0  }
0x16: {  	s3 =	sld [smem:$0x3FDB];
	s0 =	simm.s32 @p2 $0x1  }
0x17: {  	s4 =	simm.s32 $0x1BF5;
	[smem:$0x3F7B] =	sst s0  }
0x18: {  	s0 =	sld [smem:$0x3F5E];
	_ =	swait.ge [sflag:s4], $0x0  }
0x19: {  	s7 =	sld [smem:$0x3F5F]  }
0x1a: {  	s8 =	sadd.s32 $0xFFFFE003, lr  }
0x1b: {  	s9 =	sadd.s32 $0xFFFFFEF7, lr;
	s5 =	simm.s32 $0xFFFFFFFF;
	p2 =	slt.u32 s8, $0xFFFFF086  }
0x1c: {  	p1 =	slt.u32 s9, $0xF7A;
	s5 =	simm.s32 @!p2 $0x0  }
0x1d: {  	s5 =	simm.s32 @p1 $0x1;
	p0 =	seq.s32 s7, s2  }
0x1e: {  	s7 =	smul.u32 @!p0 $0xF7A, s2;
	p2 =	seq.s32 @!p0 s5, $0x0  }
0x1f: {  	s9 =	smul.u32 $0xF7A, s1;
	s8 =	simm.s32 @!p0 $0x1BF5;
	p2 =	por !p2, p0  }
0x20: {  	[sflag:s8] =	ssyncset.s32 @!p0 $0xFFFFF086;
	s6 =	sadd.s32 @!p0 s3, s7;
	s7 =	simm.s32 @!p0 $0x108  }
0x21: {  	s3 =	sadd.s32 s3, s9;
	s6 =	sadd.s32 @!p0 $0x88, s6;
	s7 =	simm.s32 @p2 $0x1082  }
0x22: {  	[simem:s7], [sflag:s8] =	dma.local @!p0 [hbm:s6], $0xF7A  }
0x23: {  	s9 =	sor.u32 $0xD0000000, s2;
	s6 =	simm.s32 $0x108;
	_ =	swait.ge @!p0 [sflag:s8], $0x0  }
0x24: {  	s3 =	sadd.s32 $0x88, s3;
	s6 =	simm.s32 @!p1 $0x1082;
	[sflag:s4] =	ssyncset.s32 $0xFFFFF086  }
0x25: {  	[simem:s6], [sflag:s4] =	dma.local [hbm:s3], $0xF7A  }
0x26: {  	[smem:$0x3F5F] =	sst s1;
	(tag) =	ssettag s2;
	_ =	strace s9  }
0x27: {  	s1 =	sld [smem:$0x3F6F]  }
0x28: {  	s2 =	sld [smem:$0x3F70]  }
0x29: {  	s4 =	sld [smem:$0x3F72]  }
0x2a: {  	p0 =	seq.s32 s5, $0x0;
	s5 =	sld [smem:$0x3F73]  }
0x2b: {  	s6 =	sld [smem:$0x3F74]  }
0x2c: {  	s7 =	sld [smem:$0x3F75]  }
0x2d: {  	s3 =	simm.s32 $0x108;
	s8 =	sld [smem:$0x3F76]  }
0x2e: {  	s3 =	simm.s32 @!p0 $0x1082;
	s9 =	sld [smem:$0x3F77]  }
0x2f: {  	lr =	sadd.s32 s0, s3;
	s0 =	sld [smem:$0x3F6E]  }
0x30: {  	s3 =	sld [smem:$0x3F71]  }
0x31: {  	[smem:$0x3F7A] =	sst s10  }
0x32: {  	s10 =	sld [smem:$0x3F78];
	_ =	sdelay $0x3  }
0x33: {  	p0 =	seq.s32 s10, $0x1;
	s10 =	sld [smem:$0x3F7A];
	_ =	sdelay $0x3  }
0x34: {  	[smem:$0x3F7A] =	sst s10  }
0x35: {  	s10 =	sld [smem:$0x3F79];
	_ =	sdelay $0x3  }
0x36: {  	p1 =	seq.s32 s10, $0x1;
	s10 =	sld [smem:$0x3F7A];
	_ =	sdelay $0x3  }
0x37: {  	[smem:$0x3F7A] =	sst s10  }
0x38: {  	s10 =	sld [smem:$0x3F7B]  }
0x39: {  	_ = 	snop;
	(pc) =	sbr.ind lr, $3  }
0x3a: {  	_ = 	snop  }
0x3b: {  	_ = 	snop  }
0x3c: {  	p2 =	seq.s32 s10, $0x1;
	s10 =	sld [smem:$0x3F7A]  }
0x3d: {  	_ =	shalt  }
0x3e: {  	_ =	shalt  }
0x3f: {  	_ =	shalt  }
0x40: {  	_ =	shalt  }
0x41: {  	_ =	shalt  }
0x42: {  	_ =	shalt  }
0x43: {  	_ =	shalt  }
0x44: {  	_ =	shalt  }
0x45: {  	_ =	shalt  }
0x46: {  	_ =	shalt  }
0x47: {  	_ =	shalt  }
0x48: {  	_ =	shalt  }
0x49: {  	_ =	shalt  }
0x4a: {  	_ =	shalt  }
0x4b: {  	_ =	shalt  }
0x4c: {  	_ =	shalt  }
0x4d: {  	_ =	shalt  }
0x4e: {  	_ =	shalt  }
0x4f: {  	_ =	shalt  }
0x50: {  	_ =	shalt  }
0x51: {  	_ =	shalt  }
0x52: {  	_ =	shalt  }
0x53: {  	_ =	shalt  }
0x54: {  	_ =	shalt  }
0x55: {  	_ =	shalt  }
0x56: {  	_ =	shalt  }
0x57: {  	_ =	shalt  }
0x58: {  	_ =	shalt  }
0x59: {  	_ =	shalt  }
0x5a: {  	_ =	shalt  }
0x5b: {  	_ =	shalt  }
0x5c: {  	_ =	shalt  }
0x5d: {  	_ =	shalt  }
0x5e: {  	_ =	shalt  }
0x5f: {  	_ =	shalt  }
0x60: {  	_ =	shalt  }
0x61: {  	_ =	shalt  }
0x62: {  	_ =	shalt  }
0x63: {  	_ =	shalt  }
0x64: {  	_ =	shalt  }
0x65: {  	_ =	shalt  }
0x66: {  	_ =	shalt  }
0x67: {  	_ =	shalt  }
0x68: {  	_ =	shalt  }
0x69: {  	_ =	shalt  }
0x6a: {  	_ =	shalt  }
0x6b: {  	_ =	shalt  }
0x6c: {  	_ =	shalt  }
0x6d: {  	_ =	shalt  }
0x6e: {  	_ =	shalt  }
0x6f: {  	_ =	shalt  }
0x70: {  	_ =	shalt  }
0x71: {  	_ =	shalt  }
0x72: {  	_ =	shalt  }
0x73: {  	_ =	shalt  }
0x74: {  	_ =	shalt  }
0x75: {  	_ =	shalt  }
0x76: {  	_ =	shalt  }
0x77: {  	_ =	shalt  }
0x78: {  	_ =	shalt  }
0x79: {  	_ =	shalt  }
0x7a: {  	_ =	shalt  }
0x7b: {  	_ =	shalt  }
0x7c: {  	_ =	shalt  }
0x7d: {  	_ =	shalt  }
0x7e: {  	_ =	shalt  }
0x7f: {  	_ =	shalt  }
0x80: {  	_ =	shalt  }
0x81: {  	_ =	shalt  }
0x82: {  	_ =	shalt  }
0x83: {  	_ =	shalt  }
0x84: {  	_ =	shalt  }
0x85: {  	_ =	shalt  }
0x86: {  	_ =	shalt  }
0x87: {  	_ =	shalt  }
.Lfunc_end0:
.L_simem_size_0:
called_computation.3_lowered:
.L_overlay_start_0:
0x88: {  	s2 =	sld [smem:$0x3FD9]  }
0x89: {  	s3 =	sld [smem:$0x3FFE];
	_ =	sdelay $0x1  }
0x8a: {  	s1 =	srdreg.scid  }
0x8b: {  	s0 =	sand.u32 $0x1, s1  }
0x8c: {  	s16 =	sshll.u32 s0, $0xA;
	s2 =	sadd.s32 s3, s2  }
0x8d: {  	s2 =	sadd.s32 s2, s16  }
0x8e: {  	[smem:$0x3F86] =	sst s2  }
0x8f: {  	_ = 	snop  }
0x90: {  	(tm) =	ssettm $0x1  }
0x91: {  	s17 =	sld [smem:$0x3FFB];
	_ =	sdelay $0x3  }
0x92: {  	_ =	strace s17  }
0x93: {  	s2 =	sld [smem:$0x3FFC];
	_ =	sdelay $0x3  }
0x94: {  	_ =	strace s2  }
0x95: {  	s2 =	sld [smem:$0x3FFD];
	_ =	sdelay $0x3  }
0x96: {  	_ =	strace s2  }
0x97: {  	_ =	strace $0x8FFFFFFF  }
0x98: {  	s18 =	sld [smem:$0x3FDB];
	_ =	sdelay $0x1  }
0x99: {  	s19 =	simm.s32 $_scs_section_size  }
0x9a: {  	s4 =	simm.s32 $_size__tile_overlayer_lowered;
	s5 =	simm.s32 $_tile_overlayer_lowered  }
0x9b: {  	s22 =	simm.s32 $0x1BFF;
	s21 =	sshll.u32 s5, $0x1;
	s2 =	sadd.s32 s19, s18  }
0x9c: {  	s6 =	simm.s32 $0x0;
	s20 =	sshll.u32 s4, $0x1;
	s4 =	sadd.s32 s21, s2  }
0x9d: {  	[timem:s6], [sflag:s22] =	dma.local [hbm:s4], s20  }
0x9e: {  	_ =	swait.ge [sflag:s22], s20  }
0x9f: {  	s3 =	ssub.s32 $0x0, s20;
	[sflag:s22] =	ssyncset.done $0x0  }
0xa0: {  	[sflag:s22] =	ssyncadd.s32 s3;
	_ =	sdelay $0x1  }
0xa1: {  	s23 =	simm.s32 $0x1B8B  }
0xa2: {  	_ =	swait.ge [sflag:s23], $0x1  }
0xa3: {  	[sflag:s23] =	ssyncset.done $0x0  }
0xa4: {  	s25 =	simm.s32 $0x1B8E;
	s24 =	sld [smem:$0x3FFE];
	[sflag:s23] =	ssyncadd.s32 $0xFFFFFFFF  }
0xa5: {  	s26 =	simm.s32 $execute0_lowered;
	[smem:$0x3FD2] =	sst s25  }
0xa6: {  	s4 =	sshll.u32 s26, $0x1;
	_ =	strace $0x8000004F;
	[dreg:$0x1] =	wrdreg $0xFFFFFFFF  }
0xa7: {  	s28 =	simm.s32 $_size_execute0_lowered;
	s2 =	sadd.s32 s2, s4;
	[dreg:$0x0] =	wrdreg $0x0  }
0xa8: {  	s4 =	sshll.u32 s28, $0x1;
	[dreg:$0x2] =	wrdreg s2  }
0xa9: {  	[dreg:$0x3] =	wrdreg s4  }
0xaa: {  	[dreg:$0x4] =	wrdreg $0xC0  }
0xab: {  	_ =	task [dreg:s6], $0x5FFFF  }
0xac: {  	[dreg:$0x1] =	wrdreg $0xFFFFFFFF  }
0xad: {  	[dreg:$0x0] =	wrdreg $0x60  }
0xae: {  	[dreg:$0x2] =	wrdreg s24  }
0xaf: {  	[dreg:$0x3] =	wrdreg $0x120000  }
0xb0: {  	[dreg:$0x4] =	wrdreg $0x9  }
0xb1: {  	_ =	task.clear_ibuf [dreg:s6], $0x5FFFF;
	_ =	strace $0x9000004F  }
0xb2: {  	s29 =	simm.s32 $0x9;
	_ =	strace $0x80000051  }
0xb3: {  	_ =	swait.ge [sflag:s29], $0x1  }
0xb4: {  	[sflag:s29] =	ssyncadd.s32 $0xFFFFFFFF  }
0xb5: {  	_ =	strace $0x90000051  }
0xb6: {  	_ =	sfence  }
0xb7: {  	s30 =	sld [smem:$0x0];
	_ =	sdelay $0x2  }
0xb8: {  	s31 =	sshll.u32 s1, $0xD;
	s1 =	sshrl.u32 s1, $0x2  }
0xb9: {  	s3 =	sand.u32 $0x4000, s31;
	s1 =	sadd.s32 s1, s30  }
0xba: {  	s0 =	sor.u32 s3, s0;
	s1 =	sshll.u32 s1, $0x11  }
0xbb: {  	s0 =	sor.u32 s1, s0  }
0xbc: {  	s0 =	sadd.s32 $0x8F2B, s0  }
0xbd: {  	[sflag:s0] =	ssyncadd.remote.s32 $0x1  }
0xbe: {  	_ =	sfence.sel $0xFFFF  }
0xbf: {  	[dreg:$0x0] =	wrdreg $0xFFFFFFFF;
	(pc) =	sbr.abs _section_cstart, $3  }
0xc0: {  	[dreg:$0x1] =	wrdreg $0xFFFFFFFF  }
0xc1: {  	_ =	task.clear_ibuf [dreg:s6], $0x2FFFF;
	_ =	strace $0x9FFFFFFF  }
0xc2: {  	(tm) =	ssettm $0x7FFFFFFF  }
0xc3: {  	_ =	shalt  }
tec
execute0_lowered:
.L_overlay_start_1:
0x0: {  	(tag) =	ssettag $0x1  }
0x1: {  	s0 =	srdreg.scid  }
0x2: {  	s1 =	rddreg [dreg:$0x0];
	s10 =	stileid.u32  }
0x3: {  	s2 =	rddreg [dreg:$0x1];
	s3 =	simm.s32 $0x0;
	s12 =	simm.s32 $0x9  }
0x4: {  	s13 =	simm.s32 $0x5000;
	s14 =	simm.s32 $0x80;
	s15 =	simm.s32 $0xA000  }
0x5: {  	s16 =	simm.s32 $0xC000;
	s17 =	simm.s32 $0x1;
	s19 =	simm.s32 $0xE000  }
0x6: {  	s20 =	simm.s32 $0x2;
	s23 =	simm.s32 $0x10000;
	s28 =	simm.s32 $0x6  }
0x7: {  	s29 =	simm.s32 $0x7;
	s30 =	simm.s32 $0x8;
	s5 =	smul.u32 $0x5000, s10  }
0x8: {  	s31 =	simm.s32 $0x9F00;
	s0 =	sand.u32 $0x1, s0;
	s6 =	smul.u32 $0x9E00, s10  }
0x9: {  	[smem:$0x7FF] =	sst s3;
	s26 =	sshll.u32 s10, $0x6;
	s4 =	smul.u32 $0x50000, s0  }
0xa: {  	s7 =	smul.u32 $0x9E000, s0;
	_ =	strace $0x80000050;
	s0 =	ssub.s32 $0x2, s0  }
0xb: {  	s25 =	sshrl.u32 s6, $0x3;
	s9 =	sshrl.u32 s0, $0x1;
	s11 =	sadd.s32 s6, s2  }
0xc: {  	s5 =	sadd.s32 s5, s4;
	s4 =	sadd.s32 $0x32600, s1;
	s24 =	sadd.s32 s6, s7  }
0xd: {  	s7 =	sadd.s32 s25, s1;
	s0 =	ssub.s32 s0, s9;
	s6 =	sor.u32 $0x1C09, s26  }
0xe: {  	s11 =	sshrl.u32 s11, $0x3;
	s25 =	simm.s32 $0x5;
	s26 =	simm.s32 $0x4  }
0xf: {  	s5 =	sshrl.u32 s5, $0x3;
	s10 =	smax.u32 s0, $0x1;
	s0 =	simm.s32 $0x0  }
0x10: {  	s8 =	sadd.s32 s5, s1;
	s5 =	sshrl.u32 s24, $0x3;
	s24 =	simm.s32 $0x3  }
0x11: {  	s1 =	sadd.s32 s5, s1;
	s5 =	sadd.s32 $0x1EA00, s7;
	s7 =	sadd.s32 $0x59E00, s8  }
0x12: {  	s8 =	sadd.s32 $0xAA00, s8;
	s9 =	sadd.s32 $0x6DE00, s1;
	s1 =	simm.s32 $0x9F80  }
.LBB2_1:
0x13: {  	[spmem:s11], [sflag:s6] =	dma.local [hbm:s5], $0x13C0  }
0x14: {  	_ =	swait.ge [sflag:s12], $0x13C0  }
0x15: {  	[sflag:s12] =	ssyncset.done $0x0  }
0x16: {  	[sflag:s12] =	ssyncadd.s32 $0xFFFFEC40  }
0x17: {  	[tilespmem:s3], [sflag:$0x9] =	stream.linear.gather [hbm4b:s7+s3], $0x5000, $0x38;
	[tilespmem:$0x1BE40] =	vst v63  }
0x18: {  	_ =	swait.ge [sflag:s12], $0x5000  }
0x19: {  	[sflag:s12] =	ssyncset.done $0x0  }
0x1a: {  	[sflag:s12] =	ssyncadd.s32 $0xFFFFB000  }
0x1b: {  	[tilespmem:s13], [sflag:$0x9] =	stream.linear.gather [hbm4b:s8+s3], $0x5000, $0x38;
	[tilespmem:$0x1BE40] =	vst v63  }
0x1c: {  	_ =	swait.ge [sflag:s12], $0x5000  }
0x1d: {  	[sflag:s12] =	ssyncset.done $0x0  }
0x1e: {  	[sflag:s12] =	ssyncadd.s32 $0xFFFFB000  }
0x1f: {  	[bflag:$0x0] =	sbarrier.arrive $0xFFFF  }
0x20: {  	[tilespmem:s15], [sflag:$0x1] =	stream.indirect.gather [hbm4b:s4+s14], $0x40, s3, s14, $0xb8;
	[tilespmem:$0x1BE40] =	vst v63  }
0x21: {  	_ = 	snop  }
0x22: {  	[tilespmem:s16], [sflag:$0x2] =	stream.indirect.gather [hbm4b:s4+s14], $0x40, s14, s14, $0xb8;
	[tilespmem:$0x1BE40] =	vst v63  }
0x23: {  	_ =	swait.ge [sflag:s17], $0x2000  }
0x24: {  	[sflag:s17] =	ssyncset.done $0x0  }
0x25: {  	[sflag:s17] =	ssyncadd.s32 $0xFFFFE000  }
0x26: {  	[spmem:s2] =	stream.indirect.scatter.add.f32 [tilespmem:s15], [sflag:$0x5], $0x40, s13, s14, $0xb8;
	[tilespmem:$0x1BE40] =	vst v63  }
0x27: {  	s18 =	simm.s32 $0x100  }
0x28: {  	[tilespmem:s19], [sflag:$0x3] =	stream.indirect.gather [hbm4b:s4+s14], $0x40, s18, s14, $0xb8;
	[tilespmem:$0x1BE40] =	vst v63  }
0x29: {  	_ =	swait.ge [sflag:s20], $0x2000  }
0x2a: {  	[sflag:s20] =	ssyncset.done $0x0  }
0x2b: {  	s22 =	simm.s32 $0x5080;
	[sflag:s20] =	ssyncadd.s32 $0xFFFFE000  }
0x2c: {  	[spmem:s2] =	stream.indirect.scatter.add.f32 [tilespmem:s16], [sflag:$0x6], $0x40, s22, s14, $0xb8;
	[tilespmem:$0x1BE40] =	vst v63  }
0x2d: {  	s21 =	simm.s32 $0x180  }
0x2e: {  	[tilespmem:s23], [sflag:$0x4] =	stream.indirect.gather [hbm4b:s4+s14], $0x40, s21, s14, $0xb8;
	[tilespmem:$0x1BE40] =	vst v63  }
0x2f: {  	_ =	swait.ge [sflag:s24], $0x2000  }
0x30: {  	[sflag:s24] =	ssyncset.done $0x0  }
0x31: {  	s22 =	simm.s32 $0x5100;
	[sflag:s24] =	ssyncadd.s32 $0xFFFFE000  }
0x32: {  	[spmem:s2] =	stream.indirect.scatter.add.f32 [tilespmem:s19], [sflag:$0x7], $0x40, s22, s14, $0xb8;
	[tilespmem:$0x1BE40] =	vst v63  }
0x33: {  	_ =	swait.ge [sflag:s25], $0x2000  }
0x34: {  	[sflag:s25] =	ssyncset.done $0x0  }
0x35: {  	s21 =	simm.s32 $0x200;
	[sflag:s25] =	ssyncadd.s32 $0xFFFFE000  }
0x36: {  	[tilespmem:s15], [sflag:$0x1] =	stream.indirect.gather [hbm4b:s4+s14], $0x40, s21, s14, $0xb8;
	[tilespmem:$0x1BE40] =	vst v63  }
0x37: {  	_ =	swait.ge [sflag:s26], $0x2000  }
0x38: {  	[sflag:s26] =	ssyncset.done $0x0  }
0x39: {  	s22 =	simm.s32 $0x5180;
	[sflag:s26] =	ssyncadd.s32 $0xFFFFE000  }
0x3a: {  	[spmem:s2] =	stream.indirect.scatter.add.f32 [tilespmem:s23], [sflag:$0x8], $0x40, s22, s14, $0xb8;
	[tilespmem:$0x1BE40] =	vst v63  }
0x3b: {  	_ =	swait.ge [sflag:s28], $0x2000  }
0x3c: {  	[sflag:s28] =	ssyncset.done $0x0  }
0x3d: {  	s21 =	simm.s32 $0x280;
	[sflag:s28] =	ssyncadd.s32 $0xFFFFE000  }
0x3e: {  	[tilespmem:s16], [sflag:$0x2] =	stream.indirect.gather [hbm4b:s4+s14], $0x40, s21, s14, $0xb8;
	[tilespmem:$0x1BE40] =	vst v63  }
0x3f: {  	_ =	swait.ge [sflag:s17], $0x2000  }
0x40: {  	[sflag:s17] =	ssyncset.done $0x0  }
0x41: {  	s22 =	simm.s32 $0x5200;
	[sflag:s17] =	ssyncadd.s32 $0xFFFFE000  }
0x42: {  	[spmem:s2] =	stream.indirect.scatter.add.f32 [tilespmem:s15], [sflag:$0x5], $0x40, s22, s14, $0xb8;
	[tilespmem:$0x1BE40] =	vst v63  }
0x43: {  	_ =	swait.ge [sflag:s29], $0x2000  }
0x44: {  	[sflag:s29] =	ssyncset.done $0x0  }
0x45: {  	s21 =	simm.s32 $0x300;
	[sflag:s29] =	ssyncadd.s32 $0xFFFFE000  }
0x46: {  	[tilespmem:s19], [sflag:$0x3] =	stream.indirect.gather [hbm4b:s4+s14], $0x40, s21, s14, $0xb8;
	[tilespmem:$0x1BE40] =	vst v63  }
0x47: {  	_ =	swait.ge [sflag:s20], $0x2000  }
0x48: {  	[sflag:s20] =	ssyncset.done $0x0  }
0x49: {  	s22 =	simm.s32 $0x5280;
	[sflag:s20] =	ssyncadd.s32 $0xFFFFE000  }
0x4a: {  	[spmem:s2] =	stream.indirect.scatter.add.f32 [tilespmem:s16], [sflag:$0x6], $0x40, s22, s14, $0xb8;
	[tilespmem:$0x1BE40] =	vst v63  }
0x4b: {  	_ =	swait.ge [sflag:s30], $0x2000  }
0x4c: {  	[sflag:s30] =	ssyncset.done $0x0  }
0x4d: {  	s18 =	simm.s32 $0x800;
	s21 =	simm.s32 $0x380;
	[sflag:s30] =	ssyncadd.s32 $0xFFFFE000  }
.LBB2_2:
0x4e: {  	[tilespmem:s23], [sflag:$0x4] =	stream.indirect.gather [hbm4b:s4+s14], $0x40, s21, s14, $0xb8;
	[tilespmem:$0x1BE40] =	vst v63  }
0x4f: {  	s21 =	smov.u32 s18  }
0x50: {  	p0 =	sne.s32 s18, $0x13000;
	s18 =	sadd.s32 $0x800, s18;
	_ =	swait.ge [sflag:s24], $0x2000  }
0x51: {  	s21 =	sshra.s32 s21, $0x2;
	[sflag:s24] =	ssyncset.done $0x0  }
0x52: {  	s22 =	sadd.s32 $0x5100, s21;
	[sflag:s24] =	ssyncadd.s32 $0xFFFFE000  }
0x53: {  	[spmem:s2] =	stream.indirect.scatter.add.f32 [tilespmem:s19], [sflag:$0x7], $0x40, s22, s14, $0xb8;
	[tilespmem:$0x1BE40] =	vst v63  }
0x54: {  	_ =	swait.ge [sflag:s25], $0x2000  }
0x55: {  	[sflag:s25] =	ssyncset.done $0x0  }
0x56: {  	s22 =	sadd.s32 $0x200, s21;
	[sflag:s25] =	ssyncadd.s32 $0xFFFFE000  }
0x57: {  	[tilespmem:s15], [sflag:$0x1] =	stream.indirect.gather [hbm4b:s4+s14], $0x40, s22, s14, $0xb8;
	[tilespmem:$0x1BE40] =	vst v63  }
0x58: {  	_ =	swait.ge [sflag:s26], $0x2000  }
0x59: {  	[sflag:s26] =	ssyncset.done $0x0  }
0x5a: {  	s22 =	sadd.s32 $0x5180, s21;
	[sflag:s26] =	ssyncadd.s32 $0xFFFFE000  }
0x5b: {  	[spmem:s2] =	stream.indirect.scatter.add.f32 [tilespmem:s23], [sflag:$0x8], $0x40, s22, s14, $0xb8;
	[tilespmem:$0x1BE40] =	vst v63  }
0x5c: {  	_ =	swait.ge [sflag:s28], $0x2000  }
0x5d: {  	[sflag:s28] =	ssyncset.done $0x0  }
0x5e: {  	s22 =	sadd.s32 $0x280, s21;
	[sflag:s28] =	ssyncadd.s32 $0xFFFFE000  }
0x5f: {  	[tilespmem:s16], [sflag:$0x2] =	stream.indirect.gather [hbm4b:s4+s14], $0x40, s22, s14, $0xb8;
	[tilespmem:$0x1BE40] =	vst v63  }
0x60: {  	_ =	swait.ge [sflag:s17], $0x2000  }
0x61: {  	[sflag:s17] =	ssyncset.done $0x0  }
0x62: {  	s22 =	sadd.s32 $0x5200, s21;
	[sflag:s17] =	ssyncadd.s32 $0xFFFFE000  }
0x63: {  	[spmem:s2] =	stream.indirect.scatter.add.f32 [tilespmem:s15], [sflag:$0x5], $0x40, s22, s14, $0xb8;
	[tilespmem:$0x1BE40] =	vst v63  }
0x64: {  	_ =	swait.ge [sflag:s29], $0x2000  }
0x65: {  	[sflag:s29] =	ssyncset.done $0x0  }
0x66: {  	s22 =	sadd.s32 $0x300, s21;
	[sflag:s29] =	ssyncadd.s32 $0xFFFFE000  }
0x67: {  	[tilespmem:s19], [sflag:$0x3] =	stream.indirect.gather [hbm4b:s4+s14], $0x40, s22, s14, $0xb8;
	[tilespmem:$0x1BE40] =	vst v63  }
0x68: {  	_ =	swait.ge [sflag:s20], $0x2000  }
0x69: {  	[sflag:s20] =	ssyncset.done $0x0  }
.Ltmp0:
0x6a: {  	s22 =	sadd.s32 $0x5280, s21;
	[sflag:s20] =	ssyncadd.s32 $0xFFFFE000;
	(pc) =	sbr.rel @p0 .LBB2_2-.Ltmp0, $4  }
0x6b: {  	[spmem:s2] =	stream.indirect.scatter.add.f32 [tilespmem:s16], [sflag:$0x6], $0x40, s22, s14, $0xb8;
	[tilespmem:$0x1BE40] =	vst v63  }
0x6c: {  	_ =	swait.ge [sflag:s30], $0x2000  }
0x6d: {  	[sflag:s30] =	ssyncset.done $0x0  }
0x6e: {  	s21 =	sadd.s32 $0x380, s21;
	[sflag:s30] =	ssyncadd.s32 $0xFFFFE000  }
0x6f: {  	[tilespmem:s23], [sflag:$0x4] =	stream.indirect.gather [hbm4b:s4+s14], $0x40, s21, s14, $0xb8;
	[tilespmem:$0x1BE40] =	vst v63  }
0x70: {  	_ =	swait.ge [sflag:s24], $0x2000  }
0x71: {  	[sflag:s24] =	ssyncset.done $0x0  }
0x72: {  	[sflag:s24] =	ssyncadd.s32 $0xFFFFE000  }
0x73: {  	[spmem:s2] =	stream.indirect.scatter.add.f32 [tilespmem:s19], [sflag:$0x7], $0x40, s31, s14, $0xb8;
	[tilespmem:$0x1BE40] =	vst v63  }
0x74: {  	_ =	swait.ge [sflag:s25], $0x2000  }
0x75: {  	[sflag:s25] =	ssyncset.done $0x0  }
0x76: {  	[sflag:s25] =	ssyncadd.s32 $0xFFFFE000  }
0x77: {  	_ =	swait.ge [sflag:s26], $0x2000  }
0x78: {  	[sflag:s26] =	ssyncset.done $0x0  }
0x79: {  	[sflag:s26] =	ssyncadd.s32 $0xFFFFE000  }
0x7a: {  	[spmem:s2] =	stream.indirect.scatter.add.f32 [tilespmem:s23], [sflag:$0x8], $0x40, s1, s14, $0xb8;
	[tilespmem:$0x1BE40] =	vst v63  }
0x7b: {  	_ =	swait.ge [sflag:s28], $0x2000  }
0x7c: {  	[sflag:s28] =	ssyncset.done $0x0  }
0x7d: {  	[sflag:s28] =	ssyncadd.s32 $0xFFFFE000  }
0x7e: {  	_ =	swait.ge [sflag:s29], $0x2000  }
0x7f: {  	[sflag:s29] =	ssyncset.done $0x0  }
0x80: {  	[sflag:s29] =	ssyncadd.s32 $0xFFFFE000  }
0x81: {  	_ =	swait.ge [sflag:s30], $0x2000  }
0x82: {  	s0 =	sadd.s32 $0x1, s0;
	[sflag:s30] =	ssyncset.done $0x0  }
0x83: {  	p0 =	sne.s32 s0, s10;
	[sflag:s30] =	ssyncadd.s32 $0xFFFFE000  }
.Ltmp1:
0x84: {  	[bflag:$0x0] =	sbarrier.arrive $0xFFFF;
	(pc) =	sbr.rel @p0 .LBB2_1-.Ltmp1, $4  }
0x85: {  	[hbm:s9], [sflag:s6] =	dma.local [spmem:s11], $0x13C0  }
0x86: {  	_ =	swait.ge [sflag:s12], $0x13C0  }
0x87: {  	[sflag:s12] =	ssyncset.done $0x0  }
0x88: {  	[sflag:s12] =	ssyncadd.s32 $0xFFFFEC40  }
0x89: {  	_ =	sfence.sel $0x180000  }
0x8a: {  	[bflag:$0x0] =	sbarrier.arrive $0xFFFF  }
0x8b: {  	_ =	strace $0x90000050  }
0x8c: {  	s0 =	stileid.u32;
	[bflag:$0x2] =	sbarrier.arrive $0xFFFF  }
0x8d: {  	p0 =	sne.s32 s0, $0x0;
	s0 =	rddreg [dreg:$0x2]  }
0x8e: {  	s0 =	sadd.s32 @!p0 $0x100000, s0  }
0x8f: {  	[sflag:s0] =	ssyncadd.tile.s32 @!p0 $0x1;
	_ =	shalt  }
.Lfunc_end2:
_tile_overlayer_lowered:
.L_overlay_start_2:
0x90: {  	(tag) =	ssettag $0x2  }
0x91: {  	s0 =	rddreg [dreg:$0x0];
	s2 =	stileid.u32  }
0x92: {  	s1 =	rddreg [dreg:$0x1];
	p0 =	sne.s32 s2, $0x0  }
0x93: {  	s3 =	rddreg [dreg:$0x2];
	[bflag:$0x3] =	sbarrier.arrive $0xFFFF;
	s2 =	simm.s32 @!p0 $0x1C09  }
0x94: {  	[timem:s3], [sflag:s2] =	dma.local @!p0 [hbm:s0], s1  }
0x95: {  	s0 =	simm.s32 @!p0 $0x9  }
0x96: {  	_ =	swait.ge @!p0 [sflag:s0], s1  }
0x97: {  	s1 =	ssub.s32 @!p0 $0x0, s1;
	[sflag:s0] =	ssyncset.done @!p0 $0x0  }
0x98: {  	[sflag:s0] =	ssyncadd.s32 @!p0 s1  }
0x99: {  	[bflag:$0x3] =	sbarrier.arrive $0xFFFF  }
0x9a: {  	_ =	shalt  }

// kernel: kernel.35.cloned.1.call-start
scs
__scs_entry_jumppad:
0x0: {  	(pc) =	sbr.rel $0x88, $3  }
0x1: {  	(tag) =	ssettag $0x0;
	lr =	simm.s32 $0x1  }
0x2: {  	[smem:$0x3F5F] =	sst lr;
	_ =	strace $0xD0000000  }
0x3: {  	_ = 	snop  }
0x4: {  	_ = 	snop  }
0x5: {  	_ = 	snop  }
0x6: {  	_ = 	snop  }
0x7: {  	_ = 	snop  }
__scs_overlays_trampoline_lowered:
0x8: {  	[smem:$0x3F6E] =	sst s0  }
0x9: {  	[smem:$0x3F6F] =	sst s1  }
0xa: {  	[smem:$0x3F70] =	sst s2  }
0xb: {  	[smem:$0x3F71] =	sst s3  }
0xc: {  	[smem:$0x3F72] =	sst s4  }
0xd: {  	[smem:$0x3F73] =	sst s5  }
0xe: {  	[smem:$0x3F74] =	sst s6  }
0xf: {  	[smem:$0x3F75] =	sst s7  }
0x10: {  	[smem:$0x3F76] =	sst s8  }
0x11: {  	[smem:$0x3F77] =	sst s9;
	s0 =	simm.s32 @!p0 $0x0  }
0x12: {  	s1 =	sld [smem:$0x3F5D];
	s0 =	simm.s32 @p0 $0x1  }
0x13: {  	[smem:$0x3F78] =	sst s0;
	s0 =	simm.s32 @!p1 $0x0  }
0x14: {  	s2 =	sld [smem:$0x3F5C];
	s0 =	simm.s32 @p1 $0x1  }
0x15: {  	[smem:$0x3F79] =	sst s0;
	s0 =	simm.s32 @!p2 $0x0  }
0x16: {  	s3 =	sld [smem:$0x3FDB];
	s0 =	simm.s32 @p2 $0x1  }
0x17: {  	s4 =	simm.s32 $0x1BF5;
	[smem:$0x3F7B] =	sst s0  }
0x18: {  	s0 =	sld [smem:$0x3F5E];
	_ =	swait.ge [sflag:s4], $0x0  }
0x19: {  	s7 =	sld [smem:$0x3F5F]  }
0x1a: {  	s8 =	sadd.s32 $0xFFFFE003, lr  }
0x1b: {  	s9 =	sadd.s32 $0xFFFFFEF7, lr;
	s5 =	simm.s32 $0xFFFFFFFF;
	p2 =	slt.u32 s8, $0xFFFFF086  }
0x1c: {  	p1 =	slt.u32 s9, $0xF7A;
	s5 =	simm.s32 @!p2 $0x0  }
0x1d: {  	s5 =	simm.s32 @p1 $0x1;
	p0 =	seq.s32 s7, s2  }
0x1e: {  	s7 =	smul.u32 @!p0 $0xF7A, s2;
	p2 =	seq.s32 @!p0 s5, $0x0  }
0x1f: {  	s9 =	smul.u32 $0xF7A, s1;
	s8 =	simm.s32 @!p0 $0x1BF5;
	p2 =	por !p2, p0  }
0x20: {  	[sflag:s8] =	ssyncset.s32 @!p0 $0xFFFFF086;
	s6 =	sadd.s32 @!p0 s3, s7;
	s7 =	simm.s32 @!p0 $0x108  }
0x21: {  	s3 =	sadd.s32 s3, s9;
	s6 =	sadd.s32 @!p0 $0x88, s6;
	s7 =	simm.s32 @p2 $0x1082  }
0x22: {  	[simem:s7], [sflag:s8] =	dma.local @!p0 [hbm:s6], $0xF7A  }
0x23: {  	s9 =	sor.u32 $0xD0000000, s2;
	s6 =	simm.s32 $0x108;
	_ =	swait.ge @!p0 [sflag:s8], $0x0  }
0x24: {  	s3 =	sadd.s32 $0x88, s3;
	s6 =	simm.s32 @!p1 $0x1082;
	[sflag:s4] =	ssyncset.s32 $0xFFFFF086  }
0x25: {  	[simem:s6], [sflag:s4] =	dma.local [hbm:s3], $0xF7A  }
0x26: {  	[smem:$0x3F5F] =	sst s1;
	(tag) =	ssettag s2;
	_ =	strace s9  }
0x27: {  	s1 =	sld [smem:$0x3F6F]  }
0x28: {  	s2 =	sld [smem:$0x3F70]  }
0x29: {  	s4 =	sld [smem:$0x3F72]  }
0x2a: {  	p0 =	seq.s32 s5, $0x0;
	s5 =	sld [smem:$0x3F73]  }
0x2b: {  	s6 =	sld [smem:$0x3F74]  }
0x2c: {  	s7 =	sld [smem:$0x3F75]  }
0x2d: {  	s3 =	simm.s32 $0x108;
	s8 =	sld [smem:$0x3F76]  }
0x2e: {  	s3 =	simm.s32 @!p0 $0x1082;
	s9 =	sld [smem:$0x3F77]  }
0x2f: {  	lr =	sadd.s32 s0, s3;
	s0 =	sld [smem:$0x3F6E]  }
0x30: {  	s3 =	sld [smem:$0x3F71]  }
0x31: {  	[smem:$0x3F7A] =	sst s10  }
0x32: {  	s10 =	sld [smem:$0x3F78];
	_ =	sdelay $0x3  }
0x33: {  	p0 =	seq.s32 s10, $0x1;
	s10 =	sld [smem:$0x3F7A];
	_ =	sdelay $0x3  }
0x34: {  	[smem:$0x3F7A] =	sst s10  }
0x35: {  	s10 =	sld [smem:$0x3F79];
	_ =	sdelay $0x3  }
0x36: {  	p1 =	seq.s32 s10, $0x1;
	s10 =	sld [smem:$0x3F7A];
	_ =	sdelay $0x3  }
0x37: {  	[smem:$0x3F7A] =	sst s10  }
0x38: {  	s10 =	sld [smem:$0x3F7B]  }
0x39: {  	_ = 	snop;
	(pc) =	sbr.ind lr, $3  }
0x3a: {  	_ = 	snop  }
0x3b: {  	_ = 	snop  }
0x3c: {  	p2 =	seq.s32 s10, $0x1;
	s10 =	sld [smem:$0x3F7A]  }
0x3d: {  	_ =	shalt  }
0x3e: {  	_ =	shalt  }
0x3f: {  	_ =	shalt  }
0x40: {  	_ =	shalt  }
0x41: {  	_ =	shalt  }
0x42: {  	_ =	shalt  }
0x43: {  	_ =	shalt  }
0x44: {  	_ =	shalt  }
0x45: {  	_ =	shalt  }
0x46: {  	_ =	shalt  }
0x47: {  	_ =	shalt  }
0x48: {  	_ =	shalt  }
0x49: {  	_ =	shalt  }
0x4a: {  	_ =	shalt  }
0x4b: {  	_ =	shalt  }
0x4c: {  	_ =	shalt  }
0x4d: {  	_ =	shalt  }
0x4e: {  	_ =	shalt  }
0x4f: {  	_ =	shalt  }
0x50: {  	_ =	shalt  }
0x51: {  	_ =	shalt  }
0x52: {  	_ =	shalt  }
0x53: {  	_ =	shalt  }
0x54: {  	_ =	shalt  }
0x55: {  	_ =	shalt  }
0x56: {  	_ =	shalt  }
0x57: {  	_ =	shalt  }
0x58: {  	_ =	shalt  }
0x59: {  	_ =	shalt  }
0x5a: {  	_ =	shalt  }
0x5b: {  	_ =	shalt  }
0x5c: {  	_ =	shalt  }
0x5d: {  	_ =	shalt  }
0x5e: {  	_ =	shalt  }
0x5f: {  	_ =	shalt  }
0x60: {  	_ =	shalt  }
0x61: {  	_ =	shalt  }
0x62: {  	_ =	shalt  }
0x63: {  	_ =	shalt  }
0x64: {  	_ =	shalt  }
0x65: {  	_ =	shalt  }
0x66: {  	_ =	shalt  }
0x67: {  	_ =	shalt  }
0x68: {  	_ =	shalt  }
0x69: {  	_ =	shalt  }
0x6a: {  	_ =	shalt  }
0x6b: {  	_ =	shalt  }
0x6c: {  	_ =	shalt  }
0x6d: {  	_ =	shalt  }
0x6e: {  	_ =	shalt  }
0x6f: {  	_ =	shalt  }
0x70: {  	_ =	shalt  }
0x71: {  	_ =	shalt  }
0x72: {  	_ =	shalt  }
0x73: {  	_ =	shalt  }
0x74: {  	_ =	shalt  }
0x75: {  	_ =	shalt  }
0x76: {  	_ =	shalt  }
0x77: {  	_ =	shalt  }
0x78: {  	_ =	shalt  }
0x79: {  	_ =	shalt  }
0x7a: {  	_ =	shalt  }
0x7b: {  	_ =	shalt  }
0x7c: {  	_ =	shalt  }
0x7d: {  	_ =	shalt  }
0x7e: {  	_ =	shalt  }
0x7f: {  	_ =	shalt  }
0x80: {  	_ =	shalt  }
0x81: {  	_ =	shalt  }
0x82: {  	_ =	shalt  }
0x83: {  	_ =	shalt  }
0x84: {  	_ =	shalt  }
0x85: {  	_ =	shalt  }
0x86: {  	_ =	shalt  }
0x87: {  	_ =	shalt  }
.Lfunc_end0:
.L_simem_size_0:
called_computation.4_lowered:
.L_overlay_start_0:
0x88: {  	s2 =	sld [smem:$0x3FD9]  }
0x89: {  	s3 =	sld [smem:$0x3FFE];
	_ =	sdelay $0x1  }
0x8a: {  	s1 =	srdreg.scid  }
0x8b: {  	s0 =	sand.u32 $0x1, s1  }
0x8c: {  	s16 =	sshll.u32 s0, $0xA;
	s2 =	sadd.s32 s3, s2  }
0x8d: {  	s2 =	sadd.s32 s2, s16  }
0x8e: {  	[smem:$0x3F86] =	sst s2  }
0x8f: {  	_ = 	snop  }
0x90: {  	(tm) =	ssettm $0x1  }
0x91: {  	s17 =	sld [smem:$0x3FFB];
	_ =	sdelay $0x3  }
0x92: {  	_ =	strace s17  }
0x93: {  	s2 =	sld [smem:$0x3FFC];
	_ =	sdelay $0x3  }
0x94: {  	_ =	strace s2  }
0x95: {  	s2 =	sld [smem:$0x3FFD];
	_ =	sdelay $0x3  }
0x96: {  	_ =	strace s2  }
0x97: {  	_ =	strace $0x8FFFFFFF  }
0x98: {  	s18 =	sld [smem:$0x3FDB];
	_ =	sdelay $0x1  }
0x99: {  	s19 =	simm.s32 $_scs_section_size  }
0x9a: {  	s4 =	simm.s32 $_size__tile_overlayer_lowered;
	s5 =	simm.s32 $_tile_overlayer_lowered  }
0x9b: {  	s22 =	simm.s32 $0x1BFF;
	s21 =	sshll.u32 s5, $0x1;
	s2 =	sadd.s32 s19, s18  }
0x9c: {  	s6 =	simm.s32 $0x0;
	s20 =	sshll.u32 s4, $0x1;
	s4 =	sadd.s32 s21, s2  }
0x9d: {  	[timem:s6], [sflag:s22] =	dma.local [hbm:s4], s20  }
0x9e: {  	_ =	swait.ge [sflag:s22], s20  }
0x9f: {  	s3 =	ssub.s32 $0x0, s20;
	[sflag:s22] =	ssyncset.done $0x0  }
0xa0: {  	[sflag:s22] =	ssyncadd.s32 s3;
	_ =	sdelay $0x1  }
0xa1: {  	s23 =	simm.s32 $0x1B8B  }
0xa2: {  	_ =	swait.ge [sflag:s23], $0x1  }
0xa3: {  	[sflag:s23] =	ssyncset.done $0x0  }
0xa4: {  	s25 =	simm.s32 $0x1B8E;
	s24 =	sld [smem:$0x3FFE];
	[sflag:s23] =	ssyncadd.s32 $0xFFFFFFFF  }
0xa5: {  	s26 =	simm.s32 $execute0_lowered;
	[smem:$0x3FD2] =	sst s25  }
0xa6: {  	s4 =	sshll.u32 s26, $0x1;
	_ =	strace $0x80000052;
	[dreg:$0x1] =	wrdreg $0xFFFFFFFF  }
0xa7: {  	s28 =	simm.s32 $_size_execute0_lowered;
	s2 =	sadd.s32 s2, s4;
	[dreg:$0x0] =	wrdreg $0x0  }
0xa8: {  	s4 =	sshll.u32 s28, $0x1;
	[dreg:$0x2] =	wrdreg s2  }
0xa9: {  	[dreg:$0x3] =	wrdreg s4  }
0xaa: {  	[dreg:$0x4] =	wrdreg $0xC0  }
0xab: {  	_ =	task [dreg:s6], $0x5FFFF  }
0xac: {  	[dreg:$0x1] =	wrdreg $0xFFFFFFFF  }
0xad: {  	[dreg:$0x0] =	wrdreg $0x60  }
0xae: {  	[dreg:$0x2] =	wrdreg s24  }
0xaf: {  	[dreg:$0x3] =	wrdreg $0x120000  }
0xb0: {  	[dreg:$0x4] =	wrdreg $0x9  }
0xb1: {  	_ =	task.clear_ibuf [dreg:s6], $0x5FFFF;
	_ =	strace $0x90000052  }
0xb2: {  	s29 =	simm.s32 $0x9;
	_ =	strace $0x80000054  }
0xb3: {  	_ =	swait.ge [sflag:s29], $0x1  }
0xb4: {  	[sflag:s29] =	ssyncadd.s32 $0xFFFFFFFF  }
0xb5: {  	_ =	strace $0x90000054  }
0xb6: {  	_ =	sfence  }
0xb7: {  	s30 =	sld [smem:$0x0];
	_ =	sdelay $0x2  }
0xb8: {  	s31 =	sshll.u32 s1, $0xD;
	s1 =	sshrl.u32 s1, $0x2  }
0xb9: {  	s3 =	sand.u32 $0x4000, s31;
	s1 =	sadd.s32 s1, s30  }
0xba: {  	s0 =	sor.u32 s3, s0;
	s1 =	sshll.u32 s1, $0x11  }
0xbb: {  	s0 =	sor.u32 s1, s0  }
0xbc: {  	s0 =	sadd.s32 $0x8F2B, s0  }
0xbd: {  	[sflag:s0] =	ssyncadd.remote.s32 $0x1  }
0xbe: {  	_ =	sfence.sel $0xFFFF  }
0xbf: {  	[dreg:$0x0] =	wrdreg $0xFFFFFFFF;
	(pc) =	sbr.abs _section_cstart, $3  }
0xc0: {  	[dreg:$0x1] =	wrdreg $0xFFFFFFFF  }
0xc1: {  	_ =	task.clear_ibuf [dreg:s6], $0x2FFFF;
	_ =	strace $0x9FFFFFFF  }
0xc2: {  	(tm) =	ssettm $0x7FFFFFFF  }
0xc3: {  	_ =	shalt  }
tec
execute0_lowered:
.L_overlay_start_1:
0x0: {  	(tag) =	ssettag $0x1  }
0x1: {  	s0 =	srdreg.scid  }
0x2: {  	s1 =	rddreg [dreg:$0x0];
	s10 =	stileid.u32  }
0x3: {  	s2 =	rddreg [dreg:$0x1];
	s3 =	simm.s32 $0x0;
	s12 =	simm.s32 $0x9  }
0x4: {  	s13 =	simm.s32 $0x5000;
	s14 =	simm.s32 $0x80;
	s15 =	simm.s32 $0xA000  }
0x5: {  	s16 =	simm.s32 $0xC000;
	s17 =	simm.s32 $0x1;
	s19 =	simm.s32 $0xE000  }
0x6: {  	s20 =	simm.s32 $0x2;
	s23 =	simm.s32 $0x10000;
	s28 =	simm.s32 $0x6  }
0x7: {  	s29 =	simm.s32 $0x7;
	s30 =	simm.s32 $0x8;
	s5 =	smul.u32 $0x5000, s10  }
0x8: {  	s31 =	simm.s32 $0x9F00;
	s0 =	sand.u32 $0x1, s0;
	s6 =	smul.u32 $0x9E00, s10  }
0x9: {  	[smem:$0x7FF] =	sst s3;
	s26 =	sshll.u32 s10, $0x6;
	s4 =	smul.u32 $0x50000, s0  }
0xa: {  	s7 =	smul.u32 $0x9E000, s0;
	_ =	strace $0x80000053;
	s0 =	ssub.s32 $0x2, s0  }
0xb: {  	s25 =	sshrl.u32 s6, $0x3;
	s9 =	sshrl.u32 s0, $0x1;
	s11 =	sadd.s32 s6, s2  }
0xc: {  	s5 =	sadd.s32 s5, s4;
	s4 =	sadd.s32 $0x32600, s1;
	s24 =	sadd.s32 s6, s7  }
0xd: {  	s7 =	sadd.s32 s25, s1;
	s0 =	ssub.s32 s0, s9;
	s6 =	sor.u32 $0x1C09, s26  }
0xe: {  	s11 =	sshrl.u32 s11, $0x3;
	s25 =	simm.s32 $0x5;
	s26 =	simm.s32 $0x4  }
0xf: {  	s5 =	sshrl.u32 s5, $0x3;
	s10 =	smax.u32 s0, $0x1;
	s0 =	simm.s32 $0x0  }
0x10: {  	s8 =	sadd.s32 s5, s1;
	s5 =	sshrl.u32 s24, $0x3;
	s24 =	simm.s32 $0x3  }
0x11: {  	s1 =	sadd.s32 s5, s1;
	s5 =	sadd.s32 $0x1EA00, s7;
	s7 =	sadd.s32 $0x59E00, s8  }
0x12: {  	s8 =	sadd.s32 $0xAA00, s8;
	s9 =	sadd.s32 $0x6DE00, s1;
	s1 =	simm.s32 $0x9F80  }
.LBB2_1:
0x13: {  	[spmem:s11], [sflag:s6] =	dma.local [hbm:s5], $0x13C0  }
0x14: {  	_ =	swait.ge [sflag:s12], $0x13C0  }
0x15: {  	[sflag:s12] =	ssyncset.done $0x0  }
0x16: {  	[sflag:s12] =	ssyncadd.s32 $0xFFFFEC40  }
0x17: {  	[tilespmem:s3], [sflag:$0x9] =	stream.linear.gather [hbm4b:s7+s3], $0x5000, $0x38;
	[tilespmem:$0x1BE40] =	vst v63  }
0x18: {  	_ =	swait.ge [sflag:s12], $0x5000  }
0x19: {  	[sflag:s12] =	ssyncset.done $0x0  }
0x1a: {  	[sflag:s12] =	ssyncadd.s32 $0xFFFFB000  }
0x1b: {  	[tilespmem:s13], [sflag:$0x9] =	stream.linear.gather [hbm4b:s8+s3], $0x5000, $0x38;
	[tilespmem:$0x1BE40] =	vst v63  }
0x1c: {  	_ =	swait.ge [sflag:s12], $0x5000  }
0x1d: {  	[sflag:s12] =	ssyncset.done $0x0  }
0x1e: {  	[sflag:s12] =	ssyncadd.s32 $0xFFFFB000  }
0x1f: {  	[bflag:$0x0] =	sbarrier.arrive $0xFFFF  }
0x20: {  	[tilespmem:s15], [sflag:$0x1] =	stream.indirect.gather [hbm4b:s4+s14], $0x40, s3, s14, $0xb8;
	[tilespmem:$0x1BE40] =	vst v63  }
0x21: {  	_ = 	snop  }
0x22: {  	[tilespmem:s16], [sflag:$0x2] =	stream.indirect.gather [hbm4b:s4+s14], $0x40, s14, s14, $0xb8;
	[tilespmem:$0x1BE40] =	vst v63  }
0x23: {  	_ =	swait.ge [sflag:s17], $0x2000  }
0x24: {  	[sflag:s17] =	ssyncset.done $0x0  }
0x25: {  	[sflag:s17] =	ssyncadd.s32 $0xFFFFE000  }
0x26: {  	[spmem:s2] =	stream.indirect.scatter.add.f32 [tilespmem:s15], [sflag:$0x5], $0x40, s13, s14, $0xb8;
	[tilespmem:$0x1BE40] =	vst v63  }
0x27: {  	s18 =	simm.s32 $0x100  }
0x28: {  	[tilespmem:s19], [sflag:$0x3] =	stream.indirect.gather [hbm4b:s4+s14], $0x40, s18, s14, $0xb8;
	[tilespmem:$0x1BE40] =	vst v63  }
0x29: {  	_ =	swait.ge [sflag:s20], $0x2000  }
0x2a: {  	[sflag:s20] =	ssyncset.done $0x0  }
0x2b: {  	s22 =	simm.s32 $0x5080;
	[sflag:s20] =	ssyncadd.s32 $0xFFFFE000  }
0x2c: {  	[spmem:s2] =	stream.indirect.scatter.add.f32 [tilespmem:s16], [sflag:$0x6], $0x40, s22, s14, $0xb8;
	[tilespmem:$0x1BE40] =	vst v63  }
0x2d: {  	s21 =	simm.s32 $0x180  }
0x2e: {  	[tilespmem:s23], [sflag:$0x4] =	stream.indirect.gather [hbm4b:s4+s14], $0x40, s21, s14, $0xb8;
	[tilespmem:$0x1BE40] =	vst v63  }
0x2f: {  	_ =	swait.ge [sflag:s24], $0x2000  }
0x30: {  	[sflag:s24] =	ssyncset.done $0x0  }
0x31: {  	s22 =	simm.s32 $0x5100;
	[sflag:s24] =	ssyncadd.s32 $0xFFFFE000  }
0x32: {  	[spmem:s2] =	stream.indirect.scatter.add.f32 [tilespmem:s19], [sflag:$0x7], $0x40, s22, s14, $0xb8;
	[tilespmem:$0x1BE40] =	vst v63  }
0x33: {  	_ =	swait.ge [sflag:s25], $0x2000  }
0x34: {  	[sflag:s25] =	ssyncset.done $0x0  }
0x35: {  	s21 =	simm.s32 $0x200;
	[sflag:s25] =	ssyncadd.s32 $0xFFFFE000  }
0x36: {  	[tilespmem:s15], [sflag:$0x1] =	stream.indirect.gather [hbm4b:s4+s14], $0x40, s21, s14, $0xb8;
	[tilespmem:$0x1BE40] =	vst v63  }
0x37: {  	_ =	swait.ge [sflag:s26], $0x2000  }
0x38: {  	[sflag:s26] =	ssyncset.done $0x0  }
0x39: {  	s22 =	simm.s32 $0x5180;
	[sflag:s26] =	ssyncadd.s32 $0xFFFFE000  }
0x3a: {  	[spmem:s2] =	stream.indirect.scatter.add.f32 [tilespmem:s23], [sflag:$0x8], $0x40, s22, s14, $0xb8;
	[tilespmem:$0x1BE40] =	vst v63  }
0x3b: {  	_ =	swait.ge [sflag:s28], $0x2000  }
0x3c: {  	[sflag:s28] =	ssyncset.done $0x0  }
0x3d: {  	s21 =	simm.s32 $0x280;
	[sflag:s28] =	ssyncadd.s32 $0xFFFFE000  }
0x3e: {  	[tilespmem:s16], [sflag:$0x2] =	stream.indirect.gather [hbm4b:s4+s14], $0x40, s21, s14, $0xb8;
	[tilespmem:$0x1BE40] =	vst v63  }
0x3f: {  	_ =	swait.ge [sflag:s17], $0x2000  }
0x40: {  	[sflag:s17] =	ssyncset.done $0x0  }
0x41: {  	s22 =	simm.s32 $0x5200;
	[sflag:s17] =	ssyncadd.s32 $0xFFFFE000  }
0x42: {  	[spmem:s2] =	stream.indirect.scatter.add.f32 [tilespmem:s15], [sflag:$0x5], $0x40, s22, s14, $0xb8;
	[tilespmem:$0x1BE40] =	vst v63  }
0x43: {  	_ =	swait.ge [sflag:s29], $0x2000  }
0x44: {  	[sflag:s29] =	ssyncset.done $0x0  }
0x45: {  	s21 =	simm.s32 $0x300;
	[sflag:s29] =	ssyncadd.s32 $0xFFFFE000  }
0x46: {  	[tilespmem:s19], [sflag:$0x3] =	stream.indirect.gather [hbm4b:s4+s14], $0x40, s21, s14, $0xb8;
	[tilespmem:$0x1BE40] =	vst v63  }
0x47: {  	_ =	swait.ge [sflag:s20], $0x2000  }
0x48: {  	[sflag:s20] =	ssyncset.done $0x0  }
0x49: {  	s22 =	simm.s32 $0x5280;
	[sflag:s20] =	ssyncadd.s32 $0xFFFFE000  }
0x4a: {  	[spmem:s2] =	stream.indirect.scatter.add.f32 [tilespmem:s16], [sflag:$0x6], $0x40, s22, s14, $0xb8;
	[tilespmem:$0x1BE40] =	vst v63  }
0x4b: {  	_ =	swait.ge [sflag:s30], $0x2000  }
0x4c: {  	[sflag:s30] =	ssyncset.done $0x0  }
0x4d: {  	s18 =	simm.s32 $0x800;
	s21 =	simm.s32 $0x380;
	[sflag:s30] =	ssyncadd.s32 $0xFFFFE000  }
.LBB2_2:
0x4e: {  	[tilespmem:s23], [sflag:$0x4] =	stream.indirect.gather [hbm4b:s4+s14], $0x40, s21, s14, $0xb8;
	[tilespmem:$0x1BE40] =	vst v63  }
0x4f: {  	s21 =	smov.u32 s18  }
0x50: {  	p0 =	sne.s32 s18, $0x13000;
	s18 =	sadd.s32 $0x800, s18;
	_ =	swait.ge [sflag:s24], $0x2000  }
0x51: {  	s21 =	sshra.s32 s21, $0x2;
	[sflag:s24] =	ssyncset.done $0x0  }
0x52: {  	s22 =	sadd.s32 $0x5100, s21;
	[sflag:s24] =	ssyncadd.s32 $0xFFFFE000  }
0x53: {  	[spmem:s2] =	stream.indirect.scatter.add.f32 [tilespmem:s19], [sflag:$0x7], $0x40, s22, s14, $0xb8;
	[tilespmem:$0x1BE40] =	vst v63  }
0x54: {  	_ =	swait.ge [sflag:s25], $0x2000  }
0x55: {  	[sflag:s25] =	ssyncset.done $0x0  }
0x56: {  	s22 =	sadd.s32 $0x200, s21;
	[sflag:s25] =	ssyncadd.s32 $0xFFFFE000  }
0x57: {  	[tilespmem:s15], [sflag:$0x1] =	stream.indirect.gather [hbm4b:s4+s14], $0x40, s22, s14, $0xb8;
	[tilespmem:$0x1BE40] =	vst v63  }
0x58: {  	_ =	swait.ge [sflag:s26], $0x2000  }
0x59: {  	[sflag:s26] =	ssyncset.done $0x0  }
0x5a: {  	s22 =	sadd.s32 $0x5180, s21;
	[sflag:s26] =	ssyncadd.s32 $0xFFFFE000  }
0x5b: {  	[spmem:s2] =	stream.indirect.scatter.add.f32 [tilespmem:s23], [sflag:$0x8], $0x40, s22, s14, $0xb8;
	[tilespmem:$0x1BE40] =	vst v63  }
0x5c: {  	_ =	swait.ge [sflag:s28], $0x2000  }
0x5d: {  	[sflag:s28] =	ssyncset.done $0x0  }
0x5e: {  	s22 =	sadd.s32 $0x280, s21;
	[sflag:s28] =	ssyncadd.s32 $0xFFFFE000  }
0x5f: {  	[tilespmem:s16], [sflag:$0x2] =	stream.indirect.gather [hbm4b:s4+s14], $0x40, s22, s14, $0xb8;
	[tilespmem:$0x1BE40] =	vst v63  }
0x60: {  	_ =	swait.ge [sflag:s17], $0x2000  }
0x61: {  	[sflag:s17] =	ssyncset.done $0x0  }
0x62: {  	s22 =	sadd.s32 $0x5200, s21;
	[sflag:s17] =	ssyncadd.s32 $0xFFFFE000  }
0x63: {  	[spmem:s2] =	stream.indirect.scatter.add.f32 [tilespmem:s15], [sflag:$0x5], $0x40, s22, s14, $0xb8;
	[tilespmem:$0x1BE40] =	vst v63  }
0x64: {  	_ =	swait.ge [sflag:s29], $0x2000  }
0x65: {  	[sflag:s29] =	ssyncset.done $0x0  }
0x66: {  	s22 =	sadd.s32 $0x300, s21;
	[sflag:s29] =	ssyncadd.s32 $0xFFFFE000  }
0x67: {  	[tilespmem:s19], [sflag:$0x3] =	stream.indirect.gather [hbm4b:s4+s14], $0x40, s22, s14, $0xb8;
	[tilespmem:$0x1BE40] =	vst v63  }
0x68: {  	_ =	swait.ge [sflag:s20], $0x2000  }
0x69: {  	[sflag:s20] =	ssyncset.done $0x0  }
.Ltmp0:
0x6a: {  	s22 =	sadd.s32 $0x5280, s21;
	[sflag:s20] =	ssyncadd.s32 $0xFFFFE000;
	(pc) =	sbr.rel @p0 .LBB2_2-.Ltmp0, $4  }
0x6b: {  	[spmem:s2] =	stream.indirect.scatter.add.f32 [tilespmem:s16], [sflag:$0x6], $0x40, s22, s14, $0xb8;
	[tilespmem:$0x1BE40] =	vst v63  }
0x6c: {  	_ =	swait.ge [sflag:s30], $0x2000  }
0x6d: {  	[sflag:s30] =	ssyncset.done $0x0  }
0x6e: {  	s21 =	sadd.s32 $0x380, s21;
	[sflag:s30] =	ssyncadd.s32 $0xFFFFE000  }
0x6f: {  	[tilespmem:s23], [sflag:$0x4] =	stream.indirect.gather [hbm4b:s4+s14], $0x40, s21, s14, $0xb8;
	[tilespmem:$0x1BE40] =	vst v63  }
0x70: {  	_ =	swait.ge [sflag:s24], $0x2000  }
0x71: {  	[sflag:s24] =	ssyncset.done $0x0  }
0x72: {  	[sflag:s24] =	ssyncadd.s32 $0xFFFFE000  }
0x73: {  	[spmem:s2] =	stream.indirect.scatter.add.f32 [tilespmem:s19], [sflag:$0x7], $0x40, s31, s14, $0xb8;
	[tilespmem:$0x1BE40] =	vst v63  }
0x74: {  	_ =	swait.ge [sflag:s25], $0x2000  }
0x75: {  	[sflag:s25] =	ssyncset.done $0x0  }
0x76: {  	[sflag:s25] =	ssyncadd.s32 $0xFFFFE000  }
0x77: {  	_ =	swait.ge [sflag:s26], $0x2000  }
0x78: {  	[sflag:s26] =	ssyncset.done $0x0  }
0x79: {  	[sflag:s26] =	ssyncadd.s32 $0xFFFFE000  }
0x7a: {  	[spmem:s2] =	stream.indirect.scatter.add.f32 [tilespmem:s23], [sflag:$0x8], $0x40, s1, s14, $0xb8;
	[tilespmem:$0x1BE40] =	vst v63  }
0x7b: {  	_ =	swait.ge [sflag:s28], $0x2000  }
0x7c: {  	[sflag:s28] =	ssyncset.done $0x0  }
0x7d: {  	[sflag:s28] =	ssyncadd.s32 $0xFFFFE000  }
0x7e: {  	_ =	swait.ge [sflag:s29], $0x2000  }
0x7f: {  	[sflag:s29] =	ssyncset.done $0x0  }
0x80: {  	[sflag:s29] =	ssyncadd.s32 $0xFFFFE000  }
0x81: {  	_ =	swait.ge [sflag:s30], $0x2000  }
0x82: {  	s0 =	sadd.s32 $0x1, s0;
	[sflag:s30] =	ssyncset.done $0x0  }
0x83: {  	p0 =	sne.s32 s0, s10;
	[sflag:s30] =	ssyncadd.s32 $0xFFFFE000  }
.Ltmp1:
0x84: {  	[bflag:$0x0] =	sbarrier.arrive $0xFFFF;
	(pc) =	sbr.rel @p0 .LBB2_1-.Ltmp1, $4  }
0x85: {  	[hbm:s9], [sflag:s6] =	dma.local [spmem:s11], $0x13C0  }
0x86: {  	_ =	swait.ge [sflag:s12], $0x13C0  }
0x87: {  	[sflag:s12] =	ssyncset.done $0x0  }
0x88: {  	[sflag:s12] =	ssyncadd.s32 $0xFFFFEC40  }
0x89: {  	_ =	sfence.sel $0x180000  }
0x8a: {  	[bflag:$0x0] =	sbarrier.arrive $0xFFFF  }
0x8b: {  	_ =	strace $0x90000053  }
0x8c: {  	s0 =	stileid.u32;
	[bflag:$0x2] =	sbarrier.arrive $0xFFFF  }
0x8d: {  	p0 =	sne.s32 s0, $0x0;
	s0 =	rddreg [dreg:$0x2]  }
0x8e: {  	s0 =	sadd.s32 @!p0 $0x100000, s0  }
0x8f: {  	[sflag:s0] =	ssyncadd.tile.s32 @!p0 $0x1;
	_ =	shalt  }
.Lfunc_end2:
_tile_overlayer_lowered:
.L_overlay_start_2:
0x90: {  	(tag) =	ssettag $0x2  }
0x91: {  	s0 =	rddreg [dreg:$0x0];
	s2 =	stileid.u32  }
0x92: {  	s1 =	rddreg [dreg:$0x1];
	p0 =	sne.s32 s2, $0x0  }
0x93: {  	s3 =	rddreg [dreg:$0x2];
	[bflag:$0x3] =	sbarrier.arrive $0xFFFF;
	s2 =	simm.s32 @!p0 $0x1C09  }
0x94: {  	[timem:s3], [sflag:s2] =	dma.local @!p0 [hbm:s0], s1  }
0x95: {  	s0 =	simm.s32 @!p0 $0x9  }
0x96: {  	_ =	swait.ge @!p0 [sflag:s0], s1  }
0x97: {  	s1 =	ssub.s32 @!p0 $0x0, s1;
	[sflag:s0] =	ssyncset.done @!p0 $0x0  }
0x98: {  	[sflag:s0] =	ssyncadd.s32 @!p0 s1  }
0x99: {  	[bflag:$0x3] =	sbarrier.arrive $0xFFFF  }
0x9a: {  	_ =	shalt  }

// kernel: kernel.38.cloned.1.call-start
scs
__scs_entry_jumppad:
0x0: {  	(pc) =	sbr.rel $0x88, $3  }
0x1: {  	(tag) =	ssettag $0x0;
	lr =	simm.s32 $0x1  }
0x2: {  	[smem:$0x3F5F] =	sst lr;
	_ =	strace $0xD0000000  }
0x3: {  	_ = 	snop  }
0x4: {  	_ = 	snop  }
0x5: {  	_ = 	snop  }
0x6: {  	_ = 	snop  }
0x7: {  	_ = 	snop  }
__scs_overlays_trampoline_lowered:
0x8: {  	[smem:$0x3F6E] =	sst s0  }
0x9: {  	[smem:$0x3F6F] =	sst s1  }
0xa: {  	[smem:$0x3F70] =	sst s2  }
0xb: {  	[smem:$0x3F71] =	sst s3  }
0xc: {  	[smem:$0x3F72] =	sst s4  }
0xd: {  	[smem:$0x3F73] =	sst s5  }
0xe: {  	[smem:$0x3F74] =	sst s6  }
0xf: {  	[smem:$0x3F75] =	sst s7  }
0x10: {  	[smem:$0x3F76] =	sst s8  }
0x11: {  	[smem:$0x3F77] =	sst s9;
	s0 =	simm.s32 @!p0 $0x0  }
0x12: {  	s1 =	sld [smem:$0x3F5D];
	s0 =	simm.s32 @p0 $0x1  }
0x13: {  	[smem:$0x3F78] =	sst s0;
	s0 =	simm.s32 @!p1 $0x0  }
0x14: {  	s2 =	sld [smem:$0x3F5C];
	s0 =	simm.s32 @p1 $0x1  }
0x15: {  	[smem:$0x3F79] =	sst s0;
	s0 =	simm.s32 @!p2 $0x0  }
0x16: {  	s3 =	sld [smem:$0x3FDB];
	s0 =	simm.s32 @p2 $0x1  }
0x17: {  	s4 =	simm.s32 $0x1BF5;
	[smem:$0x3F7B] =	sst s0  }
0x18: {  	s0 =	sld [smem:$0x3F5E];
	_ =	swait.ge [sflag:s4], $0x0  }
0x19: {  	s7 =	sld [smem:$0x3F5F]  }
0x1a: {  	s8 =	sadd.s32 $0xFFFFE003, lr  }
0x1b: {  	s9 =	sadd.s32 $0xFFFFFEF7, lr;
	s5 =	simm.s32 $0xFFFFFFFF;
	p2 =	slt.u32 s8, $0xFFFFF086  }
0x1c: {  	p1 =	slt.u32 s9, $0xF7A;
	s5 =	simm.s32 @!p2 $0x0  }
0x1d: {  	s5 =	simm.s32 @p1 $0x1;
	p0 =	seq.s32 s7, s2  }
0x1e: {  	s7 =	smul.u32 @!p0 $0xF7A, s2;
	p2 =	seq.s32 @!p0 s5, $0x0  }
0x1f: {  	s9 =	smul.u32 $0xF7A, s1;
	s8 =	simm.s32 @!p0 $0x1BF5;
	p2 =	por !p2, p0  }
0x20: {  	[sflag:s8] =	ssyncset.s32 @!p0 $0xFFFFF086;
	s6 =	sadd.s32 @!p0 s3, s7;
	s7 =	simm.s32 @!p0 $0x108  }
0x21: {  	s3 =	sadd.s32 s3, s9;
	s6 =	sadd.s32 @!p0 $0x88, s6;
	s7 =	simm.s32 @p2 $0x1082  }
0x22: {  	[simem:s7], [sflag:s8] =	dma.local @!p0 [hbm:s6], $0xF7A  }
0x23: {  	s9 =	sor.u32 $0xD0000000, s2;
	s6 =	simm.s32 $0x108;
	_ =	swait.ge @!p0 [sflag:s8], $0x0  }
0x24: {  	s3 =	sadd.s32 $0x88, s3;
	s6 =	simm.s32 @!p1 $0x1082;
	[sflag:s4] =	ssyncset.s32 $0xFFFFF086  }
0x25: {  	[simem:s6], [sflag:s4] =	dma.local [hbm:s3], $0xF7A  }
0x26: {  	[smem:$0x3F5F] =	sst s1;
	(tag) =	ssettag s2;
	_ =	strace s9  }
0x27: {  	s1 =	sld [smem:$0x3F6F]  }
0x28: {  	s2 =	sld [smem:$0x3F70]  }
0x29: {  	s4 =	sld [smem:$0x3F72]  }
0x2a: {  	p0 =	seq.s32 s5, $0x0;
	s5 =	sld [smem:$0x3F73]  }
0x2b: {  	s6 =	sld [smem:$0x3F74]  }
0x2c: {  	s7 =	sld [smem:$0x3F75]  }
0x2d: {  	s3 =	simm.s32 $0x108;
	s8 =	sld [smem:$0x3F76]  }
0x2e: {  	s3 =	simm.s32 @!p0 $0x1082;
	s9 =	sld [smem:$0x3F77]  }
0x2f: {  	lr =	sadd.s32 s0, s3;
	s0 =	sld [smem:$0x3F6E]  }
0x30: {  	s3 =	sld [smem:$0x3F71]  }
0x31: {  	[smem:$0x3F7A] =	sst s10  }
0x32: {  	s10 =	sld [smem:$0x3F78];
	_ =	sdelay $0x3  }
0x33: {  	p0 =	seq.s32 s10, $0x1;
	s10 =	sld [smem:$0x3F7A];
	_ =	sdelay $0x3  }
0x34: {  	[smem:$0x3F7A] =	sst s10  }
0x35: {  	s10 =	sld [smem:$0x3F79];
	_ =	sdelay $0x3  }
0x36: {  	p1 =	seq.s32 s10, $0x1;
	s10 =	sld [smem:$0x3F7A];
	_ =	sdelay $0x3  }
0x37: {  	[smem:$0x3F7A] =	sst s10  }
0x38: {  	s10 =	sld [smem:$0x3F7B]  }
0x39: {  	_ = 	snop;
	(pc) =	sbr.ind lr, $3  }
0x3a: {  	_ = 	snop  }
0x3b: {  	_ = 	snop  }
0x3c: {  	p2 =	seq.s32 s10, $0x1;
	s10 =	sld [smem:$0x3F7A]  }
0x3d: {  	_ =	shalt  }
0x3e: {  	_ =	shalt  }
0x3f: {  	_ =	shalt  }
0x40: {  	_ =	shalt  }
0x41: {  	_ =	shalt  }
0x42: {  	_ =	shalt  }
0x43: {  	_ =	shalt  }
0x44: {  	_ =	shalt  }
0x45: {  	_ =	shalt  }
0x46: {  	_ =	shalt  }
0x47: {  	_ =	shalt  }
0x48: {  	_ =	shalt  }
0x49: {  	_ =	shalt  }
0x4a: {  	_ =	shalt  }
0x4b: {  	_ =	shalt  }
0x4c: {  	_ =	shalt  }
0x4d: {  	_ =	shalt  }
0x4e: {  	_ =	shalt  }
0x4f: {  	_ =	shalt  }
0x50: {  	_ =	shalt  }
0x51: {  	_ =	shalt  }
0x52: {  	_ =	shalt  }
0x53: {  	_ =	shalt  }
0x54: {  	_ =	shalt  }
0x55: {  	_ =	shalt  }
0x56: {  	_ =	shalt  }
0x57: {  	_ =	shalt  }
0x58: {  	_ =	shalt  }
0x59: {  	_ =	shalt  }
0x5a: {  	_ =	shalt  }
0x5b: {  	_ =	shalt  }
0x5c: {  	_ =	shalt  }
0x5d: {  	_ =	shalt  }
0x5e: {  	_ =	shalt  }
0x5f: {  	_ =	shalt  }
0x60: {  	_ =	shalt  }
0x61: {  	_ =	shalt  }
0x62: {  	_ =	shalt  }
0x63: {  	_ =	shalt  }
0x64: {  	_ =	shalt  }
0x65: {  	_ =	shalt  }
0x66: {  	_ =	shalt  }
0x67: {  	_ =	shalt  }
0x68: {  	_ =	shalt  }
0x69: {  	_ =	shalt  }
0x6a: {  	_ =	shalt  }
0x6b: {  	_ =	shalt  }
0x6c: {  	_ =	shalt  }
0x6d: {  	_ =	shalt  }
0x6e: {  	_ =	shalt  }
0x6f: {  	_ =	shalt  }
0x70: {  	_ =	shalt  }
0x71: {  	_ =	shalt  }
0x72: {  	_ =	shalt  }
0x73: {  	_ =	shalt  }
0x74: {  	_ =	shalt  }
0x75: {  	_ =	shalt  }
0x76: {  	_ =	shalt  }
0x77: {  	_ =	shalt  }
0x78: {  	_ =	shalt  }
0x79: {  	_ =	shalt  }
0x7a: {  	_ =	shalt  }
0x7b: {  	_ =	shalt  }
0x7c: {  	_ =	shalt  }
0x7d: {  	_ =	shalt  }
0x7e: {  	_ =	shalt  }
0x7f: {  	_ =	shalt  }
0x80: {  	_ =	shalt  }
0x81: {  	_ =	shalt  }
0x82: {  	_ =	shalt  }
0x83: {  	_ =	shalt  }
0x84: {  	_ =	shalt  }
0x85: {  	_ =	shalt  }
0x86: {  	_ =	shalt  }
0x87: {  	_ =	shalt  }
.Lfunc_end0:
.L_simem_size_0:
called_computation.5_lowered:
.L_overlay_start_0:
0x88: {  	s2 =	sld [smem:$0x3FD9]  }
0x89: {  	s3 =	sld [smem:$0x3FFE];
	_ =	sdelay $0x1  }
0x8a: {  	s1 =	srdreg.scid  }
0x8b: {  	s0 =	sand.u32 $0x1, s1  }
0x8c: {  	s16 =	sshll.u32 s0, $0xA;
	s2 =	sadd.s32 s3, s2  }
0x8d: {  	s2 =	sadd.s32 s2, s16  }
0x8e: {  	[smem:$0x3F86] =	sst s2  }
0x8f: {  	_ = 	snop  }
0x90: {  	(tm) =	ssettm $0x1  }
0x91: {  	s17 =	sld [smem:$0x3FFB];
	_ =	sdelay $0x3  }
0x92: {  	_ =	strace s17  }
0x93: {  	s2 =	sld [smem:$0x3FFC];
	_ =	sdelay $0x3  }
0x94: {  	_ =	strace s2  }
0x95: {  	s2 =	sld [smem:$0x3FFD];
	_ =	sdelay $0x3  }
0x96: {  	_ =	strace s2  }
0x97: {  	_ =	strace $0x8FFFFFFF  }
0x98: {  	s18 =	sld [smem:$0x3FDB];
	_ =	sdelay $0x1  }
0x99: {  	s19 =	simm.s32 $_scs_section_size  }
0x9a: {  	s4 =	simm.s32 $_size__tile_overlayer_lowered;
	s5 =	simm.s32 $_tile_overlayer_lowered  }
0x9b: {  	s22 =	simm.s32 $0x1BFF;
	s21 =	sshll.u32 s5, $0x1;
	s2 =	sadd.s32 s19, s18  }
0x9c: {  	s6 =	simm.s32 $0x0;
	s20 =	sshll.u32 s4, $0x1;
	s4 =	sadd.s32 s21, s2  }
0x9d: {  	[timem:s6], [sflag:s22] =	dma.local [hbm:s4], s20  }
0x9e: {  	_ =	swait.ge [sflag:s22], s20  }
0x9f: {  	s3 =	ssub.s32 $0x0, s20;
	[sflag:s22] =	ssyncset.done $0x0  }
0xa0: {  	[sflag:s22] =	ssyncadd.s32 s3;
	_ =	sdelay $0x1  }
0xa1: {  	s23 =	simm.s32 $0x1B8B  }
0xa2: {  	_ =	swait.ge [sflag:s23], $0x1  }
0xa3: {  	[sflag:s23] =	ssyncset.done $0x0  }
0xa4: {  	s25 =	simm.s32 $0x1B8E;
	s24 =	sld [smem:$0x3FFE];
	[sflag:s23] =	ssyncadd.s32 $0xFFFFFFFF  }
0xa5: {  	s26 =	simm.s32 $execute0_lowered;
	[smem:$0x3FD2] =	sst s25  }
0xa6: {  	s4 =	sshll.u32 s26, $0x1;
	_ =	strace $0x80000055;
	[dreg:$0x1] =	wrdreg $0xFFFFFFFF  }
0xa7: {  	s28 =	simm.s32 $_size_execute0_lowered;
	s2 =	sadd.s32 s2, s4;
	[dreg:$0x0] =	wrdreg $0x0  }
0xa8: {  	s4 =	sshll.u32 s28, $0x1;
	[dreg:$0x2] =	wrdreg s2  }
0xa9: {  	[dreg:$0x3] =	wrdreg s4  }
0xaa: {  	[dreg:$0x4] =	wrdreg $0xC0  }
0xab: {  	_ =	task [dreg:s6], $0x5FFFF  }
0xac: {  	[dreg:$0x1] =	wrdreg $0xFFFFFFFF  }
0xad: {  	[dreg:$0x0] =	wrdreg $0x60  }
0xae: {  	[dreg:$0x2] =	wrdreg s24  }
0xaf: {  	[dreg:$0x3] =	wrdreg $0x120000  }
0xb0: {  	[dreg:$0x4] =	wrdreg $0x9  }
0xb1: {  	_ =	task.clear_ibuf [dreg:s6], $0x5FFFF;
	_ =	strace $0x90000055  }
0xb2: {  	s29 =	simm.s32 $0x9;
	_ =	strace $0x80000057  }
0xb3: {  	_ =	swait.ge [sflag:s29], $0x1  }
0xb4: {  	[sflag:s29] =	ssyncadd.s32 $0xFFFFFFFF  }
0xb5: {  	_ =	strace $0x90000057  }
0xb6: {  	_ =	sfence  }
0xb7: {  	s30 =	sld [smem:$0x0];
	_ =	sdelay $0x2  }
0xb8: {  	s31 =	sshll.u32 s1, $0xD;
	s1 =	sshrl.u32 s1, $0x2  }
0xb9: {  	s3 =	sand.u32 $0x4000, s31;
	s1 =	sadd.s32 s1, s30  }
0xba: {  	s0 =	sor.u32 s3, s0;
	s1 =	sshll.u32 s1, $0x11  }
0xbb: {  	s0 =	sor.u32 s1, s0  }
0xbc: {  	s0 =	sadd.s32 $0x8F2B, s0  }
0xbd: {  	[sflag:s0] =	ssyncadd.remote.s32 $0x1  }
0xbe: {  	_ =	sfence.sel $0xFFFF  }
0xbf: {  	[dreg:$0x0] =	wrdreg $0xFFFFFFFF;
	(pc) =	sbr.abs _section_cstart, $3  }
0xc0: {  	[dreg:$0x1] =	wrdreg $0xFFFFFFFF  }
0xc1: {  	_ =	task.clear_ibuf [dreg:s6], $0x2FFFF;
	_ =	strace $0x9FFFFFFF  }
0xc2: {  	(tm) =	ssettm $0x7FFFFFFF  }
0xc3: {  	_ =	shalt  }
tec
execute0_lowered:
.L_overlay_start_1:
0x0: {  	(tag) =	ssettag $0x1  }
0x1: {  	s0 =	srdreg.scid  }
0x2: {  	s1 =	rddreg [dreg:$0x0];
	s10 =	stileid.u32  }
0x3: {  	s2 =	rddreg [dreg:$0x1];
	s3 =	simm.s32 $0x0;
	s12 =	simm.s32 $0x9  }
0x4: {  	s13 =	simm.s32 $0x5000;
	s14 =	simm.s32 $0x80;
	s15 =	simm.s32 $0xA000  }
0x5: {  	s16 =	simm.s32 $0xC000;
	s17 =	simm.s32 $0x1;
	s19 =	simm.s32 $0xE000  }
0x6: {  	s20 =	simm.s32 $0x2;
	s23 =	simm.s32 $0x10000;
	s28 =	simm.s32 $0x6  }
0x7: {  	s29 =	simm.s32 $0x7;
	s30 =	simm.s32 $0x8;
	s5 =	smul.u32 $0x5000, s10  }
0x8: {  	s31 =	simm.s32 $0x9F00;
	s0 =	sand.u32 $0x1, s0;
	s6 =	smul.u32 $0x9E00, s10  }
0x9: {  	[smem:$0x7FF] =	sst s3;
	s26 =	sshll.u32 s10, $0x6;
	s4 =	smul.u32 $0x50000, s0  }
0xa: {  	s7 =	smul.u32 $0x9E000, s0;
	_ =	strace $0x80000056;
	s0 =	ssub.s32 $0x2, s0  }
0xb: {  	s25 =	sshrl.u32 s6, $0x3;
	s9 =	sshrl.u32 s0, $0x1;
	s11 =	sadd.s32 s6, s2  }
0xc: {  	s5 =	sadd.s32 s5, s4;
	s4 =	sadd.s32 $0x32600, s1;
	s24 =	sadd.s32 s6, s7  }
0xd: {  	s7 =	sadd.s32 s25, s1;
	s0 =	ssub.s32 s0, s9;
	s6 =	sor.u32 $0x1C09, s26  }
0xe: {  	s11 =	sshrl.u32 s11, $0x3;
	s25 =	simm.s32 $0x5;
	s26 =	simm.s32 $0x4  }
0xf: {  	s5 =	sshrl.u32 s5, $0x3;
	s10 =	smax.u32 s0, $0x1;
	s0 =	simm.s32 $0x0  }
0x10: {  	s8 =	sadd.s32 s5, s1;
	s5 =	sshrl.u32 s24, $0x3;
	s24 =	simm.s32 $0x3  }
0x11: {  	s1 =	sadd.s32 s5, s1;
	s5 =	sadd.s32 $0x1EA00, s7;
	s7 =	sadd.s32 $0x59E00, s8  }
0x12: {  	s8 =	sadd.s32 $0xAA00, s8;
	s9 =	sadd.s32 $0x6DE00, s1;
	s1 =	simm.s32 $0x9F80  }
.LBB2_1:
0x13: {  	[spmem:s11], [sflag:s6] =	dma.local [hbm:s5], $0x13C0  }
0x14: {  	_ =	swait.ge [sflag:s12], $0x13C0  }
0x15: {  	[sflag:s12] =	ssyncset.done $0x0  }
0x16: {  	[sflag:s12] =	ssyncadd.s32 $0xFFFFEC40  }
0x17: {  	[tilespmem:s3], [sflag:$0x9] =	stream.linear.gather [hbm4b:s7+s3], $0x5000, $0x38;
	[tilespmem:$0x1BE40] =	vst v63  }
0x18: {  	_ =	swait.ge [sflag:s12], $0x5000  }
0x19: {  	[sflag:s12] =	ssyncset.done $0x0  }
0x1a: {  	[sflag:s12] =	ssyncadd.s32 $0xFFFFB000  }
0x1b: {  	[tilespmem:s13], [sflag:$0x9] =	stream.linear.gather [hbm4b:s8+s3], $0x5000, $0x38;
	[tilespmem:$0x1BE40] =	vst v63  }
0x1c: {  	_ =	swait.ge [sflag:s12], $0x5000  }
0x1d: {  	[sflag:s12] =	ssyncset.done $0x0  }
0x1e: {  	[sflag:s12] =	ssyncadd.s32 $0xFFFFB000  }
0x1f: {  	[bflag:$0x0] =	sbarrier.arrive $0xFFFF  }
0x20: {  	[tilespmem:s15], [sflag:$0x1] =	stream.indirect.gather [hbm4b:s4+s14], $0x40, s3, s14, $0xb8;
	[tilespmem:$0x1BE40] =	vst v63  }
0x21: {  	_ = 	snop  }
0x22: {  	[tilespmem:s16], [sflag:$0x2] =	stream.indirect.gather [hbm4b:s4+s14], $0x40, s14, s14, $0xb8;
	[tilespmem:$0x1BE40] =	vst v63  }
0x23: {  	_ =	swait.ge [sflag:s17], $0x2000  }
0x24: {  	[sflag:s17] =	ssyncset.done $0x0  }
0x25: {  	[sflag:s17] =	ssyncadd.s32 $0xFFFFE000  }
0x26: {  	[spmem:s2] =	stream.indirect.scatter.add.f32 [tilespmem:s15], [sflag:$0x5], $0x40, s13, s14, $0xb8;
	[tilespmem:$0x1BE40] =	vst v63  }
0x27: {  	s18 =	simm.s32 $0x100  }
0x28: {  	[tilespmem:s19], [sflag:$0x3] =	stream.indirect.gather [hbm4b:s4+s14], $0x40, s18, s14, $0xb8;
	[tilespmem:$0x1BE40] =	vst v63  }
0x29: {  	_ =	swait.ge [sflag:s20], $0x2000  }
0x2a: {  	[sflag:s20] =	ssyncset.done $0x0  }
0x2b: {  	s22 =	simm.s32 $0x5080;
	[sflag:s20] =	ssyncadd.s32 $0xFFFFE000  }
0x2c: {  	[spmem:s2] =	stream.indirect.scatter.add.f32 [tilespmem:s16], [sflag:$0x6], $0x40, s22, s14, $0xb8;
	[tilespmem:$0x1BE40] =	vst v63  }
0x2d: {  	s21 =	simm.s32 $0x180  }
0x2e: {  	[tilespmem:s23], [sflag:$0x4] =	stream.indirect.gather [hbm4b:s4+s14], $0x40, s21, s14, $0xb8;
	[tilespmem:$0x1BE40] =	vst v63  }
0x2f: {  	_ =	swait.ge [sflag:s24], $0x2000  }
0x30: {  	[sflag:s24] =	ssyncset.done $0x0  }
0x31: {  	s22 =	simm.s32 $0x5100;
	[sflag:s24] =	ssyncadd.s32 $0xFFFFE000  }
0x32: {  	[spmem:s2] =	stream.indirect.scatter.add.f32 [tilespmem:s19], [sflag:$0x7], $0x40, s22, s14, $0xb8;
	[tilespmem:$0x1BE40] =	vst v63  }
0x33: {  	_ =	swait.ge [sflag:s25], $0x2000  }
0x34: {  	[sflag:s25] =	ssyncset.done $0x0  }
0x35: {  	s21 =	simm.s32 $0x200;
	[sflag:s25] =	ssyncadd.s32 $0xFFFFE000  }
0x36: {  	[tilespmem:s15], [sflag:$0x1] =	stream.indirect.gather [hbm4b:s4+s14], $0x40, s21, s14, $0xb8;
	[tilespmem:$0x1BE40] =	vst v63  }
0x37: {  	_ =	swait.ge [sflag:s26], $0x2000  }
0x38: {  	[sflag:s26] =	ssyncset.done $0x0  }
0x39: {  	s22 =	simm.s32 $0x5180;
	[sflag:s26] =	ssyncadd.s32 $0xFFFFE000  }
0x3a: {  	[spmem:s2] =	stream.indirect.scatter.add.f32 [tilespmem:s23], [sflag:$0x8], $0x40, s22, s14, $0xb8;
	[tilespmem:$0x1BE40] =	vst v63  }
0x3b: {  	_ =	swait.ge [sflag:s28], $0x2000  }
0x3c: {  	[sflag:s28] =	ssyncset.done $0x0  }
0x3d: {  	s21 =	simm.s32 $0x280;
	[sflag:s28] =	ssyncadd.s32 $0xFFFFE000  }
0x3e: {  	[tilespmem:s16], [sflag:$0x2] =	stream.indirect.gather [hbm4b:s4+s14], $0x40, s21, s14, $0xb8;
	[tilespmem:$0x1BE40] =	vst v63  }
0x3f: {  	_ =	swait.ge [sflag:s17], $0x2000  }
0x40: {  	[sflag:s17] =	ssyncset.done $0x0  }
0x41: {  	s22 =	simm.s32 $0x5200;
	[sflag:s17] =	ssyncadd.s32 $0xFFFFE000  }
0x42: {  	[spmem:s2] =	stream.indirect.scatter.add.f32 [tilespmem:s15], [sflag:$0x5], $0x40, s22, s14, $0xb8;
	[tilespmem:$0x1BE40] =	vst v63  }
0x43: {  	_ =	swait.ge [sflag:s29], $0x2000  }
0x44: {  	[sflag:s29] =	ssyncset.done $0x0  }
0x45: {  	s21 =	simm.s32 $0x300;
	[sflag:s29] =	ssyncadd.s32 $0xFFFFE000  }
0x46: {  	[tilespmem:s19], [sflag:$0x3] =	stream.indirect.gather [hbm4b:s4+s14], $0x40, s21, s14, $0xb8;
	[tilespmem:$0x1BE40] =	vst v63  }
0x47: {  	_ =	swait.ge [sflag:s20], $0x2000  }
0x48: {  	[sflag:s20] =	ssyncset.done $0x0  }
0x49: {  	s22 =	simm.s32 $0x5280;
	[sflag:s20] =	ssyncadd.s32 $0xFFFFE000  }
0x4a: {  	[spmem:s2] =	stream.indirect.scatter.add.f32 [tilespmem:s16], [sflag:$0x6], $0x40, s22, s14, $0xb8;
	[tilespmem:$0x1BE40] =	vst v63  }
0x4b: {  	_ =	swait.ge [sflag:s30], $0x2000  }
0x4c: {  	[sflag:s30] =	ssyncset.done $0x0  }
0x4d: {  	s18 =	simm.s32 $0x800;
	s21 =	simm.s32 $0x380;
	[sflag:s30] =	ssyncadd.s32 $0xFFFFE000  }
.LBB2_2:
0x4e: {  	[tilespmem:s23], [sflag:$0x4] =	stream.indirect.gather [hbm4b:s4+s14], $0x40, s21, s14, $0xb8;
	[tilespmem:$0x1BE40] =	vst v63  }
0x4f: {  	s21 =	smov.u32 s18  }
0x50: {  	p0 =	sne.s32 s18, $0x13000;
	s18 =	sadd.s32 $0x800, s18;
	_ =	swait.ge [sflag:s24], $0x2000  }
0x51: {  	s21 =	sshra.s32 s21, $0x2;
	[sflag:s24] =	ssyncset.done $0x0  }
0x52: {  	s22 =	sadd.s32 $0x5100, s21;
	[sflag:s24] =	ssyncadd.s32 $0xFFFFE000  }
0x53: {  	[spmem:s2] =	stream.indirect.scatter.add.f32 [tilespmem:s19], [sflag:$0x7], $0x40, s22, s14, $0xb8;
	[tilespmem:$0x1BE40] =	vst v63  }
0x54: {  	_ =	swait.ge [sflag:s25], $0x2000  }
0x55: {  	[sflag:s25] =	ssyncset.done $0x0  }
0x56: {  	s22 =	sadd.s32 $0x200, s21;
	[sflag:s25] =	ssyncadd.s32 $0xFFFFE000  }
0x57: {  	[tilespmem:s15], [sflag:$0x1] =	stream.indirect.gather [hbm4b:s4+s14], $0x40, s22, s14, $0xb8;
	[tilespmem:$0x1BE40] =	vst v63  }
0x58: {  	_ =	swait.ge [sflag:s26], $0x2000  }
0x59: {  	[sflag:s26] =	ssyncset.done $0x0  }
0x5a: {  	s22 =	sadd.s32 $0x5180, s21;
	[sflag:s26] =	ssyncadd.s32 $0xFFFFE000  }
0x5b: {  	[spmem:s2] =	stream.indirect.scatter.add.f32 [tilespmem:s23], [sflag:$0x8], $0x40, s22, s14, $0xb8;
	[tilespmem:$0x1BE40] =	vst v63  }
0x5c: {  	_ =	swait.ge [sflag:s28], $0x2000  }
0x5d: {  	[sflag:s28] =	ssyncset.done $0x0  }
0x5e: {  	s22 =	sadd.s32 $0x280, s21;
	[sflag:s28] =	ssyncadd.s32 $0xFFFFE000  }
0x5f: {  	[tilespmem:s16], [sflag:$0x2] =	stream.indirect.gather [hbm4b:s4+s14], $0x40, s22, s14, $0xb8;
	[tilespmem:$0x1BE40] =	vst v63  }
0x60: {  	_ =	swait.ge [sflag:s17], $0x2000  }
0x61: {  	[sflag:s17] =	ssyncset.done $0x0  }
0x62: {  	s22 =	sadd.s32 $0x5200, s21;
	[sflag:s17] =	ssyncadd.s32 $0xFFFFE000  }
0x63: {  	[spmem:s2] =	stream.indirect.scatter.add.f32 [tilespmem:s15], [sflag:$0x5], $0x40, s22, s14, $0xb8;
	[tilespmem:$0x1BE40] =	vst v63  }
0x64: {  	_ =	swait.ge [sflag:s29], $0x2000  }
0x65: {  	[sflag:s29] =	ssyncset.done $0x0  }
0x66: {  	s22 =	sadd.s32 $0x300, s21;
	[sflag:s29] =	ssyncadd.s32 $0xFFFFE000  }
0x67: {  	[tilespmem:s19], [sflag:$0x3] =	stream.indirect.gather [hbm4b:s4+s14], $0x40, s22, s14, $0xb8;
	[tilespmem:$0x1BE40] =	vst v63  }
0x68: {  	_ =	swait.ge [sflag:s20], $0x2000  }
0x69: {  	[sflag:s20] =	ssyncset.done $0x0  }
.Ltmp0:
0x6a: {  	s22 =	sadd.s32 $0x5280, s21;
	[sflag:s20] =	ssyncadd.s32 $0xFFFFE000;
	(pc) =	sbr.rel @p0 .LBB2_2-.Ltmp0, $4  }
0x6b: {  	[spmem:s2] =	stream.indirect.scatter.add.f32 [tilespmem:s16], [sflag:$0x6], $0x40, s22, s14, $0xb8;
	[tilespmem:$0x1BE40] =	vst v63  }
0x6c: {  	_ =	swait.ge [sflag:s30], $0x2000  }
0x6d: {  	[sflag:s30] =	ssyncset.done $0x0  }
0x6e: {  	s21 =	sadd.s32 $0x380, s21;
	[sflag:s30] =	ssyncadd.s32 $0xFFFFE000  }
0x6f: {  	[tilespmem:s23], [sflag:$0x4] =	stream.indirect.gather [hbm4b:s4+s14], $0x40, s21, s14, $0xb8;
	[tilespmem:$0x1BE40] =	vst v63  }
0x70: {  	_ =	swait.ge [sflag:s24], $0x2000  }
0x71: {  	[sflag:s24] =	ssyncset.done $0x0  }
0x72: {  	[sflag:s24] =	ssyncadd.s32 $0xFFFFE000  }
0x73: {  	[spmem:s2] =	stream.indirect.scatter.add.f32 [tilespmem:s19], [sflag:$0x7], $0x40, s31, s14, $0xb8;
	[tilespmem:$0x1BE40] =	vst v63  }
0x74: {  	_ =	swait.ge [sflag:s25], $0x2000  }
0x75: {  	[sflag:s25] =	ssyncset.done $0x0  }
0x76: {  	[sflag:s25] =	ssyncadd.s32 $0xFFFFE000  }
0x77: {  	_ =	swait.ge [sflag:s26], $0x2000  }
0x78: {  	[sflag:s26] =	ssyncset.done $0x0  }
0x79: {  	[sflag:s26] =	ssyncadd.s32 $0xFFFFE000  }
0x7a: {  	[spmem:s2] =	stream.indirect.scatter.add.f32 [tilespmem:s23], [sflag:$0x8], $0x40, s1, s14, $0xb8;
	[tilespmem:$0x1BE40] =	vst v63  }
0x7b: {  	_ =	swait.ge [sflag:s28], $0x2000  }
0x7c: {  	[sflag:s28] =	ssyncset.done $0x0  }
0x7d: {  	[sflag:s28] =	ssyncadd.s32 $0xFFFFE000  }
0x7e: {  	_ =	swait.ge [sflag:s29], $0x2000  }
0x7f: {  	[sflag:s29] =	ssyncset.done $0x0  }
0x80: {  	[sflag:s29] =	ssyncadd.s32 $0xFFFFE000  }
0x81: {  	_ =	swait.ge [sflag:s30], $0x2000  }
0x82: {  	s0 =	sadd.s32 $0x1, s0;
	[sflag:s30] =	ssyncset.done $0x0  }
0x83: {  	p0 =	sne.s32 s0, s10;
	[sflag:s30] =	ssyncadd.s32 $0xFFFFE000  }
.Ltmp1:
0x84: {  	[bflag:$0x0] =	sbarrier.arrive $0xFFFF;
	(pc) =	sbr.rel @p0 .LBB2_1-.Ltmp1, $4  }
0x85: {  	[hbm:s9], [sflag:s6] =	dma.local [spmem:s11], $0x13C0  }
0x86: {  	_ =	swait.ge [sflag:s12], $0x13C0  }
0x87: {  	[sflag:s12] =	ssyncset.done $0x0  }
0x88: {  	[sflag:s12] =	ssyncadd.s32 $0xFFFFEC40  }
0x89: {  	_ =	sfence.sel $0x180000  }
0x8a: {  	[bflag:$0x0] =	sbarrier.arrive $0xFFFF  }
0x8b: {  	_ =	strace $0x90000056  }
0x8c: {  	s0 =	stileid.u32;
	[bflag:$0x2] =	sbarrier.arrive $0xFFFF  }
0x8d: {  	p0 =	sne.s32 s0, $0x0;
	s0 =	rddreg [dreg:$0x2]  }
0x8e: {  	s0 =	sadd.s32 @!p0 $0x100000, s0  }
0x8f: {  	[sflag:s0] =	ssyncadd.tile.s32 @!p0 $0x1;
	_ =	shalt  }
.Lfunc_end2:
_tile_overlayer_lowered:
.L_overlay_start_2:
0x90: {  	(tag) =	ssettag $0x2  }
0x91: {  	s0 =	rddreg [dreg:$0x0];
	s2 =	stileid.u32  }
0x92: {  	s1 =	rddreg [dreg:$0x1];
	p0 =	sne.s32 s2, $0x0  }
0x93: {  	s3 =	rddreg [dreg:$0x2];
	[bflag:$0x3] =	sbarrier.arrive $0xFFFF;
	s2 =	simm.s32 @!p0 $0x1C09  }
0x94: {  	[timem:s3], [sflag:s2] =	dma.local @!p0 [hbm:s0], s1  }
0x95: {  	s0 =	simm.s32 @!p0 $0x9  }
0x96: {  	_ =	swait.ge @!p0 [sflag:s0], s1  }
0x97: {  	s1 =	ssub.s32 @!p0 $0x0, s1;
	[sflag:s0] =	ssyncset.done @!p0 $0x0  }
0x98: {  	[sflag:s0] =	ssyncadd.s32 @!p0 s1  }
0x99: {  	[bflag:$0x3] =	sbarrier.arrive $0xFFFF  }
0x9a: {  	_ =	shalt  }

// kernel: kernel.41.cloned.1.call-start
scs
__scs_entry_jumppad:
0x0: {  	(pc) =	sbr.rel $0x88, $3  }
0x1: {  	(tag) =	ssettag $0x0;
	lr =	simm.s32 $0x1  }
0x2: {  	[smem:$0x3F5F] =	sst lr;
	_ =	strace $0xD0000000  }
0x3: {  	_ = 	snop  }
0x4: {  	_ = 	snop  }
0x5: {  	_ = 	snop  }
0x6: {  	_ = 	snop  }
0x7: {  	_ = 	snop  }
__scs_overlays_trampoline_lowered:
0x8: {  	[smem:$0x3F6E] =	sst s0  }
0x9: {  	[smem:$0x3F6F] =	sst s1  }
0xa: {  	[smem:$0x3F70] =	sst s2  }
0xb: {  	[smem:$0x3F71] =	sst s3  }
0xc: {  	[smem:$0x3F72] =	sst s4  }
0xd: {  	[smem:$0x3F73] =	sst s5  }
0xe: {  	[smem:$0x3F74] =	sst s6  }
0xf: {  	[smem:$0x3F75] =	sst s7  }
0x10: {  	[smem:$0x3F76] =	sst s8  }
0x11: {  	[smem:$0x3F77] =	sst s9;
	s0 =	simm.s32 @!p0 $0x0  }
0x12: {  	s1 =	sld [smem:$0x3F5D];
	s0 =	simm.s32 @p0 $0x1  }
0x13: {  	[smem:$0x3F78] =	sst s0;
	s0 =	simm.s32 @!p1 $0x0  }
0x14: {  	s2 =	sld [smem:$0x3F5C];
	s0 =	simm.s32 @p1 $0x1  }
0x15: {  	[smem:$0x3F79] =	sst s0;
	s0 =	simm.s32 @!p2 $0x0  }
0x16: {  	s3 =	sld [smem:$0x3FDB];
	s0 =	simm.s32 @p2 $0x1  }
0x17: {  	s4 =	simm.s32 $0x1BF5;
	[smem:$0x3F7B] =	sst s0  }
0x18: {  	s0 =	sld [smem:$0x3F5E];
	_ =	swait.ge [sflag:s4], $0x0  }
0x19: {  	s7 =	sld [smem:$0x3F5F]  }
0x1a: {  	s8 =	sadd.s32 $0xFFFFE003, lr  }
0x1b: {  	s9 =	sadd.s32 $0xFFFFFEF7, lr;
	s5 =	simm.s32 $0xFFFFFFFF;
	p2 =	slt.u32 s8, $0xFFFFF086  }
0x1c: {  	p1 =	slt.u32 s9, $0xF7A;
	s5 =	simm.s32 @!p2 $0x0  }
0x1d: {  	s5 =	simm.s32 @p1 $0x1;
	p0 =	seq.s32 s7, s2  }
0x1e: {  	s7 =	smul.u32 @!p0 $0xF7A, s2;
	p2 =	seq.s32 @!p0 s5, $0x0  }
0x1f: {  	s9 =	smul.u32 $0xF7A, s1;
	s8 =	simm.s32 @!p0 $0x1BF5;
	p2 =	por !p2, p0  }
0x20: {  	[sflag:s8] =	ssyncset.s32 @!p0 $0xFFFFF086;
	s6 =	sadd.s32 @!p0 s3, s7;
	s7 =	simm.s32 @!p0 $0x108  }
0x21: {  	s3 =	sadd.s32 s3, s9;
	s6 =	sadd.s32 @!p0 $0x88, s6;
	s7 =	simm.s32 @p2 $0x1082  }
0x22: {  	[simem:s7], [sflag:s8] =	dma.local @!p0 [hbm:s6], $0xF7A  }
0x23: {  	s9 =	sor.u32 $0xD0000000, s2;
	s6 =	simm.s32 $0x108;
	_ =	swait.ge @!p0 [sflag:s8], $0x0  }
0x24: {  	s3 =	sadd.s32 $0x88, s3;
	s6 =	simm.s32 @!p1 $0x1082;
	[sflag:s4] =	ssyncset.s32 $0xFFFFF086  }
0x25: {  	[simem:s6], [sflag:s4] =	dma.local [hbm:s3], $0xF7A  }
0x26: {  	[smem:$0x3F5F] =	sst s1;
	(tag) =	ssettag s2;
	_ =	strace s9  }
0x27: {  	s1 =	sld [smem:$0x3F6F]  }
0x28: {  	s2 =	sld [smem:$0x3F70]  }
0x29: {  	s4 =	sld [smem:$0x3F72]  }
0x2a: {  	p0 =	seq.s32 s5, $0x0;
	s5 =	sld [smem:$0x3F73]  }
0x2b: {  	s6 =	sld [smem:$0x3F74]  }
0x2c: {  	s7 =	sld [smem:$0x3F75]  }
0x2d: {  	s3 =	simm.s32 $0x108;
	s8 =	sld [smem:$0x3F76]  }
0x2e: {  	s3 =	simm.s32 @!p0 $0x1082;
	s9 =	sld [smem:$0x3F77]  }
0x2f: {  	lr =	sadd.s32 s0, s3;
	s0 =	sld [smem:$0x3F6E]  }
0x30: {  	s3 =	sld [smem:$0x3F71]  }
0x31: {  	[smem:$0x3F7A] =	sst s10  }
0x32: {  	s10 =	sld [smem:$0x3F78];
	_ =	sdelay $0x3  }
0x33: {  	p0 =	seq.s32 s10, $0x1;
	s10 =	sld [smem:$0x3F7A];
	_ =	sdelay $0x3  }
0x34: {  	[smem:$0x3F7A] =	sst s10  }
0x35: {  	s10 =	sld [smem:$0x3F79];
	_ =	sdelay $0x3  }
0x36: {  	p1 =	seq.s32 s10, $0x1;
	s10 =	sld [smem:$0x3F7A];
	_ =	sdelay $0x3  }
0x37: {  	[smem:$0x3F7A] =	sst s10  }
0x38: {  	s10 =	sld [smem:$0x3F7B]  }
0x39: {  	_ = 	snop;
	(pc) =	sbr.ind lr, $3  }
0x3a: {  	_ = 	snop  }
0x3b: {  	_ = 	snop  }
0x3c: {  	p2 =	seq.s32 s10, $0x1;
	s10 =	sld [smem:$0x3F7A]  }
0x3d: {  	_ =	shalt  }
0x3e: {  	_ =	shalt  }
0x3f: {  	_ =	shalt  }
0x40: {  	_ =	shalt  }
0x41: {  	_ =	shalt  }
0x42: {  	_ =	shalt  }
0x43: {  	_ =	shalt  }
0x44: {  	_ =	shalt  }
0x45: {  	_ =	shalt  }
0x46: {  	_ =	shalt  }
0x47: {  	_ =	shalt  }
0x48: {  	_ =	shalt  }
0x49: {  	_ =	shalt  }
0x4a: {  	_ =	shalt  }
0x4b: {  	_ =	shalt  }
0x4c: {  	_ =	shalt  }
0x4d: {  	_ =	shalt  }
0x4e: {  	_ =	shalt  }
0x4f: {  	_ =	shalt  }
0x50: {  	_ =	shalt  }
0x51: {  	_ =	shalt  }
0x52: {  	_ =	shalt  }
0x53: {  	_ =	shalt  }
0x54: {  	_ =	shalt  }
0x55: {  	_ =	shalt  }
0x56: {  	_ =	shalt  }
0x57: {  	_ =	shalt  }
0x58: {  	_ =	shalt  }
0x59: {  	_ =	shalt  }
0x5a: {  	_ =	shalt  }
0x5b: {  	_ =	shalt  }
0x5c: {  	_ =	shalt  }
0x5d: {  	_ =	shalt  }
0x5e: {  	_ =	shalt  }
0x5f: {  	_ =	shalt  }
0x60: {  	_ =	shalt  }
0x61: {  	_ =	shalt  }
0x62: {  	_ =	shalt  }
0x63: {  	_ =	shalt  }
0x64: {  	_ =	shalt  }
0x65: {  	_ =	shalt  }
0x66: {  	_ =	shalt  }
0x67: {  	_ =	shalt  }
0x68: {  	_ =	shalt  }
0x69: {  	_ =	shalt  }
0x6a: {  	_ =	shalt  }
0x6b: {  	_ =	shalt  }
0x6c: {  	_ =	shalt  }
0x6d: {  	_ =	shalt  }
0x6e: {  	_ =	shalt  }
0x6f: {  	_ =	shalt  }
0x70: {  	_ =	shalt  }
0x71: {  	_ =	shalt  }
0x72: {  	_ =	shalt  }
0x73: {  	_ =	shalt  }
0x74: {  	_ =	shalt  }
0x75: {  	_ =	shalt  }
0x76: {  	_ =	shalt  }
0x77: {  	_ =	shalt  }
0x78: {  	_ =	shalt  }
0x79: {  	_ =	shalt  }
0x7a: {  	_ =	shalt  }
0x7b: {  	_ =	shalt  }
0x7c: {  	_ =	shalt  }
0x7d: {  	_ =	shalt  }
0x7e: {  	_ =	shalt  }
0x7f: {  	_ =	shalt  }
0x80: {  	_ =	shalt  }
0x81: {  	_ =	shalt  }
0x82: {  	_ =	shalt  }
0x83: {  	_ =	shalt  }
0x84: {  	_ =	shalt  }
0x85: {  	_ =	shalt  }
0x86: {  	_ =	shalt  }
0x87: {  	_ =	shalt  }
.Lfunc_end0:
.L_simem_size_0:
called_computation.6_lowered:
.L_overlay_start_0:
0x88: {  	s2 =	sld [smem:$0x3FD9]  }
0x89: {  	s3 =	sld [smem:$0x3FFE];
	_ =	sdelay $0x1  }
0x8a: {  	s1 =	srdreg.scid  }
0x8b: {  	s0 =	sand.u32 $0x1, s1  }
0x8c: {  	s16 =	sshll.u32 s0, $0xA;
	s2 =	sadd.s32 s3, s2  }
0x8d: {  	s2 =	sadd.s32 s2, s16  }
0x8e: {  	[smem:$0x3F86] =	sst s2  }
0x8f: {  	_ = 	snop  }
0x90: {  	(tm) =	ssettm $0x1  }
0x91: {  	s17 =	sld [smem:$0x3FFB];
	_ =	sdelay $0x3  }
0x92: {  	_ =	strace s17  }
0x93: {  	s2 =	sld [smem:$0x3FFC];
	_ =	sdelay $0x3  }
0x94: {  	_ =	strace s2  }
0x95: {  	s2 =	sld [smem:$0x3FFD];
	_ =	sdelay $0x3  }
0x96: {  	_ =	strace s2  }
0x97: {  	_ =	strace $0x8FFFFFFF  }
0x98: {  	s18 =	sld [smem:$0x3FDB];
	_ =	sdelay $0x1  }
0x99: {  	s19 =	simm.s32 $_scs_section_size  }
0x9a: {  	s4 =	simm.s32 $_size__tile_overlayer_lowered;
	s5 =	simm.s32 $_tile_overlayer_lowered  }
0x9b: {  	s22 =	simm.s32 $0x1BFF;
	s21 =	sshll.u32 s5, $0x1;
	s2 =	sadd.s32 s19, s18  }
0x9c: {  	s6 =	simm.s32 $0x0;
	s20 =	sshll.u32 s4, $0x1;
	s4 =	sadd.s32 s21, s2  }
0x9d: {  	[timem:s6], [sflag:s22] =	dma.local [hbm:s4], s20  }
0x9e: {  	_ =	swait.ge [sflag:s22], s20  }
0x9f: {  	s3 =	ssub.s32 $0x0, s20;
	[sflag:s22] =	ssyncset.done $0x0  }
0xa0: {  	[sflag:s22] =	ssyncadd.s32 s3;
	_ =	sdelay $0x1  }
0xa1: {  	s23 =	simm.s32 $0x1B8B  }
0xa2: {  	_ =	swait.ge [sflag:s23], $0x1  }
0xa3: {  	[sflag:s23] =	ssyncset.done $0x0  }
0xa4: {  	s25 =	simm.s32 $0x1B8E;
	s24 =	sld [smem:$0x3FFE];
	[sflag:s23] =	ssyncadd.s32 $0xFFFFFFFF  }
0xa5: {  	s26 =	simm.s32 $execute0_lowered;
	[smem:$0x3FD2] =	sst s25  }
0xa6: {  	s4 =	sshll.u32 s26, $0x1;
	_ =	strace $0x80000058;
	[dreg:$0x1] =	wrdreg $0xFFFFFFFF  }
0xa7: {  	s28 =	simm.s32 $_size_execute0_lowered;
	s2 =	sadd.s32 s2, s4;
	[dreg:$0x0] =	wrdreg $0x0  }
0xa8: {  	s4 =	sshll.u32 s28, $0x1;
	[dreg:$0x2] =	wrdreg s2  }
0xa9: {  	[dreg:$0x3] =	wrdreg s4  }
0xaa: {  	[dreg:$0x4] =	wrdreg $0xC0  }
0xab: {  	_ =	task [dreg:s6], $0x5FFFF  }
0xac: {  	[dreg:$0x1] =	wrdreg $0xFFFFFFFF  }
0xad: {  	[dreg:$0x0] =	wrdreg $0x60  }
0xae: {  	[dreg:$0x2] =	wrdreg s24  }
0xaf: {  	[dreg:$0x3] =	wrdreg $0x120000  }
0xb0: {  	[dreg:$0x4] =	wrdreg $0x9  }
0xb1: {  	_ =	task.clear_ibuf [dreg:s6], $0x5FFFF;
	_ =	strace $0x90000058  }
0xb2: {  	s29 =	simm.s32 $0x9;
	_ =	strace $0x8000005A  }
0xb3: {  	_ =	swait.ge [sflag:s29], $0x1  }
0xb4: {  	[sflag:s29] =	ssyncadd.s32 $0xFFFFFFFF  }
0xb5: {  	_ =	strace $0x9000005A  }
0xb6: {  	_ =	sfence  }
0xb7: {  	s30 =	sld [smem:$0x0];
	_ =	sdelay $0x2  }
0xb8: {  	s31 =	sshll.u32 s1, $0xD;
	s1 =	sshrl.u32 s1, $0x2  }
0xb9: {  	s3 =	sand.u32 $0x4000, s31;
	s1 =	sadd.s32 s1, s30  }
0xba: {  	s0 =	sor.u32 s3, s0;
	s1 =	sshll.u32 s1, $0x11  }
0xbb: {  	s0 =	sor.u32 s1, s0  }
0xbc: {  	s0 =	sadd.s32 $0x8F2B, s0  }
0xbd: {  	[sflag:s0] =	ssyncadd.remote.s32 $0x1  }
0xbe: {  	_ =	sfence.sel $0xFFFF  }
0xbf: {  	[dreg:$0x0] =	wrdreg $0xFFFFFFFF;
	(pc) =	sbr.abs _section_cstart, $3  }
0xc0: {  	[dreg:$0x1] =	wrdreg $0xFFFFFFFF  }
0xc1: {  	_ =	task.clear_ibuf [dreg:s6], $0x2FFFF;
	_ =	strace $0x9FFFFFFF  }
0xc2: {  	(tm) =	ssettm $0x7FFFFFFF  }
0xc3: {  	_ =	shalt  }
tec
execute0_lowered:
.L_overlay_start_1:
0x0: {  	(tag) =	ssettag $0x1  }
0x1: {  	s0 =	srdreg.scid  }
0x2: {  	s1 =	rddreg [dreg:$0x0];
	s10 =	stileid.u32  }
0x3: {  	s2 =	rddreg [dreg:$0x1];
	s3 =	simm.s32 $0x0;
	s12 =	simm.s32 $0x9  }
0x4: {  	s13 =	simm.s32 $0x5000;
	s14 =	simm.s32 $0x80;
	s15 =	simm.s32 $0xA000  }
0x5: {  	s16 =	simm.s32 $0xC000;
	s17 =	simm.s32 $0x1;
	s19 =	simm.s32 $0xE000  }
0x6: {  	s20 =	simm.s32 $0x2;
	s23 =	simm.s32 $0x10000;
	s28 =	simm.s32 $0x6  }
0x7: {  	s29 =	simm.s32 $0x7;
	s30 =	simm.s32 $0x8;
	s5 =	smul.u32 $0x5000, s10  }
0x8: {  	s31 =	simm.s32 $0x9F00;
	s0 =	sand.u32 $0x1, s0;
	s6 =	smul.u32 $0x9E00, s10  }
0x9: {  	[smem:$0x7FF] =	sst s3;
	s26 =	sshll.u32 s10, $0x6;
	s4 =	smul.u32 $0x50000, s0  }
0xa: {  	s7 =	smul.u32 $0x9E000, s0;
	_ =	strace $0x80000059;
	s0 =	ssub.s32 $0x2, s0  }
0xb: {  	s25 =	sshrl.u32 s6, $0x3;
	s9 =	sshrl.u32 s0, $0x1;
	s11 =	sadd.s32 s6, s2  }
0xc: {  	s5 =	sadd.s32 s5, s4;
	s4 =	sadd.s32 $0x32600, s1;
	s24 =	sadd.s32 s6, s7  }
0xd: {  	s7 =	sadd.s32 s25, s1;
	s0 =	ssub.s32 s0, s9;
	s6 =	sor.u32 $0x1C09, s26  }
0xe: {  	s11 =	sshrl.u32 s11, $0x3;
	s25 =	simm.s32 $0x5;
	s26 =	simm.s32 $0x4  }
0xf: {  	s5 =	sshrl.u32 s5, $0x3;
	s10 =	smax.u32 s0, $0x1;
	s0 =	simm.s32 $0x0  }
0x10: {  	s8 =	sadd.s32 s5, s1;
	s5 =	sshrl.u32 s24, $0x3;
	s24 =	simm.s32 $0x3  }
0x11: {  	s1 =	sadd.s32 s5, s1;
	s5 =	sadd.s32 $0x1EA00, s7;
	s7 =	sadd.s32 $0x59E00, s8  }
0x12: {  	s8 =	sadd.s32 $0xAA00, s8;
	s9 =	sadd.s32 $0x6DE00, s1;
	s1 =	simm.s32 $0x9F80  }
.LBB2_1:
0x13: {  	[spmem:s11], [sflag:s6] =	dma.local [hbm:s5], $0x13C0  }
0x14: {  	_ =	swait.ge [sflag:s12], $0x13C0  }
0x15: {  	[sflag:s12] =	ssyncset.done $0x0  }
0x16: {  	[sflag:s12] =	ssyncadd.s32 $0xFFFFEC40  }
0x17: {  	[tilespmem:s3], [sflag:$0x9] =	stream.linear.gather [hbm4b:s7+s3], $0x5000, $0x38;
	[tilespmem:$0x1BE40] =	vst v63  }
0x18: {  	_ =	swait.ge [sflag:s12], $0x5000  }
0x19: {  	[sflag:s12] =	ssyncset.done $0x0  }
0x1a: {  	[sflag:s12] =	ssyncadd.s32 $0xFFFFB000  }
0x1b: {  	[tilespmem:s13], [sflag:$0x9] =	stream.linear.gather [hbm4b:s8+s3], $0x5000, $0x38;
	[tilespmem:$0x1BE40] =	vst v63  }
0x1c: {  	_ =	swait.ge [sflag:s12], $0x5000  }
0x1d: {  	[sflag:s12] =	ssyncset.done $0x0  }
0x1e: {  	[sflag:s12] =	ssyncadd.s32 $0xFFFFB000  }
0x1f: {  	[bflag:$0x0] =	sbarrier.arrive $0xFFFF  }
0x20: {  	[tilespmem:s15], [sflag:$0x1] =	stream.indirect.gather [hbm4b:s4+s14], $0x40, s3, s14, $0xb8;
	[tilespmem:$0x1BE40] =	vst v63  }
0x21: {  	_ = 	snop  }
0x22: {  	[tilespmem:s16], [sflag:$0x2] =	stream.indirect.gather [hbm4b:s4+s14], $0x40, s14, s14, $0xb8;
	[tilespmem:$0x1BE40] =	vst v63  }
0x23: {  	_ =	swait.ge [sflag:s17], $0x2000  }
0x24: {  	[sflag:s17] =	ssyncset.done $0x0  }
0x25: {  	[sflag:s17] =	ssyncadd.s32 $0xFFFFE000  }
0x26: {  	[spmem:s2] =	stream.indirect.scatter.add.f32 [tilespmem:s15], [sflag:$0x5], $0x40, s13, s14, $0xb8;
	[tilespmem:$0x1BE40] =	vst v63  }
0x27: {  	s18 =	simm.s32 $0x100  }
0x28: {  	[tilespmem:s19], [sflag:$0x3] =	stream.indirect.gather [hbm4b:s4+s14], $0x40, s18, s14, $0xb8;
	[tilespmem:$0x1BE40] =	vst v63  }
0x29: {  	_ =	swait.ge [sflag:s20], $0x2000  }
0x2a: {  	[sflag:s20] =	ssyncset.done $0x0  }
0x2b: {  	s22 =	simm.s32 $0x5080;
	[sflag:s20] =	ssyncadd.s32 $0xFFFFE000  }
0x2c: {  	[spmem:s2] =	stream.indirect.scatter.add.f32 [tilespmem:s16], [sflag:$0x6], $0x40, s22, s14, $0xb8;
	[tilespmem:$0x1BE40] =	vst v63  }
0x2d: {  	s21 =	simm.s32 $0x180  }
0x2e: {  	[tilespmem:s23], [sflag:$0x4] =	stream.indirect.gather [hbm4b:s4+s14], $0x40, s21, s14, $0xb8;
	[tilespmem:$0x1BE40] =	vst v63  }
0x2f: {  	_ =	swait.ge [sflag:s24], $0x2000  }
0x30: {  	[sflag:s24] =	ssyncset.done $0x0  }
0x31: {  	s22 =	simm.s32 $0x5100;
	[sflag:s24] =	ssyncadd.s32 $0xFFFFE000  }
0x32: {  	[spmem:s2] =	stream.indirect.scatter.add.f32 [tilespmem:s19], [sflag:$0x7], $0x40, s22, s14, $0xb8;
	[tilespmem:$0x1BE40] =	vst v63  }
0x33: {  	_ =	swait.ge [sflag:s25], $0x2000  }
0x34: {  	[sflag:s25] =	ssyncset.done $0x0  }
0x35: {  	s21 =	simm.s32 $0x200;
	[sflag:s25] =	ssyncadd.s32 $0xFFFFE000  }
0x36: {  	[tilespmem:s15], [sflag:$0x1] =	stream.indirect.gather [hbm4b:s4+s14], $0x40, s21, s14, $0xb8;
	[tilespmem:$0x1BE40] =	vst v63  }
0x37: {  	_ =	swait.ge [sflag:s26], $0x2000  }
0x38: {  	[sflag:s26] =	ssyncset.done $0x0  }
0x39: {  	s22 =	simm.s32 $0x5180;
	[sflag:s26] =	ssyncadd.s32 $0xFFFFE000  }
0x3a: {  	[spmem:s2] =	stream.indirect.scatter.add.f32 [tilespmem:s23], [sflag:$0x8], $0x40, s22, s14, $0xb8;
	[tilespmem:$0x1BE40] =	vst v63  }
0x3b: {  	_ =	swait.ge [sflag:s28], $0x2000  }
0x3c: {  	[sflag:s28] =	ssyncset.done $0x0  }
0x3d: {  	s21 =	simm.s32 $0x280;
	[sflag:s28] =	ssyncadd.s32 $0xFFFFE000  }
0x3e: {  	[tilespmem:s16], [sflag:$0x2] =	stream.indirect.gather [hbm4b:s4+s14], $0x40, s21, s14, $0xb8;
	[tilespmem:$0x1BE40] =	vst v63  }
0x3f: {  	_ =	swait.ge [sflag:s17], $0x2000  }
0x40: {  	[sflag:s17] =	ssyncset.done $0x0  }
0x41: {  	s22 =	simm.s32 $0x5200;
	[sflag:s17] =	ssyncadd.s32 $0xFFFFE000  }
0x42: {  	[spmem:s2] =	stream.indirect.scatter.add.f32 [tilespmem:s15], [sflag:$0x5], $0x40, s22, s14, $0xb8;
	[tilespmem:$0x1BE40] =	vst v63  }
0x43: {  	_ =	swait.ge [sflag:s29], $0x2000  }
0x44: {  	[sflag:s29] =	ssyncset.done $0x0  }
0x45: {  	s21 =	simm.s32 $0x300;
	[sflag:s29] =	ssyncadd.s32 $0xFFFFE000  }
0x46: {  	[tilespmem:s19], [sflag:$0x3] =	stream.indirect.gather [hbm4b:s4+s14], $0x40, s21, s14, $0xb8;
	[tilespmem:$0x1BE40] =	vst v63  }
0x47: {  	_ =	swait.ge [sflag:s20], $0x2000  }
0x48: {  	[sflag:s20] =	ssyncset.done $0x0  }
0x49: {  	s22 =	simm.s32 $0x5280;
	[sflag:s20] =	ssyncadd.s32 $0xFFFFE000  }
0x4a: {  	[spmem:s2] =	stream.indirect.scatter.add.f32 [tilespmem:s16], [sflag:$0x6], $0x40, s22, s14, $0xb8;
	[tilespmem:$0x1BE40] =	vst v63  }
0x4b: {  	_ =	swait.ge [sflag:s30], $0x2000  }
0x4c: {  	[sflag:s30] =	ssyncset.done $0x0  }
0x4d: {  	s18 =	simm.s32 $0x800;
	s21 =	simm.s32 $0x380;
	[sflag:s30] =	ssyncadd.s32 $0xFFFFE000  }
.LBB2_2:
0x4e: {  	[tilespmem:s23], [sflag:$0x4] =	stream.indirect.gather [hbm4b:s4+s14], $0x40, s21, s14, $0xb8;
	[tilespmem:$0x1BE40] =	vst v63  }
0x4f: {  	s21 =	smov.u32 s18  }
0x50: {  	p0 =	sne.s32 s18, $0x13000;
	s18 =	sadd.s32 $0x800, s18;
	_ =	swait.ge [sflag:s24], $0x2000  }
0x51: {  	s21 =	sshra.s32 s21, $0x2;
	[sflag:s24] =	ssyncset.done $0x0  }
0x52: {  	s22 =	sadd.s32 $0x5100, s21;
	[sflag:s24] =	ssyncadd.s32 $0xFFFFE000  }
0x53: {  	[spmem:s2] =	stream.indirect.scatter.add.f32 [tilespmem:s19], [sflag:$0x7], $0x40, s22, s14, $0xb8;
	[tilespmem:$0x1BE40] =	vst v63  }
0x54: {  	_ =	swait.ge [sflag:s25], $0x2000  }
0x55: {  	[sflag:s25] =	ssyncset.done $0x0  }
0x56: {  	s22 =	sadd.s32 $0x200, s21;
	[sflag:s25] =	ssyncadd.s32 $0xFFFFE000  }
0x57: {  	[tilespmem:s15], [sflag:$0x1] =	stream.indirect.gather [hbm4b:s4+s14], $0x40, s22, s14, $0xb8;
	[tilespmem:$0x1BE40] =	vst v63  }
0x58: {  	_ =	swait.ge [sflag:s26], $0x2000  }
0x59: {  	[sflag:s26] =	ssyncset.done $0x0  }
0x5a: {  	s22 =	sadd.s32 $0x5180, s21;
	[sflag:s26] =	ssyncadd.s32 $0xFFFFE000  }
0x5b: {  	[spmem:s2] =	stream.indirect.scatter.add.f32 [tilespmem:s23], [sflag:$0x8], $0x40, s22, s14, $0xb8;
	[tilespmem:$0x1BE40] =	vst v63  }
0x5c: {  	_ =	swait.ge [sflag:s28], $0x2000  }
0x5d: {  	[sflag:s28] =	ssyncset.done $0x0  }
0x5e: {  	s22 =	sadd.s32 $0x280, s21;
	[sflag:s28] =	ssyncadd.s32 $0xFFFFE000  }
0x5f: {  	[tilespmem:s16], [sflag:$0x2] =	stream.indirect.gather [hbm4b:s4+s14], $0x40, s22, s14, $0xb8;
	[tilespmem:$0x1BE40] =	vst v63  }
0x60: {  	_ =	swait.ge [sflag:s17], $0x2000  }
0x61: {  	[sflag:s17] =	ssyncset.done $0x0  }
0x62: {  	s22 =	sadd.s32 $0x5200, s21;
	[sflag:s17] =	ssyncadd.s32 $0xFFFFE000  }
0x63: {  	[spmem:s2] =	stream.indirect.scatter.add.f32 [tilespmem:s15], [sflag:$0x5], $0x40, s22, s14, $0xb8;
	[tilespmem:$0x1BE40] =	vst v63  }
0x64: {  	_ =	swait.ge [sflag:s29], $0x2000  }
0x65: {  	[sflag:s29] =	ssyncset.done $0x0  }
0x66: {  	s22 =	sadd.s32 $0x300, s21;
	[sflag:s29] =	ssyncadd.s32 $0xFFFFE000  }
0x67: {  	[tilespmem:s19], [sflag:$0x3] =	stream.indirect.gather [hbm4b:s4+s14], $0x40, s22, s14, $0xb8;
	[tilespmem:$0x1BE40] =	vst v63  }
0x68: {  	_ =	swait.ge [sflag:s20], $0x2000  }
0x69: {  	[sflag:s20] =	ssyncset.done $0x0  }
.Ltmp0:
0x6a: {  	s22 =	sadd.s32 $0x5280, s21;
	[sflag:s20] =	ssyncadd.s32 $0xFFFFE000;
	(pc) =	sbr.rel @p0 .LBB2_2-.Ltmp0, $4  }
0x6b: {  	[spmem:s2] =	stream.indirect.scatter.add.f32 [tilespmem:s16], [sflag:$0x6], $0x40, s22, s14, $0xb8;
	[tilespmem:$0x1BE40] =	vst v63  }
0x6c: {  	_ =	swait.ge [sflag:s30], $0x2000  }
0x6d: {  	[sflag:s30] =	ssyncset.done $0x0  }
0x6e: {  	s21 =	sadd.s32 $0x380, s21;
	[sflag:s30] =	ssyncadd.s32 $0xFFFFE000  }
0x6f: {  	[tilespmem:s23], [sflag:$0x4] =	stream.indirect.gather [hbm4b:s4+s14], $0x40, s21, s14, $0xb8;
	[tilespmem:$0x1BE40] =	vst v63  }
0x70: {  	_ =	swait.ge [sflag:s24], $0x2000  }
0x71: {  	[sflag:s24] =	ssyncset.done $0x0  }
0x72: {  	[sflag:s24] =	ssyncadd.s32 $0xFFFFE000  }
0x73: {  	[spmem:s2] =	stream.indirect.scatter.add.f32 [tilespmem:s19], [sflag:$0x7], $0x40, s31, s14, $0xb8;
	[tilespmem:$0x1BE40] =	vst v63  }
0x74: {  	_ =	swait.ge [sflag:s25], $0x2000  }
0x75: {  	[sflag:s25] =	ssyncset.done $0x0  }
0x76: {  	[sflag:s25] =	ssyncadd.s32 $0xFFFFE000  }
0x77: {  	_ =	swait.ge [sflag:s26], $0x2000  }
0x78: {  	[sflag:s26] =	ssyncset.done $0x0  }
0x79: {  	[sflag:s26] =	ssyncadd.s32 $0xFFFFE000  }
0x7a: {  	[spmem:s2] =	stream.indirect.scatter.add.f32 [tilespmem:s23], [sflag:$0x8], $0x40, s1, s14, $0xb8;
	[tilespmem:$0x1BE40] =	vst v63  }
0x7b: {  	_ =	swait.ge [sflag:s28], $0x2000  }
0x7c: {  	[sflag:s28] =	ssyncset.done $0x0  }
0x7d: {  	[sflag:s28] =	ssyncadd.s32 $0xFFFFE000  }
0x7e: {  	_ =	swait.ge [sflag:s29], $0x2000  }
0x7f: {  	[sflag:s29] =	ssyncset.done $0x0  }
0x80: {  	[sflag:s29] =	ssyncadd.s32 $0xFFFFE000  }
0x81: {  	_ =	swait.ge [sflag:s30], $0x2000  }
0x82: {  	s0 =	sadd.s32 $0x1, s0;
	[sflag:s30] =	ssyncset.done $0x0  }
0x83: {  	p0 =	sne.s32 s0, s10;
	[sflag:s30] =	ssyncadd.s32 $0xFFFFE000  }
.Ltmp1:
0x84: {  	[bflag:$0x0] =	sbarrier.arrive $0xFFFF;
	(pc) =	sbr.rel @p0 .LBB2_1-.Ltmp1, $4  }
0x85: {  	[hbm:s9], [sflag:s6] =	dma.local [spmem:s11], $0x13C0  }
0x86: {  	_ =	swait.ge [sflag:s12], $0x13C0  }
0x87: {  	[sflag:s12] =	ssyncset.done $0x0  }
0x88: {  	[sflag:s12] =	ssyncadd.s32 $0xFFFFEC40  }
0x89: {  	_ =	sfence.sel $0x180000  }
0x8a: {  	[bflag:$0x0] =	sbarrier.arrive $0xFFFF  }
0x8b: {  	_ =	strace $0x90000059  }
0x8c: {  	s0 =	stileid.u32;
	[bflag:$0x2] =	sbarrier.arrive $0xFFFF  }
0x8d: {  	p0 =	sne.s32 s0, $0x0;
	s0 =	rddreg [dreg:$0x2]  }
0x8e: {  	s0 =	sadd.s32 @!p0 $0x100000, s0  }
0x8f: {  	[sflag:s0] =	ssyncadd.tile.s32 @!p0 $0x1;
	_ =	shalt  }
.Lfunc_end2:
_tile_overlayer_lowered:
.L_overlay_start_2:
0x90: {  	(tag) =	ssettag $0x2  }
0x91: {  	s0 =	rddreg [dreg:$0x0];
	s2 =	stileid.u32  }
0x92: {  	s1 =	rddreg [dreg:$0x1];
	p0 =	sne.s32 s2, $0x0  }
0x93: {  	s3 =	rddreg [dreg:$0x2];
	[bflag:$0x3] =	sbarrier.arrive $0xFFFF;
	s2 =	simm.s32 @!p0 $0x1C09  }
0x94: {  	[timem:s3], [sflag:s2] =	dma.local @!p0 [hbm:s0], s1  }
0x95: {  	s0 =	simm.s32 @!p0 $0x9  }
0x96: {  	_ =	swait.ge @!p0 [sflag:s0], s1  }
0x97: {  	s1 =	ssub.s32 @!p0 $0x0, s1;
	[sflag:s0] =	ssyncset.done @!p0 $0x0  }
0x98: {  	[sflag:s0] =	ssyncadd.s32 @!p0 s1  }
0x99: {  	[bflag:$0x3] =	sbarrier.arrive $0xFFFF  }
0x9a: {  	_ =	shalt  }

</sc_bundles>
